<compile_context>
chip_gen: v7x
topology: tpu7x:2x2x1
jax: 0.10.2.dev20260603
libtpu: 0.0.44.dev20260713+nightly
codegen_flags: <defaults>
</compile_context>

<pallas_src>
import functools

import jax
import jax.numpy as jnp
from jax import lax
from jax.experimental import pallas as pl
from jax.experimental.pallas import tpu as pltpu
from jax.experimental.pallas import tpu_sc as plsc

N = 10000
E = 320000
D = 128
C = 64
CH = C // 2
NC = 2
NS = 16
NW = NC * NS
CHUNK = 128
NCH = 81
NCH2 = 162
EPAD = NW * NCH * CHUNK
NPAD = 10112
RPT = NPAD // NS

_MESH = plsc.VectorSubcoreMesh(
    core_axis_name="c", subcore_axis_name="s", num_cores=NC, num_subcores=NS
)
_SC_PARAMS = pltpu.CompilerParams(use_tc_tiling_on_sc=False,
                                  needs_layout_passes=False)


def _zero_fill(buf, rows, width):
    zeros16 = jnp.zeros((16,), jnp.float32)

    @pl.loop(0, rows)
    def _(r):
        @pl.loop(0, width // 16)
        def _(q):
            buf[r, pl.ds(q * 16, 16)] = zeros16


def _init_acc_rows(rows_v, acc_sh, base):
    nfull = RPT // CHUNK
    rem = RPT - nfull * CHUNK
    for k in range(nfull):
        pltpu.sync_copy(rows_v, acc_sh.at[pl.ds(base + k * CHUNK, CHUNK)])
    pltpu.sync_copy(rows_v.at[pl.ds(0, rem)],
                    acc_sh.at[pl.ds(base + nfull * CHUNK, rem)])


@functools.partial(
    pl.kernel,
    out_type=jax.ShapeDtypeStruct((NC, NPAD, 16), jnp.float32),
    mesh=_MESH,
    scratch_types=[
        pltpu.VMEM((NCH, CHUNK), jnp.int32),
        pltpu.VMEM((CHUNK, 16), jnp.float32),
        pltpu.VMEM_SHARED((NPAD, 16), jnp.float32),
    ],
    compiler_params=_SC_PARAMS,
)
def _hist(dstr_hbm, out_hbm, dst_v, ones_v, acc_sh):
    core = lax.axis_index("c")
    sid = lax.axis_index("s")
    wid = core * NS + sid
    base = sid * RPT
    pltpu.sync_copy(dstr_hbm.at[wid], dst_v)
    _zero_fill(ones_v, CHUNK, 16)
    _init_acc_rows(ones_v, acc_sh, base)
    ones16 = jnp.ones((16,), jnp.float32)

    @pl.loop(0, CHUNK)
    def _(r):
        ones_v[r, pl.ds(0, 16)] = ones16

    plsc.subcore_barrier()

    @pl.loop(0, NCH)
    def _(j):
        pltpu.sync_copy(ones_v, acc_sh.at[dst_v.at[j]], add=True)

    plsc.subcore_barrier()
    pltpu.sync_copy(acc_sh.at[pl.ds(base, RPT)],
                    out_hbm.at[core].at[pl.ds(base, RPT)])


def _ring(g_sh, acc_sh, src_v, dst_v, rows_v, semg, sems):
    pltpu.async_copy(g_sh.at[src_v.at[0]], rows_v.at[0], semg)
    pltpu.async_copy(g_sh.at[src_v.at[1]], rows_v.at[1], semg)

    @pl.loop(0, NCH2 // 3)
    def _(p):
        j0 = 3 * p
        for b in range(3):
            jj = j0 + b
            buf = rows_v.at[b]
            pltpu.make_async_copy(g_sh.at[src_v.at[jj]], buf, semg).wait()

            @pl.when(jj >= 1)
            def _():
                pltpu.make_async_copy(rows_v.at[(b + 2) % 3],
                                      acc_sh.at[dst_v.at[jj]], sems).wait()

            pltpu.async_copy(buf, acc_sh.at[dst_v.at[jj]], sems, add=True)

            @pl.when(jj + 2 < NCH2)
            def _():
                pltpu.async_copy(g_sh.at[src_v.at[jj + 2]],
                                 rows_v.at[(b + 2) % 3], semg)

    pltpu.make_async_copy(rows_v.at[(NCH2 - 1) % 3],
                          acc_sh.at[dst_v.at[0]], sems).wait()
    plsc.subcore_barrier()


def _splat(vec_ref, r):
    idx = jnp.zeros((16,), jnp.int32) + r
    return plsc.load_gather(vec_ref, [idx])


@functools.partial(
    pl.kernel,
    out_type=jax.ShapeDtypeStruct((NC, NPAD, CH), jnp.float32),
    mesh=_MESH,
    scratch_types=[
        pltpu.VMEM((NCH2, CHUNK), jnp.int32),
        pltpu.VMEM((NCH2, CHUNK), jnp.int32),
        pltpu.VMEM((3, CHUNK, CH), jnp.float32),
        pltpu.VMEM((CHUNK, CH), jnp.float32),
        pltpu.VMEM((CHUNK, 16), jnp.float32),
        pltpu.VMEM((CHUNK, 16), jnp.float32),
        pltpu.VMEM((RPT, ), jnp.float32),
        pltpu.VMEM((RPT, ), jnp.float32),
        pltpu.VMEM_SHARED((NPAD, CH), jnp.float32),
        pltpu.VMEM_SHARED((NPAD, CH), jnp.float32),
        pltpu.SemaphoreType.DMA,
        pltpu.SemaphoreType.DMA,
        pltpu.SemaphoreType.DMA,
    ],
    compiler_params=_SC_PARAMS,
)
def _hops(z_hbm, hist_hbm, srcr_hbm, dstr_hbm, out_hbm,
          src_v, dst_v, rows_v, ta, th0, th1, tsv, tiv, acc_sh, g_sh,
          semi, semg, sems):
    core = lax.axis_index("c")
    sid = lax.axis_index("s")
    base = sid * RPT
    pltpu.async_copy(srcr_hbm.at[sid], src_v, semi)
    pltpu.async_copy(dstr_hbm.at[sid], dst_v, semi)

    nfull = RPT // CHUNK
    rem = RPT - nfull * CHUNK
    zeros16i = jnp.zeros((16,), jnp.int32)
    iota16 = lax.iota(jnp.int32, 16)

    for k in range(nfull + 1):
        nb = CHUNK if k < nfull else rem
        blk = pl.ds(base + k * CHUNK, nb)
        tab = ta.at[pl.ds(0, nb)]
        pltpu.sync_copy(z_hbm.at[core].at[blk], tab)
        pltpu.sync_copy(hist_hbm.at[0].at[blk], th0.at[pl.ds(0, nb)])
        pltpu.sync_copy(hist_hbm.at[1].at[blk], th1.at[pl.ds(0, nb)])

        ngf = nb // 16
        ntail = nb - ngf * 16

        def _group(g16, mask):
            ridx = g16 * 16 + iota16
            cnt0 = plsc.load_gather(th0, [ridx, zeros16i], mask=mask)
            cnt1 = plsc.load_gather(th1, [ridx, zeros16i], mask=mask)
            deg = cnt0 + cnt1 + 1.0
            inv = 1.0 / deg
            ibits = plsc.bitcast(deg, jnp.int32)
            y = plsc.bitcast(0x5F3759DF - lax.shift_right_logical(ibits, 1),
                             jnp.float32)
            for _ in range(3):
                y = y * (1.5 - 0.5 * deg * y * y)
            sk = k * CHUNK + g16 * 16
            plsc.store_scatter(tsv, [sk + iota16], y, mask=mask)
            plsc.store_scatter(tiv, [sk + iota16], inv, mask=mask)

        @pl.loop(0, ngf)
        def _(g16):
            _group(g16, iota16 >= 0)

        if ntail:
            _group(ngf, iota16 < ntail)

        @pl.loop(0, nb)
        def _(r):
            sv = _splat(tsv, k * CHUNK + r)
            for q in range(CH // 16):
                sl = pl.ds(q * 16, 16)
                ta[r, sl] = ta[r, sl] * sv

        pltpu.sync_copy(tab, g_sh.at[blk])
        pltpu.sync_copy(tab, acc_sh.at[blk])

    pltpu.make_async_copy(srcr_hbm.at[sid], src_v, semi).wait()
    pltpu.make_async_copy(dstr_hbm.at[sid], dst_v, semi).wait()
    plsc.subcore_barrier()

    _ring(g_sh, acc_sh, src_v, dst_v, rows_v, semg, sems)

    for k in range(nfull + 1):
        nb = CHUNK if k < nfull else rem
        blk = pl.ds(base + k * CHUNK, nb)
        tab = ta.at[pl.ds(0, nb)]
        pltpu.sync_copy(acc_sh.at[blk], tab)

        @pl.loop(0, nb)
        def _(r):
            iv = _splat(tiv, k * CHUNK + r)
            for q in range(CH // 16):
                sl = pl.ds(q * 16, 16)
                ta[r, sl] = ta[r, sl] * iv

        pltpu.sync_copy(tab, g_sh.at[blk])
        pltpu.sync_copy(tab, acc_sh.at[blk])

    plsc.subcore_barrier()

    _ring(g_sh, acc_sh, src_v, dst_v, rows_v, semg, sems)

    rows = pl.ds(base, RPT)
    pltpu.sync_copy(acc_sh.at[rows], out_hbm.at[core].at[rows])


def _deg_cols(hist_ref):
    cnt = hist_ref[0, :, 0:1] + hist_ref[1, :, 0:1]
    return cnt + 1.0


def _mm_body(x_ref, wt_ref, z_ref):
    z = lax.dot_general(
        x_ref[...], wt_ref[...], (((1,), (0,)), ((), ())),
        precision=lax.Precision.HIGHEST,
        preferred_element_type=jnp.float32)
    z_ref[0] = z[:, :CH]
    z_ref[1] = z[:, CH:]


def _final_body(acc_ref, hist_ref, b_ref, out_ref):
    h = jnp.concatenate([acc_ref[0], acc_ref[1]], axis=1)
    logits = lax.rsqrt(_deg_cols(hist_ref)) * h + b_ref[...]
    m = jnp.max(logits, axis=1, keepdims=True)
    shifted = logits - m
    lse = jnp.log(jnp.sum(jnp.exp(shifted), axis=1, keepdims=True))
    out_ref[...] = shifted - lse


def kernel(x, edge_index, W, b):
    src = edge_index[0]
    dst = edge_index[1]
    pad = EPAD - E
    srcp = jnp.concatenate([src, jnp.zeros((pad,), jnp.int32)])
    dstp = jnp.concatenate([dst, jnp.full((pad,), N, jnp.int32)])
    dstr32 = dstp.reshape(NW, NCH, CHUNK)
    srcr16 = srcp.reshape(NS, NCH2, CHUNK)
    dstr16 = dstp.reshape(NS, NCH2, CHUNK)

    xpad = jnp.concatenate([x, jnp.zeros((NPAD - N, D), jnp.float32)])
    RB = NPAD // 8
    zc = pl.pallas_call(
        _mm_body,
        grid=(8,),
        in_specs=[
            pl.BlockSpec((RB, D), lambda i: (i, 0)),
            pl.BlockSpec((D, C), lambda i: (0, 0)),
        ],
        out_specs=pl.BlockSpec((NC, RB, CH), lambda i: (0, i, 0)),
        out_shape=jax.ShapeDtypeStruct((NC, NPAD, CH), jnp.float32),
    )(xpad, W.T)

    hist = _hist(dstr32)

    acc2 = _hops(zc, hist, srcr16, dstr16)

    FB = N // 10
    out = pl.pallas_call(
        _final_body,
        grid=(10,),
        in_specs=[
            pl.BlockSpec((NC, FB, CH), lambda i: (0, i, 0)),
            pl.BlockSpec((NC, FB, 16), lambda i: (0, i, 0)),
            pl.BlockSpec((1, C), lambda i: (0, 0)),
        ],
        out_specs=pl.BlockSpec((FB, C), lambda i: (i, 0)),
        out_shape=jax.ShapeDtypeStruct((N, C), jnp.float32),
    )(acc2, hist, b.reshape(1, C))

    return out

# --- scband reference (transcript-rebuilt; emitter-appended) ---
"""Pipeline reference for scband-sgc-738734375589 (READ-ONLY COPY).

The authoritative reference and input builder live on the scoring server;
editing this copy changes nothing except your own understanding.
"""

import jax, jax.numpy as jnp
import numpy as np

N_NODES = 10000
N_EDGES = 320000
D_FEAT = 128
N_CLASSES = 64
K_HOPS = 2


def setup_inputs(seed: int = 0) -> dict:
    key = jax.random.key(seed)
    k1, k2, k3 = jax.random.split(key, 3)
    x = jax.random.normal(k1, (N_NODES, D_FEAT), dtype=jnp.float32)
    edge_index = jax.random.randint(k2, (2, N_EDGES), 0, N_NODES, dtype=jnp.int32)
    # SGConv linear layer params (PyG Linear: out = x @ W.T + b)
    W = jax.random.normal(k3, (N_CLASSES, D_FEAT), dtype=jnp.float32) * (1.0 / np.sqrt(D_FEAT))
    b = jnp.zeros((N_CLASSES,), dtype=jnp.float32)
    return {"x": x, "edge_index": edge_index, "W": W, "b": b}


def reference(x, edge_index, W, b):
    N = x.shape[0]
    src = edge_index[0]
    dst = edge_index[1]
    # gcn_norm with added self-loops (PyG default for SGConv)
    loop = jnp.arange(N, dtype=src.dtype)
    src = jnp.concatenate([src, loop])
    dst = jnp.concatenate([dst, loop])
    ew = jnp.ones(src.shape[0], dtype=x.dtype)
    deg = jnp.zeros((N,), dtype=x.dtype).at[dst].add(ew)
    deg_inv_sqrt = jnp.where(deg > 0, 1.0 / jnp.sqrt(deg), 0.0)
    norm = deg_inv_sqrt[src] * ew * deg_inv_sqrt[dst]
    # K=2 propagation steps: h <- scatter_add(norm * h[src], dst)
    h = x
    for _ in range(K_HOPS):
        msg = norm[:, None] * jnp.take(h, src, axis=0)
        h = jnp.zeros_like(h).at[dst].add(msg)
    logits = h @ W.T + b
    return jax.nn.log_softmax(logits, axis=1)

if __name__ == "__main__":
    import jax
    _d = setup_inputs()
    print(jax.jit(kernel)(*tuple(_d.values())))

</pallas_src>

<mosaic_0001>
#map = affine_map<(d0, d1) -> (0, 0, 0)>
module attributes {stable_mosaic.version = 14 : i64} {
  func.func @_hops(%arg0: i32, %arg1: i32, %arg2: memref<2x10112x32xf32, #tpu.memory_space<hbm>>, %arg3: memref<2x10112x16xf32, #tpu.memory_space<hbm>>, %arg4: memref<16x162x128xi32, #tpu.memory_space<hbm>>, %arg5: memref<16x162x128xi32, #tpu.memory_space<hbm>>, %arg6: memref<2x10112x32xf32, #tpu.memory_space<hbm>>, %arg7: memref<162x128xi32, #tpu.memory_space<vmem>>, %arg8: memref<162x128xi32, #tpu.memory_space<vmem>>, %arg9: memref<3x128x32xf32, #tpu.memory_space<vmem>>, %arg10: memref<128x32xf32, #tpu.memory_space<vmem>>, %arg11: memref<128x16xf32, #tpu.memory_space<vmem>>, %arg12: memref<128x16xf32, #tpu.memory_space<vmem>>, %arg13: memref<632xf32, #tpu.memory_space<vmem>>, %arg14: memref<632xf32, #tpu.memory_space<vmem>>, %arg15: memref<10112x32xf32, #tpu.memory_space<vmem_shared>>, %arg16: memref<10112x32xf32, #tpu.memory_space<vmem_shared>>, %arg17: memref<!tpu.dma_semaphore, #tpu.memory_space<semaphore_mem>>, %arg18: memref<!tpu.dma_semaphore, #tpu.memory_space<semaphore_mem>>, %arg19: memref<!tpu.dma_semaphore, #tpu.memory_space<semaphore_mem>>) attributes {dimension_semantics = [#tpu.dimension_semantics<core_parallel>, #tpu.dimension_semantics<subcore_parallel>], iteration_bounds = array<i64: 2, 16>, scalar_prefetch = 0 : i64, scratch_operands = 13 : i64, tpu.core_type = #tpu.core_type<sc_vector_subcore>, window_params = [{transform_indices = #map}, {transform_indices = #map}, {transform_indices = #map}, {transform_indices = #map}, {transform_indices = #map}]} {
    %mul3A = arith.constant 632 : i32
    %mul3A_0 = arith.muli %arg1, %mul3A : i32
    %dma_start3A = arith.constant 0 : i32
    %dma_start3A_1 = arith.constant 0 : i32
    %dma_start3A_2 = tpu.memref_slice %arg4[%arg1, %dma_start3A, %dma_start3A_1] : memref<16x162x128xi32, #tpu.memory_space<hbm>> -> memref<1x162x128xi32, #tpu.memory_space<hbm>>
    %dma_start3A_3 = tpu.memref_squeeze %dma_start3A_2 : memref<1x162x128xi32, #tpu.memory_space<hbm>> -> memref<162x128xi32, #tpu.memory_space<hbm>>
    %dma_start3A_4 = arith.constant 0 : i32
    %dma_start3A_5 = arith.constant 0 : i32
    %dma_start3A_6 = tpu.memref_slice %arg4[%arg1, %dma_start3A_4, %dma_start3A_5] : memref<16x162x128xi32, #tpu.memory_space<hbm>> -> memref<1x162x128xi32, #tpu.memory_space<hbm>>
    %dma_start3A_7 = tpu.memref_squeeze %dma_start3A_6 : memref<1x162x128xi32, #tpu.memory_space<hbm>> -> memref<162x128xi32, #tpu.memory_space<hbm>>
    tpu.enqueue_dma source(%dma_start3A_7 : memref<162x128xi32, #tpu.memory_space<hbm>>) target(%arg7 : memref<162x128xi32, #tpu.memory_space<vmem>>) target_semaphore(%arg17 : memref<!tpu.dma_semaphore, #tpu.memory_space<semaphore_mem>>)
    %dma_start3A_8 = arith.constant 0 : i32
    %dma_start3A_9 = arith.constant 0 : i32
    %dma_start3A_10 = tpu.memref_slice %arg5[%arg1, %dma_start3A_8, %dma_start3A_9] : memref<16x162x128xi32, #tpu.memory_space<hbm>> -> memref<1x162x128xi32, #tpu.memory_space<hbm>>
    %dma_start3A_11 = tpu.memref_squeeze %dma_start3A_10 : memref<1x162x128xi32, #tpu.memory_space<hbm>> -> memref<162x128xi32, #tpu.memory_space<hbm>>
    %dma_start3A_12 = arith.constant 0 : i32
    %dma_start3A_13 = arith.constant 0 : i32
    %dma_start3A_14 = tpu.memref_slice %arg5[%arg1, %dma_start3A_12, %dma_start3A_13] : memref<16x162x128xi32, #tpu.memory_space<hbm>> -> memref<1x162x128xi32, #tpu.memory_space<hbm>>
    %dma_start3A_15 = tpu.memref_squeeze %dma_start3A_14 : memref<1x162x128xi32, #tpu.memory_space<hbm>> -> memref<162x128xi32, #tpu.memory_space<hbm>>
    tpu.enqueue_dma source(%dma_start3A_15 : memref<162x128xi32, #tpu.memory_space<hbm>>) target(%arg8 : memref<162x128xi32, #tpu.memory_space<vmem>>) target_semaphore(%arg17 : memref<!tpu.dma_semaphore, #tpu.memory_space<semaphore_mem>>)
    %broadcast_in_dim3A = arith.constant 0 : i32
    %broadcast_in_dim3A_16 = vector.broadcast %broadcast_in_dim3A : i32 to vector<16xi32>
    %iota3A = tpu.iota {dimensions = array<i32: 0>} : vector<16xi32>
    %add3A = arith.constant 0 : i32
    %add3A_17 = arith.addi %mul3A_0, %add3A : i32
    "tpu.region"() ({
      %run_scoped3A_269 = tpu.sem_alloc : memref<!tpu.dma_semaphore, #tpu.memory_space<semaphore_mem>>
      %dma_start3A_270 = arith.constant 0 : i32
      %dma_start3A_271 = arith.constant 0 : i32
      %dma_start3A_272 = tpu.memref_slice %arg10[%dma_start3A_270, %dma_start3A_271] : memref<128x32xf32, #tpu.memory_space<vmem>> -> memref<128x32xf32, #tpu.memory_space<vmem>>
      %dma_start3A_273 = arith.constant 0 : i32
      %dma_start3A_274 = arith.constant 0 : i32
      %dma_start3A_275 = tpu.memref_slice %arg2[%arg0, %dma_start3A_273, %dma_start3A_274] : memref<2x10112x32xf32, #tpu.memory_space<hbm>> -> memref<1x10112x32xf32, #tpu.memory_space<hbm>>
      %dma_start3A_276 = tpu.memref_squeeze %dma_start3A_275 : memref<1x10112x32xf32, #tpu.memory_space<hbm>> -> memref<10112x32xf32, #tpu.memory_space<hbm>>
      %dma_start3A_277 = arith.constant 0 : i32
      %dma_start3A_278 = tpu.memref_slice %dma_start3A_276[%add3A_17, %dma_start3A_277] : memref<10112x32xf32, #tpu.memory_space<hbm>> -> memref<128x32xf32, #tpu.memory_space<hbm>>
      %dma_start3A_279 = arith.constant 0 : i32
      %dma_start3A_280 = arith.constant 0 : i32
      %dma_start3A_281 = tpu.memref_slice %arg10[%dma_start3A_279, %dma_start3A_280] : memref<128x32xf32, #tpu.memory_space<vmem>> -> memref<128x32xf32, #tpu.memory_space<vmem>>
      %dma_start3A_282 = arith.constant 0 : i32
      %dma_start3A_283 = arith.constant 0 : i32
      %dma_start3A_284 = tpu.memref_slice %arg2[%arg0, %dma_start3A_282, %dma_start3A_283] : memref<2x10112x32xf32, #tpu.memory_space<hbm>> -> memref<1x10112x32xf32, #tpu.memory_space<hbm>>
      %dma_start3A_285 = tpu.memref_squeeze %dma_start3A_284 : memref<1x10112x32xf32, #tpu.memory_space<hbm>> -> memref<10112x32xf32, #tpu.memory_space<hbm>>
      %dma_start3A_286 = arith.constant 0 : i32
      %dma_start3A_287 = tpu.memref_slice %dma_start3A_285[%add3A_17, %dma_start3A_286] : memref<10112x32xf32, #tpu.memory_space<hbm>> -> memref<128x32xf32, #tpu.memory_space<hbm>>
      tpu.enqueue_dma source(%dma_start3A_287 : memref<128x32xf32, #tpu.memory_space<hbm>>) target(%dma_start3A_281 : memref<128x32xf32, #tpu.memory_space<vmem>>) target_semaphore(%run_scoped3A_269 : memref<!tpu.dma_semaphore, #tpu.memory_space<semaphore_mem>>)
      %dma_wait3A_288 = arith.constant 0 : i32
      %dma_wait3A_289 = arith.constant 0 : i32
      %dma_wait3A_290 = tpu.memref_slice %arg10[%dma_wait3A_288, %dma_wait3A_289] : memref<128x32xf32, #tpu.memory_space<vmem>> -> memref<128x32xf32, #tpu.memory_space<vmem>>
      %dma_wait3A_291 = arith.constant 0 : i32
      %dma_wait3A_292 = arith.constant 0 : i32
      %dma_wait3A_293 = tpu.memref_slice %arg2[%arg0, %dma_wait3A_291, %dma_wait3A_292] : memref<2x10112x32xf32, #tpu.memory_space<hbm>> -> memref<1x10112x32xf32, #tpu.memory_space<hbm>>
      %dma_wait3A_294 = tpu.memref_squeeze %dma_wait3A_293 : memref<1x10112x32xf32, #tpu.memory_space<hbm>> -> memref<10112x32xf32, #tpu.memory_space<hbm>>
      %dma_wait3A_295 = arith.constant 0 : i32
      %dma_wait3A_296 = tpu.memref_slice %dma_wait3A_294[%add3A_17, %dma_wait3A_295] : memref<10112x32xf32, #tpu.memory_space<hbm>> -> memref<128x32xf32, #tpu.memory_space<hbm>>
      %dma_wait3A_297 = arith.constant 0 : i32
      %dma_wait3A_298 = arith.constant 0 : i32
      %dma_wait3A_299 = tpu.memref_slice %arg10[%dma_wait3A_297, %dma_wait3A_298] : memref<128x32xf32, #tpu.memory_space<vmem>> -> memref<128x32xf32, #tpu.memory_space<vmem>>
      %dma_wait3A_300 = arith.constant 0 : i32
      %dma_wait3A_301 = arith.constant 0 : i32
      %dma_wait3A_302 = tpu.memref_slice %arg2[%arg0, %dma_wait3A_300, %dma_wait3A_301] : memref<2x10112x32xf32, #tpu.memory_space<hbm>> -> memref<1x10112x32xf32, #tpu.memory_space<hbm>>
      %dma_wait3A_303 = tpu.memref_squeeze %dma_wait3A_302 : memref<1x10112x32xf32, #tpu.memory_space<hbm>> -> memref<10112x32xf32, #tpu.memory_space<hbm>>
      %dma_wait3A_304 = arith.constant 0 : i32
      %dma_wait3A_305 = tpu.memref_slice %dma_wait3A_303[%add3A_17, %dma_wait3A_304] : memref<10112x32xf32, #tpu.memory_space<hbm>> -> memref<128x32xf32, #tpu.memory_space<hbm>>
      tpu.wait_dma2 semaphore(%run_scoped3A_269 : memref<!tpu.dma_semaphore, #tpu.memory_space<semaphore_mem>>) src(%dma_wait3A_305 : memref<128x32xf32, #tpu.memory_space<hbm>>) dst(%dma_wait3A_299 : memref<128x32xf32, #tpu.memory_space<vmem>>)
      tpu.yield
    }) : () -> ()
    %run_scoped3A = arith.constant 0 : i32
    "tpu.region"() ({
      %run_scoped3A_269 = tpu.sem_alloc : memref<!tpu.dma_semaphore, #tpu.memory_space<semaphore_mem>>
      %dma_start3A_270 = arith.constant 0 : i32
      %dma_start3A_271 = arith.constant 0 : i32
      %dma_start3A_272 = tpu.memref_slice %arg11[%dma_start3A_270, %dma_start3A_271] : memref<128x16xf32, #tpu.memory_space<vmem>> -> memref<128x16xf32, #tpu.memory_space<vmem>>
      %dma_start3A_273 = arith.constant 0 : i32
      %dma_start3A_274 = arith.constant 0 : i32
      %dma_start3A_275 = tpu.memref_slice %arg3[%run_scoped3A, %dma_start3A_273, %dma_start3A_274] : memref<2x10112x16xf32, #tpu.memory_space<hbm>> -> memref<1x10112x16xf32, #tpu.memory_space<hbm>>
      %dma_start3A_276 = tpu.memref_squeeze %dma_start3A_275 : memref<1x10112x16xf32, #tpu.memory_space<hbm>> -> memref<10112x16xf32, #tpu.memory_space<hbm>>
      %dma_start3A_277 = arith.constant 0 : i32
      %dma_start3A_278 = tpu.memref_slice %dma_start3A_276[%add3A_17, %dma_start3A_277] : memref<10112x16xf32, #tpu.memory_space<hbm>> -> memref<128x16xf32, #tpu.memory_space<hbm>>
      %dma_start3A_279 = arith.constant 0 : i32
      %dma_start3A_280 = arith.constant 0 : i32
      %dma_start3A_281 = tpu.memref_slice %arg11[%dma_start3A_279, %dma_start3A_280] : memref<128x16xf32, #tpu.memory_space<vmem>> -> memref<128x16xf32, #tpu.memory_space<vmem>>
      %dma_start3A_282 = arith.constant 0 : i32
      %dma_start3A_283 = arith.constant 0 : i32
      %dma_start3A_284 = tpu.memref_slice %arg3[%run_scoped3A, %dma_start3A_282, %dma_start3A_283] : memref<2x10112x16xf32, #tpu.memory_space<hbm>> -> memref<1x10112x16xf32, #tpu.memory_space<hbm>>
      %dma_start3A_285 = tpu.memref_squeeze %dma_start3A_284 : memref<1x10112x16xf32, #tpu.memory_space<hbm>> -> memref<10112x16xf32, #tpu.memory_space<hbm>>
      %dma_start3A_286 = arith.constant 0 : i32
      %dma_start3A_287 = tpu.memref_slice %dma_start3A_285[%add3A_17, %dma_start3A_286] : memref<10112x16xf32, #tpu.memory_space<hbm>> -> memref<128x16xf32, #tpu.memory_space<hbm>>
      tpu.enqueue_dma source(%dma_start3A_287 : memref<128x16xf32, #tpu.memory_space<hbm>>) target(%dma_start3A_281 : memref<128x16xf32, #tpu.memory_space<vmem>>) target_semaphore(%run_scoped3A_269 : memref<!tpu.dma_semaphore, #tpu.memory_space<semaphore_mem>>)
      %dma_wait3A_288 = arith.constant 0 : i32
      %dma_wait3A_289 = arith.constant 0 : i32
      %dma_wait3A_290 = tpu.memref_slice %arg11[%dma_wait3A_288, %dma_wait3A_289] : memref<128x16xf32, #tpu.memory_space<vmem>> -> memref<128x16xf32, #tpu.memory_space<vmem>>
      %dma_wait3A_291 = arith.constant 0 : i32
      %dma_wait3A_292 = arith.constant 0 : i32
      %dma_wait3A_293 = tpu.memref_slice %arg3[%run_scoped3A, %dma_wait3A_291, %dma_wait3A_292] : memref<2x10112x16xf32, #tpu.memory_space<hbm>> -> memref<1x10112x16xf32, #tpu.memory_space<hbm>>
      %dma_wait3A_294 = tpu.memref_squeeze %dma_wait3A_293 : memref<1x10112x16xf32, #tpu.memory_space<hbm>> -> memref<10112x16xf32, #tpu.memory_space<hbm>>
      %dma_wait3A_295 = arith.constant 0 : i32
      %dma_wait3A_296 = tpu.memref_slice %dma_wait3A_294[%add3A_17, %dma_wait3A_295] : memref<10112x16xf32, #tpu.memory_space<hbm>> -> memref<128x16xf32, #tpu.memory_space<hbm>>
      %dma_wait3A_297 = arith.constant 0 : i32
      %dma_wait3A_298 = arith.constant 0 : i32
      %dma_wait3A_299 = tpu.memref_slice %arg11[%dma_wait3A_297, %dma_wait3A_298] : memref<128x16xf32, #tpu.memory_space<vmem>> -> memref<128x16xf32, #tpu.memory_space<vmem>>
      %dma_wait3A_300 = arith.constant 0 : i32
      %dma_wait3A_301 = arith.constant 0 : i32
      %dma_wait3A_302 = tpu.memref_slice %arg3[%run_scoped3A, %dma_wait3A_300, %dma_wait3A_301] : memref<2x10112x16xf32, #tpu.memory_space<hbm>> -> memref<1x10112x16xf32, #tpu.memory_space<hbm>>
      %dma_wait3A_303 = tpu.memref_squeeze %dma_wait3A_302 : memref<1x10112x16xf32, #tpu.memory_space<hbm>> -> memref<10112x16xf32, #tpu.memory_space<hbm>>
      %dma_wait3A_304 = arith.constant 0 : i32
      %dma_wait3A_305 = tpu.memref_slice %dma_wait3A_303[%add3A_17, %dma_wait3A_304] : memref<10112x16xf32, #tpu.memory_space<hbm>> -> memref<128x16xf32, #tpu.memory_space<hbm>>
      tpu.wait_dma2 semaphore(%run_scoped3A_269 : memref<!tpu.dma_semaphore, #tpu.memory_space<semaphore_mem>>) src(%dma_wait3A_305 : memref<128x16xf32, #tpu.memory_space<hbm>>) dst(%dma_wait3A_299 : memref<128x16xf32, #tpu.memory_space<vmem>>)
      tpu.yield
    }) : () -> ()
    %run_scoped3A_18 = arith.constant 1 : i32
    "tpu.region"() ({
      %run_scoped3A_269 = tpu.sem_alloc : memref<!tpu.dma_semaphore, #tpu.memory_space<semaphore_mem>>
      %dma_start3A_270 = arith.constant 0 : i32
      %dma_start3A_271 = arith.constant 0 : i32
      %dma_start3A_272 = tpu.memref_slice %arg12[%dma_start3A_270, %dma_start3A_271] : memref<128x16xf32, #tpu.memory_space<vmem>> -> memref<128x16xf32, #tpu.memory_space<vmem>>
      %dma_start3A_273 = arith.constant 0 : i32
      %dma_start3A_274 = arith.constant 0 : i32
      %dma_start3A_275 = tpu.memref_slice %arg3[%run_scoped3A_18, %dma_start3A_273, %dma_start3A_274] : memref<2x10112x16xf32, #tpu.memory_space<hbm>> -> memref<1x10112x16xf32, #tpu.memory_space<hbm>>
      %dma_start3A_276 = tpu.memref_squeeze %dma_start3A_275 : memref<1x10112x16xf32, #tpu.memory_space<hbm>> -> memref<10112x16xf32, #tpu.memory_space<hbm>>
      %dma_start3A_277 = arith.constant 0 : i32
      %dma_start3A_278 = tpu.memref_slice %dma_start3A_276[%add3A_17, %dma_start3A_277] : memref<10112x16xf32, #tpu.memory_space<hbm>> -> memref<128x16xf32, #tpu.memory_space<hbm>>
      %dma_start3A_279 = arith.constant 0 : i32
      %dma_start3A_280 = arith.constant 0 : i32
      %dma_start3A_281 = tpu.memref_slice %arg12[%dma_start3A_279, %dma_start3A_280] : memref<128x16xf32, #tpu.memory_space<vmem>> -> memref<128x16xf32, #tpu.memory_space<vmem>>
      %dma_start3A_282 = arith.constant 0 : i32
      %dma_start3A_283 = arith.constant 0 : i32
      %dma_start3A_284 = tpu.memref_slice %arg3[%run_scoped3A_18, %dma_start3A_282, %dma_start3A_283] : memref<2x10112x16xf32, #tpu.memory_space<hbm>> -> memref<1x10112x16xf32, #tpu.memory_space<hbm>>
      %dma_start3A_285 = tpu.memref_squeeze %dma_start3A_284 : memref<1x10112x16xf32, #tpu.memory_space<hbm>> -> memref<10112x16xf32, #tpu.memory_space<hbm>>
      %dma_start3A_286 = arith.constant 0 : i32
      %dma_start3A_287 = tpu.memref_slice %dma_start3A_285[%add3A_17, %dma_start3A_286] : memref<10112x16xf32, #tpu.memory_space<hbm>> -> memref<128x16xf32, #tpu.memory_space<hbm>>
      tpu.enqueue_dma source(%dma_start3A_287 : memref<128x16xf32, #tpu.memory_space<hbm>>) target(%dma_start3A_281 : memref<128x16xf32, #tpu.memory_space<vmem>>) target_semaphore(%run_scoped3A_269 : memref<!tpu.dma_semaphore, #tpu.memory_space<semaphore_mem>>)
      %dma_wait3A_288 = arith.constant 0 : i32
      %dma_wait3A_289 = arith.constant 0 : i32
      %dma_wait3A_290 = tpu.memref_slice %arg12[%dma_wait3A_288, %dma_wait3A_289] : memref<128x16xf32, #tpu.memory_space<vmem>> -> memref<128x16xf32, #tpu.memory_space<vmem>>
      %dma_wait3A_291 = arith.constant 0 : i32
      %dma_wait3A_292 = arith.constant 0 : i32
      %dma_wait3A_293 = tpu.memref_slice %arg3[%run_scoped3A_18, %dma_wait3A_291, %dma_wait3A_292] : memref<2x10112x16xf32, #tpu.memory_space<hbm>> -> memref<1x10112x16xf32, #tpu.memory_space<hbm>>
      %dma_wait3A_294 = tpu.memref_squeeze %dma_wait3A_293 : memref<1x10112x16xf32, #tpu.memory_space<hbm>> -> memref<10112x16xf32, #tpu.memory_space<hbm>>
      %dma_wait3A_295 = arith.constant 0 : i32
      %dma_wait3A_296 = tpu.memref_slice %dma_wait3A_294[%add3A_17, %dma_wait3A_295] : memref<10112x16xf32, #tpu.memory_space<hbm>> -> memref<128x16xf32, #tpu.memory_space<hbm>>
      %dma_wait3A_297 = arith.constant 0 : i32
      %dma_wait3A_298 = arith.constant 0 : i32
      %dma_wait3A_299 = tpu.memref_slice %arg12[%dma_wait3A_297, %dma_wait3A_298] : memref<128x16xf32, #tpu.memory_space<vmem>> -> memref<128x16xf32, #tpu.memory_space<vmem>>
      %dma_wait3A_300 = arith.constant 0 : i32
      %dma_wait3A_301 = arith.constant 0 : i32
      %dma_wait3A_302 = tpu.memref_slice %arg3[%run_scoped3A_18, %dma_wait3A_300, %dma_wait3A_301] : memref<2x10112x16xf32, #tpu.memory_space<hbm>> -> memref<1x10112x16xf32, #tpu.memory_space<hbm>>
      %dma_wait3A_303 = tpu.memref_squeeze %dma_wait3A_302 : memref<1x10112x16xf32, #tpu.memory_space<hbm>> -> memref<10112x16xf32, #tpu.memory_space<hbm>>
      %dma_wait3A_304 = arith.constant 0 : i32
      %dma_wait3A_305 = tpu.memref_slice %dma_wait3A_303[%add3A_17, %dma_wait3A_304] : memref<10112x16xf32, #tpu.memory_space<hbm>> -> memref<128x16xf32, #tpu.memory_space<hbm>>
      tpu.wait_dma2 semaphore(%run_scoped3A_269 : memref<!tpu.dma_semaphore, #tpu.memory_space<semaphore_mem>>) src(%dma_wait3A_305 : memref<128x16xf32, #tpu.memory_space<hbm>>) dst(%dma_wait3A_299 : memref<128x16xf32, #tpu.memory_space<vmem>>)
      tpu.yield
    }) : () -> ()
    %scan3A = arith.constant 0 : i32
    %scan3A_19 = arith.constant 8 : i32
    %scan3A_20 = arith.addi %scan3A, %scan3A_19 : i32
    %scan3A_21 = arith.constant 1 : i32
    scf.for %scan3A_269 = %scan3A to %scan3A_20 step %scan3A_21  : i32 {
      %mul3A_270 = arith.constant 1 : i32
      %mul3A_271 = arith.muli %scan3A_269, %mul3A_270 : i32
      %add3A_272 = arith.constant 0 : i32
      %add3A_273 = arith.addi %add3A_272, %mul3A_271 : i32
      %ge3A = arith.constant 0 : i32
      %ge3A_274 = vector.broadcast %ge3A : i32 to vector<16xi32>
      %ge3A_275 = arith.cmpi sge, %iota3A, %ge3A_274 : vector<16xi32>
      %mul3A_276 = arith.constant 16 : i32
      %mul3A_277 = arith.muli %add3A_273, %mul3A_276 : i32
      %add3A_278 = vector.broadcast %mul3A_277 : i32 to vector<16xi32>
      %add3A_279 = arith.addi %add3A_278, %iota3A : vector<16xi32>
      %gather3A_280 = tpu.vector_load_idx %arg11[%add3A_279, %broadcast_in_dim3A_16] masked %ge3A_275 : memref<128x16xf32, #tpu.memory_space<vmem>>[vector<16xi32>, vector<16xi32>], vector<16xf32>, vector<16xi1>
      %gather3A_281 = tpu.vector_load_idx %arg12[%add3A_279, %broadcast_in_dim3A_16] masked %ge3A_275 : memref<128x16xf32, #tpu.memory_space<vmem>>[vector<16xi32>, vector<16xi32>], vector<16xf32>, vector<16xi1>
      %add3A_282 = arith.addf %gather3A_280, %gather3A_281 : vector<16xf32>
      %add3A_283 = arith.constant 1.000000e+00 : f32
      %add3A_284 = vector.broadcast %add3A_283 : f32 to vector<16xf32>
      %add3A_285 = arith.addf %add3A_282, %add3A_284 : vector<16xf32>
      %div3A_286 = arith.constant 1.000000e+00 : f32
      %div3A_287 = vector.broadcast %div3A_286 : f32 to vector<16xf32>
      %div3A_288 = arith.divf %div3A_287, %add3A_285 : vector<16xf32>
      %bitcast3A_289 = vector.bitcast %add3A_285 : vector<16xf32> to vector<16xi32>
      %shift_right_logical3A_290 = arith.constant 1 : i32
      %shift_right_logical3A_291 = vector.broadcast %shift_right_logical3A_290 : i32 to vector<16xi32>
      %shift_right_logical3A_292 = arith.shrui %bitcast3A_289, %shift_right_logical3A_291 : vector<16xi32>
      %sub3A_293 = arith.constant 1597463007 : i32
      %sub3A_294 = vector.broadcast %sub3A_293 : i32 to vector<16xi32>
      %sub3A_295 = arith.subi %sub3A_294, %shift_right_logical3A_292 : vector<16xi32>
      %bitcast3A_296 = vector.bitcast %sub3A_295 : vector<16xi32> to vector<16xf32>
      %mul3A_297 = arith.constant 5.000000e-01 : f32
      %mul3A_298 = vector.broadcast %mul3A_297 : f32 to vector<16xf32>
      %mul3A_299 = arith.mulf %mul3A_298, %add3A_285 : vector<16xf32>
      %mul3A_300 = arith.mulf %mul3A_299, %bitcast3A_296 : vector<16xf32>
      %mul3A_301 = arith.mulf %mul3A_300, %bitcast3A_296 : vector<16xf32>
      %sub3A_302 = arith.constant 1.500000e+00 : f32
      %sub3A_303 = vector.broadcast %sub3A_302 : f32 to vector<16xf32>
      %sub3A_304 = arith.subf %sub3A_303, %mul3A_301 : vector<16xf32>
      %mul3A_305 = arith.mulf %bitcast3A_296, %sub3A_304 : vector<16xf32>
      %mul3A_306 = arith.constant 5.000000e-01 : f32
      %mul3A_307 = vector.broadcast %mul3A_306 : f32 to vector<16xf32>
      %mul3A_308 = arith.mulf %mul3A_307, %add3A_285 : vector<16xf32>
      %mul3A_309 = arith.mulf %mul3A_308, %mul3A_305 : vector<16xf32>
      %mul3A_310 = arith.mulf %mul3A_309, %mul3A_305 : vector<16xf32>
      %sub3A_311 = arith.constant 1.500000e+00 : f32
      %sub3A_312 = vector.broadcast %sub3A_311 : f32 to vector<16xf32>
      %sub3A_313 = arith.subf %sub3A_312, %mul3A_310 : vector<16xf32>
      %mul3A_314 = arith.mulf %mul3A_305, %sub3A_313 : vector<16xf32>
      %mul3A_315 = arith.constant 5.000000e-01 : f32
      %mul3A_316 = vector.broadcast %mul3A_315 : f32 to vector<16xf32>
      %mul3A_317 = arith.mulf %mul3A_316, %add3A_285 : vector<16xf32>
      %mul3A_318 = arith.mulf %mul3A_317, %mul3A_314 : vector<16xf32>
      %mul3A_319 = arith.mulf %mul3A_318, %mul3A_314 : vector<16xf32>
      %sub3A_320 = arith.constant 1.500000e+00 : f32
      %sub3A_321 = vector.broadcast %sub3A_320 : f32 to vector<16xf32>
      %sub3A_322 = arith.subf %sub3A_321, %mul3A_319 : vector<16xf32>
      %mul3A_323 = arith.mulf %mul3A_314, %sub3A_322 : vector<16xf32>
      %mul3A_324 = arith.constant 16 : i32
      %mul3A_325 = arith.muli %add3A_273, %mul3A_324 : i32
      %add3A_326 = arith.constant 0 : i32
      %add3A_327 = arith.addi %add3A_326, %mul3A_325 : i32
      %add3A_328 = vector.broadcast %add3A_327 : i32 to vector<16xi32>
      %add3A_329 = arith.addi %add3A_328, %iota3A : vector<16xi32>
      tpu.vector_store_idx %arg13[%add3A_329], %mul3A_323 masked %ge3A_275 : memref<632xf32, #tpu.memory_space<vmem>>[vector<16xi32>], vector<16xf32>, vector<16xi1>
      %add3A_330 = vector.broadcast %add3A_327 : i32 to vector<16xi32>
      %add3A_331 = arith.addi %add3A_330, %iota3A : vector<16xi32>
      tpu.vector_store_idx %arg14[%add3A_331], %div3A_288 masked %ge3A_275 : memref<632xf32, #tpu.memory_space<vmem>>[vector<16xi32>], vector<16xf32>, vector<16xi1>
    }
    %scan3A_22 = arith.constant 8 : i32
    %scan3A_23 = arith.constant 0 : i32
    %scan3A_24 = arith.constant 128 : i32
    %scan3A_25 = arith.addi %scan3A_23, %scan3A_24 : i32
    %scan3A_26 = arith.constant 1 : i32
    scf.for %scan3A_269 = %scan3A_23 to %scan3A_25 step %scan3A_26  : i32 {
      %mul3A_270 = arith.constant 1 : i32
      %mul3A_271 = arith.muli %scan3A_269, %mul3A_270 : i32
      %add3A_272 = arith.constant 0 : i32
      %add3A_273 = arith.addi %add3A_272, %mul3A_271 : i32
      %add3A_274 = arith.constant 0 : i32
      %add3A_275 = arith.addi %add3A_274, %add3A_273 : i32
      %broadcast_in_dim3A_276 = arith.constant 0 : i32
      %broadcast_in_dim3A_277 = vector.broadcast %broadcast_in_dim3A_276 : i32 to vector<16xi32>
      %add3A_278 = vector.broadcast %add3A_275 : i32 to vector<16xi32>
      %add3A_279 = arith.addi %broadcast_in_dim3A_277, %add3A_278 : vector<16xi32>
      %gather3A_280 = tpu.vector_load_idx %arg13[%add3A_279] : memref<632xf32, #tpu.memory_space<vmem>>[vector<16xi32>], vector<16xf32>,
      %get3A = arith.index_cast %add3A_273 : i32 to index
      %get3A_281 = arith.constant 0 : index
      %get3A_282 = tpu.vector_load %arg10[%get3A, %get3A_281] {strides = array<i32>} : memref<128x32xf32, #tpu.memory_space<vmem>>, vector<16xf32>,
      %mul3A_283 = arith.mulf %get3A_282, %gather3A_280 : vector<16xf32>
      %swap3A = arith.index_cast %add3A_273 : i32 to index
      %swap3A_284 = arith.constant 0 : index
      %swap3A_285 = tpu.vector_load %arg10[%swap3A, %swap3A_284] {strides = array<i32>} : memref<128x32xf32, #tpu.memory_space<vmem>>, vector<16xf32>,
      tpu.vector_store %arg10[%swap3A, %swap3A_284], %mul3A_283 {strides = array<i32>} : memref<128x32xf32, #tpu.memory_space<vmem>>, vector<16xf32>,
      %get3A_286 = arith.index_cast %add3A_273 : i32 to index
      %get3A_287 = arith.constant 16 : index
      %get3A_288 = tpu.vector_load %arg10[%get3A_286, %get3A_287] {strides = array<i32>} : memref<128x32xf32, #tpu.memory_space<vmem>>, vector<16xf32>,
      %mul3A_289 = arith.mulf %get3A_288, %gather3A_280 : vector<16xf32>
      %swap3A_290 = arith.index_cast %add3A_273 : i32 to index
      %swap3A_291 = arith.constant 16 : index
      %swap3A_292 = tpu.vector_load %arg10[%swap3A_290, %swap3A_291] {strides = array<i32>} : memref<128x32xf32, #tpu.memory_space<vmem>>, vector<16xf32>,
      tpu.vector_store %arg10[%swap3A_290, %swap3A_291], %mul3A_289 {strides = array<i32>} : memref<128x32xf32, #tpu.memory_space<vmem>>, vector<16xf32>,
    }
    %scan3A_27 = arith.constant 128 : i32
    "tpu.region"() ({
      %run_scoped3A_269 = tpu.sem_alloc : memref<!tpu.dma_semaphore, #tpu.memory_space<semaphore_mem>>
      %dma_start3A_270 = arith.constant 0 : i32
      %dma_start3A_271 = arith.constant 0 : i32
      %dma_start3A_272 = tpu.memref_slice %arg10[%dma_start3A_270, %dma_start3A_271] : memref<128x32xf32, #tpu.memory_space<vmem>> -> memref<128x32xf32, #tpu.memory_space<vmem>>
      %dma_start3A_273 = arith.constant 0 : i32
      %dma_start3A_274 = tpu.memref_slice %arg16[%add3A_17, %dma_start3A_273] : memref<10112x32xf32, #tpu.memory_space<vmem_shared>> -> memref<128x32xf32, #tpu.memory_space<vmem_shared>>
      %dma_start3A_275 = arith.constant 0 : i32
      %dma_start3A_276 = tpu.memref_slice %arg16[%add3A_17, %dma_start3A_275] : memref<10112x32xf32, #tpu.memory_space<vmem_shared>> -> memref<128x32xf32, #tpu.memory_space<vmem_shared>>
      %dma_start3A_277 = arith.constant 0 : i32
      %dma_start3A_278 = arith.constant 0 : i32
      %dma_start3A_279 = tpu.memref_slice %arg10[%dma_start3A_277, %dma_start3A_278] : memref<128x32xf32, #tpu.memory_space<vmem>> -> memref<128x32xf32, #tpu.memory_space<vmem>>
      tpu.enqueue_dma source(%dma_start3A_279 : memref<128x32xf32, #tpu.memory_space<vmem>>) target(%dma_start3A_276 : memref<128x32xf32, #tpu.memory_space<vmem_shared>>) target_semaphore(%run_scoped3A_269 : memref<!tpu.dma_semaphore, #tpu.memory_space<semaphore_mem>>)
      %dma_wait3A_280 = arith.constant 0 : i32
      %dma_wait3A_281 = arith.constant 0 : i32
      %dma_wait3A_282 = tpu.memref_slice %arg10[%dma_wait3A_280, %dma_wait3A_281] : memref<128x32xf32, #tpu.memory_space<vmem>> -> memref<128x32xf32, #tpu.memory_space<vmem>>
      %dma_wait3A_283 = arith.constant 0 : i32
      %dma_wait3A_284 = tpu.memref_slice %arg16[%add3A_17, %dma_wait3A_283] : memref<10112x32xf32, #tpu.memory_space<vmem_shared>> -> memref<128x32xf32, #tpu.memory_space<vmem_shared>>
      %dma_wait3A_285 = arith.constant 0 : i32
      %dma_wait3A_286 = tpu.memref_slice %arg16[%add3A_17, %dma_wait3A_285] : memref<10112x32xf32, #tpu.memory_space<vmem_shared>> -> memref<128x32xf32, #tpu.memory_space<vmem_shared>>
      %dma_wait3A_287 = arith.constant 0 : i32
      %dma_wait3A_288 = arith.constant 0 : i32
      %dma_wait3A_289 = tpu.memref_slice %arg10[%dma_wait3A_287, %dma_wait3A_288] : memref<128x32xf32, #tpu.memory_space<vmem>> -> memref<128x32xf32, #tpu.memory_space<vmem>>
      tpu.wait_dma2 semaphore(%run_scoped3A_269 : memref<!tpu.dma_semaphore, #tpu.memory_space<semaphore_mem>>) src(%dma_wait3A_289 : memref<128x32xf32, #tpu.memory_space<vmem>>) dst(%dma_wait3A_286 : memref<128x32xf32, #tpu.memory_space<vmem_shared>>)
      tpu.yield
    }) : () -> ()
    "tpu.region"() ({
      %run_scoped3A_269 = tpu.sem_alloc : memref<!tpu.dma_semaphore, #tpu.memory_space<semaphore_mem>>
      %dma_start3A_270 = arith.constant 0 : i32
      %dma_start3A_271 = arith.constant 0 : i32
      %dma_start3A_272 = tpu.memref_slice %arg10[%dma_start3A_270, %dma_start3A_271] : memref<128x32xf32, #tpu.memory_space<vmem>> -> memref<128x32xf32, #tpu.memory_space<vmem>>
      %dma_start3A_273 = arith.constant 0 : i32
      %dma_start3A_274 = tpu.memref_slice %arg15[%add3A_17, %dma_start3A_273] : memref<10112x32xf32, #tpu.memory_space<vmem_shared>> -> memref<128x32xf32, #tpu.memory_space<vmem_shared>>
      %dma_start3A_275 = arith.constant 0 : i32
      %dma_start3A_276 = tpu.memref_slice %arg15[%add3A_17, %dma_start3A_275] : memref<10112x32xf32, #tpu.memory_space<vmem_shared>> -> memref<128x32xf32, #tpu.memory_space<vmem_shared>>
      %dma_start3A_277 = arith.constant 0 : i32
      %dma_start3A_278 = arith.constant 0 : i32
      %dma_start3A_279 = tpu.memref_slice %arg10[%dma_start3A_277, %dma_start3A_278] : memref<128x32xf32, #tpu.memory_space<vmem>> -> memref<128x32xf32, #tpu.memory_space<vmem>>
      tpu.enqueue_dma source(%dma_start3A_279 : memref<128x32xf32, #tpu.memory_space<vmem>>) target(%dma_start3A_276 : memref<128x32xf32, #tpu.memory_space<vmem_shared>>) target_semaphore(%run_scoped3A_269 : memref<!tpu.dma_semaphore, #tpu.memory_space<semaphore_mem>>)
      %dma_wait3A_280 = arith.constant 0 : i32
      %dma_wait3A_281 = arith.constant 0 : i32
      %dma_wait3A_282 = tpu.memref_slice %arg10[%dma_wait3A_280, %dma_wait3A_281] : memref<128x32xf32, #tpu.memory_space<vmem>> -> memref<128x32xf32, #tpu.memory_space<vmem>>
      %dma_wait3A_283 = arith.constant 0 : i32
      %dma_wait3A_284 = tpu.memref_slice %arg15[%add3A_17, %dma_wait3A_283] : memref<10112x32xf32, #tpu.memory_space<vmem_shared>> -> memref<128x32xf32, #tpu.memory_space<vmem_shared>>
      %dma_wait3A_285 = arith.constant 0 : i32
      %dma_wait3A_286 = tpu.memref_slice %arg15[%add3A_17, %dma_wait3A_285] : memref<10112x32xf32, #tpu.memory_space<vmem_shared>> -> memref<128x32xf32, #tpu.memory_space<vmem_shared>>
      %dma_wait3A_287 = arith.constant 0 : i32
      %dma_wait3A_288 = arith.constant 0 : i32
      %dma_wait3A_289 = tpu.memref_slice %arg10[%dma_wait3A_287, %dma_wait3A_288] : memref<128x32xf32, #tpu.memory_space<vmem>> -> memref<128x32xf32, #tpu.memory_space<vmem>>
      tpu.wait_dma2 semaphore(%run_scoped3A_269 : memref<!tpu.dma_semaphore, #tpu.memory_space<semaphore_mem>>) src(%dma_wait3A_289 : memref<128x32xf32, #tpu.memory_space<vmem>>) dst(%dma_wait3A_286 : memref<128x32xf32, #tpu.memory_space<vmem_shared>>)
      tpu.yield
    }) : () -> ()
    %add3A_28 = arith.constant 128 : i32
    %add3A_29 = arith.addi %mul3A_0, %add3A_28 : i32
    "tpu.region"() ({
      %run_scoped3A_269 = tpu.sem_alloc : memref<!tpu.dma_semaphore, #tpu.memory_space<semaphore_mem>>
      %dma_start3A_270 = arith.constant 0 : i32
      %dma_start3A_271 = arith.constant 0 : i32
      %dma_start3A_272 = tpu.memref_slice %arg10[%dma_start3A_270, %dma_start3A_271] : memref<128x32xf32, #tpu.memory_space<vmem>> -> memref<128x32xf32, #tpu.memory_space<vmem>>
      %dma_start3A_273 = arith.constant 0 : i32
      %dma_start3A_274 = arith.constant 0 : i32
      %dma_start3A_275 = tpu.memref_slice %arg2[%arg0, %dma_start3A_273, %dma_start3A_274] : memref<2x10112x32xf32, #tpu.memory_space<hbm>> -> memref<1x10112x32xf32, #tpu.memory_space<hbm>>
      %dma_start3A_276 = tpu.memref_squeeze %dma_start3A_275 : memref<1x10112x32xf32, #tpu.memory_space<hbm>> -> memref<10112x32xf32, #tpu.memory_space<hbm>>
      %dma_start3A_277 = arith.constant 0 : i32
      %dma_start3A_278 = tpu.memref_slice %dma_start3A_276[%add3A_29, %dma_start3A_277] : memref<10112x32xf32, #tpu.memory_space<hbm>> -> memref<128x32xf32, #tpu.memory_space<hbm>>
      %dma_start3A_279 = arith.constant 0 : i32
      %dma_start3A_280 = arith.constant 0 : i32
      %dma_start3A_281 = tpu.memref_slice %arg10[%dma_start3A_279, %dma_start3A_280] : memref<128x32xf32, #tpu.memory_space<vmem>> -> memref<128x32xf32, #tpu.memory_space<vmem>>
      %dma_start3A_282 = arith.constant 0 : i32
      %dma_start3A_283 = arith.constant 0 : i32
      %dma_start3A_284 = tpu.memref_slice %arg2[%arg0, %dma_start3A_282, %dma_start3A_283] : memref<2x10112x32xf32, #tpu.memory_space<hbm>> -> memref<1x10112x32xf32, #tpu.memory_space<hbm>>
      %dma_start3A_285 = tpu.memref_squeeze %dma_start3A_284 : memref<1x10112x32xf32, #tpu.memory_space<hbm>> -> memref<10112x32xf32, #tpu.memory_space<hbm>>
      %dma_start3A_286 = arith.constant 0 : i32
      %dma_start3A_287 = tpu.memref_slice %dma_start3A_285[%add3A_29, %dma_start3A_286] : memref<10112x32xf32, #tpu.memory_space<hbm>> -> memref<128x32xf32, #tpu.memory_space<hbm>>
      tpu.enqueue_dma source(%dma_start3A_287 : memref<128x32xf32, #tpu.memory_space<hbm>>) target(%dma_start3A_281 : memref<128x32xf32, #tpu.memory_space<vmem>>) target_semaphore(%run_scoped3A_269 : memref<!tpu.dma_semaphore, #tpu.memory_space<semaphore_mem>>)
      %dma_wait3A_288 = arith.constant 0 : i32
      %dma_wait3A_289 = arith.constant 0 : i32
      %dma_wait3A_290 = tpu.memref_slice %arg10[%dma_wait3A_288, %dma_wait3A_289] : memref<128x32xf32, #tpu.memory_space<vmem>> -> memref<128x32xf32, #tpu.memory_space<vmem>>
      %dma_wait3A_291 = arith.constant 0 : i32
      %dma_wait3A_292 = arith.constant 0 : i32
      %dma_wait3A_293 = tpu.memref_slice %arg2[%arg0, %dma_wait3A_291, %dma_wait3A_292] : memref<2x10112x32xf32, #tpu.memory_space<hbm>> -> memref<1x10112x32xf32, #tpu.memory_space<hbm>>
      %dma_wait3A_294 = tpu.memref_squeeze %dma_wait3A_293 : memref<1x10112x32xf32, #tpu.memory_space<hbm>> -> memref<10112x32xf32, #tpu.memory_space<hbm>>
      %dma_wait3A_295 = arith.constant 0 : i32
      %dma_wait3A_296 = tpu.memref_slice %dma_wait3A_294[%add3A_29, %dma_wait3A_295] : memref<10112x32xf32, #tpu.memory_space<hbm>> -> memref<128x32xf32, #tpu.memory_space<hbm>>
      %dma_wait3A_297 = arith.constant 0 : i32
      %dma_wait3A_298 = arith.constant 0 : i32
      %dma_wait3A_299 = tpu.memref_slice %arg10[%dma_wait3A_297, %dma_wait3A_298] : memref<128x32xf32, #tpu.memory_space<vmem>> -> memref<128x32xf32, #tpu.memory_space<vmem>>
      %dma_wait3A_300 = arith.constant 0 : i32
      %dma_wait3A_301 = arith.constant 0 : i32
      %dma_wait3A_302 = tpu.memref_slice %arg2[%arg0, %dma_wait3A_300, %dma_wait3A_301] : memref<2x10112x32xf32, #tpu.memory_space<hbm>> -> memref<1x10112x32xf32, #tpu.memory_space<hbm>>
      %dma_wait3A_303 = tpu.memref_squeeze %dma_wait3A_302 : memref<1x10112x32xf32, #tpu.memory_space<hbm>> -> memref<10112x32xf32, #tpu.memory_space<hbm>>
      %dma_wait3A_304 = arith.constant 0 : i32
      %dma_wait3A_305 = tpu.memref_slice %dma_wait3A_303[%add3A_29, %dma_wait3A_304] : memref<10112x32xf32, #tpu.memory_space<hbm>> -> memref<128x32xf32, #tpu.memory_space<hbm>>
      tpu.wait_dma2 semaphore(%run_scoped3A_269 : memref<!tpu.dma_semaphore, #tpu.memory_space<semaphore_mem>>) src(%dma_wait3A_305 : memref<128x32xf32, #tpu.memory_space<hbm>>) dst(%dma_wait3A_299 : memref<128x32xf32, #tpu.memory_space<vmem>>)
      tpu.yield
    }) : () -> ()
    %run_scoped3A_30 = arith.constant 0 : i32
    "tpu.region"() ({
      %run_scoped3A_269 = tpu.sem_alloc : memref<!tpu.dma_semaphore, #tpu.memory_space<semaphore_mem>>
      %dma_start3A_270 = arith.constant 0 : i32
      %dma_start3A_271 = arith.constant 0 : i32
      %dma_start3A_272 = tpu.memref_slice %arg11[%dma_start3A_270, %dma_start3A_271] : memref<128x16xf32, #tpu.memory_space<vmem>> -> memref<128x16xf32, #tpu.memory_space<vmem>>
      %dma_start3A_273 = arith.constant 0 : i32
      %dma_start3A_274 = arith.constant 0 : i32
      %dma_start3A_275 = tpu.memref_slice %arg3[%run_scoped3A_30, %dma_start3A_273, %dma_start3A_274] : memref<2x10112x16xf32, #tpu.memory_space<hbm>> -> memref<1x10112x16xf32, #tpu.memory_space<hbm>>
      %dma_start3A_276 = tpu.memref_squeeze %dma_start3A_275 : memref<1x10112x16xf32, #tpu.memory_space<hbm>> -> memref<10112x16xf32, #tpu.memory_space<hbm>>
      %dma_start3A_277 = arith.constant 0 : i32
      %dma_start3A_278 = tpu.memref_slice %dma_start3A_276[%add3A_29, %dma_start3A_277] : memref<10112x16xf32, #tpu.memory_space<hbm>> -> memref<128x16xf32, #tpu.memory_space<hbm>>
      %dma_start3A_279 = arith.constant 0 : i32
      %dma_start3A_280 = arith.constant 0 : i32
      %dma_start3A_281 = tpu.memref_slice %arg11[%dma_start3A_279, %dma_start3A_280] : memref<128x16xf32, #tpu.memory_space<vmem>> -> memref<128x16xf32, #tpu.memory_space<vmem>>
      %dma_start3A_282 = arith.constant 0 : i32
      %dma_start3A_283 = arith.constant 0 : i32
      %dma_start3A_284 = tpu.memref_slice %arg3[%run_scoped3A_30, %dma_start3A_282, %dma_start3A_283] : memref<2x10112x16xf32, #tpu.memory_space<hbm>> -> memref<1x10112x16xf32, #tpu.memory_space<hbm>>
      %dma_start3A_285 = tpu.memref_squeeze %dma_start3A_284 : memref<1x10112x16xf32, #tpu.memory_space<hbm>> -> memref<10112x16xf32, #tpu.memory_space<hbm>>
      %dma_start3A_286 = arith.constant 0 : i32
      %dma_start3A_287 = tpu.memref_slice %dma_start3A_285[%add3A_29, %dma_start3A_286] : memref<10112x16xf32, #tpu.memory_space<hbm>> -> memref<128x16xf32, #tpu.memory_space<hbm>>
      tpu.enqueue_dma source(%dma_start3A_287 : memref<128x16xf32, #tpu.memory_space<hbm>>) target(%dma_start3A_281 : memref<128x16xf32, #tpu.memory_space<vmem>>) target_semaphore(%run_scoped3A_269 : memref<!tpu.dma_semaphore, #tpu.memory_space<semaphore_mem>>)
      %dma_wait3A_288 = arith.constant 0 : i32
      %dma_wait3A_289 = arith.constant 0 : i32
      %dma_wait3A_290 = tpu.memref_slice %arg11[%dma_wait3A_288, %dma_wait3A_289] : memref<128x16xf32, #tpu.memory_space<vmem>> -> memref<128x16xf32, #tpu.memory_space<vmem>>
      %dma_wait3A_291 = arith.constant 0 : i32
      %dma_wait3A_292 = arith.constant 0 : i32
      %dma_wait3A_293 = tpu.memref_slice %arg3[%run_scoped3A_30, %dma_wait3A_291, %dma_wait3A_292] : memref<2x10112x16xf32, #tpu.memory_space<hbm>> -> memref<1x10112x16xf32, #tpu.memory_space<hbm>>
      %dma_wait3A_294 = tpu.memref_squeeze %dma_wait3A_293 : memref<1x10112x16xf32, #tpu.memory_space<hbm>> -> memref<10112x16xf32, #tpu.memory_space<hbm>>
      %dma_wait3A_295 = arith.constant 0 : i32
      %dma_wait3A_296 = tpu.memref_slice %dma_wait3A_294[%add3A_29, %dma_wait3A_295] : memref<10112x16xf32, #tpu.memory_space<hbm>> -> memref<128x16xf32, #tpu.memory_space<hbm>>
      %dma_wait3A_297 = arith.constant 0 : i32
      %dma_wait3A_298 = arith.constant 0 : i32
      %dma_wait3A_299 = tpu.memref_slice %arg11[%dma_wait3A_297, %dma_wait3A_298] : memref<128x16xf32, #tpu.memory_space<vmem>> -> memref<128x16xf32, #tpu.memory_space<vmem>>
      %dma_wait3A_300 = arith.constant 0 : i32
      %dma_wait3A_301 = arith.constant 0 : i32
      %dma_wait3A_302 = tpu.memref_slice %arg3[%run_scoped3A_30, %dma_wait3A_300, %dma_wait3A_301] : memref<2x10112x16xf32, #tpu.memory_space<hbm>> -> memref<1x10112x16xf32, #tpu.memory_space<hbm>>
      %dma_wait3A_303 = tpu.memref_squeeze %dma_wait3A_302 : memref<1x10112x16xf32, #tpu.memory_space<hbm>> -> memref<10112x16xf32, #tpu.memory_space<hbm>>
      %dma_wait3A_304 = arith.constant 0 : i32
      %dma_wait3A_305 = tpu.memref_slice %dma_wait3A_303[%add3A_29, %dma_wait3A_304] : memref<10112x16xf32, #tpu.memory_space<hbm>> -> memref<128x16xf32, #tpu.memory_space<hbm>>
      tpu.wait_dma2 semaphore(%run_scoped3A_269 : memref<!tpu.dma_semaphore, #tpu.memory_space<semaphore_mem>>) src(%dma_wait3A_305 : memref<128x16xf32, #tpu.memory_space<hbm>>) dst(%dma_wait3A_299 : memref<128x16xf32, #tpu.memory_space<vmem>>)
      tpu.yield
    }) : () -> ()
    %run_scoped3A_31 = arith.constant 1 : i32
    "tpu.region"() ({
      %run_scoped3A_269 = tpu.sem_alloc : memref<!tpu.dma_semaphore, #tpu.memory_space<semaphore_mem>>
      %dma_start3A_270 = arith.constant 0 : i32
      %dma_start3A_271 = arith.constant 0 : i32
      %dma_start3A_272 = tpu.memref_slice %arg12[%dma_start3A_270, %dma_start3A_271] : memref<128x16xf32, #tpu.memory_space<vmem>> -> memref<128x16xf32, #tpu.memory_space<vmem>>
      %dma_start3A_273 = arith.constant 0 : i32
      %dma_start3A_274 = arith.constant 0 : i32
      %dma_start3A_275 = tpu.memref_slice %arg3[%run_scoped3A_31, %dma_start3A_273, %dma_start3A_274] : memref<2x10112x16xf32, #tpu.memory_space<hbm>> -> memref<1x10112x16xf32, #tpu.memory_space<hbm>>
      %dma_start3A_276 = tpu.memref_squeeze %dma_start3A_275 : memref<1x10112x16xf32, #tpu.memory_space<hbm>> -> memref<10112x16xf32, #tpu.memory_space<hbm>>
      %dma_start3A_277 = arith.constant 0 : i32
      %dma_start3A_278 = tpu.memref_slice %dma_start3A_276[%add3A_29, %dma_start3A_277] : memref<10112x16xf32, #tpu.memory_space<hbm>> -> memref<128x16xf32, #tpu.memory_space<hbm>>
      %dma_start3A_279 = arith.constant 0 : i32
      %dma_start3A_280 = arith.constant 0 : i32
      %dma_start3A_281 = tpu.memref_slice %arg12[%dma_start3A_279, %dma_start3A_280] : memref<128x16xf32, #tpu.memory_space<vmem>> -> memref<128x16xf32, #tpu.memory_space<vmem>>
      %dma_start3A_282 = arith.constant 0 : i32
      %dma_start3A_283 = arith.constant 0 : i32
      %dma_start3A_284 = tpu.memref_slice %arg3[%run_scoped3A_31, %dma_start3A_282, %dma_start3A_283] : memref<2x10112x16xf32, #tpu.memory_space<hbm>> -> memref<1x10112x16xf32, #tpu.memory_space<hbm>>
      %dma_start3A_285 = tpu.memref_squeeze %dma_start3A_284 : memref<1x10112x16xf32, #tpu.memory_space<hbm>> -> memref<10112x16xf32, #tpu.memory_space<hbm>>
      %dma_start3A_286 = arith.constant 0 : i32
      %dma_start3A_287 = tpu.memref_slice %dma_start3A_285[%add3A_29, %dma_start3A_286] : memref<10112x16xf32, #tpu.memory_space<hbm>> -> memref<128x16xf32, #tpu.memory_space<hbm>>
      tpu.enqueue_dma source(%dma_start3A_287 : memref<128x16xf32, #tpu.memory_space<hbm>>) target(%dma_start3A_281 : memref<128x16xf32, #tpu.memory_space<vmem>>) target_semaphore(%run_scoped3A_269 : memref<!tpu.dma_semaphore, #tpu.memory_space<semaphore_mem>>)
      %dma_wait3A_288 = arith.constant 0 : i32
      %dma_wait3A_289 = arith.constant 0 : i32
      %dma_wait3A_290 = tpu.memref_slice %arg12[%dma_wait3A_288, %dma_wait3A_289] : memref<128x16xf32, #tpu.memory_space<vmem>> -> memref<128x16xf32, #tpu.memory_space<vmem>>
      %dma_wait3A_291 = arith.constant 0 : i32
      %dma_wait3A_292 = arith.constant 0 : i32
      %dma_wait3A_293 = tpu.memref_slice %arg3[%run_scoped3A_31, %dma_wait3A_291, %dma_wait3A_292] : memref<2x10112x16xf32, #tpu.memory_space<hbm>> -> memref<1x10112x16xf32, #tpu.memory_space<hbm>>
      %dma_wait3A_294 = tpu.memref_squeeze %dma_wait3A_293 : memref<1x10112x16xf32, #tpu.memory_space<hbm>> -> memref<10112x16xf32, #tpu.memory_space<hbm>>
      %dma_wait3A_295 = arith.constant 0 : i32
      %dma_wait3A_296 = tpu.memref_slice %dma_wait3A_294[%add3A_29, %dma_wait3A_295] : memref<10112x16xf32, #tpu.memory_space<hbm>> -> memref<128x16xf32, #tpu.memory_space<hbm>>
      %dma_wait3A_297 = arith.constant 0 : i32
      %dma_wait3A_298 = arith.constant 0 : i32
      %dma_wait3A_299 = tpu.memref_slice %arg12[%dma_wait3A_297, %dma_wait3A_298] : memref<128x16xf32, #tpu.memory_space<vmem>> -> memref<128x16xf32, #tpu.memory_space<vmem>>
      %dma_wait3A_300 = arith.constant 0 : i32
      %dma_wait3A_301 = arith.constant 0 : i32
      %dma_wait3A_302 = tpu.memref_slice %arg3[%run_scoped3A_31, %dma_wait3A_300, %dma_wait3A_301] : memref<2x10112x16xf32, #tpu.memory_space<hbm>> -> memref<1x10112x16xf32, #tpu.memory_space<hbm>>
      %dma_wait3A_303 = tpu.memref_squeeze %dma_wait3A_302 : memref<1x10112x16xf32, #tpu.memory_space<hbm>> -> memref<10112x16xf32, #tpu.memory_space<hbm>>
      %dma_wait3A_304 = arith.constant 0 : i32
      %dma_wait3A_305 = tpu.memref_slice %dma_wait3A_303[%add3A_29, %dma_wait3A_304] : memref<10112x16xf32, #tpu.memory_space<hbm>> -> memref<128x16xf32, #tpu.memory_space<hbm>>
      tpu.wait_dma2 semaphore(%run_scoped3A_269 : memref<!tpu.dma_semaphore, #tpu.memory_space<semaphore_mem>>) src(%dma_wait3A_305 : memref<128x16xf32, #tpu.memory_space<hbm>>) dst(%dma_wait3A_299 : memref<128x16xf32, #tpu.memory_space<vmem>>)
      tpu.yield
    }) : () -> ()
    %scan3A_32 = arith.constant 0 : i32
    %scan3A_33 = arith.constant 8 : i32
    %scan3A_34 = arith.addi %scan3A_32, %scan3A_33 : i32
    %scan3A_35 = arith.constant 1 : i32
    scf.for %scan3A_269 = %scan3A_32 to %scan3A_34 step %scan3A_35  : i32 {
      %mul3A_270 = arith.constant 1 : i32
      %mul3A_271 = arith.muli %scan3A_269, %mul3A_270 : i32
      %add3A_272 = arith.constant 0 : i32
      %add3A_273 = arith.addi %add3A_272, %mul3A_271 : i32
      %ge3A = arith.constant 0 : i32
      %ge3A_274 = vector.broadcast %ge3A : i32 to vector<16xi32>
      %ge3A_275 = arith.cmpi sge, %iota3A, %ge3A_274 : vector<16xi32>
      %mul3A_276 = arith.constant 16 : i32
      %mul3A_277 = arith.muli %add3A_273, %mul3A_276 : i32
      %add3A_278 = vector.broadcast %mul3A_277 : i32 to vector<16xi32>
      %add3A_279 = arith.addi %add3A_278, %iota3A : vector<16xi32>
      %gather3A_280 = tpu.vector_load_idx %arg11[%add3A_279, %broadcast_in_dim3A_16] masked %ge3A_275 : memref<128x16xf32, #tpu.memory_space<vmem>>[vector<16xi32>, vector<16xi32>], vector<16xf32>, vector<16xi1>
      %gather3A_281 = tpu.vector_load_idx %arg12[%add3A_279, %broadcast_in_dim3A_16] masked %ge3A_275 : memref<128x16xf32, #tpu.memory_space<vmem>>[vector<16xi32>, vector<16xi32>], vector<16xf32>, vector<16xi1>
      %add3A_282 = arith.addf %gather3A_280, %gather3A_281 : vector<16xf32>
      %add3A_283 = arith.constant 1.000000e+00 : f32
      %add3A_284 = vector.broadcast %add3A_283 : f32 to vector<16xf32>
      %add3A_285 = arith.addf %add3A_282, %add3A_284 : vector<16xf32>
      %div3A_286 = arith.constant 1.000000e+00 : f32
      %div3A_287 = vector.broadcast %div3A_286 : f32 to vector<16xf32>
      %div3A_288 = arith.divf %div3A_287, %add3A_285 : vector<16xf32>
      %bitcast3A_289 = vector.bitcast %add3A_285 : vector<16xf32> to vector<16xi32>
      %shift_right_logical3A_290 = arith.constant 1 : i32
      %shift_right_logical3A_291 = vector.broadcast %shift_right_logical3A_290 : i32 to vector<16xi32>
      %shift_right_logical3A_292 = arith.shrui %bitcast3A_289, %shift_right_logical3A_291 : vector<16xi32>
      %sub3A_293 = arith.constant 1597463007 : i32
      %sub3A_294 = vector.broadcast %sub3A_293 : i32 to vector<16xi32>
      %sub3A_295 = arith.subi %sub3A_294, %shift_right_logical3A_292 : vector<16xi32>
      %bitcast3A_296 = vector.bitcast %sub3A_295 : vector<16xi32> to vector<16xf32>
      %mul3A_297 = arith.constant 5.000000e-01 : f32
      %mul3A_298 = vector.broadcast %mul3A_297 : f32 to vector<16xf32>
      %mul3A_299 = arith.mulf %mul3A_298, %add3A_285 : vector<16xf32>
      %mul3A_300 = arith.mulf %mul3A_299, %bitcast3A_296 : vector<16xf32>
      %mul3A_301 = arith.mulf %mul3A_300, %bitcast3A_296 : vector<16xf32>
      %sub3A_302 = arith.constant 1.500000e+00 : f32
      %sub3A_303 = vector.broadcast %sub3A_302 : f32 to vector<16xf32>
      %sub3A_304 = arith.subf %sub3A_303, %mul3A_301 : vector<16xf32>
      %mul3A_305 = arith.mulf %bitcast3A_296, %sub3A_304 : vector<16xf32>
      %mul3A_306 = arith.constant 5.000000e-01 : f32
      %mul3A_307 = vector.broadcast %mul3A_306 : f32 to vector<16xf32>
      %mul3A_308 = arith.mulf %mul3A_307, %add3A_285 : vector<16xf32>
      %mul3A_309 = arith.mulf %mul3A_308, %mul3A_305 : vector<16xf32>
      %mul3A_310 = arith.mulf %mul3A_309, %mul3A_305 : vector<16xf32>
      %sub3A_311 = arith.constant 1.500000e+00 : f32
      %sub3A_312 = vector.broadcast %sub3A_311 : f32 to vector<16xf32>
      %sub3A_313 = arith.subf %sub3A_312, %mul3A_310 : vector<16xf32>
      %mul3A_314 = arith.mulf %mul3A_305, %sub3A_313 : vector<16xf32>
      %mul3A_315 = arith.constant 5.000000e-01 : f32
      %mul3A_316 = vector.broadcast %mul3A_315 : f32 to vector<16xf32>
      %mul3A_317 = arith.mulf %mul3A_316, %add3A_285 : vector<16xf32>
      %mul3A_318 = arith.mulf %mul3A_317, %mul3A_314 : vector<16xf32>
      %mul3A_319 = arith.mulf %mul3A_318, %mul3A_314 : vector<16xf32>
      %sub3A_320 = arith.constant 1.500000e+00 : f32
      %sub3A_321 = vector.broadcast %sub3A_320 : f32 to vector<16xf32>
      %sub3A_322 = arith.subf %sub3A_321, %mul3A_319 : vector<16xf32>
      %mul3A_323 = arith.mulf %mul3A_314, %sub3A_322 : vector<16xf32>
      %mul3A_324 = arith.constant 16 : i32
      %mul3A_325 = arith.muli %add3A_273, %mul3A_324 : i32
      %add3A_326 = arith.constant 128 : i32
      %add3A_327 = arith.addi %add3A_326, %mul3A_325 : i32
      %add3A_328 = vector.broadcast %add3A_327 : i32 to vector<16xi32>
      %add3A_329 = arith.addi %add3A_328, %iota3A : vector<16xi32>
      tpu.vector_store_idx %arg13[%add3A_329], %mul3A_323 masked %ge3A_275 : memref<632xf32, #tpu.memory_space<vmem>>[vector<16xi32>], vector<16xf32>, vector<16xi1>
      %add3A_330 = vector.broadcast %add3A_327 : i32 to vector<16xi32>
      %add3A_331 = arith.addi %add3A_330, %iota3A : vector<16xi32>
      tpu.vector_store_idx %arg14[%add3A_331], %div3A_288 masked %ge3A_275 : memref<632xf32, #tpu.memory_space<vmem>>[vector<16xi32>], vector<16xf32>, vector<16xi1>
    }
    %scan3A_36 = arith.constant 8 : i32
    %scan3A_37 = arith.constant 0 : i32
    %scan3A_38 = arith.constant 128 : i32
    %scan3A_39 = arith.addi %scan3A_37, %scan3A_38 : i32
    %scan3A_40 = arith.constant 1 : i32
    scf.for %scan3A_269 = %scan3A_37 to %scan3A_39 step %scan3A_40  : i32 {
      %mul3A_270 = arith.constant 1 : i32
      %mul3A_271 = arith.muli %scan3A_269, %mul3A_270 : i32
      %add3A_272 = arith.constant 0 : i32
      %add3A_273 = arith.addi %add3A_272, %mul3A_271 : i32
      %add3A_274 = arith.constant 128 : i32
      %add3A_275 = arith.addi %add3A_274, %add3A_273 : i32
      %broadcast_in_dim3A_276 = arith.constant 0 : i32
      %broadcast_in_dim3A_277 = vector.broadcast %broadcast_in_dim3A_276 : i32 to vector<16xi32>
      %add3A_278 = vector.broadcast %add3A_275 : i32 to vector<16xi32>
      %add3A_279 = arith.addi %broadcast_in_dim3A_277, %add3A_278 : vector<16xi32>
      %gather3A_280 = tpu.vector_load_idx %arg13[%add3A_279] : memref<632xf32, #tpu.memory_space<vmem>>[vector<16xi32>], vector<16xf32>,
      %get3A = arith.index_cast %add3A_273 : i32 to index
      %get3A_281 = arith.constant 0 : index
      %get3A_282 = tpu.vector_load %arg10[%get3A, %get3A_281] {strides = array<i32>} : memref<128x32xf32, #tpu.memory_space<vmem>>, vector<16xf32>,
      %mul3A_283 = arith.mulf %get3A_282, %gather3A_280 : vector<16xf32>
      %swap3A = arith.index_cast %add3A_273 : i32 to index
      %swap3A_284 = arith.constant 0 : index
      %swap3A_285 = tpu.vector_load %arg10[%swap3A, %swap3A_284] {strides = array<i32>} : memref<128x32xf32, #tpu.memory_space<vmem>>, vector<16xf32>,
      tpu.vector_store %arg10[%swap3A, %swap3A_284], %mul3A_283 {strides = array<i32>} : memref<128x32xf32, #tpu.memory_space<vmem>>, vector<16xf32>,
      %get3A_286 = arith.index_cast %add3A_273 : i32 to index
      %get3A_287 = arith.constant 16 : index
      %get3A_288 = tpu.vector_load %arg10[%get3A_286, %get3A_287] {strides = array<i32>} : memref<128x32xf32, #tpu.memory_space<vmem>>, vector<16xf32>,
      %mul3A_289 = arith.mulf %get3A_288, %gather3A_280 : vector<16xf32>
      %swap3A_290 = arith.index_cast %add3A_273 : i32 to index
      %swap3A_291 = arith.constant 16 : index
      %swap3A_292 = tpu.vector_load %arg10[%swap3A_290, %swap3A_291] {strides = array<i32>} : memref<128x32xf32, #tpu.memory_space<vmem>>, vector<16xf32>,
      tpu.vector_store %arg10[%swap3A_290, %swap3A_291], %mul3A_289 {strides = array<i32>} : memref<128x32xf32, #tpu.memory_space<vmem>>, vector<16xf32>,
    }
    %scan3A_41 = arith.constant 128 : i32
    "tpu.region"() ({
      %run_scoped3A_269 = tpu.sem_alloc : memref<!tpu.dma_semaphore, #tpu.memory_space<semaphore_mem>>
      %dma_start3A_270 = arith.constant 0 : i32
      %dma_start3A_271 = arith.constant 0 : i32
      %dma_start3A_272 = tpu.memref_slice %arg10[%dma_start3A_270, %dma_start3A_271] : memref<128x32xf32, #tpu.memory_space<vmem>> -> memref<128x32xf32, #tpu.memory_space<vmem>>
      %dma_start3A_273 = arith.constant 0 : i32
      %dma_start3A_274 = tpu.memref_slice %arg16[%add3A_29, %dma_start3A_273] : memref<10112x32xf32, #tpu.memory_space<vmem_shared>> -> memref<128x32xf32, #tpu.memory_space<vmem_shared>>
      %dma_start3A_275 = arith.constant 0 : i32
      %dma_start3A_276 = tpu.memref_slice %arg16[%add3A_29, %dma_start3A_275] : memref<10112x32xf32, #tpu.memory_space<vmem_shared>> -> memref<128x32xf32, #tpu.memory_space<vmem_shared>>
      %dma_start3A_277 = arith.constant 0 : i32
      %dma_start3A_278 = arith.constant 0 : i32
      %dma_start3A_279 = tpu.memref_slice %arg10[%dma_start3A_277, %dma_start3A_278] : memref<128x32xf32, #tpu.memory_space<vmem>> -> memref<128x32xf32, #tpu.memory_space<vmem>>
      tpu.enqueue_dma source(%dma_start3A_279 : memref<128x32xf32, #tpu.memory_space<vmem>>) target(%dma_start3A_276 : memref<128x32xf32, #tpu.memory_space<vmem_shared>>) target_semaphore(%run_scoped3A_269 : memref<!tpu.dma_semaphore, #tpu.memory_space<semaphore_mem>>)
      %dma_wait3A_280 = arith.constant 0 : i32
      %dma_wait3A_281 = arith.constant 0 : i32
      %dma_wait3A_282 = tpu.memref_slice %arg10[%dma_wait3A_280, %dma_wait3A_281] : memref<128x32xf32, #tpu.memory_space<vmem>> -> memref<128x32xf32, #tpu.memory_space<vmem>>
      %dma_wait3A_283 = arith.constant 0 : i32
      %dma_wait3A_284 = tpu.memref_slice %arg16[%add3A_29, %dma_wait3A_283] : memref<10112x32xf32, #tpu.memory_space<vmem_shared>> -> memref<128x32xf32, #tpu.memory_space<vmem_shared>>
      %dma_wait3A_285 = arith.constant 0 : i32
      %dma_wait3A_286 = tpu.memref_slice %arg16[%add3A_29, %dma_wait3A_285] : memref<10112x32xf32, #tpu.memory_space<vmem_shared>> -> memref<128x32xf32, #tpu.memory_space<vmem_shared>>
      %dma_wait3A_287 = arith.constant 0 : i32
      %dma_wait3A_288 = arith.constant 0 : i32
      %dma_wait3A_289 = tpu.memref_slice %arg10[%dma_wait3A_287, %dma_wait3A_288] : memref<128x32xf32, #tpu.memory_space<vmem>> -> memref<128x32xf32, #tpu.memory_space<vmem>>
      tpu.wait_dma2 semaphore(%run_scoped3A_269 : memref<!tpu.dma_semaphore, #tpu.memory_space<semaphore_mem>>) src(%dma_wait3A_289 : memref<128x32xf32, #tpu.memory_space<vmem>>) dst(%dma_wait3A_286 : memref<128x32xf32, #tpu.memory_space<vmem_shared>>)
      tpu.yield
    }) : () -> ()
    "tpu.region"() ({
      %run_scoped3A_269 = tpu.sem_alloc : memref<!tpu.dma_semaphore, #tpu.memory_space<semaphore_mem>>
      %dma_start3A_270 = arith.constant 0 : i32
      %dma_start3A_271 = arith.constant 0 : i32
      %dma_start3A_272 = tpu.memref_slice %arg10[%dma_start3A_270, %dma_start3A_271] : memref<128x32xf32, #tpu.memory_space<vmem>> -> memref<128x32xf32, #tpu.memory_space<vmem>>
      %dma_start3A_273 = arith.constant 0 : i32
      %dma_start3A_274 = tpu.memref_slice %arg15[%add3A_29, %dma_start3A_273] : memref<10112x32xf32, #tpu.memory_space<vmem_shared>> -> memref<128x32xf32, #tpu.memory_space<vmem_shared>>
      %dma_start3A_275 = arith.constant 0 : i32
      %dma_start3A_276 = tpu.memref_slice %arg15[%add3A_29, %dma_start3A_275] : memref<10112x32xf32, #tpu.memory_space<vmem_shared>> -> memref<128x32xf32, #tpu.memory_space<vmem_shared>>
      %dma_start3A_277 = arith.constant 0 : i32
      %dma_start3A_278 = arith.constant 0 : i32
      %dma_start3A_279 = tpu.memref_slice %arg10[%dma_start3A_277, %dma_start3A_278] : memref<128x32xf32, #tpu.memory_space<vmem>> -> memref<128x32xf32, #tpu.memory_space<vmem>>
      tpu.enqueue_dma source(%dma_start3A_279 : memref<128x32xf32, #tpu.memory_space<vmem>>) target(%dma_start3A_276 : memref<128x32xf32, #tpu.memory_space<vmem_shared>>) target_semaphore(%run_scoped3A_269 : memref<!tpu.dma_semaphore, #tpu.memory_space<semaphore_mem>>)
      %dma_wait3A_280 = arith.constant 0 : i32
      %dma_wait3A_281 = arith.constant 0 : i32
      %dma_wait3A_282 = tpu.memref_slice %arg10[%dma_wait3A_280, %dma_wait3A_281] : memref<128x32xf32, #tpu.memory_space<vmem>> -> memref<128x32xf32, #tpu.memory_space<vmem>>
      %dma_wait3A_283 = arith.constant 0 : i32
      %dma_wait3A_284 = tpu.memref_slice %arg15[%add3A_29, %dma_wait3A_283] : memref<10112x32xf32, #tpu.memory_space<vmem_shared>> -> memref<128x32xf32, #tpu.memory_space<vmem_shared>>
      %dma_wait3A_285 = arith.constant 0 : i32
      %dma_wait3A_286 = tpu.memref_slice %arg15[%add3A_29, %dma_wait3A_285] : memref<10112x32xf32, #tpu.memory_space<vmem_shared>> -> memref<128x32xf32, #tpu.memory_space<vmem_shared>>
      %dma_wait3A_287 = arith.constant 0 : i32
      %dma_wait3A_288 = arith.constant 0 : i32
      %dma_wait3A_289 = tpu.memref_slice %arg10[%dma_wait3A_287, %dma_wait3A_288] : memref<128x32xf32, #tpu.memory_space<vmem>> -> memref<128x32xf32, #tpu.memory_space<vmem>>
      tpu.wait_dma2 semaphore(%run_scoped3A_269 : memref<!tpu.dma_semaphore, #tpu.memory_space<semaphore_mem>>) src(%dma_wait3A_289 : memref<128x32xf32, #tpu.memory_space<vmem>>) dst(%dma_wait3A_286 : memref<128x32xf32, #tpu.memory_space<vmem_shared>>)
      tpu.yield
    }) : () -> ()
    %add3A_42 = arith.constant 256 : i32
    %add3A_43 = arith.addi %mul3A_0, %add3A_42 : i32
    "tpu.region"() ({
      %run_scoped3A_269 = tpu.sem_alloc : memref<!tpu.dma_semaphore, #tpu.memory_space<semaphore_mem>>
      %dma_start3A_270 = arith.constant 0 : i32
      %dma_start3A_271 = arith.constant 0 : i32
      %dma_start3A_272 = tpu.memref_slice %arg10[%dma_start3A_270, %dma_start3A_271] : memref<128x32xf32, #tpu.memory_space<vmem>> -> memref<128x32xf32, #tpu.memory_space<vmem>>
      %dma_start3A_273 = arith.constant 0 : i32
      %dma_start3A_274 = arith.constant 0 : i32
      %dma_start3A_275 = tpu.memref_slice %arg2[%arg0, %dma_start3A_273, %dma_start3A_274] : memref<2x10112x32xf32, #tpu.memory_space<hbm>> -> memref<1x10112x32xf32, #tpu.memory_space<hbm>>
      %dma_start3A_276 = tpu.memref_squeeze %dma_start3A_275 : memref<1x10112x32xf32, #tpu.memory_space<hbm>> -> memref<10112x32xf32, #tpu.memory_space<hbm>>
      %dma_start3A_277 = arith.constant 0 : i32
      %dma_start3A_278 = tpu.memref_slice %dma_start3A_276[%add3A_43, %dma_start3A_277] : memref<10112x32xf32, #tpu.memory_space<hbm>> -> memref<128x32xf32, #tpu.memory_space<hbm>>
      %dma_start3A_279 = arith.constant 0 : i32
      %dma_start3A_280 = arith.constant 0 : i32
      %dma_start3A_281 = tpu.memref_slice %arg10[%dma_start3A_279, %dma_start3A_280] : memref<128x32xf32, #tpu.memory_space<vmem>> -> memref<128x32xf32, #tpu.memory_space<vmem>>
      %dma_start3A_282 = arith.constant 0 : i32
      %dma_start3A_283 = arith.constant 0 : i32
      %dma_start3A_284 = tpu.memref_slice %arg2[%arg0, %dma_start3A_282, %dma_start3A_283] : memref<2x10112x32xf32, #tpu.memory_space<hbm>> -> memref<1x10112x32xf32, #tpu.memory_space<hbm>>
      %dma_start3A_285 = tpu.memref_squeeze %dma_start3A_284 : memref<1x10112x32xf32, #tpu.memory_space<hbm>> -> memref<10112x32xf32, #tpu.memory_space<hbm>>
      %dma_start3A_286 = arith.constant 0 : i32
      %dma_start3A_287 = tpu.memref_slice %dma_start3A_285[%add3A_43, %dma_start3A_286] : memref<10112x32xf32, #tpu.memory_space<hbm>> -> memref<128x32xf32, #tpu.memory_space<hbm>>
      tpu.enqueue_dma source(%dma_start3A_287 : memref<128x32xf32, #tpu.memory_space<hbm>>) target(%dma_start3A_281 : memref<128x32xf32, #tpu.memory_space<vmem>>) target_semaphore(%run_scoped3A_269 : memref<!tpu.dma_semaphore, #tpu.memory_space<semaphore_mem>>)
      %dma_wait3A_288 = arith.constant 0 : i32
      %dma_wait3A_289 = arith.constant 0 : i32
      %dma_wait3A_290 = tpu.memref_slice %arg10[%dma_wait3A_288, %dma_wait3A_289] : memref<128x32xf32, #tpu.memory_space<vmem>> -> memref<128x32xf32, #tpu.memory_space<vmem>>
      %dma_wait3A_291 = arith.constant 0 : i32
      %dma_wait3A_292 = arith.constant 0 : i32
      %dma_wait3A_293 = tpu.memref_slice %arg2[%arg0, %dma_wait3A_291, %dma_wait3A_292] : memref<2x10112x32xf32, #tpu.memory_space<hbm>> -> memref<1x10112x32xf32, #tpu.memory_space<hbm>>
      %dma_wait3A_294 = tpu.memref_squeeze %dma_wait3A_293 : memref<1x10112x32xf32, #tpu.memory_space<hbm>> -> memref<10112x32xf32, #tpu.memory_space<hbm>>
      %dma_wait3A_295 = arith.constant 0 : i32
      %dma_wait3A_296 = tpu.memref_slice %dma_wait3A_294[%add3A_43, %dma_wait3A_295] : memref<10112x32xf32, #tpu.memory_space<hbm>> -> memref<128x32xf32, #tpu.memory_space<hbm>>
      %dma_wait3A_297 = arith.constant 0 : i32
      %dma_wait3A_298 = arith.constant 0 : i32
      %dma_wait3A_299 = tpu.memref_slice %arg10[%dma_wait3A_297, %dma_wait3A_298] : memref<128x32xf32, #tpu.memory_space<vmem>> -> memref<128x32xf32, #tpu.memory_space<vmem>>
      %dma_wait3A_300 = arith.constant 0 : i32
      %dma_wait3A_301 = arith.constant 0 : i32
      %dma_wait3A_302 = tpu.memref_slice %arg2[%arg0, %dma_wait3A_300, %dma_wait3A_301] : memref<2x10112x32xf32, #tpu.memory_space<hbm>> -> memref<1x10112x32xf32, #tpu.memory_space<hbm>>
      %dma_wait3A_303 = tpu.memref_squeeze %dma_wait3A_302 : memref<1x10112x32xf32, #tpu.memory_space<hbm>> -> memref<10112x32xf32, #tpu.memory_space<hbm>>
      %dma_wait3A_304 = arith.constant 0 : i32
      %dma_wait3A_305 = tpu.memref_slice %dma_wait3A_303[%add3A_43, %dma_wait3A_304] : memref<10112x32xf32, #tpu.memory_space<hbm>> -> memref<128x32xf32, #tpu.memory_space<hbm>>
      tpu.wait_dma2 semaphore(%run_scoped3A_269 : memref<!tpu.dma_semaphore, #tpu.memory_space<semaphore_mem>>) src(%dma_wait3A_305 : memref<128x32xf32, #tpu.memory_space<hbm>>) dst(%dma_wait3A_299 : memref<128x32xf32, #tpu.memory_space<vmem>>)
      tpu.yield
    }) : () -> ()
    %run_scoped3A_44 = arith.constant 0 : i32
    "tpu.region"() ({
      %run_scoped3A_269 = tpu.sem_alloc : memref<!tpu.dma_semaphore, #tpu.memory_space<semaphore_mem>>
      %dma_start3A_270 = arith.constant 0 : i32
      %dma_start3A_271 = arith.constant 0 : i32
      %dma_start3A_272 = tpu.memref_slice %arg11[%dma_start3A_270, %dma_start3A_271] : memref<128x16xf32, #tpu.memory_space<vmem>> -> memref<128x16xf32, #tpu.memory_space<vmem>>
      %dma_start3A_273 = arith.constant 0 : i32
      %dma_start3A_274 = arith.constant 0 : i32
      %dma_start3A_275 = tpu.memref_slice %arg3[%run_scoped3A_44, %dma_start3A_273, %dma_start3A_274] : memref<2x10112x16xf32, #tpu.memory_space<hbm>> -> memref<1x10112x16xf32, #tpu.memory_space<hbm>>
      %dma_start3A_276 = tpu.memref_squeeze %dma_start3A_275 : memref<1x10112x16xf32, #tpu.memory_space<hbm>> -> memref<10112x16xf32, #tpu.memory_space<hbm>>
      %dma_start3A_277 = arith.constant 0 : i32
      %dma_start3A_278 = tpu.memref_slice %dma_start3A_276[%add3A_43, %dma_start3A_277] : memref<10112x16xf32, #tpu.memory_space<hbm>> -> memref<128x16xf32, #tpu.memory_space<hbm>>
      %dma_start3A_279 = arith.constant 0 : i32
      %dma_start3A_280 = arith.constant 0 : i32
      %dma_start3A_281 = tpu.memref_slice %arg11[%dma_start3A_279, %dma_start3A_280] : memref<128x16xf32, #tpu.memory_space<vmem>> -> memref<128x16xf32, #tpu.memory_space<vmem>>
      %dma_start3A_282 = arith.constant 0 : i32
      %dma_start3A_283 = arith.constant 0 : i32
      %dma_start3A_284 = tpu.memref_slice %arg3[%run_scoped3A_44, %dma_start3A_282, %dma_start3A_283] : memref<2x10112x16xf32, #tpu.memory_space<hbm>> -> memref<1x10112x16xf32, #tpu.memory_space<hbm>>
      %dma_start3A_285 = tpu.memref_squeeze %dma_start3A_284 : memref<1x10112x16xf32, #tpu.memory_space<hbm>> -> memref<10112x16xf32, #tpu.memory_space<hbm>>
      %dma_start3A_286 = arith.constant 0 : i32
      %dma_start3A_287 = tpu.memref_slice %dma_start3A_285[%add3A_43, %dma_start3A_286] : memref<10112x16xf32, #tpu.memory_space<hbm>> -> memref<128x16xf32, #tpu.memory_space<hbm>>
      tpu.enqueue_dma source(%dma_start3A_287 : memref<128x16xf32, #tpu.memory_space<hbm>>) target(%dma_start3A_281 : memref<128x16xf32, #tpu.memory_space<vmem>>) target_semaphore(%run_scoped3A_269 : memref<!tpu.dma_semaphore, #tpu.memory_space<semaphore_mem>>)
      %dma_wait3A_288 = arith.constant 0 : i32
      %dma_wait3A_289 = arith.constant 0 : i32
      %dma_wait3A_290 = tpu.memref_slice %arg11[%dma_wait3A_288, %dma_wait3A_289] : memref<128x16xf32, #tpu.memory_space<vmem>> -> memref<128x16xf32, #tpu.memory_space<vmem>>
      %dma_wait3A_291 = arith.constant 0 : i32
      %dma_wait3A_292 = arith.constant 0 : i32
      %dma_wait3A_293 = tpu.memref_slice %arg3[%run_scoped3A_44, %dma_wait3A_291, %dma_wait3A_292] : memref<2x10112x16xf32, #tpu.memory_space<hbm>> -> memref<1x10112x16xf32, #tpu.memory_space<hbm>>
      %dma_wait3A_294 = tpu.memref_squeeze %dma_wait3A_293 : memref<1x10112x16xf32, #tpu.memory_space<hbm>> -> memref<10112x16xf32, #tpu.memory_space<hbm>>
      %dma_wait3A_295 = arith.constant 0 : i32
      %dma_wait3A_296 = tpu.memref_slice %dma_wait3A_294[%add3A_43, %dma_wait3A_295] : memref<10112x16xf32, #tpu.memory_space<hbm>> -> memref<128x16xf32, #tpu.memory_space<hbm>>
      %dma_wait3A_297 = arith.constant 0 : i32
      %dma_wait3A_298 = arith.constant 0 : i32
      %dma_wait3A_299 = tpu.memref_slice %arg11[%dma_wait3A_297, %dma_wait3A_298] : memref<128x16xf32, #tpu.memory_space<vmem>> -> memref<128x16xf32, #tpu.memory_space<vmem>>
      %dma_wait3A_300 = arith.constant 0 : i32
      %dma_wait3A_301 = arith.constant 0 : i32
      %dma_wait3A_302 = tpu.memref_slice %arg3[%run_scoped3A_44, %dma_wait3A_300, %dma_wait3A_301] : memref<2x10112x16xf32, #tpu.memory_space<hbm>> -> memref<1x10112x16xf32, #tpu.memory_space<hbm>>
      %dma_wait3A_303 = tpu.memref_squeeze %dma_wait3A_302 : memref<1x10112x16xf32, #tpu.memory_space<hbm>> -> memref<10112x16xf32, #tpu.memory_space<hbm>>
      %dma_wait3A_304 = arith.constant 0 : i32
      %dma_wait3A_305 = tpu.memref_slice %dma_wait3A_303[%add3A_43, %dma_wait3A_304] : memref<10112x16xf32, #tpu.memory_space<hbm>> -> memref<128x16xf32, #tpu.memory_space<hbm>>
      tpu.wait_dma2 semaphore(%run_scoped3A_269 : memref<!tpu.dma_semaphore, #tpu.memory_space<semaphore_mem>>) src(%dma_wait3A_305 : memref<128x16xf32, #tpu.memory_space<hbm>>) dst(%dma_wait3A_299 : memref<128x16xf32, #tpu.memory_space<vmem>>)
      tpu.yield
    }) : () -> ()
    %run_scoped3A_45 = arith.constant 1 : i32
    "tpu.region"() ({
      %run_scoped3A_269 = tpu.sem_alloc : memref<!tpu.dma_semaphore, #tpu.memory_space<semaphore_mem>>
      %dma_start3A_270 = arith.constant 0 : i32
      %dma_start3A_271 = arith.constant 0 : i32
      %dma_start3A_272 = tpu.memref_slice %arg12[%dma_start3A_270, %dma_start3A_271] : memref<128x16xf32, #tpu.memory_space<vmem>> -> memref<128x16xf32, #tpu.memory_space<vmem>>
      %dma_start3A_273 = arith.constant 0 : i32
      %dma_start3A_274 = arith.constant 0 : i32
      %dma_start3A_275 = tpu.memref_slice %arg3[%run_scoped3A_45, %dma_start3A_273, %dma_start3A_274] : memref<2x10112x16xf32, #tpu.memory_space<hbm>> -> memref<1x10112x16xf32, #tpu.memory_space<hbm>>
      %dma_start3A_276 = tpu.memref_squeeze %dma_start3A_275 : memref<1x10112x16xf32, #tpu.memory_space<hbm>> -> memref<10112x16xf32, #tpu.memory_space<hbm>>
      %dma_start3A_277 = arith.constant 0 : i32
      %dma_start3A_278 = tpu.memref_slice %dma_start3A_276[%add3A_43, %dma_start3A_277] : memref<10112x16xf32, #tpu.memory_space<hbm>> -> memref<128x16xf32, #tpu.memory_space<hbm>>
      %dma_start3A_279 = arith.constant 0 : i32
      %dma_start3A_280 = arith.constant 0 : i32
      %dma_start3A_281 = tpu.memref_slice %arg12[%dma_start3A_279, %dma_start3A_280] : memref<128x16xf32, #tpu.memory_space<vmem>> -> memref<128x16xf32, #tpu.memory_space<vmem>>
      %dma_start3A_282 = arith.constant 0 : i32
      %dma_start3A_283 = arith.constant 0 : i32
      %dma_start3A_284 = tpu.memref_slice %arg3[%run_scoped3A_45, %dma_start3A_282, %dma_start3A_283] : memref<2x10112x16xf32, #tpu.memory_space<hbm>> -> memref<1x10112x16xf32, #tpu.memory_space<hbm>>
      %dma_start3A_285 = tpu.memref_squeeze %dma_start3A_284 : memref<1x10112x16xf32, #tpu.memory_space<hbm>> -> memref<10112x16xf32, #tpu.memory_space<hbm>>
      %dma_start3A_286 = arith.constant 0 : i32
      %dma_start3A_287 = tpu.memref_slice %dma_start3A_285[%add3A_43, %dma_start3A_286] : memref<10112x16xf32, #tpu.memory_space<hbm>> -> memref<128x16xf32, #tpu.memory_space<hbm>>
      tpu.enqueue_dma source(%dma_start3A_287 : memref<128x16xf32, #tpu.memory_space<hbm>>) target(%dma_start3A_281 : memref<128x16xf32, #tpu.memory_space<vmem>>) target_semaphore(%run_scoped3A_269 : memref<!tpu.dma_semaphore, #tpu.memory_space<semaphore_mem>>)
      %dma_wait3A_288 = arith.constant 0 : i32
      %dma_wait3A_289 = arith.constant 0 : i32
      %dma_wait3A_290 = tpu.memref_slice %arg12[%dma_wait3A_288, %dma_wait3A_289] : memref<128x16xf32, #tpu.memory_space<vmem>> -> memref<128x16xf32, #tpu.memory_space<vmem>>
      %dma_wait3A_291 = arith.constant 0 : i32
      %dma_wait3A_292 = arith.constant 0 : i32
      %dma_wait3A_293 = tpu.memref_slice %arg3[%run_scoped3A_45, %dma_wait3A_291, %dma_wait3A_292] : memref<2x10112x16xf32, #tpu.memory_space<hbm>> -> memref<1x10112x16xf32, #tpu.memory_space<hbm>>
      %dma_wait3A_294 = tpu.memref_squeeze %dma_wait3A_293 : memref<1x10112x16xf32, #tpu.memory_space<hbm>> -> memref<10112x16xf32, #tpu.memory_space<hbm>>
      %dma_wait3A_295 = arith.constant 0 : i32
      %dma_wait3A_296 = tpu.memref_slice %dma_wait3A_294[%add3A_43, %dma_wait3A_295] : memref<10112x16xf32, #tpu.memory_space<hbm>> -> memref<128x16xf32, #tpu.memory_space<hbm>>
      %dma_wait3A_297 = arith.constant 0 : i32
      %dma_wait3A_298 = arith.constant 0 : i32
      %dma_wait3A_299 = tpu.memref_slice %arg12[%dma_wait3A_297, %dma_wait3A_298] : memref<128x16xf32, #tpu.memory_space<vmem>> -> memref<128x16xf32, #tpu.memory_space<vmem>>
      %dma_wait3A_300 = arith.constant 0 : i32
      %dma_wait3A_301 = arith.constant 0 : i32
      %dma_wait3A_302 = tpu.memref_slice %arg3[%run_scoped3A_45, %dma_wait3A_300, %dma_wait3A_301] : memref<2x10112x16xf32, #tpu.memory_space<hbm>> -> memref<1x10112x16xf32, #tpu.memory_space<hbm>>
      %dma_wait3A_303 = tpu.memref_squeeze %dma_wait3A_302 : memref<1x10112x16xf32, #tpu.memory_space<hbm>> -> memref<10112x16xf32, #tpu.memory_space<hbm>>
      %dma_wait3A_304 = arith.constant 0 : i32
      %dma_wait3A_305 = tpu.memref_slice %dma_wait3A_303[%add3A_43, %dma_wait3A_304] : memref<10112x16xf32, #tpu.memory_space<hbm>> -> memref<128x16xf32, #tpu.memory_space<hbm>>
      tpu.wait_dma2 semaphore(%run_scoped3A_269 : memref<!tpu.dma_semaphore, #tpu.memory_space<semaphore_mem>>) src(%dma_wait3A_305 : memref<128x16xf32, #tpu.memory_space<hbm>>) dst(%dma_wait3A_299 : memref<128x16xf32, #tpu.memory_space<vmem>>)
      tpu.yield
    }) : () -> ()
    %scan3A_46 = arith.constant 0 : i32
    %scan3A_47 = arith.constant 8 : i32
    %scan3A_48 = arith.addi %scan3A_46, %scan3A_47 : i32
    %scan3A_49 = arith.constant 1 : i32
    scf.for %scan3A_269 = %scan3A_46 to %scan3A_48 step %scan3A_49  : i32 {
      %mul3A_270 = arith.constant 1 : i32
      %mul3A_271 = arith.muli %scan3A_269, %mul3A_270 : i32
      %add3A_272 = arith.constant 0 : i32
      %add3A_273 = arith.addi %add3A_272, %mul3A_271 : i32
      %ge3A = arith.constant 0 : i32
      %ge3A_274 = vector.broadcast %ge3A : i32 to vector<16xi32>
      %ge3A_275 = arith.cmpi sge, %iota3A, %ge3A_274 : vector<16xi32>
      %mul3A_276 = arith.constant 16 : i32
      %mul3A_277 = arith.muli %add3A_273, %mul3A_276 : i32
      %add3A_278 = vector.broadcast %mul3A_277 : i32 to vector<16xi32>
      %add3A_279 = arith.addi %add3A_278, %iota3A : vector<16xi32>
      %gather3A_280 = tpu.vector_load_idx %arg11[%add3A_279, %broadcast_in_dim3A_16] masked %ge3A_275 : memref<128x16xf32, #tpu.memory_space<vmem>>[vector<16xi32>, vector<16xi32>], vector<16xf32>, vector<16xi1>
      %gather3A_281 = tpu.vector_load_idx %arg12[%add3A_279, %broadcast_in_dim3A_16] masked %ge3A_275 : memref<128x16xf32, #tpu.memory_space<vmem>>[vector<16xi32>, vector<16xi32>], vector<16xf32>, vector<16xi1>
      %add3A_282 = arith.addf %gather3A_280, %gather3A_281 : vector<16xf32>
      %add3A_283 = arith.constant 1.000000e+00 : f32
      %add3A_284 = vector.broadcast %add3A_283 : f32 to vector<16xf32>
      %add3A_285 = arith.addf %add3A_282, %add3A_284 : vector<16xf32>
      %div3A_286 = arith.constant 1.000000e+00 : f32
      %div3A_287 = vector.broadcast %div3A_286 : f32 to vector<16xf32>
      %div3A_288 = arith.divf %div3A_287, %add3A_285 : vector<16xf32>
      %bitcast3A_289 = vector.bitcast %add3A_285 : vector<16xf32> to vector<16xi32>
      %shift_right_logical3A_290 = arith.constant 1 : i32
      %shift_right_logical3A_291 = vector.broadcast %shift_right_logical3A_290 : i32 to vector<16xi32>
      %shift_right_logical3A_292 = arith.shrui %bitcast3A_289, %shift_right_logical3A_291 : vector<16xi32>
      %sub3A_293 = arith.constant 1597463007 : i32
      %sub3A_294 = vector.broadcast %sub3A_293 : i32 to vector<16xi32>
      %sub3A_295 = arith.subi %sub3A_294, %shift_right_logical3A_292 : vector<16xi32>
      %bitcast3A_296 = vector.bitcast %sub3A_295 : vector<16xi32> to vector<16xf32>
      %mul3A_297 = arith.constant 5.000000e-01 : f32
      %mul3A_298 = vector.broadcast %mul3A_297 : f32 to vector<16xf32>
      %mul3A_299 = arith.mulf %mul3A_298, %add3A_285 : vector<16xf32>
      %mul3A_300 = arith.mulf %mul3A_299, %bitcast3A_296 : vector<16xf32>
      %mul3A_301 = arith.mulf %mul3A_300, %bitcast3A_296 : vector<16xf32>
      %sub3A_302 = arith.constant 1.500000e+00 : f32
      %sub3A_303 = vector.broadcast %sub3A_302 : f32 to vector<16xf32>
      %sub3A_304 = arith.subf %sub3A_303, %mul3A_301 : vector<16xf32>
      %mul3A_305 = arith.mulf %bitcast3A_296, %sub3A_304 : vector<16xf32>
      %mul3A_306 = arith.constant 5.000000e-01 : f32
      %mul3A_307 = vector.broadcast %mul3A_306 : f32 to vector<16xf32>
      %mul3A_308 = arith.mulf %mul3A_307, %add3A_285 : vector<16xf32>
      %mul3A_309 = arith.mulf %mul3A_308, %mul3A_305 : vector<16xf32>
      %mul3A_310 = arith.mulf %mul3A_309, %mul3A_305 : vector<16xf32>
      %sub3A_311 = arith.constant 1.500000e+00 : f32
      %sub3A_312 = vector.broadcast %sub3A_311 : f32 to vector<16xf32>
      %sub3A_313 = arith.subf %sub3A_312, %mul3A_310 : vector<16xf32>
      %mul3A_314 = arith.mulf %mul3A_305, %sub3A_313 : vector<16xf32>
      %mul3A_315 = arith.constant 5.000000e-01 : f32
      %mul3A_316 = vector.broadcast %mul3A_315 : f32 to vector<16xf32>
      %mul3A_317 = arith.mulf %mul3A_316, %add3A_285 : vector<16xf32>
      %mul3A_318 = arith.mulf %mul3A_317, %mul3A_314 : vector<16xf32>
      %mul3A_319 = arith.mulf %mul3A_318, %mul3A_314 : vector<16xf32>
      %sub3A_320 = arith.constant 1.500000e+00 : f32
      %sub3A_321 = vector.broadcast %sub3A_320 : f32 to vector<16xf32>
      %sub3A_322 = arith.subf %sub3A_321, %mul3A_319 : vector<16xf32>
      %mul3A_323 = arith.mulf %mul3A_314, %sub3A_322 : vector<16xf32>
      %mul3A_324 = arith.constant 16 : i32
      %mul3A_325 = arith.muli %add3A_273, %mul3A_324 : i32
      %add3A_326 = arith.constant 256 : i32
      %add3A_327 = arith.addi %add3A_326, %mul3A_325 : i32
      %add3A_328 = vector.broadcast %add3A_327 : i32 to vector<16xi32>
      %add3A_329 = arith.addi %add3A_328, %iota3A : vector<16xi32>
      tpu.vector_store_idx %arg13[%add3A_329], %mul3A_323 masked %ge3A_275 : memref<632xf32, #tpu.memory_space<vmem>>[vector<16xi32>], vector<16xf32>, vector<16xi1>
      %add3A_330 = vector.broadcast %add3A_327 : i32 to vector<16xi32>
      %add3A_331 = arith.addi %add3A_330, %iota3A : vector<16xi32>
      tpu.vector_store_idx %arg14[%add3A_331], %div3A_288 masked %ge3A_275 : memref<632xf32, #tpu.memory_space<vmem>>[vector<16xi32>], vector<16xf32>, vector<16xi1>
    }
    %scan3A_50 = arith.constant 8 : i32
    %scan3A_51 = arith.constant 0 : i32
    %scan3A_52 = arith.constant 128 : i32
    %scan3A_53 = arith.addi %scan3A_51, %scan3A_52 : i32
    %scan3A_54 = arith.constant 1 : i32
    scf.for %scan3A_269 = %scan3A_51 to %scan3A_53 step %scan3A_54  : i32 {
      %mul3A_270 = arith.constant 1 : i32
      %mul3A_271 = arith.muli %scan3A_269, %mul3A_270 : i32
      %add3A_272 = arith.constant 0 : i32
      %add3A_273 = arith.addi %add3A_272, %mul3A_271 : i32
      %add3A_274 = arith.constant 256 : i32
      %add3A_275 = arith.addi %add3A_274, %add3A_273 : i32
      %broadcast_in_dim3A_276 = arith.constant 0 : i32
      %broadcast_in_dim3A_277 = vector.broadcast %broadcast_in_dim3A_276 : i32 to vector<16xi32>
      %add3A_278 = vector.broadcast %add3A_275 : i32 to vector<16xi32>
      %add3A_279 = arith.addi %broadcast_in_dim3A_277, %add3A_278 : vector<16xi32>
      %gather3A_280 = tpu.vector_load_idx %arg13[%add3A_279] : memref<632xf32, #tpu.memory_space<vmem>>[vector<16xi32>], vector<16xf32>,
      %get3A = arith.index_cast %add3A_273 : i32 to index
      %get3A_281 = arith.constant 0 : index
      %get3A_282 = tpu.vector_load %arg10[%get3A, %get3A_281] {strides = array<i32>} : memref<128x32xf32, #tpu.memory_space<vmem>>, vector<16xf32>,
      %mul3A_283 = arith.mulf %get3A_282, %gather3A_280 : vector<16xf32>
      %swap3A = arith.index_cast %add3A_273 : i32 to index
      %swap3A_284 = arith.constant 0 : index
      %swap3A_285 = tpu.vector_load %arg10[%swap3A, %swap3A_284] {strides = array<i32>} : memref<128x32xf32, #tpu.memory_space<vmem>>, vector<16xf32>,
      tpu.vector_store %arg10[%swap3A, %swap3A_284], %mul3A_283 {strides = array<i32>} : memref<128x32xf32, #tpu.memory_space<vmem>>, vector<16xf32>,
      %get3A_286 = arith.index_cast %add3A_273 : i32 to index
      %get3A_287 = arith.constant 16 : index
      %get3A_288 = tpu.vector_load %arg10[%get3A_286, %get3A_287] {strides = array<i32>} : memref<128x32xf32, #tpu.memory_space<vmem>>, vector<16xf32>,
      %mul3A_289 = arith.mulf %get3A_288, %gather3A_280 : vector<16xf32>
      %swap3A_290 = arith.index_cast %add3A_273 : i32 to index
      %swap3A_291 = arith.constant 16 : index
      %swap3A_292 = tpu.vector_load %arg10[%swap3A_290, %swap3A_291] {strides = array<i32>} : memref<128x32xf32, #tpu.memory_space<vmem>>, vector<16xf32>,
      tpu.vector_store %arg10[%swap3A_290, %swap3A_291], %mul3A_289 {strides = array<i32>} : memref<128x32xf32, #tpu.memory_space<vmem>>, vector<16xf32>,
    }
    %scan3A_55 = arith.constant 128 : i32
    "tpu.region"() ({
      %run_scoped3A_269 = tpu.sem_alloc : memref<!tpu.dma_semaphore, #tpu.memory_space<semaphore_mem>>
      %dma_start3A_270 = arith.constant 0 : i32
      %dma_start3A_271 = arith.constant 0 : i32
      %dma_start3A_272 = tpu.memref_slice %arg10[%dma_start3A_270, %dma_start3A_271] : memref<128x32xf32, #tpu.memory_space<vmem>> -> memref<128x32xf32, #tpu.memory_space<vmem>>
      %dma_start3A_273 = arith.constant 0 : i32
      %dma_start3A_274 = tpu.memref_slice %arg16[%add3A_43, %dma_start3A_273] : memref<10112x32xf32, #tpu.memory_space<vmem_shared>> -> memref<128x32xf32, #tpu.memory_space<vmem_shared>>
      %dma_start3A_275 = arith.constant 0 : i32
      %dma_start3A_276 = tpu.memref_slice %arg16[%add3A_43, %dma_start3A_275] : memref<10112x32xf32, #tpu.memory_space<vmem_shared>> -> memref<128x32xf32, #tpu.memory_space<vmem_shared>>
      %dma_start3A_277 = arith.constant 0 : i32
      %dma_start3A_278 = arith.constant 0 : i32
      %dma_start3A_279 = tpu.memref_slice %arg10[%dma_start3A_277, %dma_start3A_278] : memref<128x32xf32, #tpu.memory_space<vmem>> -> memref<128x32xf32, #tpu.memory_space<vmem>>
      tpu.enqueue_dma source(%dma_start3A_279 : memref<128x32xf32, #tpu.memory_space<vmem>>) target(%dma_start3A_276 : memref<128x32xf32, #tpu.memory_space<vmem_shared>>) target_semaphore(%run_scoped3A_269 : memref<!tpu.dma_semaphore, #tpu.memory_space<semaphore_mem>>)
      %dma_wait3A_280 = arith.constant 0 : i32
      %dma_wait3A_281 = arith.constant 0 : i32
      %dma_wait3A_282 = tpu.memref_slice %arg10[%dma_wait3A_280, %dma_wait3A_281] : memref<128x32xf32, #tpu.memory_space<vmem>> -> memref<128x32xf32, #tpu.memory_space<vmem>>
      %dma_wait3A_283 = arith.constant 0 : i32
      %dma_wait3A_284 = tpu.memref_slice %arg16[%add3A_43, %dma_wait3A_283] : memref<10112x32xf32, #tpu.memory_space<vmem_shared>> -> memref<128x32xf32, #tpu.memory_space<vmem_shared>>
      %dma_wait3A_285 = arith.constant 0 : i32
      %dma_wait3A_286 = tpu.memref_slice %arg16[%add3A_43, %dma_wait3A_285] : memref<10112x32xf32, #tpu.memory_space<vmem_shared>> -> memref<128x32xf32, #tpu.memory_space<vmem_shared>>
      %dma_wait3A_287 = arith.constant 0 : i32
      %dma_wait3A_288 = arith.constant 0 : i32
      %dma_wait3A_289 = tpu.memref_slice %arg10[%dma_wait3A_287, %dma_wait3A_288] : memref<128x32xf32, #tpu.memory_space<vmem>> -> memref<128x32xf32, #tpu.memory_space<vmem>>
      tpu.wait_dma2 semaphore(%run_scoped3A_269 : memref<!tpu.dma_semaphore, #tpu.memory_space<semaphore_mem>>) src(%dma_wait3A_289 : memref<128x32xf32, #tpu.memory_space<vmem>>) dst(%dma_wait3A_286 : memref<128x32xf32, #tpu.memory_space<vmem_shared>>)
      tpu.yield
    }) : () -> ()
    "tpu.region"() ({
      %run_scoped3A_269 = tpu.sem_alloc : memref<!tpu.dma_semaphore, #tpu.memory_space<semaphore_mem>>
      %dma_start3A_270 = arith.constant 0 : i32
      %dma_start3A_271 = arith.constant 0 : i32
      %dma_start3A_272 = tpu.memref_slice %arg10[%dma_start3A_270, %dma_start3A_271] : memref<128x32xf32, #tpu.memory_space<vmem>> -> memref<128x32xf32, #tpu.memory_space<vmem>>
      %dma_start3A_273 = arith.constant 0 : i32
      %dma_start3A_274 = tpu.memref_slice %arg15[%add3A_43, %dma_start3A_273] : memref<10112x32xf32, #tpu.memory_space<vmem_shared>> -> memref<128x32xf32, #tpu.memory_space<vmem_shared>>
      %dma_start3A_275 = arith.constant 0 : i32
      %dma_start3A_276 = tpu.memref_slice %arg15[%add3A_43, %dma_start3A_275] : memref<10112x32xf32, #tpu.memory_space<vmem_shared>> -> memref<128x32xf32, #tpu.memory_space<vmem_shared>>
      %dma_start3A_277 = arith.constant 0 : i32
      %dma_start3A_278 = arith.constant 0 : i32
      %dma_start3A_279 = tpu.memref_slice %arg10[%dma_start3A_277, %dma_start3A_278] : memref<128x32xf32, #tpu.memory_space<vmem>> -> memref<128x32xf32, #tpu.memory_space<vmem>>
      tpu.enqueue_dma source(%dma_start3A_279 : memref<128x32xf32, #tpu.memory_space<vmem>>) target(%dma_start3A_276 : memref<128x32xf32, #tpu.memory_space<vmem_shared>>) target_semaphore(%run_scoped3A_269 : memref<!tpu.dma_semaphore, #tpu.memory_space<semaphore_mem>>)
      %dma_wait3A_280 = arith.constant 0 : i32
      %dma_wait3A_281 = arith.constant 0 : i32
      %dma_wait3A_282 = tpu.memref_slice %arg10[%dma_wait3A_280, %dma_wait3A_281] : memref<128x32xf32, #tpu.memory_space<vmem>> -> memref<128x32xf32, #tpu.memory_space<vmem>>
      %dma_wait3A_283 = arith.constant 0 : i32
      %dma_wait3A_284 = tpu.memref_slice %arg15[%add3A_43, %dma_wait3A_283] : memref<10112x32xf32, #tpu.memory_space<vmem_shared>> -> memref<128x32xf32, #tpu.memory_space<vmem_shared>>
      %dma_wait3A_285 = arith.constant 0 : i32
      %dma_wait3A_286 = tpu.memref_slice %arg15[%add3A_43, %dma_wait3A_285] : memref<10112x32xf32, #tpu.memory_space<vmem_shared>> -> memref<128x32xf32, #tpu.memory_space<vmem_shared>>
      %dma_wait3A_287 = arith.constant 0 : i32
      %dma_wait3A_288 = arith.constant 0 : i32
      %dma_wait3A_289 = tpu.memref_slice %arg10[%dma_wait3A_287, %dma_wait3A_288] : memref<128x32xf32, #tpu.memory_space<vmem>> -> memref<128x32xf32, #tpu.memory_space<vmem>>
      tpu.wait_dma2 semaphore(%run_scoped3A_269 : memref<!tpu.dma_semaphore, #tpu.memory_space<semaphore_mem>>) src(%dma_wait3A_289 : memref<128x32xf32, #tpu.memory_space<vmem>>) dst(%dma_wait3A_286 : memref<128x32xf32, #tpu.memory_space<vmem_shared>>)
      tpu.yield
    }) : () -> ()
    %add3A_56 = arith.constant 384 : i32
    %add3A_57 = arith.addi %mul3A_0, %add3A_56 : i32
    "tpu.region"() ({
      %run_scoped3A_269 = tpu.sem_alloc : memref<!tpu.dma_semaphore, #tpu.memory_space<semaphore_mem>>
      %dma_start3A_270 = arith.constant 0 : i32
      %dma_start3A_271 = arith.constant 0 : i32
      %dma_start3A_272 = tpu.memref_slice %arg10[%dma_start3A_270, %dma_start3A_271] : memref<128x32xf32, #tpu.memory_space<vmem>> -> memref<128x32xf32, #tpu.memory_space<vmem>>
      %dma_start3A_273 = arith.constant 0 : i32
      %dma_start3A_274 = arith.constant 0 : i32
      %dma_start3A_275 = tpu.memref_slice %arg2[%arg0, %dma_start3A_273, %dma_start3A_274] : memref<2x10112x32xf32, #tpu.memory_space<hbm>> -> memref<1x10112x32xf32, #tpu.memory_space<hbm>>
      %dma_start3A_276 = tpu.memref_squeeze %dma_start3A_275 : memref<1x10112x32xf32, #tpu.memory_space<hbm>> -> memref<10112x32xf32, #tpu.memory_space<hbm>>
      %dma_start3A_277 = arith.constant 0 : i32
      %dma_start3A_278 = tpu.memref_slice %dma_start3A_276[%add3A_57, %dma_start3A_277] : memref<10112x32xf32, #tpu.memory_space<hbm>> -> memref<128x32xf32, #tpu.memory_space<hbm>>
      %dma_start3A_279 = arith.constant 0 : i32
      %dma_start3A_280 = arith.constant 0 : i32
      %dma_start3A_281 = tpu.memref_slice %arg10[%dma_start3A_279, %dma_start3A_280] : memref<128x32xf32, #tpu.memory_space<vmem>> -> memref<128x32xf32, #tpu.memory_space<vmem>>
      %dma_start3A_282 = arith.constant 0 : i32
      %dma_start3A_283 = arith.constant 0 : i32
      %dma_start3A_284 = tpu.memref_slice %arg2[%arg0, %dma_start3A_282, %dma_start3A_283] : memref<2x10112x32xf32, #tpu.memory_space<hbm>> -> memref<1x10112x32xf32, #tpu.memory_space<hbm>>
      %dma_start3A_285 = tpu.memref_squeeze %dma_start3A_284 : memref<1x10112x32xf32, #tpu.memory_space<hbm>> -> memref<10112x32xf32, #tpu.memory_space<hbm>>
      %dma_start3A_286 = arith.constant 0 : i32
      %dma_start3A_287 = tpu.memref_slice %dma_start3A_285[%add3A_57, %dma_start3A_286] : memref<10112x32xf32, #tpu.memory_space<hbm>> -> memref<128x32xf32, #tpu.memory_space<hbm>>
      tpu.enqueue_dma source(%dma_start3A_287 : memref<128x32xf32, #tpu.memory_space<hbm>>) target(%dma_start3A_281 : memref<128x32xf32, #tpu.memory_space<vmem>>) target_semaphore(%run_scoped3A_269 : memref<!tpu.dma_semaphore, #tpu.memory_space<semaphore_mem>>)
      %dma_wait3A_288 = arith.constant 0 : i32
      %dma_wait3A_289 = arith.constant 0 : i32
      %dma_wait3A_290 = tpu.memref_slice %arg10[%dma_wait3A_288, %dma_wait3A_289] : memref<128x32xf32, #tpu.memory_space<vmem>> -> memref<128x32xf32, #tpu.memory_space<vmem>>
      %dma_wait3A_291 = arith.constant 0 : i32
      %dma_wait3A_292 = arith.constant 0 : i32
      %dma_wait3A_293 = tpu.memref_slice %arg2[%arg0, %dma_wait3A_291, %dma_wait3A_292] : memref<2x10112x32xf32, #tpu.memory_space<hbm>> -> memref<1x10112x32xf32, #tpu.memory_space<hbm>>
      %dma_wait3A_294 = tpu.memref_squeeze %dma_wait3A_293 : memref<1x10112x32xf32, #tpu.memory_space<hbm>> -> memref<10112x32xf32, #tpu.memory_space<hbm>>
      %dma_wait3A_295 = arith.constant 0 : i32
      %dma_wait3A_296 = tpu.memref_slice %dma_wait3A_294[%add3A_57, %dma_wait3A_295] : memref<10112x32xf32, #tpu.memory_space<hbm>> -> memref<128x32xf32, #tpu.memory_space<hbm>>
      %dma_wait3A_297 = arith.constant 0 : i32
      %dma_wait3A_298 = arith.constant 0 : i32
      %dma_wait3A_299 = tpu.memref_slice %arg10[%dma_wait3A_297, %dma_wait3A_298] : memref<128x32xf32, #tpu.memory_space<vmem>> -> memref<128x32xf32, #tpu.memory_space<vmem>>
      %dma_wait3A_300 = arith.constant 0 : i32
      %dma_wait3A_301 = arith.constant 0 : i32
      %dma_wait3A_302 = tpu.memref_slice %arg2[%arg0, %dma_wait3A_300, %dma_wait3A_301] : memref<2x10112x32xf32, #tpu.memory_space<hbm>> -> memref<1x10112x32xf32, #tpu.memory_space<hbm>>
      %dma_wait3A_303 = tpu.memref_squeeze %dma_wait3A_302 : memref<1x10112x32xf32, #tpu.memory_space<hbm>> -> memref<10112x32xf32, #tpu.memory_space<hbm>>
      %dma_wait3A_304 = arith.constant 0 : i32
      %dma_wait3A_305 = tpu.memref_slice %dma_wait3A_303[%add3A_57, %dma_wait3A_304] : memref<10112x32xf32, #tpu.memory_space<hbm>> -> memref<128x32xf32, #tpu.memory_space<hbm>>
      tpu.wait_dma2 semaphore(%run_scoped3A_269 : memref<!tpu.dma_semaphore, #tpu.memory_space<semaphore_mem>>) src(%dma_wait3A_305 : memref<128x32xf32, #tpu.memory_space<hbm>>) dst(%dma_wait3A_299 : memref<128x32xf32, #tpu.memory_space<vmem>>)
      tpu.yield
    }) : () -> ()
    %run_scoped3A_58 = arith.constant 0 : i32
    "tpu.region"() ({
      %run_scoped3A_269 = tpu.sem_alloc : memref<!tpu.dma_semaphore, #tpu.memory_space<semaphore_mem>>
      %dma_start3A_270 = arith.constant 0 : i32
      %dma_start3A_271 = arith.constant 0 : i32
      %dma_start3A_272 = tpu.memref_slice %arg11[%dma_start3A_270, %dma_start3A_271] : memref<128x16xf32, #tpu.memory_space<vmem>> -> memref<128x16xf32, #tpu.memory_space<vmem>>
      %dma_start3A_273 = arith.constant 0 : i32
      %dma_start3A_274 = arith.constant 0 : i32
      %dma_start3A_275 = tpu.memref_slice %arg3[%run_scoped3A_58, %dma_start3A_273, %dma_start3A_274] : memref<2x10112x16xf32, #tpu.memory_space<hbm>> -> memref<1x10112x16xf32, #tpu.memory_space<hbm>>
      %dma_start3A_276 = tpu.memref_squeeze %dma_start3A_275 : memref<1x10112x16xf32, #tpu.memory_space<hbm>> -> memref<10112x16xf32, #tpu.memory_space<hbm>>
      %dma_start3A_277 = arith.constant 0 : i32
      %dma_start3A_278 = tpu.memref_slice %dma_start3A_276[%add3A_57, %dma_start3A_277] : memref<10112x16xf32, #tpu.memory_space<hbm>> -> memref<128x16xf32, #tpu.memory_space<hbm>>
      %dma_start3A_279 = arith.constant 0 : i32
      %dma_start3A_280 = arith.constant 0 : i32
      %dma_start3A_281 = tpu.memref_slice %arg11[%dma_start3A_279, %dma_start3A_280] : memref<128x16xf32, #tpu.memory_space<vmem>> -> memref<128x16xf32, #tpu.memory_space<vmem>>
      %dma_start3A_282 = arith.constant 0 : i32
      %dma_start3A_283 = arith.constant 0 : i32
      %dma_start3A_284 = tpu.memref_slice %arg3[%run_scoped3A_58, %dma_start3A_282, %dma_start3A_283] : memref<2x10112x16xf32, #tpu.memory_space<hbm>> -> memref<1x10112x16xf32, #tpu.memory_space<hbm>>
      %dma_start3A_285 = tpu.memref_squeeze %dma_start3A_284 : memref<1x10112x16xf32, #tpu.memory_space<hbm>> -> memref<10112x16xf32, #tpu.memory_space<hbm>>
      %dma_start3A_286 = arith.constant 0 : i32
      %dma_start3A_287 = tpu.memref_slice %dma_start3A_285[%add3A_57, %dma_start3A_286] : memref<10112x16xf32, #tpu.memory_space<hbm>> -> memref<128x16xf32, #tpu.memory_space<hbm>>
      tpu.enqueue_dma source(%dma_start3A_287 : memref<128x16xf32, #tpu.memory_space<hbm>>) target(%dma_start3A_281 : memref<128x16xf32, #tpu.memory_space<vmem>>) target_semaphore(%run_scoped3A_269 : memref<!tpu.dma_semaphore, #tpu.memory_space<semaphore_mem>>)
      %dma_wait3A_288 = arith.constant 0 : i32
      %dma_wait3A_289 = arith.constant 0 : i32
      %dma_wait3A_290 = tpu.memref_slice %arg11[%dma_wait3A_288, %dma_wait3A_289] : memref<128x16xf32, #tpu.memory_space<vmem>> -> memref<128x16xf32, #tpu.memory_space<vmem>>
      %dma_wait3A_291 = arith.constant 0 : i32
      %dma_wait3A_292 = arith.constant 0 : i32
      %dma_wait3A_293 = tpu.memref_slice %arg3[%run_scoped3A_58, %dma_wait3A_291, %dma_wait3A_292] : memref<2x10112x16xf32, #tpu.memory_space<hbm>> -> memref<1x10112x16xf32, #tpu.memory_space<hbm>>
      %dma_wait3A_294 = tpu.memref_squeeze %dma_wait3A_293 : memref<1x10112x16xf32, #tpu.memory_space<hbm>> -> memref<10112x16xf32, #tpu.memory_space<hbm>>
      %dma_wait3A_295 = arith.constant 0 : i32
      %dma_wait3A_296 = tpu.memref_slice %dma_wait3A_294[%add3A_57, %dma_wait3A_295] : memref<10112x16xf32, #tpu.memory_space<hbm>> -> memref<128x16xf32, #tpu.memory_space<hbm>>
      %dma_wait3A_297 = arith.constant 0 : i32
      %dma_wait3A_298 = arith.constant 0 : i32
      %dma_wait3A_299 = tpu.memref_slice %arg11[%dma_wait3A_297, %dma_wait3A_298] : memref<128x16xf32, #tpu.memory_space<vmem>> -> memref<128x16xf32, #tpu.memory_space<vmem>>
      %dma_wait3A_300 = arith.constant 0 : i32
      %dma_wait3A_301 = arith.constant 0 : i32
      %dma_wait3A_302 = tpu.memref_slice %arg3[%run_scoped3A_58, %dma_wait3A_300, %dma_wait3A_301] : memref<2x10112x16xf32, #tpu.memory_space<hbm>> -> memref<1x10112x16xf32, #tpu.memory_space<hbm>>
      %dma_wait3A_303 = tpu.memref_squeeze %dma_wait3A_302 : memref<1x10112x16xf32, #tpu.memory_space<hbm>> -> memref<10112x16xf32, #tpu.memory_space<hbm>>
      %dma_wait3A_304 = arith.constant 0 : i32
      %dma_wait3A_305 = tpu.memref_slice %dma_wait3A_303[%add3A_57, %dma_wait3A_304] : memref<10112x16xf32, #tpu.memory_space<hbm>> -> memref<128x16xf32, #tpu.memory_space<hbm>>
      tpu.wait_dma2 semaphore(%run_scoped3A_269 : memref<!tpu.dma_semaphore, #tpu.memory_space<semaphore_mem>>) src(%dma_wait3A_305 : memref<128x16xf32, #tpu.memory_space<hbm>>) dst(%dma_wait3A_299 : memref<128x16xf32, #tpu.memory_space<vmem>>)
      tpu.yield
    }) : () -> ()
    %run_scoped3A_59 = arith.constant 1 : i32
    "tpu.region"() ({
      %run_scoped3A_269 = tpu.sem_alloc : memref<!tpu.dma_semaphore, #tpu.memory_space<semaphore_mem>>
      %dma_start3A_270 = arith.constant 0 : i32
      %dma_start3A_271 = arith.constant 0 : i32
      %dma_start3A_272 = tpu.memref_slice %arg12[%dma_start3A_270, %dma_start3A_271] : memref<128x16xf32, #tpu.memory_space<vmem>> -> memref<128x16xf32, #tpu.memory_space<vmem>>
      %dma_start3A_273 = arith.constant 0 : i32
      %dma_start3A_274 = arith.constant 0 : i32
      %dma_start3A_275 = tpu.memref_slice %arg3[%run_scoped3A_59, %dma_start3A_273, %dma_start3A_274] : memref<2x10112x16xf32, #tpu.memory_space<hbm>> -> memref<1x10112x16xf32, #tpu.memory_space<hbm>>
      %dma_start3A_276 = tpu.memref_squeeze %dma_start3A_275 : memref<1x10112x16xf32, #tpu.memory_space<hbm>> -> memref<10112x16xf32, #tpu.memory_space<hbm>>
      %dma_start3A_277 = arith.constant 0 : i32
      %dma_start3A_278 = tpu.memref_slice %dma_start3A_276[%add3A_57, %dma_start3A_277] : memref<10112x16xf32, #tpu.memory_space<hbm>> -> memref<128x16xf32, #tpu.memory_space<hbm>>
      %dma_start3A_279 = arith.constant 0 : i32
      %dma_start3A_280 = arith.constant 0 : i32
      %dma_start3A_281 = tpu.memref_slice %arg12[%dma_start3A_279, %dma_start3A_280] : memref<128x16xf32, #tpu.memory_space<vmem>> -> memref<128x16xf32, #tpu.memory_space<vmem>>
      %dma_start3A_282 = arith.constant 0 : i32
      %dma_start3A_283 = arith.constant 0 : i32
      %dma_start3A_284 = tpu.memref_slice %arg3[%run_scoped3A_59, %dma_start3A_282, %dma_start3A_283] : memref<2x10112x16xf32, #tpu.memory_space<hbm>> -> memref<1x10112x16xf32, #tpu.memory_space<hbm>>
      %dma_start3A_285 = tpu.memref_squeeze %dma_start3A_284 : memref<1x10112x16xf32, #tpu.memory_space<hbm>> -> memref<10112x16xf32, #tpu.memory_space<hbm>>
      %dma_start3A_286 = arith.constant 0 : i32
      %dma_start3A_287 = tpu.memref_slice %dma_start3A_285[%add3A_57, %dma_start3A_286] : memref<10112x16xf32, #tpu.memory_space<hbm>> -> memref<128x16xf32, #tpu.memory_space<hbm>>
      tpu.enqueue_dma source(%dma_start3A_287 : memref<128x16xf32, #tpu.memory_space<hbm>>) target(%dma_start3A_281 : memref<128x16xf32, #tpu.memory_space<vmem>>) target_semaphore(%run_scoped3A_269 : memref<!tpu.dma_semaphore, #tpu.memory_space<semaphore_mem>>)
      %dma_wait3A_288 = arith.constant 0 : i32
      %dma_wait3A_289 = arith.constant 0 : i32
      %dma_wait3A_290 = tpu.memref_slice %arg12[%dma_wait3A_288, %dma_wait3A_289] : memref<128x16xf32, #tpu.memory_space<vmem>> -> memref<128x16xf32, #tpu.memory_space<vmem>>
      %dma_wait3A_291 = arith.constant 0 : i32
      %dma_wait3A_292 = arith.constant 0 : i32
      %dma_wait3A_293 = tpu.memref_slice %arg3[%run_scoped3A_59, %dma_wait3A_291, %dma_wait3A_292] : memref<2x10112x16xf32, #tpu.memory_space<hbm>> -> memref<1x10112x16xf32, #tpu.memory_space<hbm>>
      %dma_wait3A_294 = tpu.memref_squeeze %dma_wait3A_293 : memref<1x10112x16xf32, #tpu.memory_space<hbm>> -> memref<10112x16xf32, #tpu.memory_space<hbm>>
      %dma_wait3A_295 = arith.constant 0 : i32
      %dma_wait3A_296 = tpu.memref_slice %dma_wait3A_294[%add3A_57, %dma_wait3A_295] : memref<10112x16xf32, #tpu.memory_space<hbm>> -> memref<128x16xf32, #tpu.memory_space<hbm>>
      %dma_wait3A_297 = arith.constant 0 : i32
      %dma_wait3A_298 = arith.constant 0 : i32
      %dma_wait3A_299 = tpu.memref_slice %arg12[%dma_wait3A_297, %dma_wait3A_298] : memref<128x16xf32, #tpu.memory_space<vmem>> -> memref<128x16xf32, #tpu.memory_space<vmem>>
      %dma_wait3A_300 = arith.constant 0 : i32
      %dma_wait3A_301 = arith.constant 0 : i32
      %dma_wait3A_302 = tpu.memref_slice %arg3[%run_scoped3A_59, %dma_wait3A_300, %dma_wait3A_301] : memref<2x10112x16xf32, #tpu.memory_space<hbm>> -> memref<1x10112x16xf32, #tpu.memory_space<hbm>>
      %dma_wait3A_303 = tpu.memref_squeeze %dma_wait3A_302 : memref<1x10112x16xf32, #tpu.memory_space<hbm>> -> memref<10112x16xf32, #tpu.memory_space<hbm>>
      %dma_wait3A_304 = arith.constant 0 : i32
      %dma_wait3A_305 = tpu.memref_slice %dma_wait3A_303[%add3A_57, %dma_wait3A_304] : memref<10112x16xf32, #tpu.memory_space<hbm>> -> memref<128x16xf32, #tpu.memory_space<hbm>>
      tpu.wait_dma2 semaphore(%run_scoped3A_269 : memref<!tpu.dma_semaphore, #tpu.memory_space<semaphore_mem>>) src(%dma_wait3A_305 : memref<128x16xf32, #tpu.memory_space<hbm>>) dst(%dma_wait3A_299 : memref<128x16xf32, #tpu.memory_space<vmem>>)
      tpu.yield
    }) : () -> ()
    %scan3A_60 = arith.constant 0 : i32
    %scan3A_61 = arith.constant 8 : i32
    %scan3A_62 = arith.addi %scan3A_60, %scan3A_61 : i32
    %scan3A_63 = arith.constant 1 : i32
    scf.for %scan3A_269 = %scan3A_60 to %scan3A_62 step %scan3A_63  : i32 {
      %mul3A_270 = arith.constant 1 : i32
      %mul3A_271 = arith.muli %scan3A_269, %mul3A_270 : i32
      %add3A_272 = arith.constant 0 : i32
      %add3A_273 = arith.addi %add3A_272, %mul3A_271 : i32
      %ge3A = arith.constant 0 : i32
      %ge3A_274 = vector.broadcast %ge3A : i32 to vector<16xi32>
      %ge3A_275 = arith.cmpi sge, %iota3A, %ge3A_274 : vector<16xi32>
      %mul3A_276 = arith.constant 16 : i32
      %mul3A_277 = arith.muli %add3A_273, %mul3A_276 : i32
      %add3A_278 = vector.broadcast %mul3A_277 : i32 to vector<16xi32>
      %add3A_279 = arith.addi %add3A_278, %iota3A : vector<16xi32>
      %gather3A_280 = tpu.vector_load_idx %arg11[%add3A_279, %broadcast_in_dim3A_16] masked %ge3A_275 : memref<128x16xf32, #tpu.memory_space<vmem>>[vector<16xi32>, vector<16xi32>], vector<16xf32>, vector<16xi1>
      %gather3A_281 = tpu.vector_load_idx %arg12[%add3A_279, %broadcast_in_dim3A_16] masked %ge3A_275 : memref<128x16xf32, #tpu.memory_space<vmem>>[vector<16xi32>, vector<16xi32>], vector<16xf32>, vector<16xi1>
      %add3A_282 = arith.addf %gather3A_280, %gather3A_281 : vector<16xf32>
      %add3A_283 = arith.constant 1.000000e+00 : f32
      %add3A_284 = vector.broadcast %add3A_283 : f32 to vector<16xf32>
      %add3A_285 = arith.addf %add3A_282, %add3A_284 : vector<16xf32>
      %div3A_286 = arith.constant 1.000000e+00 : f32
      %div3A_287 = vector.broadcast %div3A_286 : f32 to vector<16xf32>
      %div3A_288 = arith.divf %div3A_287, %add3A_285 : vector<16xf32>
      %bitcast3A_289 = vector.bitcast %add3A_285 : vector<16xf32> to vector<16xi32>
      %shift_right_logical3A_290 = arith.constant 1 : i32
      %shift_right_logical3A_291 = vector.broadcast %shift_right_logical3A_290 : i32 to vector<16xi32>
      %shift_right_logical3A_292 = arith.shrui %bitcast3A_289, %shift_right_logical3A_291 : vector<16xi32>
      %sub3A_293 = arith.constant 1597463007 : i32
      %sub3A_294 = vector.broadcast %sub3A_293 : i32 to vector<16xi32>
      %sub3A_295 = arith.subi %sub3A_294, %shift_right_logical3A_292 : vector<16xi32>
      %bitcast3A_296 = vector.bitcast %sub3A_295 : vector<16xi32> to vector<16xf32>
      %mul3A_297 = arith.constant 5.000000e-01 : f32
      %mul3A_298 = vector.broadcast %mul3A_297 : f32 to vector<16xf32>
      %mul3A_299 = arith.mulf %mul3A_298, %add3A_285 : vector<16xf32>
      %mul3A_300 = arith.mulf %mul3A_299, %bitcast3A_296 : vector<16xf32>
      %mul3A_301 = arith.mulf %mul3A_300, %bitcast3A_296 : vector<16xf32>
      %sub3A_302 = arith.constant 1.500000e+00 : f32
      %sub3A_303 = vector.broadcast %sub3A_302 : f32 to vector<16xf32>
      %sub3A_304 = arith.subf %sub3A_303, %mul3A_301 : vector<16xf32>
      %mul3A_305 = arith.mulf %bitcast3A_296, %sub3A_304 : vector<16xf32>
      %mul3A_306 = arith.constant 5.000000e-01 : f32
      %mul3A_307 = vector.broadcast %mul3A_306 : f32 to vector<16xf32>
      %mul3A_308 = arith.mulf %mul3A_307, %add3A_285 : vector<16xf32>
      %mul3A_309 = arith.mulf %mul3A_308, %mul3A_305 : vector<16xf32>
      %mul3A_310 = arith.mulf %mul3A_309, %mul3A_305 : vector<16xf32>
      %sub3A_311 = arith.constant 1.500000e+00 : f32
      %sub3A_312 = vector.broadcast %sub3A_311 : f32 to vector<16xf32>
      %sub3A_313 = arith.subf %sub3A_312, %mul3A_310 : vector<16xf32>
      %mul3A_314 = arith.mulf %mul3A_305, %sub3A_313 : vector<16xf32>
      %mul3A_315 = arith.constant 5.000000e-01 : f32
      %mul3A_316 = vector.broadcast %mul3A_315 : f32 to vector<16xf32>
      %mul3A_317 = arith.mulf %mul3A_316, %add3A_285 : vector<16xf32>
      %mul3A_318 = arith.mulf %mul3A_317, %mul3A_314 : vector<16xf32>
      %mul3A_319 = arith.mulf %mul3A_318, %mul3A_314 : vector<16xf32>
      %sub3A_320 = arith.constant 1.500000e+00 : f32
      %sub3A_321 = vector.broadcast %sub3A_320 : f32 to vector<16xf32>
      %sub3A_322 = arith.subf %sub3A_321, %mul3A_319 : vector<16xf32>
      %mul3A_323 = arith.mulf %mul3A_314, %sub3A_322 : vector<16xf32>
      %mul3A_324 = arith.constant 16 : i32
      %mul3A_325 = arith.muli %add3A_273, %mul3A_324 : i32
      %add3A_326 = arith.constant 384 : i32
      %add3A_327 = arith.addi %add3A_326, %mul3A_325 : i32
      %add3A_328 = vector.broadcast %add3A_327 : i32 to vector<16xi32>
      %add3A_329 = arith.addi %add3A_328, %iota3A : vector<16xi32>
      tpu.vector_store_idx %arg13[%add3A_329], %mul3A_323 masked %ge3A_275 : memref<632xf32, #tpu.memory_space<vmem>>[vector<16xi32>], vector<16xf32>, vector<16xi1>
      %add3A_330 = vector.broadcast %add3A_327 : i32 to vector<16xi32>
      %add3A_331 = arith.addi %add3A_330, %iota3A : vector<16xi32>
      tpu.vector_store_idx %arg14[%add3A_331], %div3A_288 masked %ge3A_275 : memref<632xf32, #tpu.memory_space<vmem>>[vector<16xi32>], vector<16xf32>, vector<16xi1>
    }
    %scan3A_64 = arith.constant 8 : i32
    %scan3A_65 = arith.constant 0 : i32
    %scan3A_66 = arith.constant 128 : i32
    %scan3A_67 = arith.addi %scan3A_65, %scan3A_66 : i32
    %scan3A_68 = arith.constant 1 : i32
    scf.for %scan3A_269 = %scan3A_65 to %scan3A_67 step %scan3A_68  : i32 {
      %mul3A_270 = arith.constant 1 : i32
      %mul3A_271 = arith.muli %scan3A_269, %mul3A_270 : i32
      %add3A_272 = arith.constant 0 : i32
      %add3A_273 = arith.addi %add3A_272, %mul3A_271 : i32
      %add3A_274 = arith.constant 384 : i32
      %add3A_275 = arith.addi %add3A_274, %add3A_273 : i32
      %broadcast_in_dim3A_276 = arith.constant 0 : i32
      %broadcast_in_dim3A_277 = vector.broadcast %broadcast_in_dim3A_276 : i32 to vector<16xi32>
      %add3A_278 = vector.broadcast %add3A_275 : i32 to vector<16xi32>
      %add3A_279 = arith.addi %broadcast_in_dim3A_277, %add3A_278 : vector<16xi32>
      %gather3A_280 = tpu.vector_load_idx %arg13[%add3A_279] : memref<632xf32, #tpu.memory_space<vmem>>[vector<16xi32>], vector<16xf32>,
      %get3A = arith.index_cast %add3A_273 : i32 to index
      %get3A_281 = arith.constant 0 : index
      %get3A_282 = tpu.vector_load %arg10[%get3A, %get3A_281] {strides = array<i32>} : memref<128x32xf32, #tpu.memory_space<vmem>>, vector<16xf32>,
      %mul3A_283 = arith.mulf %get3A_282, %gather3A_280 : vector<16xf32>
      %swap3A = arith.index_cast %add3A_273 : i32 to index
      %swap3A_284 = arith.constant 0 : index
      %swap3A_285 = tpu.vector_load %arg10[%swap3A, %swap3A_284] {strides = array<i32>} : memref<128x32xf32, #tpu.memory_space<vmem>>, vector<16xf32>,
      tpu.vector_store %arg10[%swap3A, %swap3A_284], %mul3A_283 {strides = array<i32>} : memref<128x32xf32, #tpu.memory_space<vmem>>, vector<16xf32>,
      %get3A_286 = arith.index_cast %add3A_273 : i32 to index
      %get3A_287 = arith.constant 16 : index
      %get3A_288 = tpu.vector_load %arg10[%get3A_286, %get3A_287] {strides = array<i32>} : memref<128x32xf32, #tpu.memory_space<vmem>>, vector<16xf32>,
      %mul3A_289 = arith.mulf %get3A_288, %gather3A_280 : vector<16xf32>
      %swap3A_290 = arith.index_cast %add3A_273 : i32 to index
      %swap3A_291 = arith.constant 16 : index
      %swap3A_292 = tpu.vector_load %arg10[%swap3A_290, %swap3A_291] {strides = array<i32>} : memref<128x32xf32, #tpu.memory_space<vmem>>, vector<16xf32>,
      tpu.vector_store %arg10[%swap3A_290, %swap3A_291], %mul3A_289 {strides = array<i32>} : memref<128x32xf32, #tpu.memory_space<vmem>>, vector<16xf32>,
    }
    %scan3A_69 = arith.constant 128 : i32
    "tpu.region"() ({
      %run_scoped3A_269 = tpu.sem_alloc : memref<!tpu.dma_semaphore, #tpu.memory_space<semaphore_mem>>
      %dma_start3A_270 = arith.constant 0 : i32
      %dma_start3A_271 = arith.constant 0 : i32
      %dma_start3A_272 = tpu.memref_slice %arg10[%dma_start3A_270, %dma_start3A_271] : memref<128x32xf32, #tpu.memory_space<vmem>> -> memref<128x32xf32, #tpu.memory_space<vmem>>
      %dma_start3A_273 = arith.constant 0 : i32
      %dma_start3A_274 = tpu.memref_slice %arg16[%add3A_57, %dma_start3A_273] : memref<10112x32xf32, #tpu.memory_space<vmem_shared>> -> memref<128x32xf32, #tpu.memory_space<vmem_shared>>
      %dma_start3A_275 = arith.constant 0 : i32
      %dma_start3A_276 = tpu.memref_slice %arg16[%add3A_57, %dma_start3A_275] : memref<10112x32xf32, #tpu.memory_space<vmem_shared>> -> memref<128x32xf32, #tpu.memory_space<vmem_shared>>
      %dma_start3A_277 = arith.constant 0 : i32
      %dma_start3A_278 = arith.constant 0 : i32
      %dma_start3A_279 = tpu.memref_slice %arg10[%dma_start3A_277, %dma_start3A_278] : memref<128x32xf32, #tpu.memory_space<vmem>> -> memref<128x32xf32, #tpu.memory_space<vmem>>
      tpu.enqueue_dma source(%dma_start3A_279 : memref<128x32xf32, #tpu.memory_space<vmem>>) target(%dma_start3A_276 : memref<128x32xf32, #tpu.memory_space<vmem_shared>>) target_semaphore(%run_scoped3A_269 : memref<!tpu.dma_semaphore, #tpu.memory_space<semaphore_mem>>)
      %dma_wait3A_280 = arith.constant 0 : i32
      %dma_wait3A_281 = arith.constant 0 : i32
      %dma_wait3A_282 = tpu.memref_slice %arg10[%dma_wait3A_280, %dma_wait3A_281] : memref<128x32xf32, #tpu.memory_space<vmem>> -> memref<128x32xf32, #tpu.memory_space<vmem>>
      %dma_wait3A_283 = arith.constant 0 : i32
      %dma_wait3A_284 = tpu.memref_slice %arg16[%add3A_57, %dma_wait3A_283] : memref<10112x32xf32, #tpu.memory_space<vmem_shared>> -> memref<128x32xf32, #tpu.memory_space<vmem_shared>>
      %dma_wait3A_285 = arith.constant 0 : i32
      %dma_wait3A_286 = tpu.memref_slice %arg16[%add3A_57, %dma_wait3A_285] : memref<10112x32xf32, #tpu.memory_space<vmem_shared>> -> memref<128x32xf32, #tpu.memory_space<vmem_shared>>
      %dma_wait3A_287 = arith.constant 0 : i32
      %dma_wait3A_288 = arith.constant 0 : i32
      %dma_wait3A_289 = tpu.memref_slice %arg10[%dma_wait3A_287, %dma_wait3A_288] : memref<128x32xf32, #tpu.memory_space<vmem>> -> memref<128x32xf32, #tpu.memory_space<vmem>>
      tpu.wait_dma2 semaphore(%run_scoped3A_269 : memref<!tpu.dma_semaphore, #tpu.memory_space<semaphore_mem>>) src(%dma_wait3A_289 : memref<128x32xf32, #tpu.memory_space<vmem>>) dst(%dma_wait3A_286 : memref<128x32xf32, #tpu.memory_space<vmem_shared>>)
      tpu.yield
    }) : () -> ()
    "tpu.region"() ({
      %run_scoped3A_269 = tpu.sem_alloc : memref<!tpu.dma_semaphore, #tpu.memory_space<semaphore_mem>>
      %dma_start3A_270 = arith.constant 0 : i32
      %dma_start3A_271 = arith.constant 0 : i32
      %dma_start3A_272 = tpu.memref_slice %arg10[%dma_start3A_270, %dma_start3A_271] : memref<128x32xf32, #tpu.memory_space<vmem>> -> memref<128x32xf32, #tpu.memory_space<vmem>>
      %dma_start3A_273 = arith.constant 0 : i32
      %dma_start3A_274 = tpu.memref_slice %arg15[%add3A_57, %dma_start3A_273] : memref<10112x32xf32, #tpu.memory_space<vmem_shared>> -> memref<128x32xf32, #tpu.memory_space<vmem_shared>>
      %dma_start3A_275 = arith.constant 0 : i32
      %dma_start3A_276 = tpu.memref_slice %arg15[%add3A_57, %dma_start3A_275] : memref<10112x32xf32, #tpu.memory_space<vmem_shared>> -> memref<128x32xf32, #tpu.memory_space<vmem_shared>>
      %dma_start3A_277 = arith.constant 0 : i32
      %dma_start3A_278 = arith.constant 0 : i32
      %dma_start3A_279 = tpu.memref_slice %arg10[%dma_start3A_277, %dma_start3A_278] : memref<128x32xf32, #tpu.memory_space<vmem>> -> memref<128x32xf32, #tpu.memory_space<vmem>>
      tpu.enqueue_dma source(%dma_start3A_279 : memref<128x32xf32, #tpu.memory_space<vmem>>) target(%dma_start3A_276 : memref<128x32xf32, #tpu.memory_space<vmem_shared>>) target_semaphore(%run_scoped3A_269 : memref<!tpu.dma_semaphore, #tpu.memory_space<semaphore_mem>>)
      %dma_wait3A_280 = arith.constant 0 : i32
      %dma_wait3A_281 = arith.constant 0 : i32
      %dma_wait3A_282 = tpu.memref_slice %arg10[%dma_wait3A_280, %dma_wait3A_281] : memref<128x32xf32, #tpu.memory_space<vmem>> -> memref<128x32xf32, #tpu.memory_space<vmem>>
      %dma_wait3A_283 = arith.constant 0 : i32
      %dma_wait3A_284 = tpu.memref_slice %arg15[%add3A_57, %dma_wait3A_283] : memref<10112x32xf32, #tpu.memory_space<vmem_shared>> -> memref<128x32xf32, #tpu.memory_space<vmem_shared>>
      %dma_wait3A_285 = arith.constant 0 : i32
      %dma_wait3A_286 = tpu.memref_slice %arg15[%add3A_57, %dma_wait3A_285] : memref<10112x32xf32, #tpu.memory_space<vmem_shared>> -> memref<128x32xf32, #tpu.memory_space<vmem_shared>>
      %dma_wait3A_287 = arith.constant 0 : i32
      %dma_wait3A_288 = arith.constant 0 : i32
      %dma_wait3A_289 = tpu.memref_slice %arg10[%dma_wait3A_287, %dma_wait3A_288] : memref<128x32xf32, #tpu.memory_space<vmem>> -> memref<128x32xf32, #tpu.memory_space<vmem>>
      tpu.wait_dma2 semaphore(%run_scoped3A_269 : memref<!tpu.dma_semaphore, #tpu.memory_space<semaphore_mem>>) src(%dma_wait3A_289 : memref<128x32xf32, #tpu.memory_space<vmem>>) dst(%dma_wait3A_286 : memref<128x32xf32, #tpu.memory_space<vmem_shared>>)
      tpu.yield
    }) : () -> ()
    %add3A_70 = arith.constant 512 : i32
    %add3A_71 = arith.addi %mul3A_0, %add3A_70 : i32
    "tpu.region"() ({
      %run_scoped3A_269 = tpu.sem_alloc : memref<!tpu.dma_semaphore, #tpu.memory_space<semaphore_mem>>
      %dma_start3A_270 = arith.constant 0 : i32
      %dma_start3A_271 = arith.constant 0 : i32
      %dma_start3A_272 = tpu.memref_slice %arg10[%dma_start3A_270, %dma_start3A_271] : memref<128x32xf32, #tpu.memory_space<vmem>> -> memref<120x32xf32, #tpu.memory_space<vmem>>
      %dma_start3A_273 = arith.constant 0 : i32
      %dma_start3A_274 = arith.constant 0 : i32
      %dma_start3A_275 = tpu.memref_slice %arg2[%arg0, %dma_start3A_273, %dma_start3A_274] : memref<2x10112x32xf32, #tpu.memory_space<hbm>> -> memref<1x10112x32xf32, #tpu.memory_space<hbm>>
      %dma_start3A_276 = tpu.memref_squeeze %dma_start3A_275 : memref<1x10112x32xf32, #tpu.memory_space<hbm>> -> memref<10112x32xf32, #tpu.memory_space<hbm>>
      %dma_start3A_277 = arith.constant 0 : i32
      %dma_start3A_278 = tpu.memref_slice %dma_start3A_276[%add3A_71, %dma_start3A_277] : memref<10112x32xf32, #tpu.memory_space<hbm>> -> memref<120x32xf32, #tpu.memory_space<hbm>>
      %dma_start3A_279 = arith.constant 0 : i32
      %dma_start3A_280 = arith.constant 0 : i32
      %dma_start3A_281 = tpu.memref_slice %arg10[%dma_start3A_279, %dma_start3A_280] : memref<128x32xf32, #tpu.memory_space<vmem>> -> memref<120x32xf32, #tpu.memory_space<vmem>>
      %dma_start3A_282 = arith.constant 0 : i32
      %dma_start3A_283 = arith.constant 0 : i32
      %dma_start3A_284 = tpu.memref_slice %arg2[%arg0, %dma_start3A_282, %dma_start3A_283] : memref<2x10112x32xf32, #tpu.memory_space<hbm>> -> memref<1x10112x32xf32, #tpu.memory_space<hbm>>
      %dma_start3A_285 = tpu.memref_squeeze %dma_start3A_284 : memref<1x10112x32xf32, #tpu.memory_space<hbm>> -> memref<10112x32xf32, #tpu.memory_space<hbm>>
      %dma_start3A_286 = arith.constant 0 : i32
      %dma_start3A_287 = tpu.memref_slice %dma_start3A_285[%add3A_71, %dma_start3A_286] : memref<10112x32xf32, #tpu.memory_space<hbm>> -> memref<120x32xf32, #tpu.memory_space<hbm>>
      tpu.enqueue_dma source(%dma_start3A_287 : memref<120x32xf32, #tpu.memory_space<hbm>>) target(%dma_start3A_281 : memref<120x32xf32, #tpu.memory_space<vmem>>) target_semaphore(%run_scoped3A_269 : memref<!tpu.dma_semaphore, #tpu.memory_space<semaphore_mem>>)
      %dma_wait3A_288 = arith.constant 0 : i32
      %dma_wait3A_289 = arith.constant 0 : i32
      %dma_wait3A_290 = tpu.memref_slice %arg10[%dma_wait3A_288, %dma_wait3A_289] : memref<128x32xf32, #tpu.memory_space<vmem>> -> memref<120x32xf32, #tpu.memory_space<vmem>>
      %dma_wait3A_291 = arith.constant 0 : i32
      %dma_wait3A_292 = arith.constant 0 : i32
      %dma_wait3A_293 = tpu.memref_slice %arg2[%arg0, %dma_wait3A_291, %dma_wait3A_292] : memref<2x10112x32xf32, #tpu.memory_space<hbm>> -> memref<1x10112x32xf32, #tpu.memory_space<hbm>>
      %dma_wait3A_294 = tpu.memref_squeeze %dma_wait3A_293 : memref<1x10112x32xf32, #tpu.memory_space<hbm>> -> memref<10112x32xf32, #tpu.memory_space<hbm>>
      %dma_wait3A_295 = arith.constant 0 : i32
      %dma_wait3A_296 = tpu.memref_slice %dma_wait3A_294[%add3A_71, %dma_wait3A_295] : memref<10112x32xf32, #tpu.memory_space<hbm>> -> memref<120x32xf32, #tpu.memory_space<hbm>>
      %dma_wait3A_297 = arith.constant 0 : i32
      %dma_wait3A_298 = arith.constant 0 : i32
      %dma_wait3A_299 = tpu.memref_slice %arg10[%dma_wait3A_297, %dma_wait3A_298] : memref<128x32xf32, #tpu.memory_space<vmem>> -> memref<120x32xf32, #tpu.memory_space<vmem>>
      %dma_wait3A_300 = arith.constant 0 : i32
      %dma_wait3A_301 = arith.constant 0 : i32
      %dma_wait3A_302 = tpu.memref_slice %arg2[%arg0, %dma_wait3A_300, %dma_wait3A_301] : memref<2x10112x32xf32, #tpu.memory_space<hbm>> -> memref<1x10112x32xf32, #tpu.memory_space<hbm>>
      %dma_wait3A_303 = tpu.memref_squeeze %dma_wait3A_302 : memref<1x10112x32xf32, #tpu.memory_space<hbm>> -> memref<10112x32xf32, #tpu.memory_space<hbm>>
      %dma_wait3A_304 = arith.constant 0 : i32
      %dma_wait3A_305 = tpu.memref_slice %dma_wait3A_303[%add3A_71, %dma_wait3A_304] : memref<10112x32xf32, #tpu.memory_space<hbm>> -> memref<120x32xf32, #tpu.memory_space<hbm>>
      tpu.wait_dma2 semaphore(%run_scoped3A_269 : memref<!tpu.dma_semaphore, #tpu.memory_space<semaphore_mem>>) src(%dma_wait3A_305 : memref<120x32xf32, #tpu.memory_space<hbm>>) dst(%dma_wait3A_299 : memref<120x32xf32, #tpu.memory_space<vmem>>)
      tpu.yield
    }) : () -> ()
    %run_scoped3A_72 = arith.constant 0 : i32
    "tpu.region"() ({
      %run_scoped3A_269 = tpu.sem_alloc : memref<!tpu.dma_semaphore, #tpu.memory_space<semaphore_mem>>
      %dma_start3A_270 = arith.constant 0 : i32
      %dma_start3A_271 = arith.constant 0 : i32
      %dma_start3A_272 = tpu.memref_slice %arg11[%dma_start3A_270, %dma_start3A_271] : memref<128x16xf32, #tpu.memory_space<vmem>> -> memref<120x16xf32, #tpu.memory_space<vmem>>
      %dma_start3A_273 = arith.constant 0 : i32
      %dma_start3A_274 = arith.constant 0 : i32
      %dma_start3A_275 = tpu.memref_slice %arg3[%run_scoped3A_72, %dma_start3A_273, %dma_start3A_274] : memref<2x10112x16xf32, #tpu.memory_space<hbm>> -> memref<1x10112x16xf32, #tpu.memory_space<hbm>>
      %dma_start3A_276 = tpu.memref_squeeze %dma_start3A_275 : memref<1x10112x16xf32, #tpu.memory_space<hbm>> -> memref<10112x16xf32, #tpu.memory_space<hbm>>
      %dma_start3A_277 = arith.constant 0 : i32
      %dma_start3A_278 = tpu.memref_slice %dma_start3A_276[%add3A_71, %dma_start3A_277] : memref<10112x16xf32, #tpu.memory_space<hbm>> -> memref<120x16xf32, #tpu.memory_space<hbm>>
      %dma_start3A_279 = arith.constant 0 : i32
      %dma_start3A_280 = arith.constant 0 : i32
      %dma_start3A_281 = tpu.memref_slice %arg11[%dma_start3A_279, %dma_start3A_280] : memref<128x16xf32, #tpu.memory_space<vmem>> -> memref<120x16xf32, #tpu.memory_space<vmem>>
      %dma_start3A_282 = arith.constant 0 : i32
      %dma_start3A_283 = arith.constant 0 : i32
      %dma_start3A_284 = tpu.memref_slice %arg3[%run_scoped3A_72, %dma_start3A_282, %dma_start3A_283] : memref<2x10112x16xf32, #tpu.memory_space<hbm>> -> memref<1x10112x16xf32, #tpu.memory_space<hbm>>
      %dma_start3A_285 = tpu.memref_squeeze %dma_start3A_284 : memref<1x10112x16xf32, #tpu.memory_space<hbm>> -> memref<10112x16xf32, #tpu.memory_space<hbm>>
      %dma_start3A_286 = arith.constant 0 : i32
      %dma_start3A_287 = tpu.memref_slice %dma_start3A_285[%add3A_71, %dma_start3A_286] : memref<10112x16xf32, #tpu.memory_space<hbm>> -> memref<120x16xf32, #tpu.memory_space<hbm>>
      tpu.enqueue_dma source(%dma_start3A_287 : memref<120x16xf32, #tpu.memory_space<hbm>>) target(%dma_start3A_281 : memref<120x16xf32, #tpu.memory_space<vmem>>) target_semaphore(%run_scoped3A_269 : memref<!tpu.dma_semaphore, #tpu.memory_space<semaphore_mem>>)
      %dma_wait3A_288 = arith.constant 0 : i32
      %dma_wait3A_289 = arith.constant 0 : i32
      %dma_wait3A_290 = tpu.memref_slice %arg11[%dma_wait3A_288, %dma_wait3A_289] : memref<128x16xf32, #tpu.memory_space<vmem>> -> memref<120x16xf32, #tpu.memory_space<vmem>>
      %dma_wait3A_291 = arith.constant 0 : i32
      %dma_wait3A_292 = arith.constant 0 : i32
      %dma_wait3A_293 = tpu.memref_slice %arg3[%run_scoped3A_72, %dma_wait3A_291, %dma_wait3A_292] : memref<2x10112x16xf32, #tpu.memory_space<hbm>> -> memref<1x10112x16xf32, #tpu.memory_space<hbm>>
      %dma_wait3A_294 = tpu.memref_squeeze %dma_wait3A_293 : memref<1x10112x16xf32, #tpu.memory_space<hbm>> -> memref<10112x16xf32, #tpu.memory_space<hbm>>
      %dma_wait3A_295 = arith.constant 0 : i32
      %dma_wait3A_296 = tpu.memref_slice %dma_wait3A_294[%add3A_71, %dma_wait3A_295] : memref<10112x16xf32, #tpu.memory_space<hbm>> -> memref<120x16xf32, #tpu.memory_space<hbm>>
      %dma_wait3A_297 = arith.constant 0 : i32
      %dma_wait3A_298 = arith.constant 0 : i32
      %dma_wait3A_299 = tpu.memref_slice %arg11[%dma_wait3A_297, %dma_wait3A_298] : memref<128x16xf32, #tpu.memory_space<vmem>> -> memref<120x16xf32, #tpu.memory_space<vmem>>
      %dma_wait3A_300 = arith.constant 0 : i32
      %dma_wait3A_301 = arith.constant 0 : i32
      %dma_wait3A_302 = tpu.memref_slice %arg3[%run_scoped3A_72, %dma_wait3A_300, %dma_wait3A_301] : memref<2x10112x16xf32, #tpu.memory_space<hbm>> -> memref<1x10112x16xf32, #tpu.memory_space<hbm>>
      %dma_wait3A_303 = tpu.memref_squeeze %dma_wait3A_302 : memref<1x10112x16xf32, #tpu.memory_space<hbm>> -> memref<10112x16xf32, #tpu.memory_space<hbm>>
      %dma_wait3A_304 = arith.constant 0 : i32
      %dma_wait3A_305 = tpu.memref_slice %dma_wait3A_303[%add3A_71, %dma_wait3A_304] : memref<10112x16xf32, #tpu.memory_space<hbm>> -> memref<120x16xf32, #tpu.memory_space<hbm>>
      tpu.wait_dma2 semaphore(%run_scoped3A_269 : memref<!tpu.dma_semaphore, #tpu.memory_space<semaphore_mem>>) src(%dma_wait3A_305 : memref<120x16xf32, #tpu.memory_space<hbm>>) dst(%dma_wait3A_299 : memref<120x16xf32, #tpu.memory_space<vmem>>)
      tpu.yield
    }) : () -> ()
    %run_scoped3A_73 = arith.constant 1 : i32
    "tpu.region"() ({
      %run_scoped3A_269 = tpu.sem_alloc : memref<!tpu.dma_semaphore, #tpu.memory_space<semaphore_mem>>
      %dma_start3A_270 = arith.constant 0 : i32
      %dma_start3A_271 = arith.constant 0 : i32
      %dma_start3A_272 = tpu.memref_slice %arg12[%dma_start3A_270, %dma_start3A_271] : memref<128x16xf32, #tpu.memory_space<vmem>> -> memref<120x16xf32, #tpu.memory_space<vmem>>
      %dma_start3A_273 = arith.constant 0 : i32
      %dma_start3A_274 = arith.constant 0 : i32
      %dma_start3A_275 = tpu.memref_slice %arg3[%run_scoped3A_73, %dma_start3A_273, %dma_start3A_274] : memref<2x10112x16xf32, #tpu.memory_space<hbm>> -> memref<1x10112x16xf32, #tpu.memory_space<hbm>>
      %dma_start3A_276 = tpu.memref_squeeze %dma_start3A_275 : memref<1x10112x16xf32, #tpu.memory_space<hbm>> -> memref<10112x16xf32, #tpu.memory_space<hbm>>
      %dma_start3A_277 = arith.constant 0 : i32
      %dma_start3A_278 = tpu.memref_slice %dma_start3A_276[%add3A_71, %dma_start3A_277] : memref<10112x16xf32, #tpu.memory_space<hbm>> -> memref<120x16xf32, #tpu.memory_space<hbm>>
      %dma_start3A_279 = arith.constant 0 : i32
      %dma_start3A_280 = arith.constant 0 : i32
      %dma_start3A_281 = tpu.memref_slice %arg12[%dma_start3A_279, %dma_start3A_280] : memref<128x16xf32, #tpu.memory_space<vmem>> -> memref<120x16xf32, #tpu.memory_space<vmem>>
      %dma_start3A_282 = arith.constant 0 : i32
      %dma_start3A_283 = arith.constant 0 : i32
      %dma_start3A_284 = tpu.memref_slice %arg3[%run_scoped3A_73, %dma_start3A_282, %dma_start3A_283] : memref<2x10112x16xf32, #tpu.memory_space<hbm>> -> memref<1x10112x16xf32, #tpu.memory_space<hbm>>
      %dma_start3A_285 = tpu.memref_squeeze %dma_start3A_284 : memref<1x10112x16xf32, #tpu.memory_space<hbm>> -> memref<10112x16xf32, #tpu.memory_space<hbm>>
      %dma_start3A_286 = arith.constant 0 : i32
      %dma_start3A_287 = tpu.memref_slice %dma_start3A_285[%add3A_71, %dma_start3A_286] : memref<10112x16xf32, #tpu.memory_space<hbm>> -> memref<120x16xf32, #tpu.memory_space<hbm>>
      tpu.enqueue_dma source(%dma_start3A_287 : memref<120x16xf32, #tpu.memory_space<hbm>>) target(%dma_start3A_281 : memref<120x16xf32, #tpu.memory_space<vmem>>) target_semaphore(%run_scoped3A_269 : memref<!tpu.dma_semaphore, #tpu.memory_space<semaphore_mem>>)
      %dma_wait3A_288 = arith.constant 0 : i32
      %dma_wait3A_289 = arith.constant 0 : i32
      %dma_wait3A_290 = tpu.memref_slice %arg12[%dma_wait3A_288, %dma_wait3A_289] : memref<128x16xf32, #tpu.memory_space<vmem>> -> memref<120x16xf32, #tpu.memory_space<vmem>>
      %dma_wait3A_291 = arith.constant 0 : i32
      %dma_wait3A_292 = arith.constant 0 : i32
      %dma_wait3A_293 = tpu.memref_slice %arg3[%run_scoped3A_73, %dma_wait3A_291, %dma_wait3A_292] : memref<2x10112x16xf32, #tpu.memory_space<hbm>> -> memref<1x10112x16xf32, #tpu.memory_space<hbm>>
      %dma_wait3A_294 = tpu.memref_squeeze %dma_wait3A_293 : memref<1x10112x16xf32, #tpu.memory_space<hbm>> -> memref<10112x16xf32, #tpu.memory_space<hbm>>
      %dma_wait3A_295 = arith.constant 0 : i32
      %dma_wait3A_296 = tpu.memref_slice %dma_wait3A_294[%add3A_71, %dma_wait3A_295] : memref<10112x16xf32, #tpu.memory_space<hbm>> -> memref<120x16xf32, #tpu.memory_space<hbm>>
      %dma_wait3A_297 = arith.constant 0 : i32
      %dma_wait3A_298 = arith.constant 0 : i32
      %dma_wait3A_299 = tpu.memref_slice %arg12[%dma_wait3A_297, %dma_wait3A_298] : memref<128x16xf32, #tpu.memory_space<vmem>> -> memref<120x16xf32, #tpu.memory_space<vmem>>
      %dma_wait3A_300 = arith.constant 0 : i32
      %dma_wait3A_301 = arith.constant 0 : i32
      %dma_wait3A_302 = tpu.memref_slice %arg3[%run_scoped3A_73, %dma_wait3A_300, %dma_wait3A_301] : memref<2x10112x16xf32, #tpu.memory_space<hbm>> -> memref<1x10112x16xf32, #tpu.memory_space<hbm>>
      %dma_wait3A_303 = tpu.memref_squeeze %dma_wait3A_302 : memref<1x10112x16xf32, #tpu.memory_space<hbm>> -> memref<10112x16xf32, #tpu.memory_space<hbm>>
      %dma_wait3A_304 = arith.constant 0 : i32
      %dma_wait3A_305 = tpu.memref_slice %dma_wait3A_303[%add3A_71, %dma_wait3A_304] : memref<10112x16xf32, #tpu.memory_space<hbm>> -> memref<120x16xf32, #tpu.memory_space<hbm>>
      tpu.wait_dma2 semaphore(%run_scoped3A_269 : memref<!tpu.dma_semaphore, #tpu.memory_space<semaphore_mem>>) src(%dma_wait3A_305 : memref<120x16xf32, #tpu.memory_space<hbm>>) dst(%dma_wait3A_299 : memref<120x16xf32, #tpu.memory_space<vmem>>)
      tpu.yield
    }) : () -> ()
    %scan3A_74 = arith.constant 0 : i32
    %scan3A_75 = arith.constant 7 : i32
    %scan3A_76 = arith.addi %scan3A_74, %scan3A_75 : i32
    %scan3A_77 = arith.constant 1 : i32
    scf.for %scan3A_269 = %scan3A_74 to %scan3A_76 step %scan3A_77  : i32 {
      %mul3A_270 = arith.constant 1 : i32
      %mul3A_271 = arith.muli %scan3A_269, %mul3A_270 : i32
      %add3A_272 = arith.constant 0 : i32
      %add3A_273 = arith.addi %add3A_272, %mul3A_271 : i32
      %ge3A = arith.constant 0 : i32
      %ge3A_274 = vector.broadcast %ge3A : i32 to vector<16xi32>
      %ge3A_275 = arith.cmpi sge, %iota3A, %ge3A_274 : vector<16xi32>
      %mul3A_276 = arith.constant 16 : i32
      %mul3A_277 = arith.muli %add3A_273, %mul3A_276 : i32
      %add3A_278 = vector.broadcast %mul3A_277 : i32 to vector<16xi32>
      %add3A_279 = arith.addi %add3A_278, %iota3A : vector<16xi32>
      %gather3A_280 = tpu.vector_load_idx %arg11[%add3A_279, %broadcast_in_dim3A_16] masked %ge3A_275 : memref<128x16xf32, #tpu.memory_space<vmem>>[vector<16xi32>, vector<16xi32>], vector<16xf32>, vector<16xi1>
      %gather3A_281 = tpu.vector_load_idx %arg12[%add3A_279, %broadcast_in_dim3A_16] masked %ge3A_275 : memref<128x16xf32, #tpu.memory_space<vmem>>[vector<16xi32>, vector<16xi32>], vector<16xf32>, vector<16xi1>
      %add3A_282 = arith.addf %gather3A_280, %gather3A_281 : vector<16xf32>
      %add3A_283 = arith.constant 1.000000e+00 : f32
      %add3A_284 = vector.broadcast %add3A_283 : f32 to vector<16xf32>
      %add3A_285 = arith.addf %add3A_282, %add3A_284 : vector<16xf32>
      %div3A_286 = arith.constant 1.000000e+00 : f32
      %div3A_287 = vector.broadcast %div3A_286 : f32 to vector<16xf32>
      %div3A_288 = arith.divf %div3A_287, %add3A_285 : vector<16xf32>
      %bitcast3A_289 = vector.bitcast %add3A_285 : vector<16xf32> to vector<16xi32>
      %shift_right_logical3A_290 = arith.constant 1 : i32
      %shift_right_logical3A_291 = vector.broadcast %shift_right_logical3A_290 : i32 to vector<16xi32>
      %shift_right_logical3A_292 = arith.shrui %bitcast3A_289, %shift_right_logical3A_291 : vector<16xi32>
      %sub3A_293 = arith.constant 1597463007 : i32
      %sub3A_294 = vector.broadcast %sub3A_293 : i32 to vector<16xi32>
      %sub3A_295 = arith.subi %sub3A_294, %shift_right_logical3A_292 : vector<16xi32>
      %bitcast3A_296 = vector.bitcast %sub3A_295 : vector<16xi32> to vector<16xf32>
      %mul3A_297 = arith.constant 5.000000e-01 : f32
      %mul3A_298 = vector.broadcast %mul3A_297 : f32 to vector<16xf32>
      %mul3A_299 = arith.mulf %mul3A_298, %add3A_285 : vector<16xf32>
      %mul3A_300 = arith.mulf %mul3A_299, %bitcast3A_296 : vector<16xf32>
      %mul3A_301 = arith.mulf %mul3A_300, %bitcast3A_296 : vector<16xf32>
      %sub3A_302 = arith.constant 1.500000e+00 : f32
      %sub3A_303 = vector.broadcast %sub3A_302 : f32 to vector<16xf32>
      %sub3A_304 = arith.subf %sub3A_303, %mul3A_301 : vector<16xf32>
      %mul3A_305 = arith.mulf %bitcast3A_296, %sub3A_304 : vector<16xf32>
      %mul3A_306 = arith.constant 5.000000e-01 : f32
      %mul3A_307 = vector.broadcast %mul3A_306 : f32 to vector<16xf32>
      %mul3A_308 = arith.mulf %mul3A_307, %add3A_285 : vector<16xf32>
      %mul3A_309 = arith.mulf %mul3A_308, %mul3A_305 : vector<16xf32>
      %mul3A_310 = arith.mulf %mul3A_309, %mul3A_305 : vector<16xf32>
      %sub3A_311 = arith.constant 1.500000e+00 : f32
      %sub3A_312 = vector.broadcast %sub3A_311 : f32 to vector<16xf32>
      %sub3A_313 = arith.subf %sub3A_312, %mul3A_310 : vector<16xf32>
      %mul3A_314 = arith.mulf %mul3A_305, %sub3A_313 : vector<16xf32>
      %mul3A_315 = arith.constant 5.000000e-01 : f32
      %mul3A_316 = vector.broadcast %mul3A_315 : f32 to vector<16xf32>
      %mul3A_317 = arith.mulf %mul3A_316, %add3A_285 : vector<16xf32>
      %mul3A_318 = arith.mulf %mul3A_317, %mul3A_314 : vector<16xf32>
      %mul3A_319 = arith.mulf %mul3A_318, %mul3A_314 : vector<16xf32>
      %sub3A_320 = arith.constant 1.500000e+00 : f32
      %sub3A_321 = vector.broadcast %sub3A_320 : f32 to vector<16xf32>
      %sub3A_322 = arith.subf %sub3A_321, %mul3A_319 : vector<16xf32>
      %mul3A_323 = arith.mulf %mul3A_314, %sub3A_322 : vector<16xf32>
      %mul3A_324 = arith.constant 16 : i32
      %mul3A_325 = arith.muli %add3A_273, %mul3A_324 : i32
      %add3A_326 = arith.constant 512 : i32
      %add3A_327 = arith.addi %add3A_326, %mul3A_325 : i32
      %add3A_328 = vector.broadcast %add3A_327 : i32 to vector<16xi32>
      %add3A_329 = arith.addi %add3A_328, %iota3A : vector<16xi32>
      tpu.vector_store_idx %arg13[%add3A_329], %mul3A_323 masked %ge3A_275 : memref<632xf32, #tpu.memory_space<vmem>>[vector<16xi32>], vector<16xf32>, vector<16xi1>
      %add3A_330 = vector.broadcast %add3A_327 : i32 to vector<16xi32>
      %add3A_331 = arith.addi %add3A_330, %iota3A : vector<16xi32>
      tpu.vector_store_idx %arg14[%add3A_331], %div3A_288 masked %ge3A_275 : memref<632xf32, #tpu.memory_space<vmem>>[vector<16xi32>], vector<16xf32>, vector<16xi1>
    }
    %scan3A_78 = arith.constant 7 : i32
    %lt3A = arith.constant 8 : i32
    %lt3A_79 = vector.broadcast %lt3A : i32 to vector<16xi32>
    %lt3A_80 = arith.cmpi slt, %iota3A, %lt3A_79 : vector<16xi32>
    %add3A_81 = arith.constant 112 : i32
    %add3A_82 = vector.broadcast %add3A_81 : i32 to vector<16xi32>
    %add3A_83 = arith.addi %add3A_82, %iota3A : vector<16xi32>
    %gather3A = tpu.vector_load_idx %arg11[%add3A_83, %broadcast_in_dim3A_16] masked %lt3A_80 : memref<128x16xf32, #tpu.memory_space<vmem>>[vector<16xi32>, vector<16xi32>], vector<16xf32>, vector<16xi1>
    %gather3A_84 = tpu.vector_load_idx %arg12[%add3A_83, %broadcast_in_dim3A_16] masked %lt3A_80 : memref<128x16xf32, #tpu.memory_space<vmem>>[vector<16xi32>, vector<16xi32>], vector<16xf32>, vector<16xi1>
    %add3A_85 = arith.addf %gather3A, %gather3A_84 : vector<16xf32>
    %add3A_86 = arith.constant 1.000000e+00 : f32
    %add3A_87 = vector.broadcast %add3A_86 : f32 to vector<16xf32>
    %add3A_88 = arith.addf %add3A_85, %add3A_87 : vector<16xf32>
    %div3A = arith.constant 1.000000e+00 : f32
    %div3A_89 = vector.broadcast %div3A : f32 to vector<16xf32>
    %div3A_90 = arith.divf %div3A_89, %add3A_88 : vector<16xf32>
    %bitcast3A = vector.bitcast %add3A_88 : vector<16xf32> to vector<16xi32>
    %shift_right_logical3A = arith.constant 1 : i32
    %shift_right_logical3A_91 = vector.broadcast %shift_right_logical3A : i32 to vector<16xi32>
    %shift_right_logical3A_92 = arith.shrui %bitcast3A, %shift_right_logical3A_91 : vector<16xi32>
    %sub3A = arith.constant 1597463007 : i32
    %sub3A_93 = vector.broadcast %sub3A : i32 to vector<16xi32>
    %sub3A_94 = arith.subi %sub3A_93, %shift_right_logical3A_92 : vector<16xi32>
    %bitcast3A_95 = vector.bitcast %sub3A_94 : vector<16xi32> to vector<16xf32>
    %mul3A_96 = arith.constant 5.000000e-01 : f32
    %mul3A_97 = vector.broadcast %mul3A_96 : f32 to vector<16xf32>
    %mul3A_98 = arith.mulf %mul3A_97, %add3A_88 : vector<16xf32>
    %mul3A_99 = arith.mulf %mul3A_98, %bitcast3A_95 : vector<16xf32>
    %mul3A_100 = arith.mulf %mul3A_99, %bitcast3A_95 : vector<16xf32>
    %sub3A_101 = arith.constant 1.500000e+00 : f32
    %sub3A_102 = vector.broadcast %sub3A_101 : f32 to vector<16xf32>
    %sub3A_103 = arith.subf %sub3A_102, %mul3A_100 : vector<16xf32>
    %mul3A_104 = arith.mulf %bitcast3A_95, %sub3A_103 : vector<16xf32>
    %mul3A_105 = arith.constant 5.000000e-01 : f32
    %mul3A_106 = vector.broadcast %mul3A_105 : f32 to vector<16xf32>
    %mul3A_107 = arith.mulf %mul3A_106, %add3A_88 : vector<16xf32>
    %mul3A_108 = arith.mulf %mul3A_107, %mul3A_104 : vector<16xf32>
    %mul3A_109 = arith.mulf %mul3A_108, %mul3A_104 : vector<16xf32>
    %sub3A_110 = arith.constant 1.500000e+00 : f32
    %sub3A_111 = vector.broadcast %sub3A_110 : f32 to vector<16xf32>
    %sub3A_112 = arith.subf %sub3A_111, %mul3A_109 : vector<16xf32>
    %mul3A_113 = arith.mulf %mul3A_104, %sub3A_112 : vector<16xf32>
    %mul3A_114 = arith.constant 5.000000e-01 : f32
    %mul3A_115 = vector.broadcast %mul3A_114 : f32 to vector<16xf32>
    %mul3A_116 = arith.mulf %mul3A_115, %add3A_88 : vector<16xf32>
    %mul3A_117 = arith.mulf %mul3A_116, %mul3A_113 : vector<16xf32>
    %mul3A_118 = arith.mulf %mul3A_117, %mul3A_113 : vector<16xf32>
    %sub3A_119 = arith.constant 1.500000e+00 : f32
    %sub3A_120 = vector.broadcast %sub3A_119 : f32 to vector<16xf32>
    %sub3A_121 = arith.subf %sub3A_120, %mul3A_118 : vector<16xf32>
    %mul3A_122 = arith.mulf %mul3A_113, %sub3A_121 : vector<16xf32>
    %add3A_123 = arith.constant 624 : i32
    %add3A_124 = vector.broadcast %add3A_123 : i32 to vector<16xi32>
    %add3A_125 = arith.addi %add3A_124, %iota3A : vector<16xi32>
    tpu.vector_store_idx %arg13[%add3A_125], %mul3A_122 masked %lt3A_80 : memref<632xf32, #tpu.memory_space<vmem>>[vector<16xi32>], vector<16xf32>, vector<16xi1>
    %add3A_126 = arith.constant 624 : i32
    %add3A_127 = vector.broadcast %add3A_126 : i32 to vector<16xi32>
    %add3A_128 = arith.addi %add3A_127, %iota3A : vector<16xi32>
    tpu.vector_store_idx %arg14[%add3A_128], %div3A_90 masked %lt3A_80 : memref<632xf32, #tpu.memory_space<vmem>>[vector<16xi32>], vector<16xf32>, vector<16xi1>
    %scan3A_129 = arith.constant 0 : i32
    %scan3A_130 = arith.constant 120 : i32
    %scan3A_131 = arith.addi %scan3A_129, %scan3A_130 : i32
    %scan3A_132 = arith.constant 1 : i32
    scf.for %scan3A_269 = %scan3A_129 to %scan3A_131 step %scan3A_132  : i32 {
      %mul3A_270 = arith.constant 1 : i32
      %mul3A_271 = arith.muli %scan3A_269, %mul3A_270 : i32
      %add3A_272 = arith.constant 0 : i32
      %add3A_273 = arith.addi %add3A_272, %mul3A_271 : i32
      %add3A_274 = arith.constant 512 : i32
      %add3A_275 = arith.addi %add3A_274, %add3A_273 : i32
      %broadcast_in_dim3A_276 = arith.constant 0 : i32
      %broadcast_in_dim3A_277 = vector.broadcast %broadcast_in_dim3A_276 : i32 to vector<16xi32>
      %add3A_278 = vector.broadcast %add3A_275 : i32 to vector<16xi32>
      %add3A_279 = arith.addi %broadcast_in_dim3A_277, %add3A_278 : vector<16xi32>
      %gather3A_280 = tpu.vector_load_idx %arg13[%add3A_279] : memref<632xf32, #tpu.memory_space<vmem>>[vector<16xi32>], vector<16xf32>,
      %get3A = arith.index_cast %add3A_273 : i32 to index
      %get3A_281 = arith.constant 0 : index
      %get3A_282 = tpu.vector_load %arg10[%get3A, %get3A_281] {strides = array<i32>} : memref<128x32xf32, #tpu.memory_space<vmem>>, vector<16xf32>,
      %mul3A_283 = arith.mulf %get3A_282, %gather3A_280 : vector<16xf32>
      %swap3A = arith.index_cast %add3A_273 : i32 to index
      %swap3A_284 = arith.constant 0 : index
      %swap3A_285 = tpu.vector_load %arg10[%swap3A, %swap3A_284] {strides = array<i32>} : memref<128x32xf32, #tpu.memory_space<vmem>>, vector<16xf32>,
      tpu.vector_store %arg10[%swap3A, %swap3A_284], %mul3A_283 {strides = array<i32>} : memref<128x32xf32, #tpu.memory_space<vmem>>, vector<16xf32>,
      %get3A_286 = arith.index_cast %add3A_273 : i32 to index
      %get3A_287 = arith.constant 16 : index
      %get3A_288 = tpu.vector_load %arg10[%get3A_286, %get3A_287] {strides = array<i32>} : memref<128x32xf32, #tpu.memory_space<vmem>>, vector<16xf32>,
      %mul3A_289 = arith.mulf %get3A_288, %gather3A_280 : vector<16xf32>
      %swap3A_290 = arith.index_cast %add3A_273 : i32 to index
      %swap3A_291 = arith.constant 16 : index
      %swap3A_292 = tpu.vector_load %arg10[%swap3A_290, %swap3A_291] {strides = array<i32>} : memref<128x32xf32, #tpu.memory_space<vmem>>, vector<16xf32>,
      tpu.vector_store %arg10[%swap3A_290, %swap3A_291], %mul3A_289 {strides = array<i32>} : memref<128x32xf32, #tpu.memory_space<vmem>>, vector<16xf32>,
    }
    %scan3A_133 = arith.constant 120 : i32
    "tpu.region"() ({
      %run_scoped3A_269 = tpu.sem_alloc : memref<!tpu.dma_semaphore, #tpu.memory_space<semaphore_mem>>
      %dma_start3A_270 = arith.constant 0 : i32
      %dma_start3A_271 = arith.constant 0 : i32
      %dma_start3A_272 = tpu.memref_slice %arg10[%dma_start3A_270, %dma_start3A_271] : memref<128x32xf32, #tpu.memory_space<vmem>> -> memref<120x32xf32, #tpu.memory_space<vmem>>
      %dma_start3A_273 = arith.constant 0 : i32
      %dma_start3A_274 = tpu.memref_slice %arg16[%add3A_71, %dma_start3A_273] : memref<10112x32xf32, #tpu.memory_space<vmem_shared>> -> memref<120x32xf32, #tpu.memory_space<vmem_shared>>
      %dma_start3A_275 = arith.constant 0 : i32
      %dma_start3A_276 = tpu.memref_slice %arg16[%add3A_71, %dma_start3A_275] : memref<10112x32xf32, #tpu.memory_space<vmem_shared>> -> memref<120x32xf32, #tpu.memory_space<vmem_shared>>
      %dma_start3A_277 = arith.constant 0 : i32
      %dma_start3A_278 = arith.constant 0 : i32
      %dma_start3A_279 = tpu.memref_slice %arg10[%dma_start3A_277, %dma_start3A_278] : memref<128x32xf32, #tpu.memory_space<vmem>> -> memref<120x32xf32, #tpu.memory_space<vmem>>
      tpu.enqueue_dma source(%dma_start3A_279 : memref<120x32xf32, #tpu.memory_space<vmem>>) target(%dma_start3A_276 : memref<120x32xf32, #tpu.memory_space<vmem_shared>>) target_semaphore(%run_scoped3A_269 : memref<!tpu.dma_semaphore, #tpu.memory_space<semaphore_mem>>)
      %dma_wait3A_280 = arith.constant 0 : i32
      %dma_wait3A_281 = arith.constant 0 : i32
      %dma_wait3A_282 = tpu.memref_slice %arg10[%dma_wait3A_280, %dma_wait3A_281] : memref<128x32xf32, #tpu.memory_space<vmem>> -> memref<120x32xf32, #tpu.memory_space<vmem>>
      %dma_wait3A_283 = arith.constant 0 : i32
      %dma_wait3A_284 = tpu.memref_slice %arg16[%add3A_71, %dma_wait3A_283] : memref<10112x32xf32, #tpu.memory_space<vmem_shared>> -> memref<120x32xf32, #tpu.memory_space<vmem_shared>>
      %dma_wait3A_285 = arith.constant 0 : i32
      %dma_wait3A_286 = tpu.memref_slice %arg16[%add3A_71, %dma_wait3A_285] : memref<10112x32xf32, #tpu.memory_space<vmem_shared>> -> memref<120x32xf32, #tpu.memory_space<vmem_shared>>
      %dma_wait3A_287 = arith.constant 0 : i32
      %dma_wait3A_288 = arith.constant 0 : i32
      %dma_wait3A_289 = tpu.memref_slice %arg10[%dma_wait3A_287, %dma_wait3A_288] : memref<128x32xf32, #tpu.memory_space<vmem>> -> memref<120x32xf32, #tpu.memory_space<vmem>>
      tpu.wait_dma2 semaphore(%run_scoped3A_269 : memref<!tpu.dma_semaphore, #tpu.memory_space<semaphore_mem>>) src(%dma_wait3A_289 : memref<120x32xf32, #tpu.memory_space<vmem>>) dst(%dma_wait3A_286 : memref<120x32xf32, #tpu.memory_space<vmem_shared>>)
      tpu.yield
    }) : () -> ()
    "tpu.region"() ({
      %run_scoped3A_269 = tpu.sem_alloc : memref<!tpu.dma_semaphore, #tpu.memory_space<semaphore_mem>>
      %dma_start3A_270 = arith.constant 0 : i32
      %dma_start3A_271 = arith.constant 0 : i32
      %dma_start3A_272 = tpu.memref_slice %arg10[%dma_start3A_270, %dma_start3A_271] : memref<128x32xf32, #tpu.memory_space<vmem>> -> memref<120x32xf32, #tpu.memory_space<vmem>>
      %dma_start3A_273 = arith.constant 0 : i32
      %dma_start3A_274 = tpu.memref_slice %arg15[%add3A_71, %dma_start3A_273] : memref<10112x32xf32, #tpu.memory_space<vmem_shared>> -> memref<120x32xf32, #tpu.memory_space<vmem_shared>>
      %dma_start3A_275 = arith.constant 0 : i32
      %dma_start3A_276 = tpu.memref_slice %arg15[%add3A_71, %dma_start3A_275] : memref<10112x32xf32, #tpu.memory_space<vmem_shared>> -> memref<120x32xf32, #tpu.memory_space<vmem_shared>>
      %dma_start3A_277 = arith.constant 0 : i32
      %dma_start3A_278 = arith.constant 0 : i32
      %dma_start3A_279 = tpu.memref_slice %arg10[%dma_start3A_277, %dma_start3A_278] : memref<128x32xf32, #tpu.memory_space<vmem>> -> memref<120x32xf32, #tpu.memory_space<vmem>>
      tpu.enqueue_dma source(%dma_start3A_279 : memref<120x32xf32, #tpu.memory_space<vmem>>) target(%dma_start3A_276 : memref<120x32xf32, #tpu.memory_space<vmem_shared>>) target_semaphore(%run_scoped3A_269 : memref<!tpu.dma_semaphore, #tpu.memory_space<semaphore_mem>>)
      %dma_wait3A_280 = arith.constant 0 : i32
      %dma_wait3A_281 = arith.constant 0 : i32
      %dma_wait3A_282 = tpu.memref_slice %arg10[%dma_wait3A_280, %dma_wait3A_281] : memref<128x32xf32, #tpu.memory_space<vmem>> -> memref<120x32xf32, #tpu.memory_space<vmem>>
      %dma_wait3A_283 = arith.constant 0 : i32
      %dma_wait3A_284 = tpu.memref_slice %arg15[%add3A_71, %dma_wait3A_283] : memref<10112x32xf32, #tpu.memory_space<vmem_shared>> -> memref<120x32xf32, #tpu.memory_space<vmem_shared>>
      %dma_wait3A_285 = arith.constant 0 : i32
      %dma_wait3A_286 = tpu.memref_slice %arg15[%add3A_71, %dma_wait3A_285] : memref<10112x32xf32, #tpu.memory_space<vmem_shared>> -> memref<120x32xf32, #tpu.memory_space<vmem_shared>>
      %dma_wait3A_287 = arith.constant 0 : i32
      %dma_wait3A_288 = arith.constant 0 : i32
      %dma_wait3A_289 = tpu.memref_slice %arg10[%dma_wait3A_287, %dma_wait3A_288] : memref<128x32xf32, #tpu.memory_space<vmem>> -> memref<120x32xf32, #tpu.memory_space<vmem>>
      tpu.wait_dma2 semaphore(%run_scoped3A_269 : memref<!tpu.dma_semaphore, #tpu.memory_space<semaphore_mem>>) src(%dma_wait3A_289 : memref<120x32xf32, #tpu.memory_space<vmem>>) dst(%dma_wait3A_286 : memref<120x32xf32, #tpu.memory_space<vmem_shared>>)
      tpu.yield
    }) : () -> ()
    %dma_wait3A = arith.constant 0 : i32
    %dma_wait3A_134 = arith.constant 0 : i32
    %dma_wait3A_135 = tpu.memref_slice %arg4[%arg1, %dma_wait3A, %dma_wait3A_134] : memref<16x162x128xi32, #tpu.memory_space<hbm>> -> memref<1x162x128xi32, #tpu.memory_space<hbm>>
    %dma_wait3A_136 = tpu.memref_squeeze %dma_wait3A_135 : memref<1x162x128xi32, #tpu.memory_space<hbm>> -> memref<162x128xi32, #tpu.memory_space<hbm>>
    %dma_wait3A_137 = arith.constant 0 : i32
    %dma_wait3A_138 = arith.constant 0 : i32
    %dma_wait3A_139 = tpu.memref_slice %arg4[%arg1, %dma_wait3A_137, %dma_wait3A_138] : memref<16x162x128xi32, #tpu.memory_space<hbm>> -> memref<1x162x128xi32, #tpu.memory_space<hbm>>
    %dma_wait3A_140 = tpu.memref_squeeze %dma_wait3A_139 : memref<1x162x128xi32, #tpu.memory_space<hbm>> -> memref<162x128xi32, #tpu.memory_space<hbm>>
    tpu.wait_dma2 semaphore(%arg17 : memref<!tpu.dma_semaphore, #tpu.memory_space<semaphore_mem>>) src(%dma_wait3A_140 : memref<162x128xi32, #tpu.memory_space<hbm>>) dst(%arg7 : memref<162x128xi32, #tpu.memory_space<vmem>>)
    %dma_wait3A_141 = arith.constant 0 : i32
    %dma_wait3A_142 = arith.constant 0 : i32
    %dma_wait3A_143 = tpu.memref_slice %arg5[%arg1, %dma_wait3A_141, %dma_wait3A_142] : memref<16x162x128xi32, #tpu.memory_space<hbm>> -> memref<1x162x128xi32, #tpu.memory_space<hbm>>
    %dma_wait3A_144 = tpu.memref_squeeze %dma_wait3A_143 : memref<1x162x128xi32, #tpu.memory_space<hbm>> -> memref<162x128xi32, #tpu.memory_space<hbm>>
    %dma_wait3A_145 = arith.constant 0 : i32
    %dma_wait3A_146 = arith.constant 0 : i32
    %dma_wait3A_147 = tpu.memref_slice %arg5[%arg1, %dma_wait3A_145, %dma_wait3A_146] : memref<16x162x128xi32, #tpu.memory_space<hbm>> -> memref<1x162x128xi32, #tpu.memory_space<hbm>>
    %dma_wait3A_148 = tpu.memref_squeeze %dma_wait3A_147 : memref<1x162x128xi32, #tpu.memory_space<hbm>> -> memref<162x128xi32, #tpu.memory_space<hbm>>
    tpu.wait_dma2 semaphore(%arg17 : memref<!tpu.dma_semaphore, #tpu.memory_space<semaphore_mem>>) src(%dma_wait3A_148 : memref<162x128xi32, #tpu.memory_space<hbm>>) dst(%arg8 : memref<162x128xi32, #tpu.memory_space<vmem>>)
    %barrier3A = arith.constant 0 : index
    tpu.barrier barrier_id(%barrier3A)
    %dma_start3A_149 = arith.constant 0 : i32
    %dma_start3A_150 = arith.constant 0 : i32
    %dma_start3A_151 = arith.constant 0 : i32
    %dma_start3A_152 = arith.constant 0 : i32
    %dma_start3A_153 = tpu.memref_slice %arg9[%dma_start3A_150, %dma_start3A_151, %dma_start3A_152] : memref<3x128x32xf32, #tpu.memory_space<vmem>> -> memref<1x128x32xf32, #tpu.memory_space<vmem>>
    %dma_start3A_154 = tpu.memref_squeeze %dma_start3A_153 : memref<1x128x32xf32, #tpu.memory_space<vmem>> -> memref<128x32xf32, #tpu.memory_space<vmem>>
    %dma_start3A_155 = arith.constant 0 : i32
    %dma_start3A_156 = tpu.memref_slice %arg7[%dma_start3A_149, %dma_start3A_155] : memref<162x128xi32, #tpu.memory_space<vmem>> -> memref<1x128xi32, #tpu.memory_space<vmem>>
    %dma_start3A_157 = tpu.memref_squeeze %dma_start3A_156 : memref<1x128xi32, #tpu.memory_space<vmem>> -> memref<128xi32, #tpu.memory_space<vmem>>
    %dma_start3A_158 = arith.constant 0 : i32
    %dma_start3A_159 = arith.constant 0 : i32
    %dma_start3A_160 = tpu.memref_slice %arg16[%dma_start3A_158, %dma_start3A_159] : memref<10112x32xf32, #tpu.memory_space<vmem_shared>> -> memref<10112x32xf32, #tpu.memory_space<vmem_shared>>
    tpu.enqueue_indirect_dma source(%dma_start3A_160 : memref<10112x32xf32, #tpu.memory_space<vmem_shared>>) target(%dma_start3A_154 : memref<128x32xf32, #tpu.memory_space<vmem>>) offsets(%dma_start3A_157 : memref<128xi32, #tpu.memory_space<vmem>>) semaphore(%arg18 : memref<!tpu.dma_semaphore, #tpu.memory_space<semaphore_mem>>)
    %dma_start3A_161 = arith.constant 1 : i32
    %dma_start3A_162 = arith.constant 1 : i32
    %dma_start3A_163 = arith.constant 0 : i32
    %dma_start3A_164 = arith.constant 0 : i32
    %dma_start3A_165 = tpu.memref_slice %arg9[%dma_start3A_162, %dma_start3A_163, %dma_start3A_164] : memref<3x128x32xf32, #tpu.memory_space<vmem>> -> memref<1x128x32xf32, #tpu.memory_space<vmem>>
    %dma_start3A_166 = tpu.memref_squeeze %dma_start3A_165 : memref<1x128x32xf32, #tpu.memory_space<vmem>> -> memref<128x32xf32, #tpu.memory_space<vmem>>
    %dma_start3A_167 = arith.constant 0 : i32
    %dma_start3A_168 = tpu.memref_slice %arg7[%dma_start3A_161, %dma_start3A_167] : memref<162x128xi32, #tpu.memory_space<vmem>> -> memref<1x128xi32, #tpu.memory_space<vmem>>
    %dma_start3A_169 = tpu.memref_squeeze %dma_start3A_168 : memref<1x128xi32, #tpu.memory_space<vmem>> -> memref<128xi32, #tpu.memory_space<vmem>>
    %dma_start3A_170 = arith.constant 0 : i32
    %dma_start3A_171 = arith.constant 0 : i32
    %dma_start3A_172 = tpu.memref_slice %arg16[%dma_start3A_170, %dma_start3A_171] : memref<10112x32xf32, #tpu.memory_space<vmem_shared>> -> memref<10112x32xf32, #tpu.memory_space<vmem_shared>>
    tpu.enqueue_indirect_dma source(%dma_start3A_172 : memref<10112x32xf32, #tpu.memory_space<vmem_shared>>) target(%dma_start3A_166 : memref<128x32xf32, #tpu.memory_space<vmem>>) offsets(%dma_start3A_169 : memref<128xi32, #tpu.memory_space<vmem>>) semaphore(%arg18 : memref<!tpu.dma_semaphore, #tpu.memory_space<semaphore_mem>>)
    %scan3A_173 = arith.constant 0 : i32
    %scan3A_174 = arith.constant 54 : i32
    %scan3A_175 = arith.addi %scan3A_173, %scan3A_174 : i32
    %scan3A_176 = arith.constant 1 : i32
    scf.for %scan3A_269 = %scan3A_173 to %scan3A_175 step %scan3A_176  : i32 {
      %mul3A_270 = arith.constant 1 : i32
      %mul3A_271 = arith.muli %scan3A_269, %mul3A_270 : i32
      %add3A_272 = arith.constant 0 : i32
      %add3A_273 = arith.addi %add3A_272, %mul3A_271 : i32
      %mul3A_274 = arith.constant 3 : i32
      %mul3A_275 = arith.muli %mul3A_274, %add3A_273 : i32
      %add3A_276 = arith.constant 0 : i32
      %add3A_277 = arith.addi %mul3A_275, %add3A_276 : i32
      %dma_wait3A_278 = arith.constant 0 : i32
      %dma_wait3A_279 = arith.constant 0 : i32
      %dma_wait3A_280 = arith.constant 0 : i32
      %dma_wait3A_281 = tpu.memref_slice %arg9[%dma_wait3A_278, %dma_wait3A_279, %dma_wait3A_280] : memref<3x128x32xf32, #tpu.memory_space<vmem>> -> memref<1x128x32xf32, #tpu.memory_space<vmem>>
      %dma_wait3A_282 = tpu.memref_squeeze %dma_wait3A_281 : memref<1x128x32xf32, #tpu.memory_space<vmem>> -> memref<128x32xf32, #tpu.memory_space<vmem>>
      %dma_wait3A_283 = arith.constant 0 : i32
      %dma_wait3A_284 = tpu.memref_slice %arg7[%add3A_277, %dma_wait3A_283] : memref<162x128xi32, #tpu.memory_space<vmem>> -> memref<1x128xi32, #tpu.memory_space<vmem>>
      %dma_wait3A_285 = tpu.memref_squeeze %dma_wait3A_284 : memref<1x128xi32, #tpu.memory_space<vmem>> -> memref<128xi32, #tpu.memory_space<vmem>>
      %dma_wait3A_286 = arith.constant 0 : i32
      %dma_wait3A_287 = arith.constant 0 : i32
      %dma_wait3A_288 = tpu.memref_slice %arg16[%dma_wait3A_286, %dma_wait3A_287] : memref<10112x32xf32, #tpu.memory_space<vmem_shared>> -> memref<10112x32xf32, #tpu.memory_space<vmem_shared>>
      tpu.wait_indirect_dma semaphore(%arg18 : memref<!tpu.dma_semaphore, #tpu.memory_space<semaphore_mem>>) src(%dma_wait3A_288 : memref<10112x32xf32, #tpu.memory_space<vmem_shared>>) dst(%dma_wait3A_282 : memref<128x32xf32, #tpu.memory_space<vmem>>)
      %ge3A = arith.constant 1 : i32
      %ge3A_289 = arith.cmpi sge, %add3A_277, %ge3A : i32
      %convert_element_type3A = arith.extui %ge3A_289 : i1 to i32
      %cond3A = arith.constant 0 : i32
      %cond3A_290 = arith.cmpi ne, %convert_element_type3A, %cond3A : i32
      scf.if %cond3A_290 {
        %dma_wait3A_381 = arith.constant 2 : i32
        %dma_wait3A_382 = arith.constant 0 : i32
        %dma_wait3A_383 = arith.constant 0 : i32
        %dma_wait3A_384 = tpu.memref_slice %arg9[%dma_wait3A_381, %dma_wait3A_382, %dma_wait3A_383] : memref<3x128x32xf32, #tpu.memory_space<vmem>> -> memref<1x128x32xf32, #tpu.memory_space<vmem>>
        %dma_wait3A_385 = tpu.memref_squeeze %dma_wait3A_384 : memref<1x128x32xf32, #tpu.memory_space<vmem>> -> memref<128x32xf32, #tpu.memory_space<vmem>>
        %dma_wait3A_386 = arith.constant 0 : i32
        %dma_wait3A_387 = tpu.memref_slice %arg8[%add3A_277, %dma_wait3A_386] : memref<162x128xi32, #tpu.memory_space<vmem>> -> memref<1x128xi32, #tpu.memory_space<vmem>>
        %dma_wait3A_388 = tpu.memref_squeeze %dma_wait3A_387 : memref<1x128xi32, #tpu.memory_space<vmem>> -> memref<128xi32, #tpu.memory_space<vmem>>
        %dma_wait3A_389 = arith.constant 0 : i32
        %dma_wait3A_390 = arith.constant 0 : i32
        %dma_wait3A_391 = tpu.memref_slice %arg15[%dma_wait3A_389, %dma_wait3A_390] : memref<10112x32xf32, #tpu.memory_space<vmem_shared>> -> memref<10112x32xf32, #tpu.memory_space<vmem_shared>>
        tpu.wait_indirect_dma semaphore(%arg19 : memref<!tpu.dma_semaphore, #tpu.memory_space<semaphore_mem>>) src(%dma_wait3A_385 : memref<128x32xf32, #tpu.memory_space<vmem>>) dst(%dma_wait3A_391 : memref<10112x32xf32, #tpu.memory_space<vmem_shared>>)
      } else {
      }
      %dma_start3A_291 = arith.constant 0 : i32
      %dma_start3A_292 = arith.constant 0 : i32
      %dma_start3A_293 = arith.constant 0 : i32
      %dma_start3A_294 = tpu.memref_slice %arg9[%dma_start3A_291, %dma_start3A_292, %dma_start3A_293] : memref<3x128x32xf32, #tpu.memory_space<vmem>> -> memref<1x128x32xf32, #tpu.memory_space<vmem>>
      %dma_start3A_295 = tpu.memref_squeeze %dma_start3A_294 : memref<1x128x32xf32, #tpu.memory_space<vmem>> -> memref<128x32xf32, #tpu.memory_space<vmem>>
      %dma_start3A_296 = arith.constant 0 : i32
      %dma_start3A_297 = tpu.memref_slice %arg8[%add3A_277, %dma_start3A_296] : memref<162x128xi32, #tpu.memory_space<vmem>> -> memref<1x128xi32, #tpu.memory_space<vmem>>
      %dma_start3A_298 = tpu.memref_squeeze %dma_start3A_297 : memref<1x128xi32, #tpu.memory_space<vmem>> -> memref<128xi32, #tpu.memory_space<vmem>>
      %dma_start3A_299 = arith.constant 0 : i32
      %dma_start3A_300 = arith.constant 0 : i32
      %dma_start3A_301 = tpu.memref_slice %arg15[%dma_start3A_299, %dma_start3A_300] : memref<10112x32xf32, #tpu.memory_space<vmem_shared>> -> memref<10112x32xf32, #tpu.memory_space<vmem_shared>>
      tpu.enqueue_indirect_dma source(%dma_start3A_295 : memref<128x32xf32, #tpu.memory_space<vmem>>) target(%dma_start3A_301 : memref<10112x32xf32, #tpu.memory_space<vmem_shared>>) offsets(%dma_start3A_298 : memref<128xi32, #tpu.memory_space<vmem>>) semaphore(%arg19 : memref<!tpu.dma_semaphore, #tpu.memory_space<semaphore_mem>>) {add = true}
      %add3A_302 = arith.constant 2 : i32
      %add3A_303 = arith.addi %add3A_277, %add3A_302 : i32
      %lt3A_304 = arith.constant 162 : i32
      %lt3A_305 = arith.cmpi slt, %add3A_303, %lt3A_304 : i32
      %convert_element_type3A_306 = arith.extui %lt3A_305 : i1 to i32
      %cond3A_307 = arith.constant 0 : i32
      %cond3A_308 = arith.cmpi ne, %convert_element_type3A_306, %cond3A_307 : i32
      scf.if %cond3A_308 {
        %add3A_381 = arith.constant 2 : i32
        %add3A_382 = arith.addi %add3A_277, %add3A_381 : i32
        %dma_start3A_383 = arith.constant 2 : i32
        %dma_start3A_384 = arith.constant 0 : i32
        %dma_start3A_385 = arith.constant 0 : i32
        %dma_start3A_386 = tpu.memref_slice %arg9[%dma_start3A_383, %dma_start3A_384, %dma_start3A_385] : memref<3x128x32xf32, #tpu.memory_space<vmem>> -> memref<1x128x32xf32, #tpu.memory_space<vmem>>
        %dma_start3A_387 = tpu.memref_squeeze %dma_start3A_386 : memref<1x128x32xf32, #tpu.memory_space<vmem>> -> memref<128x32xf32, #tpu.memory_space<vmem>>
        %dma_start3A_388 = arith.constant 0 : i32
        %dma_start3A_389 = tpu.memref_slice %arg7[%add3A_382, %dma_start3A_388] : memref<162x128xi32, #tpu.memory_space<vmem>> -> memref<1x128xi32, #tpu.memory_space<vmem>>
        %dma_start3A_390 = tpu.memref_squeeze %dma_start3A_389 : memref<1x128xi32, #tpu.memory_space<vmem>> -> memref<128xi32, #tpu.memory_space<vmem>>
        %dma_start3A_391 = arith.constant 0 : i32
        %dma_start3A_392 = arith.constant 0 : i32
        %dma_start3A_393 = tpu.memref_slice %arg16[%dma_start3A_391, %dma_start3A_392] : memref<10112x32xf32, #tpu.memory_space<vmem_shared>> -> memref<10112x32xf32, #tpu.memory_space<vmem_shared>>
        tpu.enqueue_indirect_dma source(%dma_start3A_393 : memref<10112x32xf32, #tpu.memory_space<vmem_shared>>) target(%dma_start3A_387 : memref<128x32xf32, #tpu.memory_space<vmem>>) offsets(%dma_start3A_390 : memref<128xi32, #tpu.memory_space<vmem>>) semaphore(%arg18 : memref<!tpu.dma_semaphore, #tpu.memory_space<semaphore_mem>>)
      } else {
      }
      %add3A_309 = arith.constant 1 : i32
      %add3A_310 = arith.addi %mul3A_275, %add3A_309 : i32
      %dma_wait3A_311 = arith.constant 1 : i32
      %dma_wait3A_312 = arith.constant 0 : i32
      %dma_wait3A_313 = arith.constant 0 : i32
      %dma_wait3A_314 = tpu.memref_slice %arg9[%dma_wait3A_311, %dma_wait3A_312, %dma_wait3A_313] : memref<3x128x32xf32, #tpu.memory_space<vmem>> -> memref<1x128x32xf32, #tpu.memory_space<vmem>>
      %dma_wait3A_315 = tpu.memref_squeeze %dma_wait3A_314 : memref<1x128x32xf32, #tpu.memory_space<vmem>> -> memref<128x32xf32, #tpu.memory_space<vmem>>
      %dma_wait3A_316 = arith.constant 0 : i32
      %dma_wait3A_317 = tpu.memref_slice %arg7[%add3A_310, %dma_wait3A_316] : memref<162x128xi32, #tpu.memory_space<vmem>> -> memref<1x128xi32, #tpu.memory_space<vmem>>
      %dma_wait3A_318 = tpu.memref_squeeze %dma_wait3A_317 : memref<1x128xi32, #tpu.memory_space<vmem>> -> memref<128xi32, #tpu.memory_space<vmem>>
      %dma_wait3A_319 = arith.constant 0 : i32
      %dma_wait3A_320 = arith.constant 0 : i32
      %dma_wait3A_321 = tpu.memref_slice %arg16[%dma_wait3A_319, %dma_wait3A_320] : memref<10112x32xf32, #tpu.memory_space<vmem_shared>> -> memref<10112x32xf32, #tpu.memory_space<vmem_shared>>
      tpu.wait_indirect_dma semaphore(%arg18 : memref<!tpu.dma_semaphore, #tpu.memory_space<semaphore_mem>>) src(%dma_wait3A_321 : memref<10112x32xf32, #tpu.memory_space<vmem_shared>>) dst(%dma_wait3A_315 : memref<128x32xf32, #tpu.memory_space<vmem>>)
      %ge3A_322 = arith.constant 1 : i32
      %ge3A_323 = arith.cmpi sge, %add3A_310, %ge3A_322 : i32
      %convert_element_type3A_324 = arith.extui %ge3A_323 : i1 to i32
      %cond3A_325 = arith.constant 0 : i32
      %cond3A_326 = arith.cmpi ne, %convert_element_type3A_324, %cond3A_325 : i32
      scf.if %cond3A_326 {
        %dma_wait3A_381 = arith.constant 0 : i32
        %dma_wait3A_382 = arith.constant 0 : i32
        %dma_wait3A_383 = arith.constant 0 : i32
        %dma_wait3A_384 = tpu.memref_slice %arg9[%dma_wait3A_381, %dma_wait3A_382, %dma_wait3A_383] : memref<3x128x32xf32, #tpu.memory_space<vmem>> -> memref<1x128x32xf32, #tpu.memory_space<vmem>>
        %dma_wait3A_385 = tpu.memref_squeeze %dma_wait3A_384 : memref<1x128x32xf32, #tpu.memory_space<vmem>> -> memref<128x32xf32, #tpu.memory_space<vmem>>
        %dma_wait3A_386 = arith.constant 0 : i32
        %dma_wait3A_387 = tpu.memref_slice %arg8[%add3A_310, %dma_wait3A_386] : memref<162x128xi32, #tpu.memory_space<vmem>> -> memref<1x128xi32, #tpu.memory_space<vmem>>
        %dma_wait3A_388 = tpu.memref_squeeze %dma_wait3A_387 : memref<1x128xi32, #tpu.memory_space<vmem>> -> memref<128xi32, #tpu.memory_space<vmem>>
        %dma_wait3A_389 = arith.constant 0 : i32
        %dma_wait3A_390 = arith.constant 0 : i32
        %dma_wait3A_391 = tpu.memref_slice %arg15[%dma_wait3A_389, %dma_wait3A_390] : memref<10112x32xf32, #tpu.memory_space<vmem_shared>> -> memref<10112x32xf32, #tpu.memory_space<vmem_shared>>
        tpu.wait_indirect_dma semaphore(%arg19 : memref<!tpu.dma_semaphore, #tpu.memory_space<semaphore_mem>>) src(%dma_wait3A_385 : memref<128x32xf32, #tpu.memory_space<vmem>>) dst(%dma_wait3A_391 : memref<10112x32xf32, #tpu.memory_space<vmem_shared>>)
      } else {
      }
      %dma_start3A_327 = arith.constant 1 : i32
      %dma_start3A_328 = arith.constant 0 : i32
      %dma_start3A_329 = arith.constant 0 : i32
      %dma_start3A_330 = tpu.memref_slice %arg9[%dma_start3A_327, %dma_start3A_328, %dma_start3A_329] : memref<3x128x32xf32, #tpu.memory_space<vmem>> -> memref<1x128x32xf32, #tpu.memory_space<vmem>>
      %dma_start3A_331 = tpu.memref_squeeze %dma_start3A_330 : memref<1x128x32xf32, #tpu.memory_space<vmem>> -> memref<128x32xf32, #tpu.memory_space<vmem>>
      %dma_start3A_332 = arith.constant 0 : i32
      %dma_start3A_333 = tpu.memref_slice %arg8[%add3A_310, %dma_start3A_332] : memref<162x128xi32, #tpu.memory_space<vmem>> -> memref<1x128xi32, #tpu.memory_space<vmem>>
      %dma_start3A_334 = tpu.memref_squeeze %dma_start3A_333 : memref<1x128xi32, #tpu.memory_space<vmem>> -> memref<128xi32, #tpu.memory_space<vmem>>
      %dma_start3A_335 = arith.constant 0 : i32
      %dma_start3A_336 = arith.constant 0 : i32
      %dma_start3A_337 = tpu.memref_slice %arg15[%dma_start3A_335, %dma_start3A_336] : memref<10112x32xf32, #tpu.memory_space<vmem_shared>> -> memref<10112x32xf32, #tpu.memory_space<vmem_shared>>
      tpu.enqueue_indirect_dma source(%dma_start3A_331 : memref<128x32xf32, #tpu.memory_space<vmem>>) target(%dma_start3A_337 : memref<10112x32xf32, #tpu.memory_space<vmem_shared>>) offsets(%dma_start3A_334 : memref<128xi32, #tpu.memory_space<vmem>>) semaphore(%arg19 : memref<!tpu.dma_semaphore, #tpu.memory_space<semaphore_mem>>) {add = true}
      %add3A_338 = arith.constant 2 : i32
      %add3A_339 = arith.addi %add3A_310, %add3A_338 : i32
      %lt3A_340 = arith.constant 162 : i32
      %lt3A_341 = arith.cmpi slt, %add3A_339, %lt3A_340 : i32
      %convert_element_type3A_342 = arith.extui %lt3A_341 : i1 to i32
      %cond3A_343 = arith.constant 0 : i32
      %cond3A_344 = arith.cmpi ne, %convert_element_type3A_342, %cond3A_343 : i32
      scf.if %cond3A_344 {
        %add3A_381 = arith.constant 2 : i32
        %add3A_382 = arith.addi %add3A_310, %add3A_381 : i32
        %dma_start3A_383 = arith.constant 0 : i32
        %dma_start3A_384 = arith.constant 0 : i32
        %dma_start3A_385 = arith.constant 0 : i32
        %dma_start3A_386 = tpu.memref_slice %arg9[%dma_start3A_383, %dma_start3A_384, %dma_start3A_385] : memref<3x128x32xf32, #tpu.memory_space<vmem>> -> memref<1x128x32xf32, #tpu.memory_space<vmem>>
        %dma_start3A_387 = tpu.memref_squeeze %dma_start3A_386 : memref<1x128x32xf32, #tpu.memory_space<vmem>> -> memref<128x32xf32, #tpu.memory_space<vmem>>
        %dma_start3A_388 = arith.constant 0 : i32
        %dma_start3A_389 = tpu.memref_slice %arg7[%add3A_382, %dma_start3A_388] : memref<162x128xi32, #tpu.memory_space<vmem>> -> memref<1x128xi32, #tpu.memory_space<vmem>>
        %dma_start3A_390 = tpu.memref_squeeze %dma_start3A_389 : memref<1x128xi32, #tpu.memory_space<vmem>> -> memref<128xi32, #tpu.memory_space<vmem>>
        %dma_start3A_391 = arith.constant 0 : i32
        %dma_start3A_392 = arith.constant 0 : i32
        %dma_start3A_393 = tpu.memref_slice %arg16[%dma_start3A_391, %dma_start3A_392] : memref<10112x32xf32, #tpu.memory_space<vmem_shared>> -> memref<10112x32xf32, #tpu.memory_space<vmem_shared>>
        tpu.enqueue_indirect_dma source(%dma_start3A_393 : memref<10112x32xf32, #tpu.memory_space<vmem_shared>>) target(%dma_start3A_387 : memref<128x32xf32, #tpu.memory_space<vmem>>) offsets(%dma_start3A_390 : memref<128xi32, #tpu.memory_space<vmem>>) semaphore(%arg18 : memref<!tpu.dma_semaphore, #tpu.memory_space<semaphore_mem>>)
      } else {
      }
      %add3A_345 = arith.constant 2 : i32
      %add3A_346 = arith.addi %mul3A_275, %add3A_345 : i32
      %dma_wait3A_347 = arith.constant 2 : i32
      %dma_wait3A_348 = arith.constant 0 : i32
      %dma_wait3A_349 = arith.constant 0 : i32
      %dma_wait3A_350 = tpu.memref_slice %arg9[%dma_wait3A_347, %dma_wait3A_348, %dma_wait3A_349] : memref<3x128x32xf32, #tpu.memory_space<vmem>> -> memref<1x128x32xf32, #tpu.memory_space<vmem>>
      %dma_wait3A_351 = tpu.memref_squeeze %dma_wait3A_350 : memref<1x128x32xf32, #tpu.memory_space<vmem>> -> memref<128x32xf32, #tpu.memory_space<vmem>>
      %dma_wait3A_352 = arith.constant 0 : i32
      %dma_wait3A_353 = tpu.memref_slice %arg7[%add3A_346, %dma_wait3A_352] : memref<162x128xi32, #tpu.memory_space<vmem>> -> memref<1x128xi32, #tpu.memory_space<vmem>>
      %dma_wait3A_354 = tpu.memref_squeeze %dma_wait3A_353 : memref<1x128xi32, #tpu.memory_space<vmem>> -> memref<128xi32, #tpu.memory_space<vmem>>
      %dma_wait3A_355 = arith.constant 0 : i32
      %dma_wait3A_356 = arith.constant 0 : i32
      %dma_wait3A_357 = tpu.memref_slice %arg16[%dma_wait3A_355, %dma_wait3A_356] : memref<10112x32xf32, #tpu.memory_space<vmem_shared>> -> memref<10112x32xf32, #tpu.memory_space<vmem_shared>>
      tpu.wait_indirect_dma semaphore(%arg18 : memref<!tpu.dma_semaphore, #tpu.memory_space<semaphore_mem>>) src(%dma_wait3A_357 : memref<10112x32xf32, #tpu.memory_space<vmem_shared>>) dst(%dma_wait3A_351 : memref<128x32xf32, #tpu.memory_space<vmem>>)
      %ge3A_358 = arith.constant 1 : i32
      %ge3A_359 = arith.cmpi sge, %add3A_346, %ge3A_358 : i32
      %convert_element_type3A_360 = arith.extui %ge3A_359 : i1 to i32
      %cond3A_361 = arith.constant 0 : i32
      %cond3A_362 = arith.cmpi ne, %convert_element_type3A_360, %cond3A_361 : i32
      scf.if %cond3A_362 {
        %dma_wait3A_381 = arith.constant 1 : i32
        %dma_wait3A_382 = arith.constant 0 : i32
        %dma_wait3A_383 = arith.constant 0 : i32
        %dma_wait3A_384 = tpu.memref_slice %arg9[%dma_wait3A_381, %dma_wait3A_382, %dma_wait3A_383] : memref<3x128x32xf32, #tpu.memory_space<vmem>> -> memref<1x128x32xf32, #tpu.memory_space<vmem>>
        %dma_wait3A_385 = tpu.memref_squeeze %dma_wait3A_384 : memref<1x128x32xf32, #tpu.memory_space<vmem>> -> memref<128x32xf32, #tpu.memory_space<vmem>>
        %dma_wait3A_386 = arith.constant 0 : i32
        %dma_wait3A_387 = tpu.memref_slice %arg8[%add3A_346, %dma_wait3A_386] : memref<162x128xi32, #tpu.memory_space<vmem>> -> memref<1x128xi32, #tpu.memory_space<vmem>>
        %dma_wait3A_388 = tpu.memref_squeeze %dma_wait3A_387 : memref<1x128xi32, #tpu.memory_space<vmem>> -> memref<128xi32, #tpu.memory_space<vmem>>
        %dma_wait3A_389 = arith.constant 0 : i32
        %dma_wait3A_390 = arith.constant 0 : i32
        %dma_wait3A_391 = tpu.memref_slice %arg15[%dma_wait3A_389, %dma_wait3A_390] : memref<10112x32xf32, #tpu.memory_space<vmem_shared>> -> memref<10112x32xf32, #tpu.memory_space<vmem_shared>>
        tpu.wait_indirect_dma semaphore(%arg19 : memref<!tpu.dma_semaphore, #tpu.memory_space<semaphore_mem>>) src(%dma_wait3A_385 : memref<128x32xf32, #tpu.memory_space<vmem>>) dst(%dma_wait3A_391 : memref<10112x32xf32, #tpu.memory_space<vmem_shared>>)
      } else {
      }
      %dma_start3A_363 = arith.constant 2 : i32
      %dma_start3A_364 = arith.constant 0 : i32
      %dma_start3A_365 = arith.constant 0 : i32
      %dma_start3A_366 = tpu.memref_slice %arg9[%dma_start3A_363, %dma_start3A_364, %dma_start3A_365] : memref<3x128x32xf32, #tpu.memory_space<vmem>> -> memref<1x128x32xf32, #tpu.memory_space<vmem>>
      %dma_start3A_367 = tpu.memref_squeeze %dma_start3A_366 : memref<1x128x32xf32, #tpu.memory_space<vmem>> -> memref<128x32xf32, #tpu.memory_space<vmem>>
      %dma_start3A_368 = arith.constant 0 : i32
      %dma_start3A_369 = tpu.memref_slice %arg8[%add3A_346, %dma_start3A_368] : memref<162x128xi32, #tpu.memory_space<vmem>> -> memref<1x128xi32, #tpu.memory_space<vmem>>
      %dma_start3A_370 = tpu.memref_squeeze %dma_start3A_369 : memref<1x128xi32, #tpu.memory_space<vmem>> -> memref<128xi32, #tpu.memory_space<vmem>>
      %dma_start3A_371 = arith.constant 0 : i32
      %dma_start3A_372 = arith.constant 0 : i32
      %dma_start3A_373 = tpu.memref_slice %arg15[%dma_start3A_371, %dma_start3A_372] : memref<10112x32xf32, #tpu.memory_space<vmem_shared>> -> memref<10112x32xf32, #tpu.memory_space<vmem_shared>>
      tpu.enqueue_indirect_dma source(%dma_start3A_367 : memref<128x32xf32, #tpu.memory_space<vmem>>) target(%dma_start3A_373 : memref<10112x32xf32, #tpu.memory_space<vmem_shared>>) offsets(%dma_start3A_370 : memref<128xi32, #tpu.memory_space<vmem>>) semaphore(%arg19 : memref<!tpu.dma_semaphore, #tpu.memory_space<semaphore_mem>>) {add = true}
      %add3A_374 = arith.constant 2 : i32
      %add3A_375 = arith.addi %add3A_346, %add3A_374 : i32
      %lt3A_376 = arith.constant 162 : i32
      %lt3A_377 = arith.cmpi slt, %add3A_375, %lt3A_376 : i32
      %convert_element_type3A_378 = arith.extui %lt3A_377 : i1 to i32
      %cond3A_379 = arith.constant 0 : i32
      %cond3A_380 = arith.cmpi ne, %convert_element_type3A_378, %cond3A_379 : i32
      scf.if %cond3A_380 {
        %add3A_381 = arith.constant 2 : i32
        %add3A_382 = arith.addi %add3A_346, %add3A_381 : i32
        %dma_start3A_383 = arith.constant 1 : i32
        %dma_start3A_384 = arith.constant 0 : i32
        %dma_start3A_385 = arith.constant 0 : i32
        %dma_start3A_386 = tpu.memref_slice %arg9[%dma_start3A_383, %dma_start3A_384, %dma_start3A_385] : memref<3x128x32xf32, #tpu.memory_space<vmem>> -> memref<1x128x32xf32, #tpu.memory_space<vmem>>
        %dma_start3A_387 = tpu.memref_squeeze %dma_start3A_386 : memref<1x128x32xf32, #tpu.memory_space<vmem>> -> memref<128x32xf32, #tpu.memory_space<vmem>>
        %dma_start3A_388 = arith.constant 0 : i32
        %dma_start3A_389 = tpu.memref_slice %arg7[%add3A_382, %dma_start3A_388] : memref<162x128xi32, #tpu.memory_space<vmem>> -> memref<1x128xi32, #tpu.memory_space<vmem>>
        %dma_start3A_390 = tpu.memref_squeeze %dma_start3A_389 : memref<1x128xi32, #tpu.memory_space<vmem>> -> memref<128xi32, #tpu.memory_space<vmem>>
        %dma_start3A_391 = arith.constant 0 : i32
        %dma_start3A_392 = arith.constant 0 : i32
        %dma_start3A_393 = tpu.memref_slice %arg16[%dma_start3A_391, %dma_start3A_392] : memref<10112x32xf32, #tpu.memory_space<vmem_shared>> -> memref<10112x32xf32, #tpu.memory_space<vmem_shared>>
        tpu.enqueue_indirect_dma source(%dma_start3A_393 : memref<10112x32xf32, #tpu.memory_space<vmem_shared>>) target(%dma_start3A_387 : memref<128x32xf32, #tpu.memory_space<vmem>>) offsets(%dma_start3A_390 : memref<128xi32, #tpu.memory_space<vmem>>) semaphore(%arg18 : memref<!tpu.dma_semaphore, #tpu.memory_space<semaphore_mem>>)
      } else {
      }
    }
    %scan3A_177 = arith.constant 54 : i32
    %dma_wait3A_178 = arith.constant 2 : i32
    %dma_wait3A_179 = arith.constant 0 : i32
    %dma_wait3A_180 = arith.constant 0 : i32
    %dma_wait3A_181 = arith.constant 0 : i32
    %dma_wait3A_182 = tpu.memref_slice %arg9[%dma_wait3A_178, %dma_wait3A_180, %dma_wait3A_181] : memref<3x128x32xf32, #tpu.memory_space<vmem>> -> memref<1x128x32xf32, #tpu.memory_space<vmem>>
    %dma_wait3A_183 = tpu.memref_squeeze %dma_wait3A_182 : memref<1x128x32xf32, #tpu.memory_space<vmem>> -> memref<128x32xf32, #tpu.memory_space<vmem>>
    %dma_wait3A_184 = arith.constant 0 : i32
    %dma_wait3A_185 = tpu.memref_slice %arg8[%dma_wait3A_179, %dma_wait3A_184] : memref<162x128xi32, #tpu.memory_space<vmem>> -> memref<1x128xi32, #tpu.memory_space<vmem>>
    %dma_wait3A_186 = tpu.memref_squeeze %dma_wait3A_185 : memref<1x128xi32, #tpu.memory_space<vmem>> -> memref<128xi32, #tpu.memory_space<vmem>>
    %dma_wait3A_187 = arith.constant 0 : i32
    %dma_wait3A_188 = arith.constant 0 : i32
    %dma_wait3A_189 = tpu.memref_slice %arg15[%dma_wait3A_187, %dma_wait3A_188] : memref<10112x32xf32, #tpu.memory_space<vmem_shared>> -> memref<10112x32xf32, #tpu.memory_space<vmem_shared>>
    tpu.wait_indirect_dma semaphore(%arg19 : memref<!tpu.dma_semaphore, #tpu.memory_space<semaphore_mem>>) src(%dma_wait3A_183 : memref<128x32xf32, #tpu.memory_space<vmem>>) dst(%dma_wait3A_189 : memref<10112x32xf32, #tpu.memory_space<vmem_shared>>)
    %barrier3A_190 = arith.constant 0 : index
    tpu.barrier barrier_id(%barrier3A_190)
    %add3A_191 = arith.constant 0 : i32
    %add3A_192 = arith.addi %mul3A_0, %add3A_191 : i32
    "tpu.region"() ({
      %run_scoped3A_269 = tpu.sem_alloc : memref<!tpu.dma_semaphore, #tpu.memory_space<semaphore_mem>>
      %dma_start3A_270 = arith.constant 0 : i32
      %dma_start3A_271 = arith.constant 0 : i32
      %dma_start3A_272 = tpu.memref_slice %arg10[%dma_start3A_270, %dma_start3A_271] : memref<128x32xf32, #tpu.memory_space<vmem>> -> memref<128x32xf32, #tpu.memory_space<vmem>>
      %dma_start3A_273 = arith.constant 0 : i32
      %dma_start3A_274 = tpu.memref_slice %arg15[%add3A_192, %dma_start3A_273] : memref<10112x32xf32, #tpu.memory_space<vmem_shared>> -> memref<128x32xf32, #tpu.memory_space<vmem_shared>>
      %dma_start3A_275 = arith.constant 0 : i32
      %dma_start3A_276 = arith.constant 0 : i32
      %dma_start3A_277 = tpu.memref_slice %arg10[%dma_start3A_275, %dma_start3A_276] : memref<128x32xf32, #tpu.memory_space<vmem>> -> memref<128x32xf32, #tpu.memory_space<vmem>>
      %dma_start3A_278 = arith.constant 0 : i32
      %dma_start3A_279 = tpu.memref_slice %arg15[%add3A_192, %dma_start3A_278] : memref<10112x32xf32, #tpu.memory_space<vmem_shared>> -> memref<128x32xf32, #tpu.memory_space<vmem_shared>>
      tpu.enqueue_dma source(%dma_start3A_279 : memref<128x32xf32, #tpu.memory_space<vmem_shared>>) target(%dma_start3A_277 : memref<128x32xf32, #tpu.memory_space<vmem>>) target_semaphore(%run_scoped3A_269 : memref<!tpu.dma_semaphore, #tpu.memory_space<semaphore_mem>>)
      %dma_wait3A_280 = arith.constant 0 : i32
      %dma_wait3A_281 = arith.constant 0 : i32
      %dma_wait3A_282 = tpu.memref_slice %arg10[%dma_wait3A_280, %dma_wait3A_281] : memref<128x32xf32, #tpu.memory_space<vmem>> -> memref<128x32xf32, #tpu.memory_space<vmem>>
      %dma_wait3A_283 = arith.constant 0 : i32
      %dma_wait3A_284 = tpu.memref_slice %arg15[%add3A_192, %dma_wait3A_283] : memref<10112x32xf32, #tpu.memory_space<vmem_shared>> -> memref<128x32xf32, #tpu.memory_space<vmem_shared>>
      %dma_wait3A_285 = arith.constant 0 : i32
      %dma_wait3A_286 = arith.constant 0 : i32
      %dma_wait3A_287 = tpu.memref_slice %arg10[%dma_wait3A_285, %dma_wait3A_286] : memref<128x32xf32, #tpu.memory_space<vmem>> -> memref<128x32xf32, #tpu.memory_space<vmem>>
      %dma_wait3A_288 = arith.constant 0 : i32
      %dma_wait3A_289 = tpu.memref_slice %arg15[%add3A_192, %dma_wait3A_288] : memref<10112x32xf32, #tpu.memory_space<vmem_shared>> -> memref<128x32xf32, #tpu.memory_space<vmem_shared>>
      tpu.wait_dma2 semaphore(%run_scoped3A_269 : memref<!tpu.dma_semaphore, #tpu.memory_space<semaphore_mem>>) src(%dma_wait3A_289 : memref<128x32xf32, #tpu.memory_space<vmem_shared>>) dst(%dma_wait3A_287 : memref<128x32xf32, #tpu.memory_space<vmem>>)
      tpu.yield
    }) : () -> ()
    %scan3A_193 = arith.constant 0 : i32
    %scan3A_194 = arith.constant 128 : i32
    %scan3A_195 = arith.addi %scan3A_193, %scan3A_194 : i32
    %scan3A_196 = arith.constant 1 : i32
    scf.for %scan3A_269 = %scan3A_193 to %scan3A_195 step %scan3A_196  : i32 {
      %mul3A_270 = arith.constant 1 : i32
      %mul3A_271 = arith.muli %scan3A_269, %mul3A_270 : i32
      %add3A_272 = arith.constant 0 : i32
      %add3A_273 = arith.addi %add3A_272, %mul3A_271 : i32
      %add3A_274 = arith.constant 0 : i32
      %add3A_275 = arith.addi %add3A_274, %add3A_273 : i32
      %broadcast_in_dim3A_276 = arith.constant 0 : i32
      %broadcast_in_dim3A_277 = vector.broadcast %broadcast_in_dim3A_276 : i32 to vector<16xi32>
      %add3A_278 = vector.broadcast %add3A_275 : i32 to vector<16xi32>
      %add3A_279 = arith.addi %broadcast_in_dim3A_277, %add3A_278 : vector<16xi32>
      %gather3A_280 = tpu.vector_load_idx %arg14[%add3A_279] : memref<632xf32, #tpu.memory_space<vmem>>[vector<16xi32>], vector<16xf32>,
      %get3A = arith.index_cast %add3A_273 : i32 to index
      %get3A_281 = arith.constant 0 : index
      %get3A_282 = tpu.vector_load %arg10[%get3A, %get3A_281] {strides = array<i32>} : memref<128x32xf32, #tpu.memory_space<vmem>>, vector<16xf32>,
      %mul3A_283 = arith.mulf %get3A_282, %gather3A_280 : vector<16xf32>
      %swap3A = arith.index_cast %add3A_273 : i32 to index
      %swap3A_284 = arith.constant 0 : index
      %swap3A_285 = tpu.vector_load %arg10[%swap3A, %swap3A_284] {strides = array<i32>} : memref<128x32xf32, #tpu.memory_space<vmem>>, vector<16xf32>,
      tpu.vector_store %arg10[%swap3A, %swap3A_284], %mul3A_283 {strides = array<i32>} : memref<128x32xf32, #tpu.memory_space<vmem>>, vector<16xf32>,
      %get3A_286 = arith.index_cast %add3A_273 : i32 to index
      %get3A_287 = arith.constant 16 : index
      %get3A_288 = tpu.vector_load %arg10[%get3A_286, %get3A_287] {strides = array<i32>} : memref<128x32xf32, #tpu.memory_space<vmem>>, vector<16xf32>,
      %mul3A_289 = arith.mulf %get3A_288, %gather3A_280 : vector<16xf32>
      %swap3A_290 = arith.index_cast %add3A_273 : i32 to index
      %swap3A_291 = arith.constant 16 : index
      %swap3A_292 = tpu.vector_load %arg10[%swap3A_290, %swap3A_291] {strides = array<i32>} : memref<128x32xf32, #tpu.memory_space<vmem>>, vector<16xf32>,
      tpu.vector_store %arg10[%swap3A_290, %swap3A_291], %mul3A_289 {strides = array<i32>} : memref<128x32xf32, #tpu.memory_space<vmem>>, vector<16xf32>,
    }
    %scan3A_197 = arith.constant 128 : i32
    "tpu.region"() ({
      %run_scoped3A_269 = tpu.sem_alloc : memref<!tpu.dma_semaphore, #tpu.memory_space<semaphore_mem>>
      %dma_start3A_270 = arith.constant 0 : i32
      %dma_start3A_271 = arith.constant 0 : i32
      %dma_start3A_272 = tpu.memref_slice %arg10[%dma_start3A_270, %dma_start3A_271] : memref<128x32xf32, #tpu.memory_space<vmem>> -> memref<128x32xf32, #tpu.memory_space<vmem>>
      %dma_start3A_273 = arith.constant 0 : i32
      %dma_start3A_274 = tpu.memref_slice %arg16[%add3A_192, %dma_start3A_273] : memref<10112x32xf32, #tpu.memory_space<vmem_shared>> -> memref<128x32xf32, #tpu.memory_space<vmem_shared>>
      %dma_start3A_275 = arith.constant 0 : i32
      %dma_start3A_276 = tpu.memref_slice %arg16[%add3A_192, %dma_start3A_275] : memref<10112x32xf32, #tpu.memory_space<vmem_shared>> -> memref<128x32xf32, #tpu.memory_space<vmem_shared>>
      %dma_start3A_277 = arith.constant 0 : i32
      %dma_start3A_278 = arith.constant 0 : i32
      %dma_start3A_279 = tpu.memref_slice %arg10[%dma_start3A_277, %dma_start3A_278] : memref<128x32xf32, #tpu.memory_space<vmem>> -> memref<128x32xf32, #tpu.memory_space<vmem>>
      tpu.enqueue_dma source(%dma_start3A_279 : memref<128x32xf32, #tpu.memory_space<vmem>>) target(%dma_start3A_276 : memref<128x32xf32, #tpu.memory_space<vmem_shared>>) target_semaphore(%run_scoped3A_269 : memref<!tpu.dma_semaphore, #tpu.memory_space<semaphore_mem>>)
      %dma_wait3A_280 = arith.constant 0 : i32
      %dma_wait3A_281 = arith.constant 0 : i32
      %dma_wait3A_282 = tpu.memref_slice %arg10[%dma_wait3A_280, %dma_wait3A_281] : memref<128x32xf32, #tpu.memory_space<vmem>> -> memref<128x32xf32, #tpu.memory_space<vmem>>
      %dma_wait3A_283 = arith.constant 0 : i32
      %dma_wait3A_284 = tpu.memref_slice %arg16[%add3A_192, %dma_wait3A_283] : memref<10112x32xf32, #tpu.memory_space<vmem_shared>> -> memref<128x32xf32, #tpu.memory_space<vmem_shared>>
      %dma_wait3A_285 = arith.constant 0 : i32
      %dma_wait3A_286 = tpu.memref_slice %arg16[%add3A_192, %dma_wait3A_285] : memref<10112x32xf32, #tpu.memory_space<vmem_shared>> -> memref<128x32xf32, #tpu.memory_space<vmem_shared>>
      %dma_wait3A_287 = arith.constant 0 : i32
      %dma_wait3A_288 = arith.constant 0 : i32
      %dma_wait3A_289 = tpu.memref_slice %arg10[%dma_wait3A_287, %dma_wait3A_288] : memref<128x32xf32, #tpu.memory_space<vmem>> -> memref<128x32xf32, #tpu.memory_space<vmem>>
      tpu.wait_dma2 semaphore(%run_scoped3A_269 : memref<!tpu.dma_semaphore, #tpu.memory_space<semaphore_mem>>) src(%dma_wait3A_289 : memref<128x32xf32, #tpu.memory_space<vmem>>) dst(%dma_wait3A_286 : memref<128x32xf32, #tpu.memory_space<vmem_shared>>)
      tpu.yield
    }) : () -> ()
    "tpu.region"() ({
      %run_scoped3A_269 = tpu.sem_alloc : memref<!tpu.dma_semaphore, #tpu.memory_space<semaphore_mem>>
      %dma_start3A_270 = arith.constant 0 : i32
      %dma_start3A_271 = arith.constant 0 : i32
      %dma_start3A_272 = tpu.memref_slice %arg10[%dma_start3A_270, %dma_start3A_271] : memref<128x32xf32, #tpu.memory_space<vmem>> -> memref<128x32xf32, #tpu.memory_space<vmem>>
      %dma_start3A_273 = arith.constant 0 : i32
      %dma_start3A_274 = tpu.memref_slice %arg15[%add3A_192, %dma_start3A_273] : memref<10112x32xf32, #tpu.memory_space<vmem_shared>> -> memref<128x32xf32, #tpu.memory_space<vmem_shared>>
      %dma_start3A_275 = arith.constant 0 : i32
      %dma_start3A_276 = tpu.memref_slice %arg15[%add3A_192, %dma_start3A_275] : memref<10112x32xf32, #tpu.memory_space<vmem_shared>> -> memref<128x32xf32, #tpu.memory_space<vmem_shared>>
      %dma_start3A_277 = arith.constant 0 : i32
      %dma_start3A_278 = arith.constant 0 : i32
      %dma_start3A_279 = tpu.memref_slice %arg10[%dma_start3A_277, %dma_start3A_278] : memref<128x32xf32, #tpu.memory_space<vmem>> -> memref<128x32xf32, #tpu.memory_space<vmem>>
      tpu.enqueue_dma source(%dma_start3A_279 : memref<128x32xf32, #tpu.memory_space<vmem>>) target(%dma_start3A_276 : memref<128x32xf32, #tpu.memory_space<vmem_shared>>) target_semaphore(%run_scoped3A_269 : memref<!tpu.dma_semaphore, #tpu.memory_space<semaphore_mem>>)
      %dma_wait3A_280 = arith.constant 0 : i32
      %dma_wait3A_281 = arith.constant 0 : i32
      %dma_wait3A_282 = tpu.memref_slice %arg10[%dma_wait3A_280, %dma_wait3A_281] : memref<128x32xf32, #tpu.memory_space<vmem>> -> memref<128x32xf32, #tpu.memory_space<vmem>>
      %dma_wait3A_283 = arith.constant 0 : i32
      %dma_wait3A_284 = tpu.memref_slice %arg15[%add3A_192, %dma_wait3A_283] : memref<10112x32xf32, #tpu.memory_space<vmem_shared>> -> memref<128x32xf32, #tpu.memory_space<vmem_shared>>
      %dma_wait3A_285 = arith.constant 0 : i32
      %dma_wait3A_286 = tpu.memref_slice %arg15[%add3A_192, %dma_wait3A_285] : memref<10112x32xf32, #tpu.memory_space<vmem_shared>> -> memref<128x32xf32, #tpu.memory_space<vmem_shared>>
      %dma_wait3A_287 = arith.constant 0 : i32
      %dma_wait3A_288 = arith.constant 0 : i32
      %dma_wait3A_289 = tpu.memref_slice %arg10[%dma_wait3A_287, %dma_wait3A_288] : memref<128x32xf32, #tpu.memory_space<vmem>> -> memref<128x32xf32, #tpu.memory_space<vmem>>
      tpu.wait_dma2 semaphore(%run_scoped3A_269 : memref<!tpu.dma_semaphore, #tpu.memory_space<semaphore_mem>>) src(%dma_wait3A_289 : memref<128x32xf32, #tpu.memory_space<vmem>>) dst(%dma_wait3A_286 : memref<128x32xf32, #tpu.memory_space<vmem_shared>>)
      tpu.yield
    }) : () -> ()
    %add3A_198 = arith.constant 128 : i32
    %add3A_199 = arith.addi %mul3A_0, %add3A_198 : i32
    "tpu.region"() ({
      %run_scoped3A_269 = tpu.sem_alloc : memref<!tpu.dma_semaphore, #tpu.memory_space<semaphore_mem>>
      %dma_start3A_270 = arith.constant 0 : i32
      %dma_start3A_271 = arith.constant 0 : i32
      %dma_start3A_272 = tpu.memref_slice %arg10[%dma_start3A_270, %dma_start3A_271] : memref<128x32xf32, #tpu.memory_space<vmem>> -> memref<128x32xf32, #tpu.memory_space<vmem>>
      %dma_start3A_273 = arith.constant 0 : i32
      %dma_start3A_274 = tpu.memref_slice %arg15[%add3A_199, %dma_start3A_273] : memref<10112x32xf32, #tpu.memory_space<vmem_shared>> -> memref<128x32xf32, #tpu.memory_space<vmem_shared>>
      %dma_start3A_275 = arith.constant 0 : i32
      %dma_start3A_276 = arith.constant 0 : i32
      %dma_start3A_277 = tpu.memref_slice %arg10[%dma_start3A_275, %dma_start3A_276] : memref<128x32xf32, #tpu.memory_space<vmem>> -> memref<128x32xf32, #tpu.memory_space<vmem>>
      %dma_start3A_278 = arith.constant 0 : i32
      %dma_start3A_279 = tpu.memref_slice %arg15[%add3A_199, %dma_start3A_278] : memref<10112x32xf32, #tpu.memory_space<vmem_shared>> -> memref<128x32xf32, #tpu.memory_space<vmem_shared>>
      tpu.enqueue_dma source(%dma_start3A_279 : memref<128x32xf32, #tpu.memory_space<vmem_shared>>) target(%dma_start3A_277 : memref<128x32xf32, #tpu.memory_space<vmem>>) target_semaphore(%run_scoped3A_269 : memref<!tpu.dma_semaphore, #tpu.memory_space<semaphore_mem>>)
      %dma_wait3A_280 = arith.constant 0 : i32
      %dma_wait3A_281 = arith.constant 0 : i32
      %dma_wait3A_282 = tpu.memref_slice %arg10[%dma_wait3A_280, %dma_wait3A_281] : memref<128x32xf32, #tpu.memory_space<vmem>> -> memref<128x32xf32, #tpu.memory_space<vmem>>
      %dma_wait3A_283 = arith.constant 0 : i32
      %dma_wait3A_284 = tpu.memref_slice %arg15[%add3A_199, %dma_wait3A_283] : memref<10112x32xf32, #tpu.memory_space<vmem_shared>> -> memref<128x32xf32, #tpu.memory_space<vmem_shared>>
      %dma_wait3A_285 = arith.constant 0 : i32
      %dma_wait3A_286 = arith.constant 0 : i32
      %dma_wait3A_287 = tpu.memref_slice %arg10[%dma_wait3A_285, %dma_wait3A_286] : memref<128x32xf32, #tpu.memory_space<vmem>> -> memref<128x32xf32, #tpu.memory_space<vmem>>
      %dma_wait3A_288 = arith.constant 0 : i32
      %dma_wait3A_289 = tpu.memref_slice %arg15[%add3A_199, %dma_wait3A_288] : memref<10112x32xf32, #tpu.memory_space<vmem_shared>> -> memref<128x32xf32, #tpu.memory_space<vmem_shared>>
      tpu.wait_dma2 semaphore(%run_scoped3A_269 : memref<!tpu.dma_semaphore, #tpu.memory_space<semaphore_mem>>) src(%dma_wait3A_289 : memref<128x32xf32, #tpu.memory_space<vmem_shared>>) dst(%dma_wait3A_287 : memref<128x32xf32, #tpu.memory_space<vmem>>)
      tpu.yield
    }) : () -> ()
    %scan3A_200 = arith.constant 0 : i32
    %scan3A_201 = arith.constant 128 : i32
    %scan3A_202 = arith.addi %scan3A_200, %scan3A_201 : i32
    %scan3A_203 = arith.constant 1 : i32
    scf.for %scan3A_269 = %scan3A_200 to %scan3A_202 step %scan3A_203  : i32 {
      %mul3A_270 = arith.constant 1 : i32
      %mul3A_271 = arith.muli %scan3A_269, %mul3A_270 : i32
      %add3A_272 = arith.constant 0 : i32
      %add3A_273 = arith.addi %add3A_272, %mul3A_271 : i32
      %add3A_274 = arith.constant 128 : i32
      %add3A_275 = arith.addi %add3A_274, %add3A_273 : i32
      %broadcast_in_dim3A_276 = arith.constant 0 : i32
      %broadcast_in_dim3A_277 = vector.broadcast %broadcast_in_dim3A_276 : i32 to vector<16xi32>
      %add3A_278 = vector.broadcast %add3A_275 : i32 to vector<16xi32>
      %add3A_279 = arith.addi %broadcast_in_dim3A_277, %add3A_278 : vector<16xi32>
      %gather3A_280 = tpu.vector_load_idx %arg14[%add3A_279] : memref<632xf32, #tpu.memory_space<vmem>>[vector<16xi32>], vector<16xf32>,
      %get3A = arith.index_cast %add3A_273 : i32 to index
      %get3A_281 = arith.constant 0 : index
      %get3A_282 = tpu.vector_load %arg10[%get3A, %get3A_281] {strides = array<i32>} : memref<128x32xf32, #tpu.memory_space<vmem>>, vector<16xf32>,
      %mul3A_283 = arith.mulf %get3A_282, %gather3A_280 : vector<16xf32>
      %swap3A = arith.index_cast %add3A_273 : i32 to index
      %swap3A_284 = arith.constant 0 : index
      %swap3A_285 = tpu.vector_load %arg10[%swap3A, %swap3A_284] {strides = array<i32>} : memref<128x32xf32, #tpu.memory_space<vmem>>, vector<16xf32>,
      tpu.vector_store %arg10[%swap3A, %swap3A_284], %mul3A_283 {strides = array<i32>} : memref<128x32xf32, #tpu.memory_space<vmem>>, vector<16xf32>,
      %get3A_286 = arith.index_cast %add3A_273 : i32 to index
      %get3A_287 = arith.constant 16 : index
      %get3A_288 = tpu.vector_load %arg10[%get3A_286, %get3A_287] {strides = array<i32>} : memref<128x32xf32, #tpu.memory_space<vmem>>, vector<16xf32>,
      %mul3A_289 = arith.mulf %get3A_288, %gather3A_280 : vector<16xf32>
      %swap3A_290 = arith.index_cast %add3A_273 : i32 to index
      %swap3A_291 = arith.constant 16 : index
      %swap3A_292 = tpu.vector_load %arg10[%swap3A_290, %swap3A_291] {strides = array<i32>} : memref<128x32xf32, #tpu.memory_space<vmem>>, vector<16xf32>,
      tpu.vector_store %arg10[%swap3A_290, %swap3A_291], %mul3A_289 {strides = array<i32>} : memref<128x32xf32, #tpu.memory_space<vmem>>, vector<16xf32>,
    }
    %scan3A_204 = arith.constant 128 : i32
    "tpu.region"() ({
      %run_scoped3A_269 = tpu.sem_alloc : memref<!tpu.dma_semaphore, #tpu.memory_space<semaphore_mem>>
      %dma_start3A_270 = arith.constant 0 : i32
      %dma_start3A_271 = arith.constant 0 : i32
      %dma_start3A_272 = tpu.memref_slice %arg10[%dma_start3A_270, %dma_start3A_271] : memref<128x32xf32, #tpu.memory_space<vmem>> -> memref<128x32xf32, #tpu.memory_space<vmem>>
      %dma_start3A_273 = arith.constant 0 : i32
      %dma_start3A_274 = tpu.memref_slice %arg16[%add3A_199, %dma_start3A_273] : memref<10112x32xf32, #tpu.memory_space<vmem_shared>> -> memref<128x32xf32, #tpu.memory_space<vmem_shared>>
      %dma_start3A_275 = arith.constant 0 : i32
      %dma_start3A_276 = tpu.memref_slice %arg16[%add3A_199, %dma_start3A_275] : memref<10112x32xf32, #tpu.memory_space<vmem_shared>> -> memref<128x32xf32, #tpu.memory_space<vmem_shared>>
      %dma_start3A_277 = arith.constant 0 : i32
      %dma_start3A_278 = arith.constant 0 : i32
      %dma_start3A_279 = tpu.memref_slice %arg10[%dma_start3A_277, %dma_start3A_278] : memref<128x32xf32, #tpu.memory_space<vmem>> -> memref<128x32xf32, #tpu.memory_space<vmem>>
      tpu.enqueue_dma source(%dma_start3A_279 : memref<128x32xf32, #tpu.memory_space<vmem>>) target(%dma_start3A_276 : memref<128x32xf32, #tpu.memory_space<vmem_shared>>) target_semaphore(%run_scoped3A_269 : memref<!tpu.dma_semaphore, #tpu.memory_space<semaphore_mem>>)
      %dma_wait3A_280 = arith.constant 0 : i32
      %dma_wait3A_281 = arith.constant 0 : i32
      %dma_wait3A_282 = tpu.memref_slice %arg10[%dma_wait3A_280, %dma_wait3A_281] : memref<128x32xf32, #tpu.memory_space<vmem>> -> memref<128x32xf32, #tpu.memory_space<vmem>>
      %dma_wait3A_283 = arith.constant 0 : i32
      %dma_wait3A_284 = tpu.memref_slice %arg16[%add3A_199, %dma_wait3A_283] : memref<10112x32xf32, #tpu.memory_space<vmem_shared>> -> memref<128x32xf32, #tpu.memory_space<vmem_shared>>
      %dma_wait3A_285 = arith.constant 0 : i32
      %dma_wait3A_286 = tpu.memref_slice %arg16[%add3A_199, %dma_wait3A_285] : memref<10112x32xf32, #tpu.memory_space<vmem_shared>> -> memref<128x32xf32, #tpu.memory_space<vmem_shared>>
      %dma_wait3A_287 = arith.constant 0 : i32
      %dma_wait3A_288 = arith.constant 0 : i32
      %dma_wait3A_289 = tpu.memref_slice %arg10[%dma_wait3A_287, %dma_wait3A_288] : memref<128x32xf32, #tpu.memory_space<vmem>> -> memref<128x32xf32, #tpu.memory_space<vmem>>
      tpu.wait_dma2 semaphore(%run_scoped3A_269 : memref<!tpu.dma_semaphore, #tpu.memory_space<semaphore_mem>>) src(%dma_wait3A_289 : memref<128x32xf32, #tpu.memory_space<vmem>>) dst(%dma_wait3A_286 : memref<128x32xf32, #tpu.memory_space<vmem_shared>>)
      tpu.yield
    }) : () -> ()
    "tpu.region"() ({
      %run_scoped3A_269 = tpu.sem_alloc : memref<!tpu.dma_semaphore, #tpu.memory_space<semaphore_mem>>
      %dma_start3A_270 = arith.constant 0 : i32
      %dma_start3A_271 = arith.constant 0 : i32
      %dma_start3A_272 = tpu.memref_slice %arg10[%dma_start3A_270, %dma_start3A_271] : memref<128x32xf32, #tpu.memory_space<vmem>> -> memref<128x32xf32, #tpu.memory_space<vmem>>
      %dma_start3A_273 = arith.constant 0 : i32
      %dma_start3A_274 = tpu.memref_slice %arg15[%add3A_199, %dma_start3A_273] : memref<10112x32xf32, #tpu.memory_space<vmem_shared>> -> memref<128x32xf32, #tpu.memory_space<vmem_shared>>
      %dma_start3A_275 = arith.constant 0 : i32
      %dma_start3A_276 = tpu.memref_slice %arg15[%add3A_199, %dma_start3A_275] : memref<10112x32xf32, #tpu.memory_space<vmem_shared>> -> memref<128x32xf32, #tpu.memory_space<vmem_shared>>
      %dma_start3A_277 = arith.constant 0 : i32
      %dma_start3A_278 = arith.constant 0 : i32
      %dma_start3A_279 = tpu.memref_slice %arg10[%dma_start3A_277, %dma_start3A_278] : memref<128x32xf32, #tpu.memory_space<vmem>> -> memref<128x32xf32, #tpu.memory_space<vmem>>
      tpu.enqueue_dma source(%dma_start3A_279 : memref<128x32xf32, #tpu.memory_space<vmem>>) target(%dma_start3A_276 : memref<128x32xf32, #tpu.memory_space<vmem_shared>>) target_semaphore(%run_scoped3A_269 : memref<!tpu.dma_semaphore, #tpu.memory_space<semaphore_mem>>)
      %dma_wait3A_280 = arith.constant 0 : i32
      %dma_wait3A_281 = arith.constant 0 : i32
      %dma_wait3A_282 = tpu.memref_slice %arg10[%dma_wait3A_280, %dma_wait3A_281] : memref<128x32xf32, #tpu.memory_space<vmem>> -> memref<128x32xf32, #tpu.memory_space<vmem>>
      %dma_wait3A_283 = arith.constant 0 : i32
      %dma_wait3A_284 = tpu.memref_slice %arg15[%add3A_199, %dma_wait3A_283] : memref<10112x32xf32, #tpu.memory_space<vmem_shared>> -> memref<128x32xf32, #tpu.memory_space<vmem_shared>>
      %dma_wait3A_285 = arith.constant 0 : i32
      %dma_wait3A_286 = tpu.memref_slice %arg15[%add3A_199, %dma_wait3A_285] : memref<10112x32xf32, #tpu.memory_space<vmem_shared>> -> memref<128x32xf32, #tpu.memory_space<vmem_shared>>
      %dma_wait3A_287 = arith.constant 0 : i32
      %dma_wait3A_288 = arith.constant 0 : i32
      %dma_wait3A_289 = tpu.memref_slice %arg10[%dma_wait3A_287, %dma_wait3A_288] : memref<128x32xf32, #tpu.memory_space<vmem>> -> memref<128x32xf32, #tpu.memory_space<vmem>>
      tpu.wait_dma2 semaphore(%run_scoped3A_269 : memref<!tpu.dma_semaphore, #tpu.memory_space<semaphore_mem>>) src(%dma_wait3A_289 : memref<128x32xf32, #tpu.memory_space<vmem>>) dst(%dma_wait3A_286 : memref<128x32xf32, #tpu.memory_space<vmem_shared>>)
      tpu.yield
    }) : () -> ()
    %add3A_205 = arith.constant 256 : i32
    %add3A_206 = arith.addi %mul3A_0, %add3A_205 : i32
    "tpu.region"() ({
      %run_scoped3A_269 = tpu.sem_alloc : memref<!tpu.dma_semaphore, #tpu.memory_space<semaphore_mem>>
      %dma_start3A_270 = arith.constant 0 : i32
      %dma_start3A_271 = arith.constant 0 : i32
      %dma_start3A_272 = tpu.memref_slice %arg10[%dma_start3A_270, %dma_start3A_271] : memref<128x32xf32, #tpu.memory_space<vmem>> -> memref<128x32xf32, #tpu.memory_space<vmem>>
      %dma_start3A_273 = arith.constant 0 : i32
      %dma_start3A_274 = tpu.memref_slice %arg15[%add3A_206, %dma_start3A_273] : memref<10112x32xf32, #tpu.memory_space<vmem_shared>> -> memref<128x32xf32, #tpu.memory_space<vmem_shared>>
      %dma_start3A_275 = arith.constant 0 : i32
      %dma_start3A_276 = arith.constant 0 : i32
      %dma_start3A_277 = tpu.memref_slice %arg10[%dma_start3A_275, %dma_start3A_276] : memref<128x32xf32, #tpu.memory_space<vmem>> -> memref<128x32xf32, #tpu.memory_space<vmem>>
      %dma_start3A_278 = arith.constant 0 : i32
      %dma_start3A_279 = tpu.memref_slice %arg15[%add3A_206, %dma_start3A_278] : memref<10112x32xf32, #tpu.memory_space<vmem_shared>> -> memref<128x32xf32, #tpu.memory_space<vmem_shared>>
      tpu.enqueue_dma source(%dma_start3A_279 : memref<128x32xf32, #tpu.memory_space<vmem_shared>>) target(%dma_start3A_277 : memref<128x32xf32, #tpu.memory_space<vmem>>) target_semaphore(%run_scoped3A_269 : memref<!tpu.dma_semaphore, #tpu.memory_space<semaphore_mem>>)
      %dma_wait3A_280 = arith.constant 0 : i32
      %dma_wait3A_281 = arith.constant 0 : i32
      %dma_wait3A_282 = tpu.memref_slice %arg10[%dma_wait3A_280, %dma_wait3A_281] : memref<128x32xf32, #tpu.memory_space<vmem>> -> memref<128x32xf32, #tpu.memory_space<vmem>>
      %dma_wait3A_283 = arith.constant 0 : i32
      %dma_wait3A_284 = tpu.memref_slice %arg15[%add3A_206, %dma_wait3A_283] : memref<10112x32xf32, #tpu.memory_space<vmem_shared>> -> memref<128x32xf32, #tpu.memory_space<vmem_shared>>
      %dma_wait3A_285 = arith.constant 0 : i32
      %dma_wait3A_286 = arith.constant 0 : i32
      %dma_wait3A_287 = tpu.memref_slice %arg10[%dma_wait3A_285, %dma_wait3A_286] : memref<128x32xf32, #tpu.memory_space<vmem>> -> memref<128x32xf32, #tpu.memory_space<vmem>>
      %dma_wait3A_288 = arith.constant 0 : i32
      %dma_wait3A_289 = tpu.memref_slice %arg15[%add3A_206, %dma_wait3A_288] : memref<10112x32xf32, #tpu.memory_space<vmem_shared>> -> memref<128x32xf32, #tpu.memory_space<vmem_shared>>
      tpu.wait_dma2 semaphore(%run_scoped3A_269 : memref<!tpu.dma_semaphore, #tpu.memory_space<semaphore_mem>>) src(%dma_wait3A_289 : memref<128x32xf32, #tpu.memory_space<vmem_shared>>) dst(%dma_wait3A_287 : memref<128x32xf32, #tpu.memory_space<vmem>>)
      tpu.yield
    }) : () -> ()
    %scan3A_207 = arith.constant 0 : i32
    %scan3A_208 = arith.constant 128 : i32
    %scan3A_209 = arith.addi %scan3A_207, %scan3A_208 : i32
    %scan3A_210 = arith.constant 1 : i32
    scf.for %scan3A_269 = %scan3A_207 to %scan3A_209 step %scan3A_210  : i32 {
      %mul3A_270 = arith.constant 1 : i32
      %mul3A_271 = arith.muli %scan3A_269, %mul3A_270 : i32
      %add3A_272 = arith.constant 0 : i32
      %add3A_273 = arith.addi %add3A_272, %mul3A_271 : i32
      %add3A_274 = arith.constant 256 : i32
      %add3A_275 = arith.addi %add3A_274, %add3A_273 : i32
      %broadcast_in_dim3A_276 = arith.constant 0 : i32
      %broadcast_in_dim3A_277 = vector.broadcast %broadcast_in_dim3A_276 : i32 to vector<16xi32>
      %add3A_278 = vector.broadcast %add3A_275 : i32 to vector<16xi32>
      %add3A_279 = arith.addi %broadcast_in_dim3A_277, %add3A_278 : vector<16xi32>
      %gather3A_280 = tpu.vector_load_idx %arg14[%add3A_279] : memref<632xf32, #tpu.memory_space<vmem>>[vector<16xi32>], vector<16xf32>,
      %get3A = arith.index_cast %add3A_273 : i32 to index
      %get3A_281 = arith.constant 0 : index
      %get3A_282 = tpu.vector_load %arg10[%get3A, %get3A_281] {strides = array<i32>} : memref<128x32xf32, #tpu.memory_space<vmem>>, vector<16xf32>,
      %mul3A_283 = arith.mulf %get3A_282, %gather3A_280 : vector<16xf32>
      %swap3A = arith.index_cast %add3A_273 : i32 to index
      %swap3A_284 = arith.constant 0 : index
      %swap3A_285 = tpu.vector_load %arg10[%swap3A, %swap3A_284] {strides = array<i32>} : memref<128x32xf32, #tpu.memory_space<vmem>>, vector<16xf32>,
      tpu.vector_store %arg10[%swap3A, %swap3A_284], %mul3A_283 {strides = array<i32>} : memref<128x32xf32, #tpu.memory_space<vmem>>, vector<16xf32>,
      %get3A_286 = arith.index_cast %add3A_273 : i32 to index
      %get3A_287 = arith.constant 16 : index
      %get3A_288 = tpu.vector_load %arg10[%get3A_286, %get3A_287] {strides = array<i32>} : memref<128x32xf32, #tpu.memory_space<vmem>>, vector<16xf32>,
      %mul3A_289 = arith.mulf %get3A_288, %gather3A_280 : vector<16xf32>
      %swap3A_290 = arith.index_cast %add3A_273 : i32 to index
      %swap3A_291 = arith.constant 16 : index
      %swap3A_292 = tpu.vector_load %arg10[%swap3A_290, %swap3A_291] {strides = array<i32>} : memref<128x32xf32, #tpu.memory_space<vmem>>, vector<16xf32>,
      tpu.vector_store %arg10[%swap3A_290, %swap3A_291], %mul3A_289 {strides = array<i32>} : memref<128x32xf32, #tpu.memory_space<vmem>>, vector<16xf32>,
    }
    %scan3A_211 = arith.constant 128 : i32
    "tpu.region"() ({
      %run_scoped3A_269 = tpu.sem_alloc : memref<!tpu.dma_semaphore, #tpu.memory_space<semaphore_mem>>
      %dma_start3A_270 = arith.constant 0 : i32
      %dma_start3A_271 = arith.constant 0 : i32
      %dma_start3A_272 = tpu.memref_slice %arg10[%dma_start3A_270, %dma_start3A_271] : memref<128x32xf32, #tpu.memory_space<vmem>> -> memref<128x32xf32, #tpu.memory_space<vmem>>
      %dma_start3A_273 = arith.constant 0 : i32
      %dma_start3A_274 = tpu.memref_slice %arg16[%add3A_206, %dma_start3A_273] : memref<10112x32xf32, #tpu.memory_space<vmem_shared>> -> memref<128x32xf32, #tpu.memory_space<vmem_shared>>
      %dma_start3A_275 = arith.constant 0 : i32
      %dma_start3A_276 = tpu.memref_slice %arg16[%add3A_206, %dma_start3A_275] : memref<10112x32xf32, #tpu.memory_space<vmem_shared>> -> memref<128x32xf32, #tpu.memory_space<vmem_shared>>
      %dma_start3A_277 = arith.constant 0 : i32
      %dma_start3A_278 = arith.constant 0 : i32
      %dma_start3A_279 = tpu.memref_slice %arg10[%dma_start3A_277, %dma_start3A_278] : memref<128x32xf32, #tpu.memory_space<vmem>> -> memref<128x32xf32, #tpu.memory_space<vmem>>
      tpu.enqueue_dma source(%dma_start3A_279 : memref<128x32xf32, #tpu.memory_space<vmem>>) target(%dma_start3A_276 : memref<128x32xf32, #tpu.memory_space<vmem_shared>>) target_semaphore(%run_scoped3A_269 : memref<!tpu.dma_semaphore, #tpu.memory_space<semaphore_mem>>)
      %dma_wait3A_280 = arith.constant 0 : i32
      %dma_wait3A_281 = arith.constant 0 : i32
      %dma_wait3A_282 = tpu.memref_slice %arg10[%dma_wait3A_280, %dma_wait3A_281] : memref<128x32xf32, #tpu.memory_space<vmem>> -> memref<128x32xf32, #tpu.memory_space<vmem>>
      %dma_wait3A_283 = arith.constant 0 : i32
      %dma_wait3A_284 = tpu.memref_slice %arg16[%add3A_206, %dma_wait3A_283] : memref<10112x32xf32, #tpu.memory_space<vmem_shared>> -> memref<128x32xf32, #tpu.memory_space<vmem_shared>>
      %dma_wait3A_285 = arith.constant 0 : i32
      %dma_wait3A_286 = tpu.memref_slice %arg16[%add3A_206, %dma_wait3A_285] : memref<10112x32xf32, #tpu.memory_space<vmem_shared>> -> memref<128x32xf32, #tpu.memory_space<vmem_shared>>
      %dma_wait3A_287 = arith.constant 0 : i32
      %dma_wait3A_288 = arith.constant 0 : i32
      %dma_wait3A_289 = tpu.memref_slice %arg10[%dma_wait3A_287, %dma_wait3A_288] : memref<128x32xf32, #tpu.memory_space<vmem>> -> memref<128x32xf32, #tpu.memory_space<vmem>>
      tpu.wait_dma2 semaphore(%run_scoped3A_269 : memref<!tpu.dma_semaphore, #tpu.memory_space<semaphore_mem>>) src(%dma_wait3A_289 : memref<128x32xf32, #tpu.memory_space<vmem>>) dst(%dma_wait3A_286 : memref<128x32xf32, #tpu.memory_space<vmem_shared>>)
      tpu.yield
    }) : () -> ()
    "tpu.region"() ({
      %run_scoped3A_269 = tpu.sem_alloc : memref<!tpu.dma_semaphore, #tpu.memory_space<semaphore_mem>>
      %dma_start3A_270 = arith.constant 0 : i32
      %dma_start3A_271 = arith.constant 0 : i32
      %dma_start3A_272 = tpu.memref_slice %arg10[%dma_start3A_270, %dma_start3A_271] : memref<128x32xf32, #tpu.memory_space<vmem>> -> memref<128x32xf32, #tpu.memory_space<vmem>>
      %dma_start3A_273 = arith.constant 0 : i32
      %dma_start3A_274 = tpu.memref_slice %arg15[%add3A_206, %dma_start3A_273] : memref<10112x32xf32, #tpu.memory_space<vmem_shared>> -> memref<128x32xf32, #tpu.memory_space<vmem_shared>>
      %dma_start3A_275 = arith.constant 0 : i32
      %dma_start3A_276 = tpu.memref_slice %arg15[%add3A_206, %dma_start3A_275] : memref<10112x32xf32, #tpu.memory_space<vmem_shared>> -> memref<128x32xf32, #tpu.memory_space<vmem_shared>>
      %dma_start3A_277 = arith.constant 0 : i32
      %dma_start3A_278 = arith.constant 0 : i32
      %dma_start3A_279 = tpu.memref_slice %arg10[%dma_start3A_277, %dma_start3A_278] : memref<128x32xf32, #tpu.memory_space<vmem>> -> memref<128x32xf32, #tpu.memory_space<vmem>>
      tpu.enqueue_dma source(%dma_start3A_279 : memref<128x32xf32, #tpu.memory_space<vmem>>) target(%dma_start3A_276 : memref<128x32xf32, #tpu.memory_space<vmem_shared>>) target_semaphore(%run_scoped3A_269 : memref<!tpu.dma_semaphore, #tpu.memory_space<semaphore_mem>>)
      %dma_wait3A_280 = arith.constant 0 : i32
      %dma_wait3A_281 = arith.constant 0 : i32
      %dma_wait3A_282 = tpu.memref_slice %arg10[%dma_wait3A_280, %dma_wait3A_281] : memref<128x32xf32, #tpu.memory_space<vmem>> -> memref<128x32xf32, #tpu.memory_space<vmem>>
      %dma_wait3A_283 = arith.constant 0 : i32
      %dma_wait3A_284 = tpu.memref_slice %arg15[%add3A_206, %dma_wait3A_283] : memref<10112x32xf32, #tpu.memory_space<vmem_shared>> -> memref<128x32xf32, #tpu.memory_space<vmem_shared>>
      %dma_wait3A_285 = arith.constant 0 : i32
      %dma_wait3A_286 = tpu.memref_slice %arg15[%add3A_206, %dma_wait3A_285] : memref<10112x32xf32, #tpu.memory_space<vmem_shared>> -> memref<128x32xf32, #tpu.memory_space<vmem_shared>>
      %dma_wait3A_287 = arith.constant 0 : i32
      %dma_wait3A_288 = arith.constant 0 : i32
      %dma_wait3A_289 = tpu.memref_slice %arg10[%dma_wait3A_287, %dma_wait3A_288] : memref<128x32xf32, #tpu.memory_space<vmem>> -> memref<128x32xf32, #tpu.memory_space<vmem>>
      tpu.wait_dma2 semaphore(%run_scoped3A_269 : memref<!tpu.dma_semaphore, #tpu.memory_space<semaphore_mem>>) src(%dma_wait3A_289 : memref<128x32xf32, #tpu.memory_space<vmem>>) dst(%dma_wait3A_286 : memref<128x32xf32, #tpu.memory_space<vmem_shared>>)
      tpu.yield
    }) : () -> ()
    %add3A_212 = arith.constant 384 : i32
    %add3A_213 = arith.addi %mul3A_0, %add3A_212 : i32
    "tpu.region"() ({
      %run_scoped3A_269 = tpu.sem_alloc : memref<!tpu.dma_semaphore, #tpu.memory_space<semaphore_mem>>
      %dma_start3A_270 = arith.constant 0 : i32
      %dma_start3A_271 = arith.constant 0 : i32
      %dma_start3A_272 = tpu.memref_slice %arg10[%dma_start3A_270, %dma_start3A_271] : memref<128x32xf32, #tpu.memory_space<vmem>> -> memref<128x32xf32, #tpu.memory_space<vmem>>
      %dma_start3A_273 = arith.constant 0 : i32
      %dma_start3A_274 = tpu.memref_slice %arg15[%add3A_213, %dma_start3A_273] : memref<10112x32xf32, #tpu.memory_space<vmem_shared>> -> memref<128x32xf32, #tpu.memory_space<vmem_shared>>
      %dma_start3A_275 = arith.constant 0 : i32
      %dma_start3A_276 = arith.constant 0 : i32
      %dma_start3A_277 = tpu.memref_slice %arg10[%dma_start3A_275, %dma_start3A_276] : memref<128x32xf32, #tpu.memory_space<vmem>> -> memref<128x32xf32, #tpu.memory_space<vmem>>
      %dma_start3A_278 = arith.constant 0 : i32
      %dma_start3A_279 = tpu.memref_slice %arg15[%add3A_213, %dma_start3A_278] : memref<10112x32xf32, #tpu.memory_space<vmem_shared>> -> memref<128x32xf32, #tpu.memory_space<vmem_shared>>
      tpu.enqueue_dma source(%dma_start3A_279 : memref<128x32xf32, #tpu.memory_space<vmem_shared>>) target(%dma_start3A_277 : memref<128x32xf32, #tpu.memory_space<vmem>>) target_semaphore(%run_scoped3A_269 : memref<!tpu.dma_semaphore, #tpu.memory_space<semaphore_mem>>)
      %dma_wait3A_280 = arith.constant 0 : i32
      %dma_wait3A_281 = arith.constant 0 : i32
      %dma_wait3A_282 = tpu.memref_slice %arg10[%dma_wait3A_280, %dma_wait3A_281] : memref<128x32xf32, #tpu.memory_space<vmem>> -> memref<128x32xf32, #tpu.memory_space<vmem>>
      %dma_wait3A_283 = arith.constant 0 : i32
      %dma_wait3A_284 = tpu.memref_slice %arg15[%add3A_213, %dma_wait3A_283] : memref<10112x32xf32, #tpu.memory_space<vmem_shared>> -> memref<128x32xf32, #tpu.memory_space<vmem_shared>>
      %dma_wait3A_285 = arith.constant 0 : i32
      %dma_wait3A_286 = arith.constant 0 : i32
      %dma_wait3A_287 = tpu.memref_slice %arg10[%dma_wait3A_285, %dma_wait3A_286] : memref<128x32xf32, #tpu.memory_space<vmem>> -> memref<128x32xf32, #tpu.memory_space<vmem>>
      %dma_wait3A_288 = arith.constant 0 : i32
      %dma_wait3A_289 = tpu.memref_slice %arg15[%add3A_213, %dma_wait3A_288] : memref<10112x32xf32, #tpu.memory_space<vmem_shared>> -> memref<128x32xf32, #tpu.memory_space<vmem_shared>>
      tpu.wait_dma2 semaphore(%run_scoped3A_269 : memref<!tpu.dma_semaphore, #tpu.memory_space<semaphore_mem>>) src(%dma_wait3A_289 : memref<128x32xf32, #tpu.memory_space<vmem_shared>>) dst(%dma_wait3A_287 : memref<128x32xf32, #tpu.memory_space<vmem>>)
      tpu.yield
    }) : () -> ()
    %scan3A_214 = arith.constant 0 : i32
    %scan3A_215 = arith.constant 128 : i32
    %scan3A_216 = arith.addi %scan3A_214, %scan3A_215 : i32
    %scan3A_217 = arith.constant 1 : i32
    scf.for %scan3A_269 = %scan3A_214 to %scan3A_216 step %scan3A_217  : i32 {
      %mul3A_270 = arith.constant 1 : i32
      %mul3A_271 = arith.muli %scan3A_269, %mul3A_270 : i32
      %add3A_272 = arith.constant 0 : i32
      %add3A_273 = arith.addi %add3A_272, %mul3A_271 : i32
      %add3A_274 = arith.constant 384 : i32
      %add3A_275 = arith.addi %add3A_274, %add3A_273 : i32
      %broadcast_in_dim3A_276 = arith.constant 0 : i32
      %broadcast_in_dim3A_277 = vector.broadcast %broadcast_in_dim3A_276 : i32 to vector<16xi32>
      %add3A_278 = vector.broadcast %add3A_275 : i32 to vector<16xi32>
      %add3A_279 = arith.addi %broadcast_in_dim3A_277, %add3A_278 : vector<16xi32>
      %gather3A_280 = tpu.vector_load_idx %arg14[%add3A_279] : memref<632xf32, #tpu.memory_space<vmem>>[vector<16xi32>], vector<16xf32>,
      %get3A = arith.index_cast %add3A_273 : i32 to index
      %get3A_281 = arith.constant 0 : index
      %get3A_282 = tpu.vector_load %arg10[%get3A, %get3A_281] {strides = array<i32>} : memref<128x32xf32, #tpu.memory_space<vmem>>, vector<16xf32>,
      %mul3A_283 = arith.mulf %get3A_282, %gather3A_280 : vector<16xf32>
      %swap3A = arith.index_cast %add3A_273 : i32 to index
      %swap3A_284 = arith.constant 0 : index
      %swap3A_285 = tpu.vector_load %arg10[%swap3A, %swap3A_284] {strides = array<i32>} : memref<128x32xf32, #tpu.memory_space<vmem>>, vector<16xf32>,
      tpu.vector_store %arg10[%swap3A, %swap3A_284], %mul3A_283 {strides = array<i32>} : memref<128x32xf32, #tpu.memory_space<vmem>>, vector<16xf32>,
      %get3A_286 = arith.index_cast %add3A_273 : i32 to index
      %get3A_287 = arith.constant 16 : index
      %get3A_288 = tpu.vector_load %arg10[%get3A_286, %get3A_287] {strides = array<i32>} : memref<128x32xf32, #tpu.memory_space<vmem>>, vector<16xf32>,
      %mul3A_289 = arith.mulf %get3A_288, %gather3A_280 : vector<16xf32>
      %swap3A_290 = arith.index_cast %add3A_273 : i32 to index
      %swap3A_291 = arith.constant 16 : index
      %swap3A_292 = tpu.vector_load %arg10[%swap3A_290, %swap3A_291] {strides = array<i32>} : memref<128x32xf32, #tpu.memory_space<vmem>>, vector<16xf32>,
      tpu.vector_store %arg10[%swap3A_290, %swap3A_291], %mul3A_289 {strides = array<i32>} : memref<128x32xf32, #tpu.memory_space<vmem>>, vector<16xf32>,
    }
    %scan3A_218 = arith.constant 128 : i32
    "tpu.region"() ({
      %run_scoped3A_269 = tpu.sem_alloc : memref<!tpu.dma_semaphore, #tpu.memory_space<semaphore_mem>>
      %dma_start3A_270 = arith.constant 0 : i32
      %dma_start3A_271 = arith.constant 0 : i32
      %dma_start3A_272 = tpu.memref_slice %arg10[%dma_start3A_270, %dma_start3A_271] : memref<128x32xf32, #tpu.memory_space<vmem>> -> memref<128x32xf32, #tpu.memory_space<vmem>>
      %dma_start3A_273 = arith.constant 0 : i32
      %dma_start3A_274 = tpu.memref_slice %arg16[%add3A_213, %dma_start3A_273] : memref<10112x32xf32, #tpu.memory_space<vmem_shared>> -> memref<128x32xf32, #tpu.memory_space<vmem_shared>>
      %dma_start3A_275 = arith.constant 0 : i32
      %dma_start3A_276 = tpu.memref_slice %arg16[%add3A_213, %dma_start3A_275] : memref<10112x32xf32, #tpu.memory_space<vmem_shared>> -> memref<128x32xf32, #tpu.memory_space<vmem_shared>>
      %dma_start3A_277 = arith.constant 0 : i32
      %dma_start3A_278 = arith.constant 0 : i32
      %dma_start3A_279 = tpu.memref_slice %arg10[%dma_start3A_277, %dma_start3A_278] : memref<128x32xf32, #tpu.memory_space<vmem>> -> memref<128x32xf32, #tpu.memory_space<vmem>>
      tpu.enqueue_dma source(%dma_start3A_279 : memref<128x32xf32, #tpu.memory_space<vmem>>) target(%dma_start3A_276 : memref<128x32xf32, #tpu.memory_space<vmem_shared>>) target_semaphore(%run_scoped3A_269 : memref<!tpu.dma_semaphore, #tpu.memory_space<semaphore_mem>>)
      %dma_wait3A_280 = arith.constant 0 : i32
      %dma_wait3A_281 = arith.constant 0 : i32
      %dma_wait3A_282 = tpu.memref_slice %arg10[%dma_wait3A_280, %dma_wait3A_281] : memref<128x32xf32, #tpu.memory_space<vmem>> -> memref<128x32xf32, #tpu.memory_space<vmem>>
      %dma_wait3A_283 = arith.constant 0 : i32
      %dma_wait3A_284 = tpu.memref_slice %arg16[%add3A_213, %dma_wait3A_283] : memref<10112x32xf32, #tpu.memory_space<vmem_shared>> -> memref<128x32xf32, #tpu.memory_space<vmem_shared>>
      %dma_wait3A_285 = arith.constant 0 : i32
      %dma_wait3A_286 = tpu.memref_slice %arg16[%add3A_213, %dma_wait3A_285] : memref<10112x32xf32, #tpu.memory_space<vmem_shared>> -> memref<128x32xf32, #tpu.memory_space<vmem_shared>>
      %dma_wait3A_287 = arith.constant 0 : i32
      %dma_wait3A_288 = arith.constant 0 : i32
      %dma_wait3A_289 = tpu.memref_slice %arg10[%dma_wait3A_287, %dma_wait3A_288] : memref<128x32xf32, #tpu.memory_space<vmem>> -> memref<128x32xf32, #tpu.memory_space<vmem>>
      tpu.wait_dma2 semaphore(%run_scoped3A_269 : memref<!tpu.dma_semaphore, #tpu.memory_space<semaphore_mem>>) src(%dma_wait3A_289 : memref<128x32xf32, #tpu.memory_space<vmem>>) dst(%dma_wait3A_286 : memref<128x32xf32, #tpu.memory_space<vmem_shared>>)
      tpu.yield
    }) : () -> ()
    "tpu.region"() ({
      %run_scoped3A_269 = tpu.sem_alloc : memref<!tpu.dma_semaphore, #tpu.memory_space<semaphore_mem>>
      %dma_start3A_270 = arith.constant 0 : i32
      %dma_start3A_271 = arith.constant 0 : i32
      %dma_start3A_272 = tpu.memref_slice %arg10[%dma_start3A_270, %dma_start3A_271] : memref<128x32xf32, #tpu.memory_space<vmem>> -> memref<128x32xf32, #tpu.memory_space<vmem>>
      %dma_start3A_273 = arith.constant 0 : i32
      %dma_start3A_274 = tpu.memref_slice %arg15[%add3A_213, %dma_start3A_273] : memref<10112x32xf32, #tpu.memory_space<vmem_shared>> -> memref<128x32xf32, #tpu.memory_space<vmem_shared>>
      %dma_start3A_275 = arith.constant 0 : i32
      %dma_start3A_276 = tpu.memref_slice %arg15[%add3A_213, %dma_start3A_275] : memref<10112x32xf32, #tpu.memory_space<vmem_shared>> -> memref<128x32xf32, #tpu.memory_space<vmem_shared>>
      %dma_start3A_277 = arith.constant 0 : i32
      %dma_start3A_278 = arith.constant 0 : i32
      %dma_start3A_279 = tpu.memref_slice %arg10[%dma_start3A_277, %dma_start3A_278] : memref<128x32xf32, #tpu.memory_space<vmem>> -> memref<128x32xf32, #tpu.memory_space<vmem>>
      tpu.enqueue_dma source(%dma_start3A_279 : memref<128x32xf32, #tpu.memory_space<vmem>>) target(%dma_start3A_276 : memref<128x32xf32, #tpu.memory_space<vmem_shared>>) target_semaphore(%run_scoped3A_269 : memref<!tpu.dma_semaphore, #tpu.memory_space<semaphore_mem>>)
      %dma_wait3A_280 = arith.constant 0 : i32
      %dma_wait3A_281 = arith.constant 0 : i32
      %dma_wait3A_282 = tpu.memref_slice %arg10[%dma_wait3A_280, %dma_wait3A_281] : memref<128x32xf32, #tpu.memory_space<vmem>> -> memref<128x32xf32, #tpu.memory_space<vmem>>
      %dma_wait3A_283 = arith.constant 0 : i32
      %dma_wait3A_284 = tpu.memref_slice %arg15[%add3A_213, %dma_wait3A_283] : memref<10112x32xf32, #tpu.memory_space<vmem_shared>> -> memref<128x32xf32, #tpu.memory_space<vmem_shared>>
      %dma_wait3A_285 = arith.constant 0 : i32
      %dma_wait3A_286 = tpu.memref_slice %arg15[%add3A_213, %dma_wait3A_285] : memref<10112x32xf32, #tpu.memory_space<vmem_shared>> -> memref<128x32xf32, #tpu.memory_space<vmem_shared>>
      %dma_wait3A_287 = arith.constant 0 : i32
      %dma_wait3A_288 = arith.constant 0 : i32
      %dma_wait3A_289 = tpu.memref_slice %arg10[%dma_wait3A_287, %dma_wait3A_288] : memref<128x32xf32, #tpu.memory_space<vmem>> -> memref<128x32xf32, #tpu.memory_space<vmem>>
      tpu.wait_dma2 semaphore(%run_scoped3A_269 : memref<!tpu.dma_semaphore, #tpu.memory_space<semaphore_mem>>) src(%dma_wait3A_289 : memref<128x32xf32, #tpu.memory_space<vmem>>) dst(%dma_wait3A_286 : memref<128x32xf32, #tpu.memory_space<vmem_shared>>)
      tpu.yield
    }) : () -> ()
    %add3A_219 = arith.constant 512 : i32
    %add3A_220 = arith.addi %mul3A_0, %add3A_219 : i32
    "tpu.region"() ({
      %run_scoped3A_269 = tpu.sem_alloc : memref<!tpu.dma_semaphore, #tpu.memory_space<semaphore_mem>>
      %dma_start3A_270 = arith.constant 0 : i32
      %dma_start3A_271 = arith.constant 0 : i32
      %dma_start3A_272 = tpu.memref_slice %arg10[%dma_start3A_270, %dma_start3A_271] : memref<128x32xf32, #tpu.memory_space<vmem>> -> memref<120x32xf32, #tpu.memory_space<vmem>>
      %dma_start3A_273 = arith.constant 0 : i32
      %dma_start3A_274 = tpu.memref_slice %arg15[%add3A_220, %dma_start3A_273] : memref<10112x32xf32, #tpu.memory_space<vmem_shared>> -> memref<120x32xf32, #tpu.memory_space<vmem_shared>>
      %dma_start3A_275 = arith.constant 0 : i32
      %dma_start3A_276 = arith.constant 0 : i32
      %dma_start3A_277 = tpu.memref_slice %arg10[%dma_start3A_275, %dma_start3A_276] : memref<128x32xf32, #tpu.memory_space<vmem>> -> memref<120x32xf32, #tpu.memory_space<vmem>>
      %dma_start3A_278 = arith.constant 0 : i32
      %dma_start3A_279 = tpu.memref_slice %arg15[%add3A_220, %dma_start3A_278] : memref<10112x32xf32, #tpu.memory_space<vmem_shared>> -> memref<120x32xf32, #tpu.memory_space<vmem_shared>>
      tpu.enqueue_dma source(%dma_start3A_279 : memref<120x32xf32, #tpu.memory_space<vmem_shared>>) target(%dma_start3A_277 : memref<120x32xf32, #tpu.memory_space<vmem>>) target_semaphore(%run_scoped3A_269 : memref<!tpu.dma_semaphore, #tpu.memory_space<semaphore_mem>>)
      %dma_wait3A_280 = arith.constant 0 : i32
      %dma_wait3A_281 = arith.constant 0 : i32
      %dma_wait3A_282 = tpu.memref_slice %arg10[%dma_wait3A_280, %dma_wait3A_281] : memref<128x32xf32, #tpu.memory_space<vmem>> -> memref<120x32xf32, #tpu.memory_space<vmem>>
      %dma_wait3A_283 = arith.constant 0 : i32
      %dma_wait3A_284 = tpu.memref_slice %arg15[%add3A_220, %dma_wait3A_283] : memref<10112x32xf32, #tpu.memory_space<vmem_shared>> -> memref<120x32xf32, #tpu.memory_space<vmem_shared>>
      %dma_wait3A_285 = arith.constant 0 : i32
      %dma_wait3A_286 = arith.constant 0 : i32
      %dma_wait3A_287 = tpu.memref_slice %arg10[%dma_wait3A_285, %dma_wait3A_286] : memref<128x32xf32, #tpu.memory_space<vmem>> -> memref<120x32xf32, #tpu.memory_space<vmem>>
      %dma_wait3A_288 = arith.constant 0 : i32
      %dma_wait3A_289 = tpu.memref_slice %arg15[%add3A_220, %dma_wait3A_288] : memref<10112x32xf32, #tpu.memory_space<vmem_shared>> -> memref<120x32xf32, #tpu.memory_space<vmem_shared>>
      tpu.wait_dma2 semaphore(%run_scoped3A_269 : memref<!tpu.dma_semaphore, #tpu.memory_space<semaphore_mem>>) src(%dma_wait3A_289 : memref<120x32xf32, #tpu.memory_space<vmem_shared>>) dst(%dma_wait3A_287 : memref<120x32xf32, #tpu.memory_space<vmem>>)
      tpu.yield
    }) : () -> ()
    %scan3A_221 = arith.constant 0 : i32
    %scan3A_222 = arith.constant 120 : i32
    %scan3A_223 = arith.addi %scan3A_221, %scan3A_222 : i32
    %scan3A_224 = arith.constant 1 : i32
    scf.for %scan3A_269 = %scan3A_221 to %scan3A_223 step %scan3A_224  : i32 {
      %mul3A_270 = arith.constant 1 : i32
      %mul3A_271 = arith.muli %scan3A_269, %mul3A_270 : i32
      %add3A_272 = arith.constant 0 : i32
      %add3A_273 = arith.addi %add3A_272, %mul3A_271 : i32
      %add3A_274 = arith.constant 512 : i32
      %add3A_275 = arith.addi %add3A_274, %add3A_273 : i32
      %broadcast_in_dim3A_276 = arith.constant 0 : i32
      %broadcast_in_dim3A_277 = vector.broadcast %broadcast_in_dim3A_276 : i32 to vector<16xi32>
      %add3A_278 = vector.broadcast %add3A_275 : i32 to vector<16xi32>
      %add3A_279 = arith.addi %broadcast_in_dim3A_277, %add3A_278 : vector<16xi32>
      %gather3A_280 = tpu.vector_load_idx %arg14[%add3A_279] : memref<632xf32, #tpu.memory_space<vmem>>[vector<16xi32>], vector<16xf32>,
      %get3A = arith.index_cast %add3A_273 : i32 to index
      %get3A_281 = arith.constant 0 : index
      %get3A_282 = tpu.vector_load %arg10[%get3A, %get3A_281] {strides = array<i32>} : memref<128x32xf32, #tpu.memory_space<vmem>>, vector<16xf32>,
      %mul3A_283 = arith.mulf %get3A_282, %gather3A_280 : vector<16xf32>
      %swap3A = arith.index_cast %add3A_273 : i32 to index
      %swap3A_284 = arith.constant 0 : index
      %swap3A_285 = tpu.vector_load %arg10[%swap3A, %swap3A_284] {strides = array<i32>} : memref<128x32xf32, #tpu.memory_space<vmem>>, vector<16xf32>,
      tpu.vector_store %arg10[%swap3A, %swap3A_284], %mul3A_283 {strides = array<i32>} : memref<128x32xf32, #tpu.memory_space<vmem>>, vector<16xf32>,
      %get3A_286 = arith.index_cast %add3A_273 : i32 to index
      %get3A_287 = arith.constant 16 : index
      %get3A_288 = tpu.vector_load %arg10[%get3A_286, %get3A_287] {strides = array<i32>} : memref<128x32xf32, #tpu.memory_space<vmem>>, vector<16xf32>,
      %mul3A_289 = arith.mulf %get3A_288, %gather3A_280 : vector<16xf32>
      %swap3A_290 = arith.index_cast %add3A_273 : i32 to index
      %swap3A_291 = arith.constant 16 : index
      %swap3A_292 = tpu.vector_load %arg10[%swap3A_290, %swap3A_291] {strides = array<i32>} : memref<128x32xf32, #tpu.memory_space<vmem>>, vector<16xf32>,
      tpu.vector_store %arg10[%swap3A_290, %swap3A_291], %mul3A_289 {strides = array<i32>} : memref<128x32xf32, #tpu.memory_space<vmem>>, vector<16xf32>,
    }
    %scan3A_225 = arith.constant 120 : i32
    "tpu.region"() ({
      %run_scoped3A_269 = tpu.sem_alloc : memref<!tpu.dma_semaphore, #tpu.memory_space<semaphore_mem>>
      %dma_start3A_270 = arith.constant 0 : i32
      %dma_start3A_271 = arith.constant 0 : i32
      %dma_start3A_272 = tpu.memref_slice %arg10[%dma_start3A_270, %dma_start3A_271] : memref<128x32xf32, #tpu.memory_space<vmem>> -> memref<120x32xf32, #tpu.memory_space<vmem>>
      %dma_start3A_273 = arith.constant 0 : i32
      %dma_start3A_274 = tpu.memref_slice %arg16[%add3A_220, %dma_start3A_273] : memref<10112x32xf32, #tpu.memory_space<vmem_shared>> -> memref<120x32xf32, #tpu.memory_space<vmem_shared>>
      %dma_start3A_275 = arith.constant 0 : i32
      %dma_start3A_276 = tpu.memref_slice %arg16[%add3A_220, %dma_start3A_275] : memref<10112x32xf32, #tpu.memory_space<vmem_shared>> -> memref<120x32xf32, #tpu.memory_space<vmem_shared>>
      %dma_start3A_277 = arith.constant 0 : i32
      %dma_start3A_278 = arith.constant 0 : i32
      %dma_start3A_279 = tpu.memref_slice %arg10[%dma_start3A_277, %dma_start3A_278] : memref<128x32xf32, #tpu.memory_space<vmem>> -> memref<120x32xf32, #tpu.memory_space<vmem>>
      tpu.enqueue_dma source(%dma_start3A_279 : memref<120x32xf32, #tpu.memory_space<vmem>>) target(%dma_start3A_276 : memref<120x32xf32, #tpu.memory_space<vmem_shared>>) target_semaphore(%run_scoped3A_269 : memref<!tpu.dma_semaphore, #tpu.memory_space<semaphore_mem>>)
      %dma_wait3A_280 = arith.constant 0 : i32
      %dma_wait3A_281 = arith.constant 0 : i32
      %dma_wait3A_282 = tpu.memref_slice %arg10[%dma_wait3A_280, %dma_wait3A_281] : memref<128x32xf32, #tpu.memory_space<vmem>> -> memref<120x32xf32, #tpu.memory_space<vmem>>
      %dma_wait3A_283 = arith.constant 0 : i32
      %dma_wait3A_284 = tpu.memref_slice %arg16[%add3A_220, %dma_wait3A_283] : memref<10112x32xf32, #tpu.memory_space<vmem_shared>> -> memref<120x32xf32, #tpu.memory_space<vmem_shared>>
      %dma_wait3A_285 = arith.constant 0 : i32
      %dma_wait3A_286 = tpu.memref_slice %arg16[%add3A_220, %dma_wait3A_285] : memref<10112x32xf32, #tpu.memory_space<vmem_shared>> -> memref<120x32xf32, #tpu.memory_space<vmem_shared>>
      %dma_wait3A_287 = arith.constant 0 : i32
      %dma_wait3A_288 = arith.constant 0 : i32
      %dma_wait3A_289 = tpu.memref_slice %arg10[%dma_wait3A_287, %dma_wait3A_288] : memref<128x32xf32, #tpu.memory_space<vmem>> -> memref<120x32xf32, #tpu.memory_space<vmem>>
      tpu.wait_dma2 semaphore(%run_scoped3A_269 : memref<!tpu.dma_semaphore, #tpu.memory_space<semaphore_mem>>) src(%dma_wait3A_289 : memref<120x32xf32, #tpu.memory_space<vmem>>) dst(%dma_wait3A_286 : memref<120x32xf32, #tpu.memory_space<vmem_shared>>)
      tpu.yield
    }) : () -> ()
    "tpu.region"() ({
      %run_scoped3A_269 = tpu.sem_alloc : memref<!tpu.dma_semaphore, #tpu.memory_space<semaphore_mem>>
      %dma_start3A_270 = arith.constant 0 : i32
      %dma_start3A_271 = arith.constant 0 : i32
      %dma_start3A_272 = tpu.memref_slice %arg10[%dma_start3A_270, %dma_start3A_271] : memref<128x32xf32, #tpu.memory_space<vmem>> -> memref<120x32xf32, #tpu.memory_space<vmem>>
      %dma_start3A_273 = arith.constant 0 : i32
      %dma_start3A_274 = tpu.memref_slice %arg15[%add3A_220, %dma_start3A_273] : memref<10112x32xf32, #tpu.memory_space<vmem_shared>> -> memref<120x32xf32, #tpu.memory_space<vmem_shared>>
      %dma_start3A_275 = arith.constant 0 : i32
      %dma_start3A_276 = tpu.memref_slice %arg15[%add3A_220, %dma_start3A_275] : memref<10112x32xf32, #tpu.memory_space<vmem_shared>> -> memref<120x32xf32, #tpu.memory_space<vmem_shared>>
      %dma_start3A_277 = arith.constant 0 : i32
      %dma_start3A_278 = arith.constant 0 : i32
      %dma_start3A_279 = tpu.memref_slice %arg10[%dma_start3A_277, %dma_start3A_278] : memref<128x32xf32, #tpu.memory_space<vmem>> -> memref<120x32xf32, #tpu.memory_space<vmem>>
      tpu.enqueue_dma source(%dma_start3A_279 : memref<120x32xf32, #tpu.memory_space<vmem>>) target(%dma_start3A_276 : memref<120x32xf32, #tpu.memory_space<vmem_shared>>) target_semaphore(%run_scoped3A_269 : memref<!tpu.dma_semaphore, #tpu.memory_space<semaphore_mem>>)
      %dma_wait3A_280 = arith.constant 0 : i32
      %dma_wait3A_281 = arith.constant 0 : i32
      %dma_wait3A_282 = tpu.memref_slice %arg10[%dma_wait3A_280, %dma_wait3A_281] : memref<128x32xf32, #tpu.memory_space<vmem>> -> memref<120x32xf32, #tpu.memory_space<vmem>>
      %dma_wait3A_283 = arith.constant 0 : i32
      %dma_wait3A_284 = tpu.memref_slice %arg15[%add3A_220, %dma_wait3A_283] : memref<10112x32xf32, #tpu.memory_space<vmem_shared>> -> memref<120x32xf32, #tpu.memory_space<vmem_shared>>
      %dma_wait3A_285 = arith.constant 0 : i32
      %dma_wait3A_286 = tpu.memref_slice %arg15[%add3A_220, %dma_wait3A_285] : memref<10112x32xf32, #tpu.memory_space<vmem_shared>> -> memref<120x32xf32, #tpu.memory_space<vmem_shared>>
      %dma_wait3A_287 = arith.constant 0 : i32
      %dma_wait3A_288 = arith.constant 0 : i32
      %dma_wait3A_289 = tpu.memref_slice %arg10[%dma_wait3A_287, %dma_wait3A_288] : memref<128x32xf32, #tpu.memory_space<vmem>> -> memref<120x32xf32, #tpu.memory_space<vmem>>
      tpu.wait_dma2 semaphore(%run_scoped3A_269 : memref<!tpu.dma_semaphore, #tpu.memory_space<semaphore_mem>>) src(%dma_wait3A_289 : memref<120x32xf32, #tpu.memory_space<vmem>>) dst(%dma_wait3A_286 : memref<120x32xf32, #tpu.memory_space<vmem_shared>>)
      tpu.yield
    }) : () -> ()
    %barrier3A_226 = arith.constant 0 : index
    tpu.barrier barrier_id(%barrier3A_226)
    %dma_start3A_227 = arith.constant 0 : i32
    %dma_start3A_228 = arith.constant 0 : i32
    %dma_start3A_229 = arith.constant 0 : i32
    %dma_start3A_230 = arith.constant 0 : i32
    %dma_start3A_231 = tpu.memref_slice %arg9[%dma_start3A_228, %dma_start3A_229, %dma_start3A_230] : memref<3x128x32xf32, #tpu.memory_space<vmem>> -> memref<1x128x32xf32, #tpu.memory_space<vmem>>
    %dma_start3A_232 = tpu.memref_squeeze %dma_start3A_231 : memref<1x128x32xf32, #tpu.memory_space<vmem>> -> memref<128x32xf32, #tpu.memory_space<vmem>>
    %dma_start3A_233 = arith.constant 0 : i32
    %dma_start3A_234 = tpu.memref_slice %arg7[%dma_start3A_227, %dma_start3A_233] : memref<162x128xi32, #tpu.memory_space<vmem>> -> memref<1x128xi32, #tpu.memory_space<vmem>>
    %dma_start3A_235 = tpu.memref_squeeze %dma_start3A_234 : memref<1x128xi32, #tpu.memory_space<vmem>> -> memref<128xi32, #tpu.memory_space<vmem>>
    %dma_start3A_236 = arith.constant 0 : i32
    %dma_start3A_237 = arith.constant 0 : i32
    %dma_start3A_238 = tpu.memref_slice %arg16[%dma_start3A_236, %dma_start3A_237] : memref<10112x32xf32, #tpu.memory_space<vmem_shared>> -> memref<10112x32xf32, #tpu.memory_space<vmem_shared>>
    tpu.enqueue_indirect_dma source(%dma_start3A_238 : memref<10112x32xf32, #tpu.memory_space<vmem_shared>>) target(%dma_start3A_232 : memref<128x32xf32, #tpu.memory_space<vmem>>) offsets(%dma_start3A_235 : memref<128xi32, #tpu.memory_space<vmem>>) semaphore(%arg18 : memref<!tpu.dma_semaphore, #tpu.memory_space<semaphore_mem>>)
    %dma_start3A_239 = arith.constant 1 : i32
    %dma_start3A_240 = arith.constant 1 : i32
    %dma_start3A_241 = arith.constant 0 : i32
    %dma_start3A_242 = arith.constant 0 : i32
    %dma_start3A_243 = tpu.memref_slice %arg9[%dma_start3A_240, %dma_start3A_241, %dma_start3A_242] : memref<3x128x32xf32, #tpu.memory_space<vmem>> -> memref<1x128x32xf32, #tpu.memory_space<vmem>>
    %dma_start3A_244 = tpu.memref_squeeze %dma_start3A_243 : memref<1x128x32xf32, #tpu.memory_space<vmem>> -> memref<128x32xf32, #tpu.memory_space<vmem>>
    %dma_start3A_245 = arith.constant 0 : i32
    %dma_start3A_246 = tpu.memref_slice %arg7[%dma_start3A_239, %dma_start3A_245] : memref<162x128xi32, #tpu.memory_space<vmem>> -> memref<1x128xi32, #tpu.memory_space<vmem>>
    %dma_start3A_247 = tpu.memref_squeeze %dma_start3A_246 : memref<1x128xi32, #tpu.memory_space<vmem>> -> memref<128xi32, #tpu.memory_space<vmem>>
    %dma_start3A_248 = arith.constant 0 : i32
    %dma_start3A_249 = arith.constant 0 : i32
    %dma_start3A_250 = tpu.memref_slice %arg16[%dma_start3A_248, %dma_start3A_249] : memref<10112x32xf32, #tpu.memory_space<vmem_shared>> -> memref<10112x32xf32, #tpu.memory_space<vmem_shared>>
    tpu.enqueue_indirect_dma source(%dma_start3A_250 : memref<10112x32xf32, #tpu.memory_space<vmem_shared>>) target(%dma_start3A_244 : memref<128x32xf32, #tpu.memory_space<vmem>>) offsets(%dma_start3A_247 : memref<128xi32, #tpu.memory_space<vmem>>) semaphore(%arg18 : memref<!tpu.dma_semaphore, #tpu.memory_space<semaphore_mem>>)
    %scan3A_251 = arith.constant 0 : i32
    %scan3A_252 = arith.constant 54 : i32
    %scan3A_253 = arith.addi %scan3A_251, %scan3A_252 : i32
    %scan3A_254 = arith.constant 1 : i32
    scf.for %scan3A_269 = %scan3A_251 to %scan3A_253 step %scan3A_254  : i32 {
      %mul3A_270 = arith.constant 1 : i32
      %mul3A_271 = arith.muli %scan3A_269, %mul3A_270 : i32
      %add3A_272 = arith.constant 0 : i32
      %add3A_273 = arith.addi %add3A_272, %mul3A_271 : i32
      %mul3A_274 = arith.constant 3 : i32
      %mul3A_275 = arith.muli %mul3A_274, %add3A_273 : i32
      %add3A_276 = arith.constant 0 : i32
      %add3A_277 = arith.addi %mul3A_275, %add3A_276 : i32
      %dma_wait3A_278 = arith.constant 0 : i32
      %dma_wait3A_279 = arith.constant 0 : i32
      %dma_wait3A_280 = arith.constant 0 : i32
      %dma_wait3A_281 = tpu.memref_slice %arg9[%dma_wait3A_278, %dma_wait3A_279, %dma_wait3A_280] : memref<3x128x32xf32, #tpu.memory_space<vmem>> -> memref<1x128x32xf32, #tpu.memory_space<vmem>>
      %dma_wait3A_282 = tpu.memref_squeeze %dma_wait3A_281 : memref<1x128x32xf32, #tpu.memory_space<vmem>> -> memref<128x32xf32, #tpu.memory_space<vmem>>
      %dma_wait3A_283 = arith.constant 0 : i32
      %dma_wait3A_284 = tpu.memref_slice %arg7[%add3A_277, %dma_wait3A_283] : memref<162x128xi32, #tpu.memory_space<vmem>> -> memref<1x128xi32, #tpu.memory_space<vmem>>
      %dma_wait3A_285 = tpu.memref_squeeze %dma_wait3A_284 : memref<1x128xi32, #tpu.memory_space<vmem>> -> memref<128xi32, #tpu.memory_space<vmem>>
      %dma_wait3A_286 = arith.constant 0 : i32
      %dma_wait3A_287 = arith.constant 0 : i32
      %dma_wait3A_288 = tpu.memref_slice %arg16[%dma_wait3A_286, %dma_wait3A_287] : memref<10112x32xf32, #tpu.memory_space<vmem_shared>> -> memref<10112x32xf32, #tpu.memory_space<vmem_shared>>
      tpu.wait_indirect_dma semaphore(%arg18 : memref<!tpu.dma_semaphore, #tpu.memory_space<semaphore_mem>>) src(%dma_wait3A_288 : memref<10112x32xf32, #tpu.memory_space<vmem_shared>>) dst(%dma_wait3A_282 : memref<128x32xf32, #tpu.memory_space<vmem>>)
      %ge3A = arith.constant 1 : i32
      %ge3A_289 = arith.cmpi sge, %add3A_277, %ge3A : i32
      %convert_element_type3A = arith.extui %ge3A_289 : i1 to i32
      %cond3A = arith.constant 0 : i32
      %cond3A_290 = arith.cmpi ne, %convert_element_type3A, %cond3A : i32
      scf.if %cond3A_290 {
        %dma_wait3A_381 = arith.constant 2 : i32
        %dma_wait3A_382 = arith.constant 0 : i32
        %dma_wait3A_383 = arith.constant 0 : i32
        %dma_wait3A_384 = tpu.memref_slice %arg9[%dma_wait3A_381, %dma_wait3A_382, %dma_wait3A_383] : memref<3x128x32xf32, #tpu.memory_space<vmem>> -> memref<1x128x32xf32, #tpu.memory_space<vmem>>
        %dma_wait3A_385 = tpu.memref_squeeze %dma_wait3A_384 : memref<1x128x32xf32, #tpu.memory_space<vmem>> -> memref<128x32xf32, #tpu.memory_space<vmem>>
        %dma_wait3A_386 = arith.constant 0 : i32
        %dma_wait3A_387 = tpu.memref_slice %arg8[%add3A_277, %dma_wait3A_386] : memref<162x128xi32, #tpu.memory_space<vmem>> -> memref<1x128xi32, #tpu.memory_space<vmem>>
        %dma_wait3A_388 = tpu.memref_squeeze %dma_wait3A_387 : memref<1x128xi32, #tpu.memory_space<vmem>> -> memref<128xi32, #tpu.memory_space<vmem>>
        %dma_wait3A_389 = arith.constant 0 : i32
        %dma_wait3A_390 = arith.constant 0 : i32
        %dma_wait3A_391 = tpu.memref_slice %arg15[%dma_wait3A_389, %dma_wait3A_390] : memref<10112x32xf32, #tpu.memory_space<vmem_shared>> -> memref<10112x32xf32, #tpu.memory_space<vmem_shared>>
        tpu.wait_indirect_dma semaphore(%arg19 : memref<!tpu.dma_semaphore, #tpu.memory_space<semaphore_mem>>) src(%dma_wait3A_385 : memref<128x32xf32, #tpu.memory_space<vmem>>) dst(%dma_wait3A_391 : memref<10112x32xf32, #tpu.memory_space<vmem_shared>>)
      } else {
      }
      %dma_start3A_291 = arith.constant 0 : i32
      %dma_start3A_292 = arith.constant 0 : i32
      %dma_start3A_293 = arith.constant 0 : i32
      %dma_start3A_294 = tpu.memref_slice %arg9[%dma_start3A_291, %dma_start3A_292, %dma_start3A_293] : memref<3x128x32xf32, #tpu.memory_space<vmem>> -> memref<1x128x32xf32, #tpu.memory_space<vmem>>
      %dma_start3A_295 = tpu.memref_squeeze %dma_start3A_294 : memref<1x128x32xf32, #tpu.memory_space<vmem>> -> memref<128x32xf32, #tpu.memory_space<vmem>>
      %dma_start3A_296 = arith.constant 0 : i32
      %dma_start3A_297 = tpu.memref_slice %arg8[%add3A_277, %dma_start3A_296] : memref<162x128xi32, #tpu.memory_space<vmem>> -> memref<1x128xi32, #tpu.memory_space<vmem>>
      %dma_start3A_298 = tpu.memref_squeeze %dma_start3A_297 : memref<1x128xi32, #tpu.memory_space<vmem>> -> memref<128xi32, #tpu.memory_space<vmem>>
      %dma_start3A_299 = arith.constant 0 : i32
      %dma_start3A_300 = arith.constant 0 : i32
      %dma_start3A_301 = tpu.memref_slice %arg15[%dma_start3A_299, %dma_start3A_300] : memref<10112x32xf32, #tpu.memory_space<vmem_shared>> -> memref<10112x32xf32, #tpu.memory_space<vmem_shared>>
      tpu.enqueue_indirect_dma source(%dma_start3A_295 : memref<128x32xf32, #tpu.memory_space<vmem>>) target(%dma_start3A_301 : memref<10112x32xf32, #tpu.memory_space<vmem_shared>>) offsets(%dma_start3A_298 : memref<128xi32, #tpu.memory_space<vmem>>) semaphore(%arg19 : memref<!tpu.dma_semaphore, #tpu.memory_space<semaphore_mem>>) {add = true}
      %add3A_302 = arith.constant 2 : i32
      %add3A_303 = arith.addi %add3A_277, %add3A_302 : i32
      %lt3A_304 = arith.constant 162 : i32
      %lt3A_305 = arith.cmpi slt, %add3A_303, %lt3A_304 : i32
      %convert_element_type3A_306 = arith.extui %lt3A_305 : i1 to i32
      %cond3A_307 = arith.constant 0 : i32
      %cond3A_308 = arith.cmpi ne, %convert_element_type3A_306, %cond3A_307 : i32
      scf.if %cond3A_308 {
        %add3A_381 = arith.constant 2 : i32
        %add3A_382 = arith.addi %add3A_277, %add3A_381 : i32
        %dma_start3A_383 = arith.constant 2 : i32
        %dma_start3A_384 = arith.constant 0 : i32
        %dma_start3A_385 = arith.constant 0 : i32
        %dma_start3A_386 = tpu.memref_slice %arg9[%dma_start3A_383, %dma_start3A_384, %dma_start3A_385] : memref<3x128x32xf32, #tpu.memory_space<vmem>> -> memref<1x128x32xf32, #tpu.memory_space<vmem>>
        %dma_start3A_387 = tpu.memref_squeeze %dma_start3A_386 : memref<1x128x32xf32, #tpu.memory_space<vmem>> -> memref<128x32xf32, #tpu.memory_space<vmem>>
        %dma_start3A_388 = arith.constant 0 : i32
        %dma_start3A_389 = tpu.memref_slice %arg7[%add3A_382, %dma_start3A_388] : memref<162x128xi32, #tpu.memory_space<vmem>> -> memref<1x128xi32, #tpu.memory_space<vmem>>
        %dma_start3A_390 = tpu.memref_squeeze %dma_start3A_389 : memref<1x128xi32, #tpu.memory_space<vmem>> -> memref<128xi32, #tpu.memory_space<vmem>>
        %dma_start3A_391 = arith.constant 0 : i32
        %dma_start3A_392 = arith.constant 0 : i32
        %dma_start3A_393 = tpu.memref_slice %arg16[%dma_start3A_391, %dma_start3A_392] : memref<10112x32xf32, #tpu.memory_space<vmem_shared>> -> memref<10112x32xf32, #tpu.memory_space<vmem_shared>>
        tpu.enqueue_indirect_dma source(%dma_start3A_393 : memref<10112x32xf32, #tpu.memory_space<vmem_shared>>) target(%dma_start3A_387 : memref<128x32xf32, #tpu.memory_space<vmem>>) offsets(%dma_start3A_390 : memref<128xi32, #tpu.memory_space<vmem>>) semaphore(%arg18 : memref<!tpu.dma_semaphore, #tpu.memory_space<semaphore_mem>>)
      } else {
      }
      %add3A_309 = arith.constant 1 : i32
      %add3A_310 = arith.addi %mul3A_275, %add3A_309 : i32
      %dma_wait3A_311 = arith.constant 1 : i32
      %dma_wait3A_312 = arith.constant 0 : i32
      %dma_wait3A_313 = arith.constant 0 : i32
      %dma_wait3A_314 = tpu.memref_slice %arg9[%dma_wait3A_311, %dma_wait3A_312, %dma_wait3A_313] : memref<3x128x32xf32, #tpu.memory_space<vmem>> -> memref<1x128x32xf32, #tpu.memory_space<vmem>>
      %dma_wait3A_315 = tpu.memref_squeeze %dma_wait3A_314 : memref<1x128x32xf32, #tpu.memory_space<vmem>> -> memref<128x32xf32, #tpu.memory_space<vmem>>
      %dma_wait3A_316 = arith.constant 0 : i32
      %dma_wait3A_317 = tpu.memref_slice %arg7[%add3A_310, %dma_wait3A_316] : memref<162x128xi32, #tpu.memory_space<vmem>> -> memref<1x128xi32, #tpu.memory_space<vmem>>
      %dma_wait3A_318 = tpu.memref_squeeze %dma_wait3A_317 : memref<1x128xi32, #tpu.memory_space<vmem>> -> memref<128xi32, #tpu.memory_space<vmem>>
      %dma_wait3A_319 = arith.constant 0 : i32
      %dma_wait3A_320 = arith.constant 0 : i32
      %dma_wait3A_321 = tpu.memref_slice %arg16[%dma_wait3A_319, %dma_wait3A_320] : memref<10112x32xf32, #tpu.memory_space<vmem_shared>> -> memref<10112x32xf32, #tpu.memory_space<vmem_shared>>
      tpu.wait_indirect_dma semaphore(%arg18 : memref<!tpu.dma_semaphore, #tpu.memory_space<semaphore_mem>>) src(%dma_wait3A_321 : memref<10112x32xf32, #tpu.memory_space<vmem_shared>>) dst(%dma_wait3A_315 : memref<128x32xf32, #tpu.memory_space<vmem>>)
      %ge3A_322 = arith.constant 1 : i32
      %ge3A_323 = arith.cmpi sge, %add3A_310, %ge3A_322 : i32
      %convert_element_type3A_324 = arith.extui %ge3A_323 : i1 to i32
      %cond3A_325 = arith.constant 0 : i32
      %cond3A_326 = arith.cmpi ne, %convert_element_type3A_324, %cond3A_325 : i32
      scf.if %cond3A_326 {
        %dma_wait3A_381 = arith.constant 0 : i32
        %dma_wait3A_382 = arith.constant 0 : i32
        %dma_wait3A_383 = arith.constant 0 : i32
        %dma_wait3A_384 = tpu.memref_slice %arg9[%dma_wait3A_381, %dma_wait3A_382, %dma_wait3A_383] : memref<3x128x32xf32, #tpu.memory_space<vmem>> -> memref<1x128x32xf32, #tpu.memory_space<vmem>>
        %dma_wait3A_385 = tpu.memref_squeeze %dma_wait3A_384 : memref<1x128x32xf32, #tpu.memory_space<vmem>> -> memref<128x32xf32, #tpu.memory_space<vmem>>
        %dma_wait3A_386 = arith.constant 0 : i32
        %dma_wait3A_387 = tpu.memref_slice %arg8[%add3A_310, %dma_wait3A_386] : memref<162x128xi32, #tpu.memory_space<vmem>> -> memref<1x128xi32, #tpu.memory_space<vmem>>
        %dma_wait3A_388 = tpu.memref_squeeze %dma_wait3A_387 : memref<1x128xi32, #tpu.memory_space<vmem>> -> memref<128xi32, #tpu.memory_space<vmem>>
        %dma_wait3A_389 = arith.constant 0 : i32
        %dma_wait3A_390 = arith.constant 0 : i32
        %dma_wait3A_391 = tpu.memref_slice %arg15[%dma_wait3A_389, %dma_wait3A_390] : memref<10112x32xf32, #tpu.memory_space<vmem_shared>> -> memref<10112x32xf32, #tpu.memory_space<vmem_shared>>
        tpu.wait_indirect_dma semaphore(%arg19 : memref<!tpu.dma_semaphore, #tpu.memory_space<semaphore_mem>>) src(%dma_wait3A_385 : memref<128x32xf32, #tpu.memory_space<vmem>>) dst(%dma_wait3A_391 : memref<10112x32xf32, #tpu.memory_space<vmem_shared>>)
      } else {
      }
      %dma_start3A_327 = arith.constant 1 : i32
      %dma_start3A_328 = arith.constant 0 : i32
      %dma_start3A_329 = arith.constant 0 : i32
      %dma_start3A_330 = tpu.memref_slice %arg9[%dma_start3A_327, %dma_start3A_328, %dma_start3A_329] : memref<3x128x32xf32, #tpu.memory_space<vmem>> -> memref<1x128x32xf32, #tpu.memory_space<vmem>>
      %dma_start3A_331 = tpu.memref_squeeze %dma_start3A_330 : memref<1x128x32xf32, #tpu.memory_space<vmem>> -> memref<128x32xf32, #tpu.memory_space<vmem>>
      %dma_start3A_332 = arith.constant 0 : i32
      %dma_start3A_333 = tpu.memref_slice %arg8[%add3A_310, %dma_start3A_332] : memref<162x128xi32, #tpu.memory_space<vmem>> -> memref<1x128xi32, #tpu.memory_space<vmem>>
      %dma_start3A_334 = tpu.memref_squeeze %dma_start3A_333 : memref<1x128xi32, #tpu.memory_space<vmem>> -> memref<128xi32, #tpu.memory_space<vmem>>
      %dma_start3A_335 = arith.constant 0 : i32
      %dma_start3A_336 = arith.constant 0 : i32
      %dma_start3A_337 = tpu.memref_slice %arg15[%dma_start3A_335, %dma_start3A_336] : memref<10112x32xf32, #tpu.memory_space<vmem_shared>> -> memref<10112x32xf32, #tpu.memory_space<vmem_shared>>
      tpu.enqueue_indirect_dma source(%dma_start3A_331 : memref<128x32xf32, #tpu.memory_space<vmem>>) target(%dma_start3A_337 : memref<10112x32xf32, #tpu.memory_space<vmem_shared>>) offsets(%dma_start3A_334 : memref<128xi32, #tpu.memory_space<vmem>>) semaphore(%arg19 : memref<!tpu.dma_semaphore, #tpu.memory_space<semaphore_mem>>) {add = true}
      %add3A_338 = arith.constant 2 : i32
      %add3A_339 = arith.addi %add3A_310, %add3A_338 : i32
      %lt3A_340 = arith.constant 162 : i32
      %lt3A_341 = arith.cmpi slt, %add3A_339, %lt3A_340 : i32
      %convert_element_type3A_342 = arith.extui %lt3A_341 : i1 to i32
      %cond3A_343 = arith.constant 0 : i32
      %cond3A_344 = arith.cmpi ne, %convert_element_type3A_342, %cond3A_343 : i32
      scf.if %cond3A_344 {
        %add3A_381 = arith.constant 2 : i32
        %add3A_382 = arith.addi %add3A_310, %add3A_381 : i32
        %dma_start3A_383 = arith.constant 0 : i32
        %dma_start3A_384 = arith.constant 0 : i32
        %dma_start3A_385 = arith.constant 0 : i32
        %dma_start3A_386 = tpu.memref_slice %arg9[%dma_start3A_383, %dma_start3A_384, %dma_start3A_385] : memref<3x128x32xf32, #tpu.memory_space<vmem>> -> memref<1x128x32xf32, #tpu.memory_space<vmem>>
        %dma_start3A_387 = tpu.memref_squeeze %dma_start3A_386 : memref<1x128x32xf32, #tpu.memory_space<vmem>> -> memref<128x32xf32, #tpu.memory_space<vmem>>
        %dma_start3A_388 = arith.constant 0 : i32
        %dma_start3A_389 = tpu.memref_slice %arg7[%add3A_382, %dma_start3A_388] : memref<162x128xi32, #tpu.memory_space<vmem>> -> memref<1x128xi32, #tpu.memory_space<vmem>>
        %dma_start3A_390 = tpu.memref_squeeze %dma_start3A_389 : memref<1x128xi32, #tpu.memory_space<vmem>> -> memref<128xi32, #tpu.memory_space<vmem>>
        %dma_start3A_391 = arith.constant 0 : i32
        %dma_start3A_392 = arith.constant 0 : i32
        %dma_start3A_393 = tpu.memref_slice %arg16[%dma_start3A_391, %dma_start3A_392] : memref<10112x32xf32, #tpu.memory_space<vmem_shared>> -> memref<10112x32xf32, #tpu.memory_space<vmem_shared>>
        tpu.enqueue_indirect_dma source(%dma_start3A_393 : memref<10112x32xf32, #tpu.memory_space<vmem_shared>>) target(%dma_start3A_387 : memref<128x32xf32, #tpu.memory_space<vmem>>) offsets(%dma_start3A_390 : memref<128xi32, #tpu.memory_space<vmem>>) semaphore(%arg18 : memref<!tpu.dma_semaphore, #tpu.memory_space<semaphore_mem>>)
      } else {
      }
      %add3A_345 = arith.constant 2 : i32
      %add3A_346 = arith.addi %mul3A_275, %add3A_345 : i32
      %dma_wait3A_347 = arith.constant 2 : i32
      %dma_wait3A_348 = arith.constant 0 : i32
      %dma_wait3A_349 = arith.constant 0 : i32
      %dma_wait3A_350 = tpu.memref_slice %arg9[%dma_wait3A_347, %dma_wait3A_348, %dma_wait3A_349] : memref<3x128x32xf32, #tpu.memory_space<vmem>> -> memref<1x128x32xf32, #tpu.memory_space<vmem>>
      %dma_wait3A_351 = tpu.memref_squeeze %dma_wait3A_350 : memref<1x128x32xf32, #tpu.memory_space<vmem>> -> memref<128x32xf32, #tpu.memory_space<vmem>>
      %dma_wait3A_352 = arith.constant 0 : i32
      %dma_wait3A_353 = tpu.memref_slice %arg7[%add3A_346, %dma_wait3A_352] : memref<162x128xi32, #tpu.memory_space<vmem>> -> memref<1x128xi32, #tpu.memory_space<vmem>>
      %dma_wait3A_354 = tpu.memref_squeeze %dma_wait3A_353 : memref<1x128xi32, #tpu.memory_space<vmem>> -> memref<128xi32, #tpu.memory_space<vmem>>
      %dma_wait3A_355 = arith.constant 0 : i32
      %dma_wait3A_356 = arith.constant 0 : i32
      %dma_wait3A_357 = tpu.memref_slice %arg16[%dma_wait3A_355, %dma_wait3A_356] : memref<10112x32xf32, #tpu.memory_space<vmem_shared>> -> memref<10112x32xf32, #tpu.memory_space<vmem_shared>>
      tpu.wait_indirect_dma semaphore(%arg18 : memref<!tpu.dma_semaphore, #tpu.memory_space<semaphore_mem>>) src(%dma_wait3A_357 : memref<10112x32xf32, #tpu.memory_space<vmem_shared>>) dst(%dma_wait3A_351 : memref<128x32xf32, #tpu.memory_space<vmem>>)
      %ge3A_358 = arith.constant 1 : i32
      %ge3A_359 = arith.cmpi sge, %add3A_346, %ge3A_358 : i32
      %convert_element_type3A_360 = arith.extui %ge3A_359 : i1 to i32
      %cond3A_361 = arith.constant 0 : i32
      %cond3A_362 = arith.cmpi ne, %convert_element_type3A_360, %cond3A_361 : i32
      scf.if %cond3A_362 {
        %dma_wait3A_381 = arith.constant 1 : i32
        %dma_wait3A_382 = arith.constant 0 : i32
        %dma_wait3A_383 = arith.constant 0 : i32
        %dma_wait3A_384 = tpu.memref_slice %arg9[%dma_wait3A_381, %dma_wait3A_382, %dma_wait3A_383] : memref<3x128x32xf32, #tpu.memory_space<vmem>> -> memref<1x128x32xf32, #tpu.memory_space<vmem>>
        %dma_wait3A_385 = tpu.memref_squeeze %dma_wait3A_384 : memref<1x128x32xf32, #tpu.memory_space<vmem>> -> memref<128x32xf32, #tpu.memory_space<vmem>>
        %dma_wait3A_386 = arith.constant 0 : i32
        %dma_wait3A_387 = tpu.memref_slice %arg8[%add3A_346, %dma_wait3A_386] : memref<162x128xi32, #tpu.memory_space<vmem>> -> memref<1x128xi32, #tpu.memory_space<vmem>>
        %dma_wait3A_388 = tpu.memref_squeeze %dma_wait3A_387 : memref<1x128xi32, #tpu.memory_space<vmem>> -> memref<128xi32, #tpu.memory_space<vmem>>
        %dma_wait3A_389 = arith.constant 0 : i32
        %dma_wait3A_390 = arith.constant 0 : i32
        %dma_wait3A_391 = tpu.memref_slice %arg15[%dma_wait3A_389, %dma_wait3A_390] : memref<10112x32xf32, #tpu.memory_space<vmem_shared>> -> memref<10112x32xf32, #tpu.memory_space<vmem_shared>>
        tpu.wait_indirect_dma semaphore(%arg19 : memref<!tpu.dma_semaphore, #tpu.memory_space<semaphore_mem>>) src(%dma_wait3A_385 : memref<128x32xf32, #tpu.memory_space<vmem>>) dst(%dma_wait3A_391 : memref<10112x32xf32, #tpu.memory_space<vmem_shared>>)
      } else {
      }
      %dma_start3A_363 = arith.constant 2 : i32
      %dma_start3A_364 = arith.constant 0 : i32
      %dma_start3A_365 = arith.constant 0 : i32
      %dma_start3A_366 = tpu.memref_slice %arg9[%dma_start3A_363, %dma_start3A_364, %dma_start3A_365] : memref<3x128x32xf32, #tpu.memory_space<vmem>> -> memref<1x128x32xf32, #tpu.memory_space<vmem>>
      %dma_start3A_367 = tpu.memref_squeeze %dma_start3A_366 : memref<1x128x32xf32, #tpu.memory_space<vmem>> -> memref<128x32xf32, #tpu.memory_space<vmem>>
      %dma_start3A_368 = arith.constant 0 : i32
      %dma_start3A_369 = tpu.memref_slice %arg8[%add3A_346, %dma_start3A_368] : memref<162x128xi32, #tpu.memory_space<vmem>> -> memref<1x128xi32, #tpu.memory_space<vmem>>
      %dma_start3A_370 = tpu.memref_squeeze %dma_start3A_369 : memref<1x128xi32, #tpu.memory_space<vmem>> -> memref<128xi32, #tpu.memory_space<vmem>>
      %dma_start3A_371 = arith.constant 0 : i32
      %dma_start3A_372 = arith.constant 0 : i32
      %dma_start3A_373 = tpu.memref_slice %arg15[%dma_start3A_371, %dma_start3A_372] : memref<10112x32xf32, #tpu.memory_space<vmem_shared>> -> memref<10112x32xf32, #tpu.memory_space<vmem_shared>>
      tpu.enqueue_indirect_dma source(%dma_start3A_367 : memref<128x32xf32, #tpu.memory_space<vmem>>) target(%dma_start3A_373 : memref<10112x32xf32, #tpu.memory_space<vmem_shared>>) offsets(%dma_start3A_370 : memref<128xi32, #tpu.memory_space<vmem>>) semaphore(%arg19 : memref<!tpu.dma_semaphore, #tpu.memory_space<semaphore_mem>>) {add = true}
      %add3A_374 = arith.constant 2 : i32
      %add3A_375 = arith.addi %add3A_346, %add3A_374 : i32
      %lt3A_376 = arith.constant 162 : i32
      %lt3A_377 = arith.cmpi slt, %add3A_375, %lt3A_376 : i32
      %convert_element_type3A_378 = arith.extui %lt3A_377 : i1 to i32
      %cond3A_379 = arith.constant 0 : i32
      %cond3A_380 = arith.cmpi ne, %convert_element_type3A_378, %cond3A_379 : i32
      scf.if %cond3A_380 {
        %add3A_381 = arith.constant 2 : i32
        %add3A_382 = arith.addi %add3A_346, %add3A_381 : i32
        %dma_start3A_383 = arith.constant 1 : i32
        %dma_start3A_384 = arith.constant 0 : i32
        %dma_start3A_385 = arith.constant 0 : i32
        %dma_start3A_386 = tpu.memref_slice %arg9[%dma_start3A_383, %dma_start3A_384, %dma_start3A_385] : memref<3x128x32xf32, #tpu.memory_space<vmem>> -> memref<1x128x32xf32, #tpu.memory_space<vmem>>
        %dma_start3A_387 = tpu.memref_squeeze %dma_start3A_386 : memref<1x128x32xf32, #tpu.memory_space<vmem>> -> memref<128x32xf32, #tpu.memory_space<vmem>>
        %dma_start3A_388 = arith.constant 0 : i32
        %dma_start3A_389 = tpu.memref_slice %arg7[%add3A_382, %dma_start3A_388] : memref<162x128xi32, #tpu.memory_space<vmem>> -> memref<1x128xi32, #tpu.memory_space<vmem>>
        %dma_start3A_390 = tpu.memref_squeeze %dma_start3A_389 : memref<1x128xi32, #tpu.memory_space<vmem>> -> memref<128xi32, #tpu.memory_space<vmem>>
        %dma_start3A_391 = arith.constant 0 : i32
        %dma_start3A_392 = arith.constant 0 : i32
        %dma_start3A_393 = tpu.memref_slice %arg16[%dma_start3A_391, %dma_start3A_392] : memref<10112x32xf32, #tpu.memory_space<vmem_shared>> -> memref<10112x32xf32, #tpu.memory_space<vmem_shared>>
        tpu.enqueue_indirect_dma source(%dma_start3A_393 : memref<10112x32xf32, #tpu.memory_space<vmem_shared>>) target(%dma_start3A_387 : memref<128x32xf32, #tpu.memory_space<vmem>>) offsets(%dma_start3A_390 : memref<128xi32, #tpu.memory_space<vmem>>) semaphore(%arg18 : memref<!tpu.dma_semaphore, #tpu.memory_space<semaphore_mem>>)
      } else {
      }
    }
    %scan3A_255 = arith.constant 54 : i32
    %dma_wait3A_256 = arith.constant 2 : i32
    %dma_wait3A_257 = arith.constant 0 : i32
    %dma_wait3A_258 = arith.constant 0 : i32
    %dma_wait3A_259 = arith.constant 0 : i32
    %dma_wait3A_260 = tpu.memref_slice %arg9[%dma_wait3A_256, %dma_wait3A_258, %dma_wait3A_259] : memref<3x128x32xf32, #tpu.memory_space<vmem>> -> memref<1x128x32xf32, #tpu.memory_space<vmem>>
    %dma_wait3A_261 = tpu.memref_squeeze %dma_wait3A_260 : memref<1x128x32xf32, #tpu.memory_space<vmem>> -> memref<128x32xf32, #tpu.memory_space<vmem>>
    %dma_wait3A_262 = arith.constant 0 : i32
    %dma_wait3A_263 = tpu.memref_slice %arg8[%dma_wait3A_257, %dma_wait3A_262] : memref<162x128xi32, #tpu.memory_space<vmem>> -> memref<1x128xi32, #tpu.memory_space<vmem>>
    %dma_wait3A_264 = tpu.memref_squeeze %dma_wait3A_263 : memref<1x128xi32, #tpu.memory_space<vmem>> -> memref<128xi32, #tpu.memory_space<vmem>>
    %dma_wait3A_265 = arith.constant 0 : i32
    %dma_wait3A_266 = arith.constant 0 : i32
    %dma_wait3A_267 = tpu.memref_slice %arg15[%dma_wait3A_265, %dma_wait3A_266] : memref<10112x32xf32, #tpu.memory_space<vmem_shared>> -> memref<10112x32xf32, #tpu.memory_space<vmem_shared>>
    tpu.wait_indirect_dma semaphore(%arg19 : memref<!tpu.dma_semaphore, #tpu.memory_space<semaphore_mem>>) src(%dma_wait3A_261 : memref<128x32xf32, #tpu.memory_space<vmem>>) dst(%dma_wait3A_267 : memref<10112x32xf32, #tpu.memory_space<vmem_shared>>)
    %barrier3A_268 = arith.constant 0 : index
    tpu.barrier barrier_id(%barrier3A_268)
    "tpu.region"() ({
      %run_scoped3A_269 = tpu.sem_alloc : memref<!tpu.dma_semaphore, #tpu.memory_space<semaphore_mem>>
      %dma_start3A_270 = arith.constant 0 : i32
      %dma_start3A_271 = arith.constant 0 : i32
      %dma_start3A_272 = tpu.memref_slice %arg6[%arg0, %dma_start3A_270, %dma_start3A_271] : memref<2x10112x32xf32, #tpu.memory_space<hbm>> -> memref<1x10112x32xf32, #tpu.memory_space<hbm>>
      %dma_start3A_273 = tpu.memref_squeeze %dma_start3A_272 : memref<1x10112x32xf32, #tpu.memory_space<hbm>> -> memref<10112x32xf32, #tpu.memory_space<hbm>>
      %dma_start3A_274 = arith.constant 0 : i32
      %dma_start3A_275 = tpu.memref_slice %dma_start3A_273[%mul3A_0, %dma_start3A_274] : memref<10112x32xf32, #tpu.memory_space<hbm>> -> memref<632x32xf32, #tpu.memory_space<hbm>>
      %dma_start3A_276 = arith.constant 0 : i32
      %dma_start3A_277 = tpu.memref_slice %arg15[%mul3A_0, %dma_start3A_276] : memref<10112x32xf32, #tpu.memory_space<vmem_shared>> -> memref<632x32xf32, #tpu.memory_space<vmem_shared>>
      tpu.enqueue_dma source(%dma_start3A_277 : memref<632x32xf32, #tpu.memory_space<vmem_shared>>) target(%dma_start3A_275 : memref<632x32xf32, #tpu.memory_space<hbm>>) target_semaphore(%run_scoped3A_269 : memref<!tpu.dma_semaphore, #tpu.memory_space<semaphore_mem>>)
      %dma_wait3A_278 = arith.constant 0 : i32
      %dma_wait3A_279 = arith.constant 0 : i32
      %dma_wait3A_280 = tpu.memref_slice %arg6[%arg0, %dma_wait3A_278, %dma_wait3A_279] : memref<2x10112x32xf32, #tpu.memory_space<hbm>> -> memref<1x10112x32xf32, #tpu.memory_space<hbm>>
      %dma_wait3A_281 = tpu.memref_squeeze %dma_wait3A_280 : memref<1x10112x32xf32, #tpu.memory_space<hbm>> -> memref<10112x32xf32, #tpu.memory_space<hbm>>
      %dma_wait3A_282 = arith.constant 0 : i32
      %dma_wait3A_283 = tpu.memref_slice %dma_wait3A_281[%mul3A_0, %dma_wait3A_282] : memref<10112x32xf32, #tpu.memory_space<hbm>> -> memref<632x32xf32, #tpu.memory_space<hbm>>
      %dma_wait3A_284 = arith.constant 0 : i32
      %dma_wait3A_285 = tpu.memref_slice %arg15[%mul3A_0, %dma_wait3A_284] : memref<10112x32xf32, #tpu.memory_space<vmem_shared>> -> memref<632x32xf32, #tpu.memory_space<vmem_shared>>
      tpu.wait_dma2 semaphore(%run_scoped3A_269 : memref<!tpu.dma_semaphore, #tpu.memory_space<semaphore_mem>>) src(%dma_wait3A_285 : memref<632x32xf32, #tpu.memory_space<vmem_shared>>) dst(%dma_wait3A_283 : memref<632x32xf32, #tpu.memory_space<hbm>>)
      tpu.yield
    }) : () -> ()
    return
  }
}

#map = affine_map<(d0, d1) -> (0, 0, 0)>
module attributes {stable_mosaic.version = 14 : i64} {
  func.func @_hist(%arg0: i32, %arg1: i32, %arg2: memref<32x81x128xi32, #tpu.memory_space<hbm>>, %arg3: memref<2x10112x16xf32, #tpu.memory_space<hbm>>, %arg4: memref<81x128xi32, #tpu.memory_space<vmem>>, %arg5: memref<128x16xf32, #tpu.memory_space<vmem>>, %arg6: memref<10112x16xf32, #tpu.memory_space<vmem_shared>>) attributes {dimension_semantics = [#tpu.dimension_semantics<core_parallel>, #tpu.dimension_semantics<subcore_parallel>], iteration_bounds = array<i64: 2, 16>, scalar_prefetch = 0 : i64, scratch_operands = 3 : i64, tpu.core_type = #tpu.core_type<sc_vector_subcore>, window_params = [{transform_indices = #map}, {transform_indices = #map}]} {
    %mul3A = arith.constant 16 : i32
    %mul3A_0 = arith.muli %arg0, %mul3A : i32
    %add3A = arith.addi %mul3A_0, %arg1 : i32
    %mul3A_1 = arith.constant 632 : i32
    %mul3A_2 = arith.muli %arg1, %mul3A_1 : i32
    "tpu.region"() ({
      %run_scoped3A = tpu.sem_alloc : memref<!tpu.dma_semaphore, #tpu.memory_space<semaphore_mem>>
      %dma_start3A = arith.constant 0 : i32
      %dma_start3A_31 = arith.constant 0 : i32
      %dma_start3A_32 = tpu.memref_slice %arg2[%add3A, %dma_start3A, %dma_start3A_31] : memref<32x81x128xi32, #tpu.memory_space<hbm>> -> memref<1x81x128xi32, #tpu.memory_space<hbm>>
      %dma_start3A_33 = tpu.memref_squeeze %dma_start3A_32 : memref<1x81x128xi32, #tpu.memory_space<hbm>> -> memref<81x128xi32, #tpu.memory_space<hbm>>
      %dma_start3A_34 = arith.constant 0 : i32
      %dma_start3A_35 = arith.constant 0 : i32
      %dma_start3A_36 = tpu.memref_slice %arg2[%add3A, %dma_start3A_34, %dma_start3A_35] : memref<32x81x128xi32, #tpu.memory_space<hbm>> -> memref<1x81x128xi32, #tpu.memory_space<hbm>>
      %dma_start3A_37 = tpu.memref_squeeze %dma_start3A_36 : memref<1x81x128xi32, #tpu.memory_space<hbm>> -> memref<81x128xi32, #tpu.memory_space<hbm>>
      tpu.enqueue_dma source(%dma_start3A_37 : memref<81x128xi32, #tpu.memory_space<hbm>>) target(%arg4 : memref<81x128xi32, #tpu.memory_space<vmem>>) target_semaphore(%run_scoped3A : memref<!tpu.dma_semaphore, #tpu.memory_space<semaphore_mem>>)
      %dma_wait3A = arith.constant 0 : i32
      %dma_wait3A_38 = arith.constant 0 : i32
      %dma_wait3A_39 = tpu.memref_slice %arg2[%add3A, %dma_wait3A, %dma_wait3A_38] : memref<32x81x128xi32, #tpu.memory_space<hbm>> -> memref<1x81x128xi32, #tpu.memory_space<hbm>>
      %dma_wait3A_40 = tpu.memref_squeeze %dma_wait3A_39 : memref<1x81x128xi32, #tpu.memory_space<hbm>> -> memref<81x128xi32, #tpu.memory_space<hbm>>
      %dma_wait3A_41 = arith.constant 0 : i32
      %dma_wait3A_42 = arith.constant 0 : i32
      %dma_wait3A_43 = tpu.memref_slice %arg2[%add3A, %dma_wait3A_41, %dma_wait3A_42] : memref<32x81x128xi32, #tpu.memory_space<hbm>> -> memref<1x81x128xi32, #tpu.memory_space<hbm>>
      %dma_wait3A_44 = tpu.memref_squeeze %dma_wait3A_43 : memref<1x81x128xi32, #tpu.memory_space<hbm>> -> memref<81x128xi32, #tpu.memory_space<hbm>>
      tpu.wait_dma2 semaphore(%run_scoped3A : memref<!tpu.dma_semaphore, #tpu.memory_space<semaphore_mem>>) src(%dma_wait3A_44 : memref<81x128xi32, #tpu.memory_space<hbm>>) dst(%arg4 : memref<81x128xi32, #tpu.memory_space<vmem>>)
      tpu.yield
    }) : () -> ()
    %broadcast_in_dim3A = arith.constant 0.000000e+00 : f32
    %broadcast_in_dim3A_3 = vector.broadcast %broadcast_in_dim3A : f32 to vector<16xf32>
    %scan3A = arith.constant 0 : i32
    %scan3A_4 = arith.constant 128 : i32
    %scan3A_5 = arith.addi %scan3A, %scan3A_4 : i32
    %scan3A_6 = arith.constant 1 : i32
    scf.for %scan3A_31 = %scan3A to %scan3A_5 step %scan3A_6  : i32 {
      %mul3A_32 = arith.constant 1 : i32
      %mul3A_33 = arith.muli %scan3A_31, %mul3A_32 : i32
      %add3A_34 = arith.constant 0 : i32
      %add3A_35 = arith.addi %add3A_34, %mul3A_33 : i32
      %scan3A_36 = arith.constant 0 : i32
      %mul3A_37 = arith.constant 1 : i32
      %mul3A_38 = arith.muli %scan3A_36, %mul3A_37 : i32
      %add3A_39 = arith.constant 0 : i32
      %add3A_40 = arith.addi %add3A_39, %mul3A_38 : i32
      %mul3A_41 = arith.constant 16 : i32
      %mul3A_42 = arith.muli %add3A_40, %mul3A_41 : i32
      %swap3A = arith.index_cast %add3A_35 : i32 to index
      %swap3A_43 = arith.index_cast %mul3A_42 : i32 to index
      %swap3A_44 = tpu.vector_load %arg5[%swap3A, %swap3A_43] {strides = array<i32>} : memref<128x16xf32, #tpu.memory_space<vmem>>, vector<16xf32>,
      tpu.vector_store %arg5[%swap3A, %swap3A_43], %broadcast_in_dim3A_3 {strides = array<i32>} : memref<128x16xf32, #tpu.memory_space<vmem>>, vector<16xf32>,
      %scan3A_45 = arith.constant 1 : i32
    }
    %scan3A_7 = arith.constant 128 : i32
    %add3A_8 = arith.constant 0 : i32
    %add3A_9 = arith.addi %mul3A_2, %add3A_8 : i32
    "tpu.region"() ({
      %run_scoped3A = tpu.sem_alloc : memref<!tpu.dma_semaphore, #tpu.memory_space<semaphore_mem>>
      %dma_start3A = arith.constant 0 : i32
      %dma_start3A_31 = tpu.memref_slice %arg6[%add3A_9, %dma_start3A] : memref<10112x16xf32, #tpu.memory_space<vmem_shared>> -> memref<128x16xf32, #tpu.memory_space<vmem_shared>>
      %dma_start3A_32 = arith.constant 0 : i32
      %dma_start3A_33 = tpu.memref_slice %arg6[%add3A_9, %dma_start3A_32] : memref<10112x16xf32, #tpu.memory_space<vmem_shared>> -> memref<128x16xf32, #tpu.memory_space<vmem_shared>>
      tpu.enqueue_dma source(%arg5 : memref<128x16xf32, #tpu.memory_space<vmem>>) target(%dma_start3A_33 : memref<128x16xf32, #tpu.memory_space<vmem_shared>>) target_semaphore(%run_scoped3A : memref<!tpu.dma_semaphore, #tpu.memory_space<semaphore_mem>>)
      %dma_wait3A = arith.constant 0 : i32
      %dma_wait3A_34 = tpu.memref_slice %arg6[%add3A_9, %dma_wait3A] : memref<10112x16xf32, #tpu.memory_space<vmem_shared>> -> memref<128x16xf32, #tpu.memory_space<vmem_shared>>
      %dma_wait3A_35 = arith.constant 0 : i32
      %dma_wait3A_36 = tpu.memref_slice %arg6[%add3A_9, %dma_wait3A_35] : memref<10112x16xf32, #tpu.memory_space<vmem_shared>> -> memref<128x16xf32, #tpu.memory_space<vmem_shared>>
      tpu.wait_dma2 semaphore(%run_scoped3A : memref<!tpu.dma_semaphore, #tpu.memory_space<semaphore_mem>>) src(%arg5 : memref<128x16xf32, #tpu.memory_space<vmem>>) dst(%dma_wait3A_36 : memref<128x16xf32, #tpu.memory_space<vmem_shared>>)
      tpu.yield
    }) : () -> ()
    %add3A_10 = arith.constant 128 : i32
    %add3A_11 = arith.addi %mul3A_2, %add3A_10 : i32
    "tpu.region"() ({
      %run_scoped3A = tpu.sem_alloc : memref<!tpu.dma_semaphore, #tpu.memory_space<semaphore_mem>>
      %dma_start3A = arith.constant 0 : i32
      %dma_start3A_31 = tpu.memref_slice %arg6[%add3A_11, %dma_start3A] : memref<10112x16xf32, #tpu.memory_space<vmem_shared>> -> memref<128x16xf32, #tpu.memory_space<vmem_shared>>
      %dma_start3A_32 = arith.constant 0 : i32
      %dma_start3A_33 = tpu.memref_slice %arg6[%add3A_11, %dma_start3A_32] : memref<10112x16xf32, #tpu.memory_space<vmem_shared>> -> memref<128x16xf32, #tpu.memory_space<vmem_shared>>
      tpu.enqueue_dma source(%arg5 : memref<128x16xf32, #tpu.memory_space<vmem>>) target(%dma_start3A_33 : memref<128x16xf32, #tpu.memory_space<vmem_shared>>) target_semaphore(%run_scoped3A : memref<!tpu.dma_semaphore, #tpu.memory_space<semaphore_mem>>)
      %dma_wait3A = arith.constant 0 : i32
      %dma_wait3A_34 = tpu.memref_slice %arg6[%add3A_11, %dma_wait3A] : memref<10112x16xf32, #tpu.memory_space<vmem_shared>> -> memref<128x16xf32, #tpu.memory_space<vmem_shared>>
      %dma_wait3A_35 = arith.constant 0 : i32
      %dma_wait3A_36 = tpu.memref_slice %arg6[%add3A_11, %dma_wait3A_35] : memref<10112x16xf32, #tpu.memory_space<vmem_shared>> -> memref<128x16xf32, #tpu.memory_space<vmem_shared>>
      tpu.wait_dma2 semaphore(%run_scoped3A : memref<!tpu.dma_semaphore, #tpu.memory_space<semaphore_mem>>) src(%arg5 : memref<128x16xf32, #tpu.memory_space<vmem>>) dst(%dma_wait3A_36 : memref<128x16xf32, #tpu.memory_space<vmem_shared>>)
      tpu.yield
    }) : () -> ()
    %add3A_12 = arith.constant 256 : i32
    %add3A_13 = arith.addi %mul3A_2, %add3A_12 : i32
    "tpu.region"() ({
      %run_scoped3A = tpu.sem_alloc : memref<!tpu.dma_semaphore, #tpu.memory_space<semaphore_mem>>
      %dma_start3A = arith.constant 0 : i32
      %dma_start3A_31 = tpu.memref_slice %arg6[%add3A_13, %dma_start3A] : memref<10112x16xf32, #tpu.memory_space<vmem_shared>> -> memref<128x16xf32, #tpu.memory_space<vmem_shared>>
      %dma_start3A_32 = arith.constant 0 : i32
      %dma_start3A_33 = tpu.memref_slice %arg6[%add3A_13, %dma_start3A_32] : memref<10112x16xf32, #tpu.memory_space<vmem_shared>> -> memref<128x16xf32, #tpu.memory_space<vmem_shared>>
      tpu.enqueue_dma source(%arg5 : memref<128x16xf32, #tpu.memory_space<vmem>>) target(%dma_start3A_33 : memref<128x16xf32, #tpu.memory_space<vmem_shared>>) target_semaphore(%run_scoped3A : memref<!tpu.dma_semaphore, #tpu.memory_space<semaphore_mem>>)
      %dma_wait3A = arith.constant 0 : i32
      %dma_wait3A_34 = tpu.memref_slice %arg6[%add3A_13, %dma_wait3A] : memref<10112x16xf32, #tpu.memory_space<vmem_shared>> -> memref<128x16xf32, #tpu.memory_space<vmem_shared>>
      %dma_wait3A_35 = arith.constant 0 : i32
      %dma_wait3A_36 = tpu.memref_slice %arg6[%add3A_13, %dma_wait3A_35] : memref<10112x16xf32, #tpu.memory_space<vmem_shared>> -> memref<128x16xf32, #tpu.memory_space<vmem_shared>>
      tpu.wait_dma2 semaphore(%run_scoped3A : memref<!tpu.dma_semaphore, #tpu.memory_space<semaphore_mem>>) src(%arg5 : memref<128x16xf32, #tpu.memory_space<vmem>>) dst(%dma_wait3A_36 : memref<128x16xf32, #tpu.memory_space<vmem_shared>>)
      tpu.yield
    }) : () -> ()
    %add3A_14 = arith.constant 384 : i32
    %add3A_15 = arith.addi %mul3A_2, %add3A_14 : i32
    "tpu.region"() ({
      %run_scoped3A = tpu.sem_alloc : memref<!tpu.dma_semaphore, #tpu.memory_space<semaphore_mem>>
      %dma_start3A = arith.constant 0 : i32
      %dma_start3A_31 = tpu.memref_slice %arg6[%add3A_15, %dma_start3A] : memref<10112x16xf32, #tpu.memory_space<vmem_shared>> -> memref<128x16xf32, #tpu.memory_space<vmem_shared>>
      %dma_start3A_32 = arith.constant 0 : i32
      %dma_start3A_33 = tpu.memref_slice %arg6[%add3A_15, %dma_start3A_32] : memref<10112x16xf32, #tpu.memory_space<vmem_shared>> -> memref<128x16xf32, #tpu.memory_space<vmem_shared>>
      tpu.enqueue_dma source(%arg5 : memref<128x16xf32, #tpu.memory_space<vmem>>) target(%dma_start3A_33 : memref<128x16xf32, #tpu.memory_space<vmem_shared>>) target_semaphore(%run_scoped3A : memref<!tpu.dma_semaphore, #tpu.memory_space<semaphore_mem>>)
      %dma_wait3A = arith.constant 0 : i32
      %dma_wait3A_34 = tpu.memref_slice %arg6[%add3A_15, %dma_wait3A] : memref<10112x16xf32, #tpu.memory_space<vmem_shared>> -> memref<128x16xf32, #tpu.memory_space<vmem_shared>>
      %dma_wait3A_35 = arith.constant 0 : i32
      %dma_wait3A_36 = tpu.memref_slice %arg6[%add3A_15, %dma_wait3A_35] : memref<10112x16xf32, #tpu.memory_space<vmem_shared>> -> memref<128x16xf32, #tpu.memory_space<vmem_shared>>
      tpu.wait_dma2 semaphore(%run_scoped3A : memref<!tpu.dma_semaphore, #tpu.memory_space<semaphore_mem>>) src(%arg5 : memref<128x16xf32, #tpu.memory_space<vmem>>) dst(%dma_wait3A_36 : memref<128x16xf32, #tpu.memory_space<vmem_shared>>)
      tpu.yield
    }) : () -> ()
    %add3A_16 = arith.constant 512 : i32
    %add3A_17 = arith.addi %mul3A_2, %add3A_16 : i32
    "tpu.region"() ({
      %run_scoped3A = tpu.sem_alloc : memref<!tpu.dma_semaphore, #tpu.memory_space<semaphore_mem>>
      %dma_start3A = arith.constant 0 : i32
      %dma_start3A_31 = arith.constant 0 : i32
      %dma_start3A_32 = tpu.memref_slice %arg5[%dma_start3A, %dma_start3A_31] : memref<128x16xf32, #tpu.memory_space<vmem>> -> memref<120x16xf32, #tpu.memory_space<vmem>>
      %dma_start3A_33 = arith.constant 0 : i32
      %dma_start3A_34 = tpu.memref_slice %arg6[%add3A_17, %dma_start3A_33] : memref<10112x16xf32, #tpu.memory_space<vmem_shared>> -> memref<120x16xf32, #tpu.memory_space<vmem_shared>>
      %dma_start3A_35 = arith.constant 0 : i32
      %dma_start3A_36 = tpu.memref_slice %arg6[%add3A_17, %dma_start3A_35] : memref<10112x16xf32, #tpu.memory_space<vmem_shared>> -> memref<120x16xf32, #tpu.memory_space<vmem_shared>>
      %dma_start3A_37 = arith.constant 0 : i32
      %dma_start3A_38 = arith.constant 0 : i32
      %dma_start3A_39 = tpu.memref_slice %arg5[%dma_start3A_37, %dma_start3A_38] : memref<128x16xf32, #tpu.memory_space<vmem>> -> memref<120x16xf32, #tpu.memory_space<vmem>>
      tpu.enqueue_dma source(%dma_start3A_39 : memref<120x16xf32, #tpu.memory_space<vmem>>) target(%dma_start3A_36 : memref<120x16xf32, #tpu.memory_space<vmem_shared>>) target_semaphore(%run_scoped3A : memref<!tpu.dma_semaphore, #tpu.memory_space<semaphore_mem>>)
      %dma_wait3A = arith.constant 0 : i32
      %dma_wait3A_40 = arith.constant 0 : i32
      %dma_wait3A_41 = tpu.memref_slice %arg5[%dma_wait3A, %dma_wait3A_40] : memref<128x16xf32, #tpu.memory_space<vmem>> -> memref<120x16xf32, #tpu.memory_space<vmem>>
      %dma_wait3A_42 = arith.constant 0 : i32
      %dma_wait3A_43 = tpu.memref_slice %arg6[%add3A_17, %dma_wait3A_42] : memref<10112x16xf32, #tpu.memory_space<vmem_shared>> -> memref<120x16xf32, #tpu.memory_space<vmem_shared>>
      %dma_wait3A_44 = arith.constant 0 : i32
      %dma_wait3A_45 = tpu.memref_slice %arg6[%add3A_17, %dma_wait3A_44] : memref<10112x16xf32, #tpu.memory_space<vmem_shared>> -> memref<120x16xf32, #tpu.memory_space<vmem_shared>>
      %dma_wait3A_46 = arith.constant 0 : i32
      %dma_wait3A_47 = arith.constant 0 : i32
      %dma_wait3A_48 = tpu.memref_slice %arg5[%dma_wait3A_46, %dma_wait3A_47] : memref<128x16xf32, #tpu.memory_space<vmem>> -> memref<120x16xf32, #tpu.memory_space<vmem>>
      tpu.wait_dma2 semaphore(%run_scoped3A : memref<!tpu.dma_semaphore, #tpu.memory_space<semaphore_mem>>) src(%dma_wait3A_48 : memref<120x16xf32, #tpu.memory_space<vmem>>) dst(%dma_wait3A_45 : memref<120x16xf32, #tpu.memory_space<vmem_shared>>)
      tpu.yield
    }) : () -> ()
    %broadcast_in_dim3A_18 = arith.constant 1.000000e+00 : f32
    %broadcast_in_dim3A_19 = vector.broadcast %broadcast_in_dim3A_18 : f32 to vector<16xf32>
    %scan3A_20 = arith.constant 0 : i32
    %scan3A_21 = arith.constant 128 : i32
    %scan3A_22 = arith.addi %scan3A_20, %scan3A_21 : i32
    %scan3A_23 = arith.constant 1 : i32
    scf.for %scan3A_31 = %scan3A_20 to %scan3A_22 step %scan3A_23  : i32 {
      %mul3A_32 = arith.constant 1 : i32
      %mul3A_33 = arith.muli %scan3A_31, %mul3A_32 : i32
      %add3A_34 = arith.constant 0 : i32
      %add3A_35 = arith.addi %add3A_34, %mul3A_33 : i32
      %swap3A = arith.index_cast %add3A_35 : i32 to index
      %swap3A_36 = arith.constant 0 : index
      %swap3A_37 = tpu.vector_load %arg5[%swap3A, %swap3A_36] {strides = array<i32>} : memref<128x16xf32, #tpu.memory_space<vmem>>, vector<16xf32>,
      tpu.vector_store %arg5[%swap3A, %swap3A_36], %broadcast_in_dim3A_19 {strides = array<i32>} : memref<128x16xf32, #tpu.memory_space<vmem>>, vector<16xf32>,
    }
    %scan3A_24 = arith.constant 128 : i32
    %barrier3A = arith.constant 0 : index
    tpu.barrier barrier_id(%barrier3A)
    %scan3A_25 = arith.constant 0 : i32
    %scan3A_26 = arith.constant 81 : i32
    %scan3A_27 = arith.addi %scan3A_25, %scan3A_26 : i32
    %scan3A_28 = arith.constant 1 : i32
    scf.for %scan3A_31 = %scan3A_25 to %scan3A_27 step %scan3A_28  : i32 {
      %mul3A_32 = arith.constant 1 : i32
      %mul3A_33 = arith.muli %scan3A_31, %mul3A_32 : i32
      %add3A_34 = arith.constant 0 : i32
      %add3A_35 = arith.addi %add3A_34, %mul3A_33 : i32
      "tpu.region"() ({
        %run_scoped3A = tpu.sem_alloc : memref<!tpu.dma_semaphore, #tpu.memory_space<semaphore_mem>>
        %dma_start3A = arith.constant 0 : i32
        %dma_start3A_36 = tpu.memref_slice %arg4[%add3A_35, %dma_start3A] : memref<81x128xi32, #tpu.memory_space<vmem>> -> memref<1x128xi32, #tpu.memory_space<vmem>>
        %dma_start3A_37 = tpu.memref_squeeze %dma_start3A_36 : memref<1x128xi32, #tpu.memory_space<vmem>> -> memref<128xi32, #tpu.memory_space<vmem>>
        %dma_start3A_38 = arith.constant 0 : i32
        %dma_start3A_39 = arith.constant 0 : i32
        %dma_start3A_40 = tpu.memref_slice %arg6[%dma_start3A_38, %dma_start3A_39] : memref<10112x16xf32, #tpu.memory_space<vmem_shared>> -> memref<10112x16xf32, #tpu.memory_space<vmem_shared>>
        tpu.enqueue_indirect_dma source(%arg5 : memref<128x16xf32, #tpu.memory_space<vmem>>) target(%dma_start3A_40 : memref<10112x16xf32, #tpu.memory_space<vmem_shared>>) offsets(%dma_start3A_37 : memref<128xi32, #tpu.memory_space<vmem>>) semaphore(%run_scoped3A : memref<!tpu.dma_semaphore, #tpu.memory_space<semaphore_mem>>) {add = true}
        %dma_wait3A = arith.constant 0 : i32
        %dma_wait3A_41 = tpu.memref_slice %arg4[%add3A_35, %dma_wait3A] : memref<81x128xi32, #tpu.memory_space<vmem>> -> memref<1x128xi32, #tpu.memory_space<vmem>>
        %dma_wait3A_42 = tpu.memref_squeeze %dma_wait3A_41 : memref<1x128xi32, #tpu.memory_space<vmem>> -> memref<128xi32, #tpu.memory_space<vmem>>
        %dma_wait3A_43 = arith.constant 0 : i32
        %dma_wait3A_44 = arith.constant 0 : i32
        %dma_wait3A_45 = tpu.memref_slice %arg6[%dma_wait3A_43, %dma_wait3A_44] : memref<10112x16xf32, #tpu.memory_space<vmem_shared>> -> memref<10112x16xf32, #tpu.memory_space<vmem_shared>>
        tpu.wait_indirect_dma semaphore(%run_scoped3A : memref<!tpu.dma_semaphore, #tpu.memory_space<semaphore_mem>>) src(%arg5 : memref<128x16xf32, #tpu.memory_space<vmem>>) dst(%dma_wait3A_45 : memref<10112x16xf32, #tpu.memory_space<vmem_shared>>)
        tpu.yield
      }) : () -> ()
    }
    %scan3A_29 = arith.constant 81 : i32
    %barrier3A_30 = arith.constant 0 : index
    tpu.barrier barrier_id(%barrier3A_30)
    "tpu.region"() ({
      %run_scoped3A = tpu.sem_alloc : memref<!tpu.dma_semaphore, #tpu.memory_space<semaphore_mem>>
      %dma_start3A = arith.constant 0 : i32
      %dma_start3A_31 = arith.constant 0 : i32
      %dma_start3A_32 = tpu.memref_slice %arg3[%arg0, %dma_start3A, %dma_start3A_31] : memref<2x10112x16xf32, #tpu.memory_space<hbm>> -> memref<1x10112x16xf32, #tpu.memory_space<hbm>>
      %dma_start3A_33 = tpu.memref_squeeze %dma_start3A_32 : memref<1x10112x16xf32, #tpu.memory_space<hbm>> -> memref<10112x16xf32, #tpu.memory_space<hbm>>
      %dma_start3A_34 = arith.constant 0 : i32
      %dma_start3A_35 = tpu.memref_slice %dma_start3A_33[%mul3A_2, %dma_start3A_34] : memref<10112x16xf32, #tpu.memory_space<hbm>> -> memref<632x16xf32, #tpu.memory_space<hbm>>
      %dma_start3A_36 = arith.constant 0 : i32
      %dma_start3A_37 = tpu.memref_slice %arg6[%mul3A_2, %dma_start3A_36] : memref<10112x16xf32, #tpu.memory_space<vmem_shared>> -> memref<632x16xf32, #tpu.memory_space<vmem_shared>>
      tpu.enqueue_dma source(%dma_start3A_37 : memref<632x16xf32, #tpu.memory_space<vmem_shared>>) target(%dma_start3A_35 : memref<632x16xf32, #tpu.memory_space<hbm>>) target_semaphore(%run_scoped3A : memref<!tpu.dma_semaphore, #tpu.memory_space<semaphore_mem>>)
      %dma_wait3A = arith.constant 0 : i32
      %dma_wait3A_38 = arith.constant 0 : i32
      %dma_wait3A_39 = tpu.memref_slice %arg3[%arg0, %dma_wait3A, %dma_wait3A_38] : memref<2x10112x16xf32, #tpu.memory_space<hbm>> -> memref<1x10112x16xf32, #tpu.memory_space<hbm>>
      %dma_wait3A_40 = tpu.memref_squeeze %dma_wait3A_39 : memref<1x10112x16xf32, #tpu.memory_space<hbm>> -> memref<10112x16xf32, #tpu.memory_space<hbm>>
      %dma_wait3A_41 = arith.constant 0 : i32
      %dma_wait3A_42 = tpu.memref_slice %dma_wait3A_40[%mul3A_2, %dma_wait3A_41] : memref<10112x16xf32, #tpu.memory_space<hbm>> -> memref<632x16xf32, #tpu.memory_space<hbm>>
      %dma_wait3A_43 = arith.constant 0 : i32
      %dma_wait3A_44 = tpu.memref_slice %arg6[%mul3A_2, %dma_wait3A_43] : memref<10112x16xf32, #tpu.memory_space<vmem_shared>> -> memref<632x16xf32, #tpu.memory_space<vmem_shared>>
      tpu.wait_dma2 semaphore(%run_scoped3A : memref<!tpu.dma_semaphore, #tpu.memory_space<semaphore_mem>>) src(%dma_wait3A_44 : memref<632x16xf32, #tpu.memory_space<vmem_shared>>) dst(%dma_wait3A_42 : memref<632x16xf32, #tpu.memory_space<hbm>>)
      tpu.yield
    }) : () -> ()
    return
  }
}

module attributes {stable_mosaic.version = 14 : i64} {
  func.func @_mm_body(%arg0: i32, %arg1: memref<1264x128xf32, #tpu.memory_space<vmem>>, %arg2: memref<128x64xf32, #tpu.memory_space<vmem>>, %arg3: memref<2x1264x32xf32, #tpu.memory_space<vmem>>) attributes {dimension_semantics = [#tpu.dimension_semantics<arbitrary>], iteration_bounds = array<i64: 8>, scalar_prefetch = 0 : i64, scratch_operands = 0 : i64, tpu.core_type = #tpu.core_type<tc>, window_params = [{transform_indices = @transform_0, window_bounds = array<i64: 1264, 128>}, {pipeline_mode = #tpu.pipeline_mode<synchronous>, transform_indices = @transform_1, window_bounds = array<i64: 128, 64>}, {transform_indices = @transform_2, window_bounds = array<i64: 2, 1264, 32>}]} {
    %get3A = arith.constant 0 : index
    %get3A_0 = arith.constant 0 : index
    %get3A_1 = vector.load %arg1[%get3A, %get3A_0] : memref<1264x128xf32, #tpu.memory_space<vmem>>, vector<1264x128xf32>
    %get3A_2 = arith.constant 0 : index
    %get3A_3 = arith.constant 0 : index
    %get3A_4 = vector.load %arg2[%get3A_2, %get3A_3] : memref<128x64xf32, #tpu.memory_space<vmem>>, vector<128x64xf32>
    %dot_general3A = arith.constant dense<0.000000e+00> : vector<1264x64xf32>
    %dot_general3A_5 = tpu.matmul %get3A_1, %get3A_4, %dot_general3A {dimension_numbers = #tpu.dot_dimension_numbers<[1], [0], [0], [1], [0, 0, 1, 1], [], []>, precision = #tpu.contract_precision<fp32>, transpose_lhs_hint = false} : vector<1264x128xf32>, vector<128x64xf32>, vector<1264x64xf32> -> vector<1264x64xf32>
    %slice3A = vector.extract_strided_slice %dot_general3A_5 {offsets = [0, 0], sizes = [1264, 32], strides = [1, 1]} : vector<1264x64xf32> to vector<1264x32xf32>
    %swap3A = arith.constant 0 : index
    %swap3A_6 = arith.constant 0 : index
    %swap3A_7 = arith.constant 0 : index
    %swap3A_8 = vector.load %arg3[%swap3A, %swap3A_6, %swap3A_7] : memref<2x1264x32xf32, #tpu.memory_space<vmem>>, vector<1x1264x32xf32>
    %swap3A_9 = vector.shape_cast %swap3A_8 : vector<1x1264x32xf32> to vector<1264x32xf32>
    %swap3A_10 = vector.shape_cast %slice3A : vector<1264x32xf32> to vector<1x1264x32xf32>
    tpu.vector_store %arg3[%swap3A, %swap3A_6, %swap3A_7], %swap3A_10 {strides = array<i32>} : memref<2x1264x32xf32, #tpu.memory_space<vmem>>, vector<1x1264x32xf32>,
    %slice3A_11 = vector.extract_strided_slice %dot_general3A_5 {offsets = [0, 32], sizes = [1264, 32], strides = [1, 1]} : vector<1264x64xf32> to vector<1264x32xf32>
    %swap3A_12 = arith.constant 1 : index
    %swap3A_13 = arith.constant 0 : index
    %swap3A_14 = arith.constant 0 : index
    %swap3A_15 = vector.load %arg3[%swap3A_12, %swap3A_13, %swap3A_14] : memref<2x1264x32xf32, #tpu.memory_space<vmem>>, vector<1x1264x32xf32>
    %swap3A_16 = vector.shape_cast %swap3A_15 : vector<1x1264x32xf32> to vector<1264x32xf32>
    %swap3A_17 = vector.shape_cast %slice3A_11 : vector<1264x32xf32> to vector<1x1264x32xf32>
    tpu.vector_store %arg3[%swap3A_12, %swap3A_13, %swap3A_14], %swap3A_17 {strides = array<i32>} : memref<2x1264x32xf32, #tpu.memory_space<vmem>>, vector<1x1264x32xf32>,
    return
  }
  func.func @transform_0(%arg0: i32) -> (i32, i32) {
    %c0_i32 = arith.constant 0 : i32
    %c0_i32_0 = arith.constant 0 : i32
    return %arg0, %c0_i32 : i32, i32
  }
  func.func @transform_1(%arg0: i32) -> (i32, i32) {
    %c0_i32 = arith.constant 0 : i32
    %c0_i32_0 = arith.constant 0 : i32
    %c0_i32_1 = arith.constant 0 : i32
    return %c0_i32, %c0_i32_0 : i32, i32
  }
  func.func @transform_2(%arg0: i32) -> (i32, i32, i32) {
    %c0_i32 = arith.constant 0 : i32
    %c0_i32_0 = arith.constant 0 : i32
    %c0_i32_1 = arith.constant 0 : i32
    return %c0_i32, %arg0, %c0_i32_0 : i32, i32, i32
  }
}

module attributes {stable_mosaic.version = 14 : i64} {
  func.func @_final_body(%arg0: i32, %arg1: memref<2x1000x32xf32, #tpu.memory_space<vmem>>, %arg2: memref<2x1000x16xf32, #tpu.memory_space<vmem>>, %arg3: memref<1x64xf32, #tpu.memory_space<vmem>>, %arg4: memref<1000x64xf32, #tpu.memory_space<vmem>>) attributes {dimension_semantics = [#tpu.dimension_semantics<arbitrary>], iteration_bounds = array<i64: 10>, scalar_prefetch = 0 : i64, scratch_operands = 0 : i64, tpu.core_type = #tpu.core_type<tc>, window_params = [{transform_indices = @transform_0, window_bounds = array<i64: 2, 1000, 32>}, {transform_indices = @transform_1, window_bounds = array<i64: 2, 1000, 16>}, {pipeline_mode = #tpu.pipeline_mode<synchronous>, transform_indices = @transform_2, window_bounds = array<i64: 1, 64>}, {transform_indices = @transform_3, window_bounds = array<i64: 1000, 64>}]} {
    %get3A = arith.constant 0 : index
    %get3A_0 = arith.constant 0 : index
    %get3A_1 = arith.constant 0 : index
    %get3A_2 = vector.load %arg1[%get3A, %get3A_0, %get3A_1] : memref<2x1000x32xf32, #tpu.memory_space<vmem>>, vector<1x1000x32xf32>
    %get3A_3 = vector.shape_cast %get3A_2 : vector<1x1000x32xf32> to vector<1000x32xf32>
    %get3A_4 = arith.constant 1 : index
    %get3A_5 = arith.constant 0 : index
    %get3A_6 = arith.constant 0 : index
    %get3A_7 = vector.load %arg1[%get3A_4, %get3A_5, %get3A_6] : memref<2x1000x32xf32, #tpu.memory_space<vmem>>, vector<1x1000x32xf32>
    %get3A_8 = vector.shape_cast %get3A_7 : vector<1x1000x32xf32> to vector<1000x32xf32>
    %concatenate3A = tpu.concatenate %get3A_3, %get3A_8 in 1 : vector<1000x32xf32>, vector<1000x32xf32> -> vector<1000x64xf32>
    %get3A_9 = arith.constant 0 : index
    %get3A_10 = arith.constant 0 : index
    %get3A_11 = arith.constant 0 : index
    %get3A_12 = vector.load %arg2[%get3A_9, %get3A_10, %get3A_11] : memref<2x1000x16xf32, #tpu.memory_space<vmem>>, vector<1x1000x1xf32>
    %get3A_13 = vector.shape_cast %get3A_12 : vector<1x1000x1xf32> to vector<1000x1xf32>
    %get3A_14 = arith.constant 1 : index
    %get3A_15 = arith.constant 0 : index
    %get3A_16 = arith.constant 0 : index
    %get3A_17 = vector.load %arg2[%get3A_14, %get3A_15, %get3A_16] : memref<2x1000x16xf32, #tpu.memory_space<vmem>>, vector<1x1000x1xf32>
    %get3A_18 = vector.shape_cast %get3A_17 : vector<1x1000x1xf32> to vector<1000x1xf32>
    %add3A = arith.addf %get3A_13, %get3A_18 : vector<1000x1xf32>
    %add3A_19 = arith.constant 1.000000e+00 : f32
    %add3A_20 = vector.broadcast %add3A_19 : f32 to vector<1000x1xf32>
    %add3A_21 = arith.addf %add3A, %add3A_20 : vector<1000x1xf32>
    %rsqrt3A = math.rsqrt %add3A_21 : vector<1000x1xf32>
    %mul3A = vector.broadcast %rsqrt3A : vector<1000x1xf32> to vector<1000x64xf32>
    %mul3A_22 = arith.mulf %mul3A, %concatenate3A : vector<1000x64xf32>
    %get3A_23 = arith.constant 0 : index
    %get3A_24 = arith.constant 0 : index
    %get3A_25 = vector.load %arg3[%get3A_23, %get3A_24] : memref<1x64xf32, #tpu.memory_space<vmem>>, vector<1x64xf32>
    %add3A_26 = vector.broadcast %get3A_25 : vector<1x64xf32> to vector<1000x64xf32>
    %add3A_27 = arith.addf %mul3A_22, %add3A_26 : vector<1000x64xf32>
    %reduce_max3A = arith.constant dense<0xFF800000> : vector<1000xf32>
    %reduce_max3A_28 = vector.multi_reduction <maximumf>, %add3A_27, %reduce_max3A [1] : vector<1000x64xf32> to vector<1000xf32>
    %broadcast_in_dim3A = vector.shape_cast %reduce_max3A_28 : vector<1000xf32> to vector<1000x1xf32>
    %sub3A = vector.broadcast %broadcast_in_dim3A : vector<1000x1xf32> to vector<1000x64xf32>
    %sub3A_29 = arith.subf %add3A_27, %sub3A : vector<1000x64xf32>
    %exp3A = math.exp %sub3A_29 : vector<1000x64xf32>
    %reduce_sum3A = arith.constant dense<0.000000e+00> : vector<1000xf32>
    %reduce_sum3A_30 = vector.multi_reduction <add>, %exp3A, %reduce_sum3A [1] : vector<1000x64xf32> to vector<1000xf32>
    %broadcast_in_dim3A_31 = vector.shape_cast %reduce_sum3A_30 : vector<1000xf32> to vector<1000x1xf32>
    %log3A = math.log %broadcast_in_dim3A_31 : vector<1000x1xf32>
    %sub3A_32 = vector.broadcast %log3A : vector<1000x1xf32> to vector<1000x64xf32>
    %sub3A_33 = arith.subf %sub3A_29, %sub3A_32 : vector<1000x64xf32>
    %swap3A = arith.constant 0 : index
    %swap3A_34 = arith.constant 0 : index
    %swap3A_35 = vector.load %arg4[%swap3A, %swap3A_34] : memref<1000x64xf32, #tpu.memory_space<vmem>>, vector<1000x64xf32>
    tpu.vector_store %arg4[%swap3A, %swap3A_34], %sub3A_33 {strides = array<i32>} : memref<1000x64xf32, #tpu.memory_space<vmem>>, vector<1000x64xf32>,
    return
  }
  func.func @transform_0(%arg0: i32) -> (i32, i32, i32) {
    %c0_i32 = arith.constant 0 : i32
    %c0_i32_0 = arith.constant 0 : i32
    %c0_i32_1 = arith.constant 0 : i32
    return %c0_i32, %arg0, %c0_i32_0 : i32, i32, i32
  }
  func.func @transform_1(%arg0: i32) -> (i32, i32, i32) {
    %c0_i32 = arith.constant 0 : i32
    %c0_i32_0 = arith.constant 0 : i32
    %c0_i32_1 = arith.constant 0 : i32
    return %c0_i32, %arg0, %c0_i32_0 : i32, i32, i32
  }
  func.func @transform_2(%arg0: i32) -> (i32, i32) {
    %c0_i32 = arith.constant 0 : i32
    %c0_i32_0 = arith.constant 0 : i32
    %c0_i32_1 = arith.constant 0 : i32
    return %c0_i32, %c0_i32_0 : i32, i32
  }
  func.func @transform_3(%arg0: i32) -> (i32, i32) {
    %c0_i32 = arith.constant 0 : i32
    %c0_i32_0 = arith.constant 0 : i32
    return %arg0, %c0_i32 : i32, i32
  }
}

</mosaic_0001>

<sc_bundles>
// kernel: kernel.6.cloned.1.call-start
scs
__scs_entry_jumppad:
0x0: {  	(pc) =	sbr.rel $0x88, $3  }
0x1: {  	(tag) =	ssettag $0x0;
	lr =	simm.s32 $0x1  }
0x2: {  	[smem:$0x3F9D] =	sst lr;
	_ =	strace $0xD0000000  }
0x3: {  	_ = 	snop  }
0x4: {  	_ = 	snop  }
0x5: {  	_ = 	snop  }
0x6: {  	_ = 	snop  }
0x7: {  	_ = 	snop  }
__scs_overlays_trampoline_lowered:
0x8: {  	[smem:$0x3FAC] =	sst s0  }
0x9: {  	[smem:$0x3FAD] =	sst s1  }
0xa: {  	[smem:$0x3FAE] =	sst s2  }
0xb: {  	[smem:$0x3FAF] =	sst s3  }
0xc: {  	[smem:$0x3FB0] =	sst s4  }
0xd: {  	[smem:$0x3FB1] =	sst s5  }
0xe: {  	[smem:$0x3FB2] =	sst s6  }
0xf: {  	[smem:$0x3FB3] =	sst s7  }
0x10: {  	[smem:$0x3FB4] =	sst s8  }
0x11: {  	[smem:$0x3FB5] =	sst s9;
	s0 =	simm.s32 @!p0 $0x0  }
0x12: {  	s1 =	sld [smem:$0x3F9B];
	s0 =	simm.s32 @p0 $0x1  }
0x13: {  	[smem:$0x3FB6] =	sst s0;
	s0 =	simm.s32 @!p1 $0x0  }
0x14: {  	s2 =	sld [smem:$0x3F9A];
	s0 =	simm.s32 @p1 $0x1  }
0x15: {  	[smem:$0x3FB7] =	sst s0;
	s0 =	simm.s32 @!p2 $0x0  }
0x16: {  	s3 =	sld [smem:$0x3FDB];
	s0 =	simm.s32 @p2 $0x1  }
0x17: {  	s4 =	simm.s32 $0x1BF5;
	[smem:$0x3FB9] =	sst s0  }
0x18: {  	s0 =	sld [smem:$0x3F9C];
	_ =	swait.ge [sflag:s4], $0x0  }
0x19: {  	s7 =	sld [smem:$0x3F9D]  }
0x1a: {  	s8 =	sadd.s32 $0xFFFFE003, lr  }
0x1b: {  	s9 =	sadd.s32 $0xFFFFFEF7, lr;
	s5 =	simm.s32 $0xFFFFFFFF;
	p2 =	slt.u32 s8, $0xFFFFF086  }
0x1c: {  	p1 =	slt.u32 s9, $0xF7A;
	s5 =	simm.s32 @!p2 $0x0  }
0x1d: {  	s5 =	simm.s32 @p1 $0x1;
	p0 =	seq.s32 s7, s2  }
0x1e: {  	s7 =	smul.u32 @!p0 $0xF7A, s2;
	p2 =	seq.s32 @!p0 s5, $0x0  }
0x1f: {  	s9 =	smul.u32 $0xF7A, s1;
	s8 =	simm.s32 @!p0 $0x1BF5;
	p2 =	por !p2, p0  }
0x20: {  	[sflag:s8] =	ssyncset.s32 @!p0 $0xFFFFF086;
	s6 =	sadd.s32 @!p0 s3, s7;
	s7 =	simm.s32 @!p0 $0x108  }
0x21: {  	s3 =	sadd.s32 s3, s9;
	s6 =	sadd.s32 @!p0 $0x88, s6;
	s7 =	simm.s32 @p2 $0x1082  }
0x22: {  	[simem:s7], [sflag:s8] =	dma.local @!p0 [hbm:s6], $0xF7A  }
0x23: {  	s9 =	sor.u32 $0xD0000000, s2;
	s6 =	simm.s32 $0x108;
	_ =	swait.ge @!p0 [sflag:s8], $0x0  }
0x24: {  	s3 =	sadd.s32 $0x88, s3;
	s6 =	simm.s32 @!p1 $0x1082;
	[sflag:s4] =	ssyncset.s32 $0xFFFFF086  }
0x25: {  	[simem:s6], [sflag:s4] =	dma.local [hbm:s3], $0xF7A  }
0x26: {  	[smem:$0x3F9D] =	sst s1;
	(tag) =	ssettag s2;
	_ =	strace s9  }
0x27: {  	s1 =	sld [smem:$0x3FAD]  }
0x28: {  	s2 =	sld [smem:$0x3FAE]  }
0x29: {  	s4 =	sld [smem:$0x3FB0]  }
0x2a: {  	p0 =	seq.s32 s5, $0x0;
	s5 =	sld [smem:$0x3FB1]  }
0x2b: {  	s6 =	sld [smem:$0x3FB2]  }
0x2c: {  	s7 =	sld [smem:$0x3FB3]  }
0x2d: {  	s3 =	simm.s32 $0x108;
	s8 =	sld [smem:$0x3FB4]  }
0x2e: {  	s3 =	simm.s32 @!p0 $0x1082;
	s9 =	sld [smem:$0x3FB5]  }
0x2f: {  	lr =	sadd.s32 s0, s3;
	s0 =	sld [smem:$0x3FAC]  }
0x30: {  	s3 =	sld [smem:$0x3FAF]  }
0x31: {  	[smem:$0x3FB8] =	sst s10  }
0x32: {  	s10 =	sld [smem:$0x3FB6];
	_ =	sdelay $0x3  }
0x33: {  	p0 =	seq.s32 s10, $0x1;
	s10 =	sld [smem:$0x3FB8];
	_ =	sdelay $0x3  }
0x34: {  	[smem:$0x3FB8] =	sst s10  }
0x35: {  	s10 =	sld [smem:$0x3FB7];
	_ =	sdelay $0x3  }
0x36: {  	p1 =	seq.s32 s10, $0x1;
	s10 =	sld [smem:$0x3FB8];
	_ =	sdelay $0x3  }
0x37: {  	[smem:$0x3FB8] =	sst s10  }
0x38: {  	s10 =	sld [smem:$0x3FB9]  }
0x39: {  	_ = 	snop;
	(pc) =	sbr.ind lr, $3  }
0x3a: {  	_ = 	snop  }
0x3b: {  	_ = 	snop  }
0x3c: {  	p2 =	seq.s32 s10, $0x1;
	s10 =	sld [smem:$0x3FB8]  }
0x3d: {  	_ =	shalt  }
0x3e: {  	_ =	shalt  }
0x3f: {  	_ =	shalt  }
0x40: {  	_ =	shalt  }
0x41: {  	_ =	shalt  }
0x42: {  	_ =	shalt  }
0x43: {  	_ =	shalt  }
0x44: {  	_ =	shalt  }
0x45: {  	_ =	shalt  }
0x46: {  	_ =	shalt  }
0x47: {  	_ =	shalt  }
0x48: {  	_ =	shalt  }
0x49: {  	_ =	shalt  }
0x4a: {  	_ =	shalt  }
0x4b: {  	_ =	shalt  }
0x4c: {  	_ =	shalt  }
0x4d: {  	_ =	shalt  }
0x4e: {  	_ =	shalt  }
0x4f: {  	_ =	shalt  }
0x50: {  	_ =	shalt  }
0x51: {  	_ =	shalt  }
0x52: {  	_ =	shalt  }
0x53: {  	_ =	shalt  }
0x54: {  	_ =	shalt  }
0x55: {  	_ =	shalt  }
0x56: {  	_ =	shalt  }
0x57: {  	_ =	shalt  }
0x58: {  	_ =	shalt  }
0x59: {  	_ =	shalt  }
0x5a: {  	_ =	shalt  }
0x5b: {  	_ =	shalt  }
0x5c: {  	_ =	shalt  }
0x5d: {  	_ =	shalt  }
0x5e: {  	_ =	shalt  }
0x5f: {  	_ =	shalt  }
0x60: {  	_ =	shalt  }
0x61: {  	_ =	shalt  }
0x62: {  	_ =	shalt  }
0x63: {  	_ =	shalt  }
0x64: {  	_ =	shalt  }
0x65: {  	_ =	shalt  }
0x66: {  	_ =	shalt  }
0x67: {  	_ =	shalt  }
0x68: {  	_ =	shalt  }
0x69: {  	_ =	shalt  }
0x6a: {  	_ =	shalt  }
0x6b: {  	_ =	shalt  }
0x6c: {  	_ =	shalt  }
0x6d: {  	_ =	shalt  }
0x6e: {  	_ =	shalt  }
0x6f: {  	_ =	shalt  }
0x70: {  	_ =	shalt  }
0x71: {  	_ =	shalt  }
0x72: {  	_ =	shalt  }
0x73: {  	_ =	shalt  }
0x74: {  	_ =	shalt  }
0x75: {  	_ =	shalt  }
0x76: {  	_ =	shalt  }
0x77: {  	_ =	shalt  }
0x78: {  	_ =	shalt  }
0x79: {  	_ =	shalt  }
0x7a: {  	_ =	shalt  }
0x7b: {  	_ =	shalt  }
0x7c: {  	_ =	shalt  }
0x7d: {  	_ =	shalt  }
0x7e: {  	_ =	shalt  }
0x7f: {  	_ =	shalt  }
0x80: {  	_ =	shalt  }
0x81: {  	_ =	shalt  }
0x82: {  	_ =	shalt  }
0x83: {  	_ =	shalt  }
0x84: {  	_ =	shalt  }
0x85: {  	_ =	shalt  }
0x86: {  	_ =	shalt  }
0x87: {  	_ =	shalt  }
.Lfunc_end0:
.L_simem_size_0:
called_computation_lowered:
.L_overlay_start_0:
0x88: {  	s2 =	sld [smem:$0x3FD9]  }
0x89: {  	s3 =	sld [smem:$0x3FFE];
	_ =	sdelay $0x1  }
0x8a: {  	s1 =	srdreg.scid  }
0x8b: {  	s0 =	sand.u32 $0x1, s1  }
0x8c: {  	s16 =	sshll.u32 s0, $0xA;
	s2 =	sadd.s32 s3, s2  }
0x8d: {  	s2 =	sadd.s32 s2, s16  }
0x8e: {  	[smem:$0x3FC4] =	sst s2  }
0x8f: {  	_ = 	snop  }
0x90: {  	(tm) =	ssettm $0x1  }
0x91: {  	s17 =	sld [smem:$0x3FFB];
	_ =	sdelay $0x3  }
0x92: {  	_ =	strace s17  }
0x93: {  	s2 =	sld [smem:$0x3FFC];
	_ =	sdelay $0x3  }
0x94: {  	_ =	strace s2  }
0x95: {  	s2 =	sld [smem:$0x3FFD];
	_ =	sdelay $0x3  }
0x96: {  	_ =	strace s2  }
0x97: {  	_ =	strace $0x8FFFFFFF  }
0x98: {  	s18 =	sld [smem:$0x3FDB];
	_ =	sdelay $0x1  }
0x99: {  	s19 =	simm.s32 $_scs_section_size  }
0x9a: {  	s4 =	simm.s32 $_size__tile_overlayer_lowered;
	s5 =	simm.s32 $_tile_overlayer_lowered  }
0x9b: {  	s22 =	simm.s32 $0x1BFF;
	s21 =	sshll.u32 s5, $0x1;
	s2 =	sadd.s32 s19, s18  }
0x9c: {  	s6 =	simm.s32 $0x0;
	s20 =	sshll.u32 s4, $0x1;
	s4 =	sadd.s32 s21, s2  }
0x9d: {  	[timem:s6], [sflag:s22] =	dma.local [hbm:s4], s20  }
0x9e: {  	_ =	swait.ge [sflag:s22], s20  }
0x9f: {  	s3 =	ssub.s32 $0x0, s20;
	[sflag:s22] =	ssyncset.done $0x0  }
0xa0: {  	[sflag:s22] =	ssyncadd.s32 s3;
	_ =	sdelay $0x1  }
0xa1: {  	s23 =	simm.s32 $0x1B8B  }
0xa2: {  	_ =	swait.ge [sflag:s23], $0x1  }
0xa3: {  	[sflag:s23] =	ssyncset.done $0x0  }
0xa4: {  	s25 =	simm.s32 $0x1B8E;
	s24 =	sld [smem:$0x3FFE];
	[sflag:s23] =	ssyncadd.s32 $0xFFFFFFFF  }
0xa5: {  	s26 =	simm.s32 $execute0_lowered;
	[smem:$0x3FD2] =	sst s25  }
0xa6: {  	s4 =	sshll.u32 s26, $0x1;
	_ =	strace $0x80000046;
	[dreg:$0x1] =	wrdreg $0xFFFFFFFF  }
0xa7: {  	s28 =	simm.s32 $_size_execute0_lowered;
	s2 =	sadd.s32 s2, s4;
	[dreg:$0x0] =	wrdreg $0x0  }
0xa8: {  	s4 =	sshll.u32 s28, $0x1;
	[dreg:$0x2] =	wrdreg s2  }
0xa9: {  	[dreg:$0x3] =	wrdreg s4  }
0xaa: {  	[dreg:$0x4] =	wrdreg $0xC0  }
0xab: {  	_ =	task [dreg:s6], $0x5FFFF  }
0xac: {  	[dreg:$0x1] =	wrdreg $0xFFFFFFFF  }
0xad: {  	[dreg:$0x0] =	wrdreg $0x60  }
0xae: {  	[dreg:$0x2] =	wrdreg s24  }
0xaf: {  	[dreg:$0x3] =	wrdreg $0x30800  }
0xb0: {  	[dreg:$0x4] =	wrdreg $0x9  }
0xb1: {  	_ =	task.clear_ibuf [dreg:s6], $0x5FFFF;
	_ =	strace $0x90000046  }
0xb2: {  	s29 =	simm.s32 $0x9;
	_ =	strace $0x80000048  }
0xb3: {  	_ =	swait.ge [sflag:s29], $0x1  }
0xb4: {  	[sflag:s29] =	ssyncadd.s32 $0xFFFFFFFF  }
0xb5: {  	_ =	strace $0x90000048  }
0xb6: {  	_ =	sfence  }
0xb7: {  	s30 =	sld [smem:$0x0];
	_ =	sdelay $0x2  }
0xb8: {  	s31 =	sshll.u32 s1, $0xD;
	s1 =	sshrl.u32 s1, $0x2  }
0xb9: {  	s3 =	sand.u32 $0x4000, s31;
	s1 =	sadd.s32 s1, s30  }
0xba: {  	s0 =	sor.u32 s3, s0;
	s1 =	sshll.u32 s1, $0x11  }
0xbb: {  	s0 =	sor.u32 s1, s0  }
0xbc: {  	s0 =	sadd.s32 $0x8F2B, s0  }
0xbd: {  	[sflag:s0] =	ssyncadd.remote.s32 $0x1  }
0xbe: {  	_ =	sfence.sel $0xFFFF  }
0xbf: {  	[dreg:$0x0] =	wrdreg $0xFFFFFFFF;
	(pc) =	sbr.abs _section_cstart, $3  }
0xc0: {  	[dreg:$0x1] =	wrdreg $0xFFFFFFFF  }
0xc1: {  	_ =	task.clear_ibuf [dreg:s6], $0x2FFFF;
	_ =	strace $0x9FFFFFFF  }
0xc2: {  	(tm) =	ssettm $0x7FFFFFFF  }
0xc3: {  	_ =	shalt  }
tec
execute0_lowered:
.L_overlay_start_1:
0x0: {  	(tag) =	ssettag $0x1  }
0x1: {  	s5 =	rddreg [dreg:$0x0]  }
0x2: {  	s0 =	srdreg.scid;
	s2 =	rddreg [dreg:$0x1]  }
0x3: {  	s3 =	simm.s32 $0x0;
	s13 =	simm.s32 $0x80;
	s4 =	sand.u32 $0x1, s0  }
0x4: {  	s17 =	simm.s32 $0x0;
	s0 =	stileid.u32;
	s7 =	smul.u32 $0x4F00, s4  }
0x5: {  	[smem:$0x7FF] =	sst s3;
	s1 =	sshll.u32 s4, $0x4;
	s8 =	smul.u32 $0x9E00, s0  }
0x6: {  	s4 =	ssub.s32 $0x2, s4;
	s10 =	smul.u32 $0x2780, s0;
	s31 =	sshll.u32 s0, $0x6  }
0x7: {  	s6 =	sor.u32 s0, s1;
	s1 =	rddreg [dreg:$0x2];
	_ =	strace $0x80000047  }
0x8: {  	s9 =	sshrl.u32 s4, $0x1;
	s6 =	smul.u32 $0x510, s6;
	s11 =	sadd.s32 s7, s5  }
0x9: {  	s12 =	ssub.s32 s4, s9;
	s29 =	sshrl.u32 s8, $0x2;
	s15 =	sshrl.u32 s10, $0x3  }
0xa: {  	s30 =	sadd.s32 s29, s2;
	s14 =	sadd.s32 $0xB000, s11;
	s11 =	simm.s32 $0x1  }
0xb: {  	s6 =	sadd.s32 s6, s5;
	s5 =	sadd.s32 s10, s2;
	s7 =	sadd.s32 $0x1000, s30  }
0xc: {  	s8 =	sadd.s32 $0x1800, s30;
	s9 =	sadd.s32 $0x2000, s30;
	s10 =	smax.u32 s12, $0x1  }
0xd: {  	s12 =	simm.s32 $0x2880;
	s14 =	sadd.s32 s15, s14;
	s15 =	sor.u32 $0x1C01, s31  }
0xe: {  	v0 =	vimm.f32 $0.0e+00;
	v1 =	vimm.f32 $1.000000000e+00;
	s4 =	sadd.s32 $0xE00, s6;
	s6 =	sadd.s32 $0x800, s30;
	s16 =	sshrl.u32 s5, $0x3  }
.LBB2_1:
0xf: {  	[tilespmem:s3], [sflag:$0x1] =	stream.linear.gather [hbm4b:s4+s3], $0x2880, $0x38;
	[tilespmem:$0x5800] =	vst v63  }
0x10: {  	_ =	swait.ge [sflag:s11], $0x2880  }
0x11: {  	[sflag:s11] =	ssyncset.done $0x0  }
0x12: {  	s18 =	simm.s32 $0x40;
	s19 =	simm.s32 $0x0;
	[sflag:s11] =	ssyncadd.s32 $0xFFFFD780  }
.LBB2_2:
0x13: {  	p0 =	sne.s32 s18, $0x1FC0;
	[tilespmem:s19+$0x2880] =	vst v0;
	s19 =	smov.u32 s18;
	s18 =	sadd.s32 $0x40, s18  }
.Ltmp0:
0x14: {  	(pc) =	sbr.rel @p0 .LBB2_2-.Ltmp0, $2  }
0x15: {  	_ =	sdelay $0x2  }
0x16: {  	s19 =	sshra.s32 s19, $0x2  }
0x17: {  	[tilespmem:s19+$0x2880] =	vst v0  }
0x18: {  	[spmem:s5] =	stream.linear.scatter [tilespmem:s12], [sflag:$0x1], $0x800, $0x38;
	[tilespmem:$0x5800] =	vst v63  }
0x19: {  	_ =	swait.ge [sflag:s11], $0x800  }
0x1a: {  	[sflag:s11] =	ssyncset.done $0x0  }
0x1b: {  	[sflag:s11] =	ssyncadd.s32 $0xFFFFF800  }
0x1c: {  	[spmem:s6] =	stream.linear.scatter [tilespmem:s12], [sflag:$0x1], $0x800, $0x38;
	[tilespmem:$0x5800] =	vst v63  }
0x1d: {  	_ =	swait.ge [sflag:s11], $0x800  }
0x1e: {  	[sflag:s11] =	ssyncset.done $0x0  }
0x1f: {  	[sflag:s11] =	ssyncadd.s32 $0xFFFFF800  }
0x20: {  	[spmem:s7] =	stream.linear.scatter [tilespmem:s12], [sflag:$0x1], $0x800, $0x38;
	[tilespmem:$0x5800] =	vst v63  }
0x21: {  	_ =	swait.ge [sflag:s11], $0x800  }
0x22: {  	[sflag:s11] =	ssyncset.done $0x0  }
0x23: {  	[sflag:s11] =	ssyncadd.s32 $0xFFFFF800  }
0x24: {  	[spmem:s8] =	stream.linear.scatter [tilespmem:s12], [sflag:$0x1], $0x800, $0x38;
	[tilespmem:$0x5800] =	vst v63  }
0x25: {  	_ =	swait.ge [sflag:s11], $0x800  }
0x26: {  	[sflag:s11] =	ssyncset.done $0x0  }
0x27: {  	[sflag:s11] =	ssyncadd.s32 $0xFFFFF800  }
0x28: {  	[spmem:s9] =	stream.linear.scatter [tilespmem:s12], [sflag:$0x1], $0x780, $0x38;
	[tilespmem:$0x5800] =	vst v63  }
0x29: {  	_ =	swait.ge [sflag:s11], $0x780  }
0x2a: {  	[sflag:s11] =	ssyncset.done $0x0  }
0x2b: {  	s18 =	simm.s32 $0x40;
	s19 =	simm.s32 $0x0;
	[sflag:s11] =	ssyncadd.s32 $0xFFFFF880  }
.LBB2_4:
0x2c: {  	p0 =	sne.s32 s18, $0x1FC0;
	[tilespmem:s19+$0x2880] =	vst v1;
	s19 =	smov.u32 s18;
	s18 =	sadd.s32 $0x40, s18  }
.Ltmp1:
0x2d: {  	(pc) =	sbr.rel @p0 .LBB2_4-.Ltmp1, $2  }
0x2e: {  	_ =	sdelay $0x2  }
0x2f: {  	s19 =	sshra.s32 s19, $0x2  }
0x30: {  	[tilespmem:s19+$0x2880] =	vst v1  }
0x31: {  	s18 =	simm.s32 $0x0;
	[bflag:$0x0] =	sbarrier.arrive $0xFFFF  }
0x32: {  	[spmem:s2] =	stream.indirect.scatter.add.f32 [tilespmem:s12], [sflag:$0x1], $0x10, s18, s13, $0xb8;
	[tilespmem:$0x5800] =	vst v63  }
0x33: {  	_ =	swait.ge [sflag:s11], $0x800  }
0x34: {  	s18 =	simm.s32 $0x200;
	[sflag:s11] =	ssyncset.done $0x0  }
.LBB2_6:
0x35: {  	s19 =	sshra.s32 s18, $0x2;
	[sflag:s11] =	ssyncadd.s32 $0xFFFFF800;
	p0 =	sne.s32 s18, $0xA000  }
0x36: {  	[spmem:s2] =	stream.indirect.scatter.add.f32 [tilespmem:s12], [sflag:$0x1], $0x10, s19, s13, $0xb8;
	[tilespmem:$0x5800] =	vst v63  }
.Ltmp2:
0x37: {  	_ = 	snop;
	(pc) =	sbr.rel @p0 .LBB2_6-.Ltmp2, $4  }
0x38: {  	_ = 	snop  }
0x39: {  	s18 =	sadd.s32 $0x200, s18  }
0x3a: {  	_ =	swait.ge [sflag:s11], $0x800  }
0x3b: {  	[sflag:s11] =	ssyncset.done $0x0  }
0x3c: {  	s17 =	sadd.s32 $0x1, s17  }
0x3d: {  	[sflag:s11] =	ssyncadd.s32 $0xFFFFF800;
	p0 =	sne.s32 s17, s10  }
.Ltmp3:
0x3e: {  	[bflag:$0x0] =	sbarrier.arrive $0xFFFF;
	(pc) =	sbr.rel @p0 .LBB2_1-.Ltmp3, $4  }
0x3f: {  	[hbm:s14], [sflag:s15] =	dma.local [spmem:s16], $0x4F0  }
0x40: {  	_ =	swait.ge [sflag:s11], $0x4F0  }
0x41: {  	[sflag:s11] =	ssyncset.done $0x0  }
0x42: {  	[sflag:s11] =	ssyncadd.s32 $0xFFFFFB10  }
0x43: {  	_ =	sfence.sel $0x180000  }
0x44: {  	[bflag:$0x0] =	sbarrier.arrive $0xFFFF  }
0x45: {  	p0 =	sne.s32 s0, $0x0;
	_ =	strace $0x90000047  }
0x46: {  	s0 =	sadd.s32 @!p0 $0x100000, s1;
	[bflag:$0x2] =	sbarrier.arrive $0xFFFF  }
0x47: {  	[sflag:s0] =	ssyncadd.tile.s32 @!p0 $0x1;
	_ =	shalt  }
.Lfunc_end2:
_tile_overlayer_lowered:
.L_overlay_start_2:
0x48: {  	(tag) =	ssettag $0x2  }
0x49: {  	s0 =	rddreg [dreg:$0x0];
	s2 =	stileid.u32  }
0x4a: {  	s1 =	rddreg [dreg:$0x1];
	p0 =	sne.s32 s2, $0x0  }
0x4b: {  	s3 =	rddreg [dreg:$0x2];
	[bflag:$0x3] =	sbarrier.arrive $0xFFFF;
	s2 =	simm.s32 @!p0 $0x1C01  }
0x4c: {  	[timem:s3], [sflag:s2] =	dma.local @!p0 [hbm:s0], s1  }
0x4d: {  	s0 =	simm.s32 @!p0 $0x1  }
0x4e: {  	_ =	swait.ge @!p0 [sflag:s0], s1  }
0x4f: {  	s1 =	ssub.s32 @!p0 $0x0, s1;
	[sflag:s0] =	ssyncset.done @!p0 $0x0  }
0x50: {  	[sflag:s0] =	ssyncadd.s32 @!p0 s1  }
0x51: {  	[bflag:$0x3] =	sbarrier.arrive $0xFFFF  }
0x52: {  	_ =	shalt  }

// kernel: kernel.9.cloned.1.call-start
scs
__scs_entry_jumppad:
0x0: {  	(pc) =	sbr.rel $0x88, $3  }
0x1: {  	(tag) =	ssettag $0x0;
	lr =	simm.s32 $0x1  }
0x2: {  	[smem:$0x3F9D] =	sst lr;
	_ =	strace $0xD0000000  }
0x3: {  	_ = 	snop  }
0x4: {  	_ = 	snop  }
0x5: {  	_ = 	snop  }
0x6: {  	_ = 	snop  }
0x7: {  	_ = 	snop  }
__scs_overlays_trampoline_lowered:
0x8: {  	[smem:$0x3FAC] =	sst s0  }
0x9: {  	[smem:$0x3FAD] =	sst s1  }
0xa: {  	[smem:$0x3FAE] =	sst s2  }
0xb: {  	[smem:$0x3FAF] =	sst s3  }
0xc: {  	[smem:$0x3FB0] =	sst s4  }
0xd: {  	[smem:$0x3FB1] =	sst s5  }
0xe: {  	[smem:$0x3FB2] =	sst s6  }
0xf: {  	[smem:$0x3FB3] =	sst s7  }
0x10: {  	[smem:$0x3FB4] =	sst s8  }
0x11: {  	[smem:$0x3FB5] =	sst s9;
	s0 =	simm.s32 @!p0 $0x0  }
0x12: {  	s1 =	sld [smem:$0x3F9B];
	s0 =	simm.s32 @p0 $0x1  }
0x13: {  	[smem:$0x3FB6] =	sst s0;
	s0 =	simm.s32 @!p1 $0x0  }
0x14: {  	s2 =	sld [smem:$0x3F9A];
	s0 =	simm.s32 @p1 $0x1  }
0x15: {  	[smem:$0x3FB7] =	sst s0;
	s0 =	simm.s32 @!p2 $0x0  }
0x16: {  	s3 =	sld [smem:$0x3FDB];
	s0 =	simm.s32 @p2 $0x1  }
0x17: {  	s4 =	simm.s32 $0x1BF5;
	[smem:$0x3FB9] =	sst s0  }
0x18: {  	s0 =	sld [smem:$0x3F9C];
	_ =	swait.ge [sflag:s4], $0x0  }
0x19: {  	s7 =	sld [smem:$0x3F9D]  }
0x1a: {  	s8 =	sadd.s32 $0xFFFFE003, lr  }
0x1b: {  	s9 =	sadd.s32 $0xFFFFFEF7, lr;
	s5 =	simm.s32 $0xFFFFFFFF;
	p2 =	slt.u32 s8, $0xFFFFF086  }
0x1c: {  	p1 =	slt.u32 s9, $0xF7A;
	s5 =	simm.s32 @!p2 $0x0  }
0x1d: {  	s5 =	simm.s32 @p1 $0x1;
	p0 =	seq.s32 s7, s2  }
0x1e: {  	s7 =	smul.u32 @!p0 $0xF7A, s2;
	p2 =	seq.s32 @!p0 s5, $0x0  }
0x1f: {  	s9 =	smul.u32 $0xF7A, s1;
	s8 =	simm.s32 @!p0 $0x1BF5;
	p2 =	por !p2, p0  }
0x20: {  	[sflag:s8] =	ssyncset.s32 @!p0 $0xFFFFF086;
	s6 =	sadd.s32 @!p0 s3, s7;
	s7 =	simm.s32 @!p0 $0x108  }
0x21: {  	s3 =	sadd.s32 s3, s9;
	s6 =	sadd.s32 @!p0 $0x88, s6;
	s7 =	simm.s32 @p2 $0x1082  }
0x22: {  	[simem:s7], [sflag:s8] =	dma.local @!p0 [hbm:s6], $0xF7A  }
0x23: {  	s9 =	sor.u32 $0xD0000000, s2;
	s6 =	simm.s32 $0x108;
	_ =	swait.ge @!p0 [sflag:s8], $0x0  }
0x24: {  	s3 =	sadd.s32 $0x88, s3;
	s6 =	simm.s32 @!p1 $0x1082;
	[sflag:s4] =	ssyncset.s32 $0xFFFFF086  }
0x25: {  	[simem:s6], [sflag:s4] =	dma.local [hbm:s3], $0xF7A  }
0x26: {  	[smem:$0x3F9D] =	sst s1;
	(tag) =	ssettag s2;
	_ =	strace s9  }
0x27: {  	s1 =	sld [smem:$0x3FAD]  }
0x28: {  	s2 =	sld [smem:$0x3FAE]  }
0x29: {  	s4 =	sld [smem:$0x3FB0]  }
0x2a: {  	p0 =	seq.s32 s5, $0x0;
	s5 =	sld [smem:$0x3FB1]  }
0x2b: {  	s6 =	sld [smem:$0x3FB2]  }
0x2c: {  	s7 =	sld [smem:$0x3FB3]  }
0x2d: {  	s3 =	simm.s32 $0x108;
	s8 =	sld [smem:$0x3FB4]  }
0x2e: {  	s3 =	simm.s32 @!p0 $0x1082;
	s9 =	sld [smem:$0x3FB5]  }
0x2f: {  	lr =	sadd.s32 s0, s3;
	s0 =	sld [smem:$0x3FAC]  }
0x30: {  	s3 =	sld [smem:$0x3FAF]  }
0x31: {  	[smem:$0x3FB8] =	sst s10  }
0x32: {  	s10 =	sld [smem:$0x3FB6];
	_ =	sdelay $0x3  }
0x33: {  	p0 =	seq.s32 s10, $0x1;
	s10 =	sld [smem:$0x3FB8];
	_ =	sdelay $0x3  }
0x34: {  	[smem:$0x3FB8] =	sst s10  }
0x35: {  	s10 =	sld [smem:$0x3FB7];
	_ =	sdelay $0x3  }
0x36: {  	p1 =	seq.s32 s10, $0x1;
	s10 =	sld [smem:$0x3FB8];
	_ =	sdelay $0x3  }
0x37: {  	[smem:$0x3FB8] =	sst s10  }
0x38: {  	s10 =	sld [smem:$0x3FB9]  }
0x39: {  	_ = 	snop;
	(pc) =	sbr.ind lr, $3  }
0x3a: {  	_ = 	snop  }
0x3b: {  	_ = 	snop  }
0x3c: {  	p2 =	seq.s32 s10, $0x1;
	s10 =	sld [smem:$0x3FB8]  }
0x3d: {  	_ =	shalt  }
0x3e: {  	_ =	shalt  }
0x3f: {  	_ =	shalt  }
0x40: {  	_ =	shalt  }
0x41: {  	_ =	shalt  }
0x42: {  	_ =	shalt  }
0x43: {  	_ =	shalt  }
0x44: {  	_ =	shalt  }
0x45: {  	_ =	shalt  }
0x46: {  	_ =	shalt  }
0x47: {  	_ =	shalt  }
0x48: {  	_ =	shalt  }
0x49: {  	_ =	shalt  }
0x4a: {  	_ =	shalt  }
0x4b: {  	_ =	shalt  }
0x4c: {  	_ =	shalt  }
0x4d: {  	_ =	shalt  }
0x4e: {  	_ =	shalt  }
0x4f: {  	_ =	shalt  }
0x50: {  	_ =	shalt  }
0x51: {  	_ =	shalt  }
0x52: {  	_ =	shalt  }
0x53: {  	_ =	shalt  }
0x54: {  	_ =	shalt  }
0x55: {  	_ =	shalt  }
0x56: {  	_ =	shalt  }
0x57: {  	_ =	shalt  }
0x58: {  	_ =	shalt  }
0x59: {  	_ =	shalt  }
0x5a: {  	_ =	shalt  }
0x5b: {  	_ =	shalt  }
0x5c: {  	_ =	shalt  }
0x5d: {  	_ =	shalt  }
0x5e: {  	_ =	shalt  }
0x5f: {  	_ =	shalt  }
0x60: {  	_ =	shalt  }
0x61: {  	_ =	shalt  }
0x62: {  	_ =	shalt  }
0x63: {  	_ =	shalt  }
0x64: {  	_ =	shalt  }
0x65: {  	_ =	shalt  }
0x66: {  	_ =	shalt  }
0x67: {  	_ =	shalt  }
0x68: {  	_ =	shalt  }
0x69: {  	_ =	shalt  }
0x6a: {  	_ =	shalt  }
0x6b: {  	_ =	shalt  }
0x6c: {  	_ =	shalt  }
0x6d: {  	_ =	shalt  }
0x6e: {  	_ =	shalt  }
0x6f: {  	_ =	shalt  }
0x70: {  	_ =	shalt  }
0x71: {  	_ =	shalt  }
0x72: {  	_ =	shalt  }
0x73: {  	_ =	shalt  }
0x74: {  	_ =	shalt  }
0x75: {  	_ =	shalt  }
0x76: {  	_ =	shalt  }
0x77: {  	_ =	shalt  }
0x78: {  	_ =	shalt  }
0x79: {  	_ =	shalt  }
0x7a: {  	_ =	shalt  }
0x7b: {  	_ =	shalt  }
0x7c: {  	_ =	shalt  }
0x7d: {  	_ =	shalt  }
0x7e: {  	_ =	shalt  }
0x7f: {  	_ =	shalt  }
0x80: {  	_ =	shalt  }
0x81: {  	_ =	shalt  }
0x82: {  	_ =	shalt  }
0x83: {  	_ =	shalt  }
0x84: {  	_ =	shalt  }
0x85: {  	_ =	shalt  }
0x86: {  	_ =	shalt  }
0x87: {  	_ =	shalt  }
.Lfunc_end0:
.L_simem_size_0:
called_computation.1_lowered:
.L_overlay_start_0:
0x88: {  	s2 =	sld [smem:$0x3FD9]  }
0x89: {  	s3 =	sld [smem:$0x3FFE];
	_ =	sdelay $0x1  }
0x8a: {  	s1 =	srdreg.scid  }
0x8b: {  	s0 =	sand.u32 $0x1, s1  }
0x8c: {  	s17 =	sshll.u32 s0, $0xA;
	s2 =	sadd.s32 s3, s2  }
0x8d: {  	s2 =	sadd.s32 s2, s17  }
0x8e: {  	[smem:$0x3FC4] =	sst s2  }
0x8f: {  	_ = 	snop  }
0x90: {  	s2 =	sld [smem:$0x3FD0];
	(tm) =	ssettm $0x1  }
0x91: {  	s18 =	sld [smem:$0x3FFB];
	_ =	sdelay $0x3  }
0x92: {  	_ =	strace s18  }
0x93: {  	s3 =	sld [smem:$0x3FFC];
	_ =	sdelay $0x3  }
0x94: {  	_ =	strace s3  }
0x95: {  	s3 =	sld [smem:$0x3FFD];
	_ =	sdelay $0x3  }
0x96: {  	_ =	strace s3  }
0x97: {  	_ =	strace $0x8FFFFFFF  }
0x98: {  	s19 =	sld [smem:$0x3FDB];
	_ =	sdelay $0x1  }
0x99: {  	s4 =	simm.s32 $_scs_section_size  }
0x9a: {  	s5 =	simm.s32 $_size__tile_overlayer_lowered;
	s6 =	simm.s32 $_tile_overlayer_lowered  }
0x9b: {  	s22 =	simm.s32 $0x1BFF;
	s21 =	sshll.u32 s6, $0x1;
	s3 =	sadd.s32 s4, s19  }
0x9c: {  	s7 =	simm.s32 $0x0;
	s20 =	sshll.u32 s5, $0x1;
	s5 =	sadd.s32 s21, s3  }
0x9d: {  	[timem:s7], [sflag:s22] =	dma.local [hbm:s5], s20  }
0x9e: {  	_ =	swait.ge [sflag:s22], s20  }
0x9f: {  	s4 =	ssub.s32 $0x0, s20;
	[sflag:s22] =	ssyncset.done $0x0  }
0xa0: {  	[sflag:s22] =	ssyncadd.s32 s4;
	_ =	sdelay $0x1  }
0xa1: {  	s23 =	simm.s32 $0x1B8B  }
0xa2: {  	_ =	swait.ge [sflag:s23], $0x1  }
0xa3: {  	[sflag:s23] =	ssyncset.done $0x0  }
0xa4: {  	s25 =	simm.s32 $0x1B8E;
	s24 =	sld [smem:$0x3FFE];
	[sflag:s23] =	ssyncadd.s32 $0xFFFFFFFF  }
0xa5: {  	s26 =	simm.s32 $execute0_lowered;
	[smem:$0x3FD2] =	sst s25  }
0xa6: {  	s5 =	sshll.u32 s26, $0x1;
	_ =	strace $0x80000049;
	[dreg:$0x1] =	wrdreg $0xFFFFFFFF  }
0xa7: {  	s28 =	simm.s32 $_size_execute0_lowered;
	s3 =	sadd.s32 s3, s5;
	[dreg:$0x0] =	wrdreg $0x0  }
0xa8: {  	s5 =	sshll.u32 s28, $0x1;
	[dreg:$0x2] =	wrdreg s3  }
0xa9: {  	[dreg:$0x3] =	wrdreg s5  }
0xaa: {  	[dreg:$0x4] =	wrdreg $0xC0  }
0xab: {  	_ =	task [dreg:s7], $0x5FFFF  }
0xac: {  	[dreg:$0x1] =	wrdreg $0xFFFFFFFF  }
0xad: {  	[dreg:$0x0] =	wrdreg $0x60  }
0xae: {  	[dreg:$0x2] =	wrdreg s2  }
0xaf: {  	[dreg:$0x3] =	wrdreg s24  }
0xb0: {  	[dreg:$0x4] =	wrdreg $0x145F00  }
0xb1: {  	[dreg:$0x5] =	wrdreg $0xF6F00  }
0xb2: {  	[dreg:$0x6] =	wrdreg $0x9  }
0xb3: {  	_ =	task.clear_ibuf [dreg:s7], $0x7FFFF;
	_ =	strace $0x90000049  }
0xb4: {  	s29 =	simm.s32 $0x9;
	_ =	strace $0x8000004B  }
0xb5: {  	_ =	swait.ge [sflag:s29], $0x1  }
0xb6: {  	[sflag:s29] =	ssyncadd.s32 $0xFFFFFFFF  }
0xb7: {  	_ =	strace $0x9000004B  }
0xb8: {  	_ =	sfence  }
0xb9: {  	s30 =	sld [smem:$0x0];
	_ =	sdelay $0x2  }
0xba: {  	s31 =	sshll.u32 s1, $0xD;
	s1 =	sshrl.u32 s1, $0x2  }
0xbb: {  	s3 =	sand.u32 $0x4000, s31;
	s1 =	sadd.s32 s1, s30  }
0xbc: {  	s0 =	sor.u32 s3, s0;
	s1 =	sshll.u32 s1, $0x11  }
0xbd: {  	s0 =	sor.u32 s1, s0  }
0xbe: {  	s0 =	sadd.s32 $0x8F2B, s0  }
0xbf: {  	[sflag:s0] =	ssyncadd.remote.s32 $0x1  }
0xc0: {  	_ =	sfence.sel $0xFFFF  }
0xc1: {  	[dreg:$0x0] =	wrdreg $0xFFFFFFFF;
	(pc) =	sbr.abs _section_cstart, $3  }
0xc2: {  	[dreg:$0x1] =	wrdreg $0xFFFFFFFF  }
0xc3: {  	_ =	task.clear_ibuf [dreg:s7], $0x2FFFF;
	_ =	strace $0x9FFFFFFF  }
0xc4: {  	(tm) =	ssettm $0x7FFFFFFF  }
0xc5: {  	_ =	shalt  }
tec
execute0_lowered:
.L_overlay_start_1:
0x0: {  	(tag) =	ssettag $0x1  }
0x1: {  	s0 =	rddreg [dreg:$0x0]  }
0x2: {  	s1 =	rddreg [dreg:$0x1]  }
0x3: {  	s2 =	rddreg [dreg:$0x2]  }
0x4: {  	s3 =	rddreg [dreg:$0x3];
	s4 =	simm.s32 $0x0;
	s18 =	stileid.u32  }
0x5: {  	s5 =	srdreg.scid;
	s28 =	simm.s32 $0xF478;
	s6 =	smul.u32 $0xA20, s18  }
0x6: {  	s29 =	simm.s32 $0x1;
	s30 =	simm.s32 $0x80;
	s10 =	smul.u32 $0x4F00, s18  }
0x7: {  	s31 =	simm.s32 $0xA200;
	s5 =	sand.u32 $0x1, s5;
	s26 =	smul.u32 $0x278, s18  }
0x8: {  	[smem:$0x7FF] =	sst s4;
	s7 =	smul.u32 $0x9E00, s5;
	s5 =	ssub.s32 $0x2, s5  }
0x9: {  	s11 =	sadd.s32 $0xB000, s1;
	_ =	strace $0x8000004A;
	s8 =	sshrl.u32 s5, $0x1  }
0xa: {  	s6 =	sadd.s32 s6, s1;
	s9 =	sadd.s32 s10, s2;
	s20 =	sadd.s32 $0x80, s26  }
0xb: {  	s22 =	sadd.s32 $0x100, s26;
	s23 =	sadd.s32 $0x180, s26;
	s12 =	sadd.s32 s7, s1  }
0xc: {  	s15 =	ssub.s32 s5, s8;
	s0 =	sadd.s32 s0, s7;
	s7 =	sshrl.u32 s10, $0x3  }
0xd: {  	s17 =	sadd.s32 $0x14E00, s6;
	s6 =	sadd.s32 $0xE00, s6;
	s8 =	sadd.s32 $0xFF00, s1  }
0xe: {  	s10 =	sadd.s32 s10, s3;
	s21 =	sshll.u32 s20, $0x5;
	s13 =	sshll.u32 s20, $0x2  }
0xf: {  	s16 =	sshll.u32 s22, $0x2;
	s5 =	sadd.s32 $0x200, s26;
	[dreg:$0x5] =	wrdreg s17  }
0x10: {  	s26 =	sshll.u32 s22, $0x5;
	s1 =	sshll.u32 s22, $0x1;
	[dreg:$0x6] =	wrdreg s6  }
0x11: {  	s19 =	sadd.s32 s7, s0;
	s13 =	sadd.s32 s13, s0;
	s14 =	sadd.s32 s21, s3  }
0x12: {  	s17 =	sshll.u32 s23, $0x2;
	s16 =	sadd.s32 s16, s0;
	[dreg:$0xd] =	wrdreg s1  }
0x13: {  	s25 =	sshll.u32 s5, $0x2;
	s12 =	sadd.s32 $0x1F000, s12;
	[dreg:$0x7] =	wrdreg s19  }
0x14: {  	s6 =	sshll.u32 s23, $0x1;
	s1 =	sadd.s32 s11, s1;
	[dreg:$0x8] =	wrdreg s13  }
0x15: {  	s19 =	sshll.u32 s20, $0x1;
	s13 =	sadd.s32 s21, s2;
	[dreg:$0xa] =	wrdreg s16  }
0x16: {  	s24 =	sadd.s32 s17, s0;
	s0 =	sadd.s32 s25, s0;
	s7 =	sadd.s32 s7, s12  }
0x17: {  	s20 =	sadd.s32 s26, s2;
	s21 =	sadd.s32 s26, s3;
	[dreg:$0x14] =	wrdreg s1  }
0x18: {  	s16 =	smul.u32 $0x4F0, s18;
	s17 =	sshll.u32 s23, $0x5;
	[dreg:$0x10] =	wrdreg s6  }
0x19: {  	s18 =	sshll.u32 s5, $0x5;
	s5 =	sshll.u32 s5, $0x1;
	[dreg:$0xb] =	wrdreg s24  }
0x1a: {  	s22 =	sadd.s32 s11, s6;
	s26 =	smax.u32 s15, $0x1;
	[dreg:$0xc] =	wrdreg s0  }
0x1b: {  	s15 =	simm.s32 $0x4;
	s6 =	simm.s32 $0x2;
	[dreg:$0xe] =	wrdreg s7  }
0x1c: {  	s12 =	simm.s32 $0xC200;
	s24 =	sadd.s32 s17, s2;
	[dreg:$0x9] =	wrdreg s19  }
0x1d: {  	s25 =	sadd.s32 s17, s3;
	s19 =	sadd.s32 s11, s19;
	[dreg:$0x15] =	wrdreg s22  }
0x1e: {  	[dreg:$0x11] =	wrdreg s5;
	s23 =	sadd.s32 s11, s5;
	s1 =	sadd.s32 s18, s2  }
.Ltmp0:
0x1f: {  	s5 =	sadd.s32 s18, s3;
	[dreg:$0x17] =	wrdreg s26;
	(pc) =	sbr.rel .LBB2_1-.Ltmp0, $4  }
0x20: {  	v0 =	vlaneseq.u32;
	s17 =	simm.s32 $0xEA00;
	s0 =	simm.s32 $0xB200;
	[dreg:$0xf] =	wrdreg s16  }
0x21: {  	v1 =	vmul.u32 $0x10, v0;
	s18 =	simm.s32 $0x3;
	s22 =	simm.s32 $0x0;
	[dreg:$0x13] =	wrdreg s19  }
0x22: {  	s7 =	sadd.s32 s11, s16;
	[dreg:$0x16] =	wrdreg s23;
	s11 =	simm.s32 $0xD200  }
0x23: {  	v2 =	vor.u32 $0xFFFFFFF8, v0;
	v4 =	vor.u32 $0x270, v0;
	v3 =	vor.u32 $0x700, v1;
	s16 =	simm.s32 $0xE200;
	s19 =	simm.s32 $0xF200;
	[dreg:$0x12] =	wrdreg s7  }
.LBB2_37:
0x24: {  	_ =	swait.ge [sflag:s6], $0x1000  }
0x25: {  	[sflag:s6] =	ssyncset.done $0x0  }
0x26: {  	[sflag:s6] =	ssyncadd.s32 $0xFFFFF000  }
0x27: {  	_ =	swait.ge [sflag:s18], $0x1000  }
0x28: {  	[sflag:s18] =	ssyncset.done $0x0  }
0x29: {  	s7 =	sadd.s32 $0x5380, s26;
	[sflag:s18] =	ssyncadd.s32 $0xFFFFF000  }
0x2a: {  	[spmem:s3] =	stream.indirect.scatter.add.f32 [tilespmem:s12], [sflag:$0x3], $0x20, s7, s30, $0xb8;
	[tilespmem:$0x194F0] =	vst v63  }
0x2b: {  	_ =	swait.ge [sflag:s18], $0x1000  }
0x2c: {  	[sflag:s18] =	ssyncset.done $0x0  }
0x2d: {  	s23 =	stileid.u32;
	[sflag:s18] =	ssyncadd.s32 $0xFFFFF000  }
0x2e: {  	s7 =	sshll.u32 s23, $0x6;
	[bflag:$0x0] =	sbarrier.arrive $0xFFFF  }
0x2f: {  	s23 =	sshrl.u32 s10, $0x3;
	s7 =	sor.u32 $0x1C04, s7;
	s26 =	rddreg [dreg:$0xe]  }
0x30: {  	[hbm:s26], [sflag:s7] =	dma.local [spmem:s23], $0x9E0  }
0x31: {  	_ =	swait.ge [sflag:s15], $0x9E0  }
0x32: {  	s22 =	sadd.s32 $0x1, s22;
	s26 =	rddreg [dreg:$0x17]  }
0x33: {  	p0 =	sne.s32 s22, s26  }
.Ltmp1:
0x34: {  	_ = 	snop;
	(pc) =	sbr.rel @!p0 .LBB2_38-.Ltmp1, $3  }
0x35: {  	_ =	sdelay $0x1  }
0x36: {  	[sflag:s15] =	ssyncset.done $0x0  }
0x37: {  	[sflag:s15] =	ssyncadd.s32 $0xFFFFF620  }
.LBB2_1:
0x38: {  	s7 =	rddreg [dreg:$0x5]  }
0x39: {  	[tilespmem:s4], [sflag:$0x1] =	stream.linear.gather [hbm4b:s7+s4], $0x5100, $0x38;
	[tilespmem:$0x194F0] =	vst v63  }
0x3a: {  	s26 =	rddreg [dreg:$0x6];
	s23 =	simm.s32 $0x5100  }
0x3b: {  	[tilespmem:s23], [sflag:$0x1] =	stream.linear.gather [hbm4b:s26+s4], $0x5100, $0x38;
	[tilespmem:$0x194F0] =	vst v63  }
0x3c: {  	s23 =	rddreg [dreg:$0x7]  }
0x3d: {  	[tilespmem:s11], [sflag:$0x4] =	stream.linear.gather [hbm4b:s23+s4], $0x1000, $0x38;
	[tilespmem:$0x194F0] =	vst v63  }
0x3e: {  	_ =	swait.ge [sflag:s15], $0x1000  }
0x3f: {  	[sflag:s15] =	ssyncset.done $0x0  }
0x40: {  	s26 =	rddreg [dreg:$0x12];
	[sflag:s15] =	ssyncadd.s32 $0xFFFFF000  }
0x41: {  	[tilespmem:s16], [sflag:$0x4] =	stream.linear.gather [hbm4b:s26+s4], $0x800, $0x38;
	[tilespmem:$0x194F0] =	vst v63  }
0x42: {  	_ =	swait.ge [sflag:s15], $0x800  }
0x43: {  	v7 =	vor.u32 s4, v0;
	[sflag:s15] =	ssyncset.done $0x0;
	s23 =	rddreg [dreg:$0xf]  }
0x44: {  	v5 =	vshll.u32 v7, $0x4;
	[sflag:s15] =	ssyncadd.s32 $0xFFFFF800;
	s7 =	sadd.s32 s23, s8  }
0x45: {  	[tilespmem:s17], [sflag:$0x4] =	stream.linear.gather [hbm4b:s7+s4], $0x800, $0x38;
	[tilespmem:$0x194F0] =	vst v63  }
0x46: {  	_ =	swait.ge [sflag:s15], $0x800  }
0x47: {  	[sflag:s15] =	ssyncset.done $0x0  }
0x48: {  	[sflag:s15] =	ssyncadd.s32 $0xFFFFF800  }
0x49: {  	v6 =	vld.idx.msk [tilespmem:v5+s17+$0x0], $0xffff  }
0x4a: {  	v5 =	vld.idx.msk [tilespmem:v5+s16+$0x0], $0xffff;
	_ =	sdelay $0x4  }
0x4b: {  	v5 =	vadd.f32 v6, v5;
	_ =	sdelay $0x1  }
0x4c: {  	v5 =	vadd.f32 $1.000000000e+00, v5;
	_ =	sdelay $0x1  }
0x4d: {  	v6 =	vshrl.u32 v5, $0x1;
	v8 =	vmul.f32 $5.000000000e-01, v5  }
0x4e: {  	v6 =	vsub.s32 $0x5F3759DF, v6  }
0x4f: {  	v9 =	vmul.f32 v6, v8;
	_ =	sdelay $0x1  }
0x50: {  	v9 =	vmul.f32 v6, v9;
	_ =	sdelay $0x1  }
0x51: {  	v9 =	vsub.f32 $1.500000000e+00, v9;
	_ =	sdelay $0x1  }
0x52: {  	v6 =	vmul.f32 v6, v9;
	_ =	sdelay $0x1  }
0x53: {  	v9 =	vmul.f32 v6, v8;
	_ =	sdelay $0x1  }
0x54: {  	v9 =	vmul.f32 v9, v6;
	_ =	sdelay $0x1  }
0x55: {  	v9 =	vsub.f32 $1.500000000e+00, v9  }
0x56: {  	(erf) = vrcp.f32 v5  }
0x57: {  	v9 =	vmul.f32 v9, v6;
	_ =	sdelay $0x1  }
0x58: {  	v5 =	vmul.f32 v9, v8;
	_ =	sdelay $0x1  }
0x59: {  	v5 =	vmul.f32 v5, v9  }
0x5a: {  	v7 =	vand.u32 v2, v7;
	s26 =	simm.s32 $0x10  }
0x5b: {  	v10 =	vsub.f32 $1.500000000e+00, v5;
	v5 =	vor.u32 s26, v0  }
0x5c: {  	v8 =	vshll.u32 v5, $0x4  }
0x5d: {  	s23 =	simm.s32 $0x20;
	v6 =	vpop (erf);
	v9 =	vmul.f32 v10, v9  }
.LBB2_2:
0x5e: {  	p0 =	sne.s32 s23, $0x70  }
0x5f: {  	[tilespmem:v7+s19+$0x0] =	vst.idx.msk $0xffff, v9  }
0x60: {  	[tilespmem:v7+s28+$0x0] =	vst.idx.msk $0xffff, v6  }
0x61: {  	v6 =	vld.idx.msk [tilespmem:v8+s17+$0x0], $0xffff  }
0x62: {  	v7 =	vld.idx.msk [tilespmem:v8+s16+$0x0], $0xffff;
	_ =	sdelay $0x5  }
0x63: {  	v6 =	vadd.f32 v6, v7;
	_ =	sdelay $0x1  }
0x64: {  	v6 =	vadd.f32 $1.000000000e+00, v6;
	_ =	sdelay $0x1  }
0x65: {  	v7 =	vshrl.u32 v6, $0x1;
	v8 =	vmul.f32 $5.000000000e-01, v6;
	(erf) = vrcp.f32 v6  }
0x66: {  	v6 =	vsub.s32 $0x5F3759DF, v7  }
0x67: {  	v7 =	vmul.f32 v6, v8;
	_ =	sdelay $0x1  }
0x68: {  	v7 =	vmul.f32 v6, v7;
	_ =	sdelay $0x1  }
0x69: {  	v7 =	vsub.f32 $1.500000000e+00, v7;
	_ =	sdelay $0x1  }
0x6a: {  	v7 =	vmul.f32 v6, v7  }
0x6b: {  	v6 =	vpop (erf)  }
0x6c: {  	v9 =	vmul.f32 v7, v8;
	_ =	sdelay $0x1  }
0x6d: {  	v9 =	vmul.f32 v9, v7;
	_ =	sdelay $0x1  }
0x6e: {  	v9 =	vsub.f32 $1.500000000e+00, v9;
	_ =	sdelay $0x1  }
0x6f: {  	v9 =	vmul.f32 v9, v7;
	_ =	sdelay $0x1  }
0x70: {  	v7 =	vmul.f32 v9, v8;
	_ =	sdelay $0x1  }
.Ltmp2:
0x71: {  	v8 =	vmul.f32 v7, v9;
	(pc) =	sbr.rel @p0 .LBB2_2-.Ltmp2, $4  }
0x72: {  	v7 =	vand.u32 v2, v5  }
0x73: {  	v5 =	vor.u32 s23, v0;
	v10 =	vsub.f32 $1.500000000e+00, v8  }
0x74: {  	v8 =	vshll.u32 v5, $0x4  }
0x75: {  	s23 =	sadd.s32 $0x10, s23;
	v9 =	vmul.f32 v10, v9  }
0x76: {  	_ =	sdelay $0x3  }
0x77: {  	[tilespmem:v7+s19+$0x0] =	vst.idx.msk $0xffff, v9  }
0x78: {  	[tilespmem:v7+s28+$0x0] =	vst.idx.msk $0xffff, v6  }
0x79: {  	v6 =	vld.idx.msk [tilespmem:v8+s17+$0x0], $0xffff  }
0x7a: {  	v7 =	vld.idx.msk [tilespmem:v8+s16+$0x0], $0xffff;
	_ =	sdelay $0x4  }
0x7b: {  	v6 =	vadd.f32 v6, v7;
	_ =	sdelay $0x1  }
0x7c: {  	v6 =	vadd.f32 $1.000000000e+00, v6;
	_ =	sdelay $0x1  }
0x7d: {  	v7 =	vshrl.u32 v6, $0x1;
	v8 =	vmul.f32 $5.000000000e-01, v6  }
0x7e: {  	v7 =	vsub.s32 $0x5F3759DF, v7  }
0x7f: {  	v9 =	vmul.f32 v7, v8;
	_ =	sdelay $0x1  }
0x80: {  	v9 =	vmul.f32 v7, v9;
	_ =	sdelay $0x1  }
0x81: {  	v9 =	vsub.f32 $1.500000000e+00, v9;
	_ =	sdelay $0x1  }
0x82: {  	v7 =	vmul.f32 v7, v9;
	_ =	sdelay $0x1  }
0x83: {  	v9 =	vmul.f32 v7, v8;
	_ =	sdelay $0x1  }
0x84: {  	v9 =	vmul.f32 v9, v7;
	_ =	sdelay $0x1  }
0x85: {  	v9 =	vsub.f32 $1.500000000e+00, v9;
	_ =	sdelay $0x1  }
0x86: {  	v7 =	vmul.f32 v9, v7  }
0x87: {  	(erf) = vrcp.f32 v6  }
0x88: {  	v6 =	vmul.f32 v7, v8;
	_ =	sdelay $0x1  }
0x89: {  	v6 =	vmul.f32 v6, v7  }
0x8a: {  	v5 =	vand.u32 v2, v5  }
0x8b: {  	v6 =	vsub.f32 $1.500000000e+00, v6;
	_ =	sdelay $0x1  }
0x8c: {  	s7 =	simm.s32 $0x0;
	v6 =	vmul.f32 v6, v7  }
0x8d: {  	v7 =	vmov s7  }
0x8e: {  	v8 =	vpop (erf);
	[tilespmem:v5+s19+$0x0] =	vst.idx.msk $0xffff, v6  }
0x8f: {  	s23 =	simm.s32 $0xD210;
	[tilespmem:v5+s28+$0x0] =	vst.idx.msk $0xffff, v8  }
0x90: {  	v6 =	vld [tilespmem:s23+$0xFFFFFFF0]  }
0x91: {  	v8 =	vld [tilespmem:s23+$0x0]  }
0x92: {  	v7 =	vld.idx.msk [tilespmem:v7+s19+$0x0], $0xffff;
	_ =	sdelay $0x2  }
0x93: {  	s26 =	simm.s32 $0x1  }
0x94: {  	s7 =	simm.s32 $0x2;
	v5 =	vmov s26;
	s26 =	simm.s32 $0xD210  }
.LBB2_4:
0x95: {  	p0 =	sne.s32 s7, $0x7F;
	v6 =	vmul.f32 v6, v7;
	v7 =	vmul.f32 v8, v7;
	_ =	sdelay $0x1  }
0x96: {  	s26 =	sadd.s32 $0x20, s26;
	[tilespmem:s23+$0xFFFFFFF0] =	vst v6  }
0x97: {  	v6 =	vld [tilespmem:s26+$0xFFFFFFF0];
	[tilespmem:s23+$0x0] =	vst v7;
	s23 =	smov.u32 s26  }
0x98: {  	v7 =	vld.idx.msk [tilespmem:v5+s19+$0x0], $0xffff  }
.Ltmp3:
0x99: {  	v8 =	vld [tilespmem:s26+$0x0];
	(pc) =	sbr.rel @p0 .LBB2_4-.Ltmp3, $2  }
0x9a: {  	_ =	sdelay $0x2  }
0x9b: {  	v5 =	vmov s7;
	s7 =	sadd.s32 $0x1, s7  }
0x9c: {  	v6 =	vmul.f32 v6, v7  }
0x9d: {  	v7 =	vmul.f32 v8, v7  }
0x9e: {  	s7 =	sadd.s32 $0x20, s26;
	[tilespmem:s23+$0xFFFFFFF0] =	vst v6  }
0x9f: {  	v6 =	vld [tilespmem:s7+$0xFFFFFFF0];
	[tilespmem:s23+$0x0] =	vst v7  }
0xa0: {  	v5 =	vld.idx.msk [tilespmem:v5+s19+$0x0], $0xffff  }
0xa1: {  	v7 =	vld [tilespmem:s7+$0x0];
	_ =	sdelay $0x3  }
0xa2: {  	v6 =	vmul.f32 v6, v5  }
0xa3: {  	v5 =	vmul.f32 v7, v5  }
0xa4: {  	[tilespmem:s7+$0xFFFFFFF0] =	vst v6  }
0xa5: {  	[tilespmem:s7+$0x0] =	vst v5  }
0xa6: {  	[spmem:s9] =	stream.linear.scatter [tilespmem:s11], [sflag:$0x4], $0x1000, $0x38;
	[tilespmem:$0x194F0] =	vst v63  }
0xa7: {  	_ =	swait.ge [sflag:s15], $0x1000  }
0xa8: {  	[sflag:s15] =	ssyncset.done $0x0  }
0xa9: {  	[sflag:s15] =	ssyncadd.s32 $0xFFFFF000  }
0xaa: {  	[spmem:s10] =	stream.linear.scatter [tilespmem:s11], [sflag:$0x4], $0x1000, $0x38;
	[tilespmem:$0x194F0] =	vst v63  }
0xab: {  	_ =	swait.ge [sflag:s15], $0x1000  }
0xac: {  	[sflag:s15] =	ssyncset.done $0x0  }
0xad: {  	s7 =	simm.s32 $0x0;
	s26 =	rddreg [dreg:$0x8];
	[sflag:s15] =	ssyncadd.s32 $0xFFFFF000  }
0xae: {  	[tilespmem:s11], [sflag:$0x4] =	stream.linear.gather [hbm4b:s26+s7], $0x1000, $0x38;
	[tilespmem:$0x194F0] =	vst v63  }
0xaf: {  	_ =	swait.ge [sflag:s15], $0x1000  }
0xb0: {  	[sflag:s15] =	ssyncset.done $0x0  }
0xb1: {  	s26 =	rddreg [dreg:$0x13];
	[sflag:s15] =	ssyncadd.s32 $0xFFFFF000  }
0xb2: {  	[tilespmem:s16], [sflag:$0x4] =	stream.linear.gather [hbm4b:s26+s7], $0x800, $0x38;
	[tilespmem:$0x194F0] =	vst v63  }
0xb3: {  	v5 =	vmov s7;
	_ =	swait.ge [sflag:s15], $0x800  }
0xb4: {  	v5 =	vshll.u32 v5, $0x4;
	[sflag:s15] =	ssyncset.done $0x0;
	s26 =	rddreg [dreg:$0x9]  }
0xb5: {  	v5 =	vor.u32 v1, v5;
	[sflag:s15] =	ssyncadd.s32 $0xFFFFF800;
	s23 =	sadd.s32 s26, s8  }
0xb6: {  	[tilespmem:s17], [sflag:$0x4] =	stream.linear.gather [hbm4b:s23+s7], $0x800, $0x38;
	[tilespmem:$0x194F0] =	vst v63  }
0xb7: {  	_ =	swait.ge [sflag:s15], $0x800  }
0xb8: {  	[sflag:s15] =	ssyncset.done $0x0  }
0xb9: {  	[sflag:s15] =	ssyncadd.s32 $0xFFFFF800  }
0xba: {  	v6 =	vld.idx.msk [tilespmem:v5+s17+$0x0], $0xffff  }
0xbb: {  	v5 =	vld.idx.msk [tilespmem:v5+s16+$0x0], $0xffff;
	_ =	sdelay $0x4  }
0xbc: {  	v5 =	vadd.f32 v6, v5;
	_ =	sdelay $0x1  }
0xbd: {  	v5 =	vadd.f32 $1.000000000e+00, v5;
	_ =	sdelay $0x1  }
0xbe: {  	v6 =	vshrl.u32 v5, $0x1;
	v7 =	vmul.f32 $5.000000000e-01, v5  }
0xbf: {  	v6 =	vsub.s32 $0x5F3759DF, v6  }
0xc0: {  	v8 =	vmul.f32 v6, v7;
	_ =	sdelay $0x1  }
0xc1: {  	v8 =	vmul.f32 v6, v8;
	_ =	sdelay $0x1  }
0xc2: {  	v8 =	vsub.f32 $1.500000000e+00, v8;
	_ =	sdelay $0x1  }
0xc3: {  	v6 =	vmul.f32 v6, v8;
	_ =	sdelay $0x1  }
0xc4: {  	v8 =	vmul.f32 v6, v7;
	_ =	sdelay $0x1  }
0xc5: {  	v8 =	vmul.f32 v8, v6;
	_ =	sdelay $0x1  }
0xc6: {  	(erf) = vrcp.f32 v5;
	v5 =	vsub.f32 $1.500000000e+00, v8;
	_ =	sdelay $0x1  }
0xc7: {  	v6 =	vmul.f32 v5, v6;
	_ =	sdelay $0x1  }
0xc8: {  	v5 =	vmul.f32 v6, v7  }
0xc9: {  	s23 =	simm.s32 $0x10  }
0xca: {  	s26 =	simm.s32 $0x80;
	v8 =	vmul.f32 v5, v6;
	v5 =	vmov s23  }
0xcb: {  	v7 =	vor.u32 s26, v0  }
0xcc: {  	v10 =	vshll.u32 v5, $0x4;
	v9 =	vsub.f32 $1.500000000e+00, v8  }
0xcd: {  	s26 =	simm.s32 $0x20;
	v8 =	vor.u32 v1, v10;
	v5 =	vpop (erf)  }
.LBB2_6:
0xce: {  	p0 =	sne.s32 s26, $0x70;
	v6 =	vmul.f32 v9, v6;
	_ =	sdelay $0x1  }
0xcf: {  	[tilespmem:v7+s19+$0x0] =	vst.idx.msk $0xffff, v6  }
0xd0: {  	[tilespmem:v7+s28+$0x0] =	vst.idx.msk $0xffff, v5  }
0xd1: {  	v5 =	vld.idx.msk [tilespmem:v8+s17+$0x0], $0xffff  }
0xd2: {  	v6 =	vld.idx.msk [tilespmem:v8+s16+$0x0], $0xffff;
	_ =	sdelay $0x5  }
0xd3: {  	v5 =	vadd.f32 v5, v6;
	_ =	sdelay $0x1  }
0xd4: {  	v5 =	vadd.f32 $1.000000000e+00, v5;
	_ =	sdelay $0x1  }
0xd5: {  	v6 =	vshrl.u32 v5, $0x1;
	v7 =	vmul.f32 $5.000000000e-01, v5;
	(erf) = vrcp.f32 v5  }
0xd6: {  	v5 =	vsub.s32 $0x5F3759DF, v6  }
0xd7: {  	v6 =	vmul.f32 v5, v7;
	_ =	sdelay $0x1  }
0xd8: {  	v6 =	vmul.f32 v5, v6;
	_ =	sdelay $0x1  }
0xd9: {  	v6 =	vsub.f32 $1.500000000e+00, v6;
	_ =	sdelay $0x1  }
0xda: {  	v6 =	vmul.f32 v5, v6  }
0xdb: {  	v5 =	vpop (erf)  }
0xdc: {  	v8 =	vmul.f32 v6, v7;
	_ =	sdelay $0x1  }
0xdd: {  	v8 =	vmul.f32 v8, v6;
	_ =	sdelay $0x1  }
0xde: {  	v8 =	vsub.f32 $1.500000000e+00, v8;
	_ =	sdelay $0x1  }
0xdf: {  	v6 =	vmul.f32 v8, v6;
	_ =	sdelay $0x1  }
0xe0: {  	v7 =	vmul.f32 v6, v7  }
.Ltmp4:
0xe1: {  	(pc) =	sbr.rel @p0 .LBB2_6-.Ltmp4, $4  }
0xe2: {  	s7 =	sadd.s32 $0x80, s23;
	s23 =	smov.u32 s26;
	v8 =	vmul.f32 v7, v6  }
0xe3: {  	v9 =	vmov s26;
	v7 =	vor.u32 s7, v0  }
0xe4: {  	v10 =	vshll.u32 v9, $0x4;
	v9 =	vsub.f32 $1.500000000e+00, v8  }
0xe5: {  	s26 =	sadd.s32 $0x10, s26;
	v8 =	vor.u32 v1, v10  }
0xe6: {  	_ =	sdelay $0x1  }
0xe7: {  	v6 =	vmul.f32 v9, v6;
	_ =	sdelay $0x1  }
0xe8: {  	[tilespmem:v7+s19+$0x0] =	vst.idx.msk $0xffff, v6  }
0xe9: {  	[tilespmem:v7+s28+$0x0] =	vst.idx.msk $0xffff, v5  }
0xea: {  	v5 =	vld.idx.msk [tilespmem:v8+s17+$0x0], $0xffff  }
0xeb: {  	v6 =	vld.idx.msk [tilespmem:v8+s16+$0x0], $0xffff;
	_ =	sdelay $0x4  }
0xec: {  	v5 =	vadd.f32 v5, v6;
	_ =	sdelay $0x1  }
0xed: {  	v5 =	vadd.f32 $1.000000000e+00, v5;
	_ =	sdelay $0x1  }
0xee: {  	v6 =	vshrl.u32 v5, $0x1;
	v7 =	vmul.f32 $5.000000000e-01, v5  }
0xef: {  	v6 =	vsub.s32 $0x5F3759DF, v6  }
0xf0: {  	v8 =	vmul.f32 v6, v7;
	_ =	sdelay $0x1  }
0xf1: {  	v8 =	vmul.f32 v6, v8;
	_ =	sdelay $0x1  }
0xf2: {  	v8 =	vsub.f32 $1.500000000e+00, v8;
	_ =	sdelay $0x1  }
0xf3: {  	v6 =	vmul.f32 v6, v8;
	_ =	sdelay $0x1  }
0xf4: {  	v8 =	vmul.f32 v6, v7;
	_ =	sdelay $0x1  }
0xf5: {  	v8 =	vmul.f32 v8, v6;
	_ =	sdelay $0x1  }
0xf6: {  	v8 =	vsub.f32 $1.500000000e+00, v8;
	_ =	sdelay $0x1  }
0xf7: {  	v6 =	vmul.f32 v8, v6  }
0xf8: {  	(erf) = vrcp.f32 v5  }
0xf9: {  	v5 =	vmul.f32 v6, v7;
	_ =	sdelay $0x1  }
0xfa: {  	s7 =	sadd.s32 $0x80, s23;
	v5 =	vmul.f32 v5, v6  }
0xfb: {  	v7 =	vor.u32 s7, v0  }
0xfc: {  	v5 =	vsub.f32 $1.500000000e+00, v5  }
0xfd: {  	s23 =	simm.s32 $0x80  }
0xfe: {  	v8 =	vmov s23;
	v5 =	vmul.f32 v5, v6;
	_ =	sdelay $0x1  }
0xff: {  	v6 =	vpop (erf);
	[tilespmem:v7+s19+$0x0] =	vst.idx.msk $0xffff, v5  }
0x100: {  	s23 =	simm.s32 $0xD210;
	[tilespmem:v7+s28+$0x0] =	vst.idx.msk $0xffff, v6  }
0x101: {  	v6 =	vld [tilespmem:s23+$0xFFFFFFF0]  }
0x102: {  	v7 =	vld.idx.msk [tilespmem:v8+s19+$0x0], $0xffff  }
0x103: {  	v8 =	vld [tilespmem:s23+$0x0];
	_ =	sdelay $0x2  }
0x104: {  	s26 =	simm.s32 $0x81  }
0x105: {  	s7 =	simm.s32 $0x82;
	v5 =	vmov s26;
	s26 =	simm.s32 $0xD210  }
.LBB2_8:
0x106: {  	p0 =	sne.s32 s7, $0xFF;
	v6 =	vmul.f32 v6, v7;
	v7 =	vmul.f32 v8, v7;
	_ =	sdelay $0x1  }
0x107: {  	s26 =	sadd.s32 $0x20, s26;
	[tilespmem:s23+$0xFFFFFFF0] =	vst v6  }
0x108: {  	v6 =	vld [tilespmem:s26+$0xFFFFFFF0];
	[tilespmem:s23+$0x0] =	vst v7;
	s23 =	smov.u32 s26  }
0x109: {  	v7 =	vld.idx.msk [tilespmem:v5+s19+$0x0], $0xffff  }
.Ltmp5:
0x10a: {  	v8 =	vld [tilespmem:s26+$0x0];
	(pc) =	sbr.rel @p0 .LBB2_8-.Ltmp5, $2  }
0x10b: {  	_ =	sdelay $0x2  }
0x10c: {  	v5 =	vmov s7;
	s7 =	sadd.s32 $0x1, s7  }
0x10d: {  	v6 =	vmul.f32 v6, v7  }
0x10e: {  	v7 =	vmul.f32 v8, v7  }
0x10f: {  	s7 =	sadd.s32 $0x20, s26;
	[tilespmem:s23+$0xFFFFFFF0] =	vst v6  }
0x110: {  	v6 =	vld [tilespmem:s7+$0xFFFFFFF0];
	[tilespmem:s23+$0x0] =	vst v7  }
0x111: {  	v5 =	vld.idx.msk [tilespmem:v5+s19+$0x0], $0xffff  }
0x112: {  	v7 =	vld [tilespmem:s7+$0x0];
	_ =	sdelay $0x3  }
0x113: {  	v6 =	vmul.f32 v6, v5  }
0x114: {  	v5 =	vmul.f32 v7, v5  }
0x115: {  	[tilespmem:s7+$0xFFFFFFF0] =	vst v6  }
0x116: {  	[tilespmem:s7+$0x0] =	vst v5  }
0x117: {  	[spmem:s13] =	stream.linear.scatter [tilespmem:s11], [sflag:$0x4], $0x1000, $0x38;
	[tilespmem:$0x194F0] =	vst v63  }
0x118: {  	_ =	swait.ge [sflag:s15], $0x1000  }
0x119: {  	[sflag:s15] =	ssyncset.done $0x0  }
0x11a: {  	[sflag:s15] =	ssyncadd.s32 $0xFFFFF000  }
0x11b: {  	[spmem:s14] =	stream.linear.scatter [tilespmem:s11], [sflag:$0x4], $0x1000, $0x38;
	[tilespmem:$0x194F0] =	vst v63  }
0x11c: {  	_ =	swait.ge [sflag:s15], $0x1000  }
0x11d: {  	[sflag:s15] =	ssyncset.done $0x0  }
0x11e: {  	s7 =	simm.s32 $0x0;
	s26 =	rddreg [dreg:$0xa];
	[sflag:s15] =	ssyncadd.s32 $0xFFFFF000  }
0x11f: {  	[tilespmem:s11], [sflag:$0x4] =	stream.linear.gather [hbm4b:s26+s7], $0x1000, $0x38;
	[tilespmem:$0x194F0] =	vst v63  }
0x120: {  	_ =	swait.ge [sflag:s15], $0x1000  }
0x121: {  	[sflag:s15] =	ssyncset.done $0x0  }
0x122: {  	s26 =	rddreg [dreg:$0x14];
	[sflag:s15] =	ssyncadd.s32 $0xFFFFF000  }
0x123: {  	[tilespmem:s16], [sflag:$0x4] =	stream.linear.gather [hbm4b:s26+s7], $0x800, $0x38;
	[tilespmem:$0x194F0] =	vst v63  }
0x124: {  	v5 =	vmov s7;
	_ =	swait.ge [sflag:s15], $0x800  }
0x125: {  	v5 =	vshll.u32 v5, $0x4;
	[sflag:s15] =	ssyncset.done $0x0;
	s26 =	rddreg [dreg:$0xd]  }
0x126: {  	v5 =	vor.u32 v1, v5;
	[sflag:s15] =	ssyncadd.s32 $0xFFFFF800;
	s23 =	sadd.s32 s26, s8  }
0x127: {  	[tilespmem:s17], [sflag:$0x4] =	stream.linear.gather [hbm4b:s23+s7], $0x800, $0x38;
	[tilespmem:$0x194F0] =	vst v63  }
0x128: {  	_ =	swait.ge [sflag:s15], $0x800  }
0x129: {  	[sflag:s15] =	ssyncset.done $0x0  }
0x12a: {  	[sflag:s15] =	ssyncadd.s32 $0xFFFFF800  }
0x12b: {  	v6 =	vld.idx.msk [tilespmem:v5+s17+$0x0], $0xffff  }
0x12c: {  	v5 =	vld.idx.msk [tilespmem:v5+s16+$0x0], $0xffff;
	_ =	sdelay $0x4  }
0x12d: {  	v5 =	vadd.f32 v6, v5;
	_ =	sdelay $0x1  }
0x12e: {  	v5 =	vadd.f32 $1.000000000e+00, v5;
	_ =	sdelay $0x1  }
0x12f: {  	v6 =	vshrl.u32 v5, $0x1;
	v7 =	vmul.f32 $5.000000000e-01, v5  }
0x130: {  	v6 =	vsub.s32 $0x5F3759DF, v6  }
0x131: {  	v8 =	vmul.f32 v6, v7;
	_ =	sdelay $0x1  }
0x132: {  	v8 =	vmul.f32 v6, v8;
	_ =	sdelay $0x1  }
0x133: {  	v8 =	vsub.f32 $1.500000000e+00, v8;
	_ =	sdelay $0x1  }
0x134: {  	v6 =	vmul.f32 v6, v8;
	_ =	sdelay $0x1  }
0x135: {  	v8 =	vmul.f32 v6, v7;
	_ =	sdelay $0x1  }
0x136: {  	v8 =	vmul.f32 v8, v6;
	_ =	sdelay $0x1  }
0x137: {  	(erf) = vrcp.f32 v5;
	v5 =	vsub.f32 $1.500000000e+00, v8;
	_ =	sdelay $0x1  }
0x138: {  	v6 =	vmul.f32 v5, v6;
	_ =	sdelay $0x1  }
0x139: {  	v5 =	vmul.f32 v6, v7  }
0x13a: {  	s23 =	simm.s32 $0x10  }
0x13b: {  	s26 =	simm.s32 $0x100;
	v8 =	vmul.f32 v5, v6;
	v5 =	vmov s23  }
0x13c: {  	v7 =	vor.u32 s26, v0  }
0x13d: {  	v10 =	vshll.u32 v5, $0x4;
	v9 =	vsub.f32 $1.500000000e+00, v8  }
0x13e: {  	s26 =	simm.s32 $0x20;
	v8 =	vor.u32 v1, v10;
	v5 =	vpop (erf)  }
.LBB2_10:
0x13f: {  	p0 =	sne.s32 s26, $0x70;
	v6 =	vmul.f32 v9, v6;
	_ =	sdelay $0x1  }
0x140: {  	[tilespmem:v7+s19+$0x0] =	vst.idx.msk $0xffff, v6  }
0x141: {  	[tilespmem:v7+s28+$0x0] =	vst.idx.msk $0xffff, v5  }
0x142: {  	v5 =	vld.idx.msk [tilespmem:v8+s17+$0x0], $0xffff  }
0x143: {  	v6 =	vld.idx.msk [tilespmem:v8+s16+$0x0], $0xffff;
	_ =	sdelay $0x5  }
0x144: {  	v5 =	vadd.f32 v5, v6;
	_ =	sdelay $0x1  }
0x145: {  	v5 =	vadd.f32 $1.000000000e+00, v5;
	_ =	sdelay $0x1  }
0x146: {  	v6 =	vshrl.u32 v5, $0x1;
	v7 =	vmul.f32 $5.000000000e-01, v5;
	(erf) = vrcp.f32 v5  }
0x147: {  	v5 =	vsub.s32 $0x5F3759DF, v6  }
0x148: {  	v6 =	vmul.f32 v5, v7;
	_ =	sdelay $0x1  }
0x149: {  	v6 =	vmul.f32 v5, v6;
	_ =	sdelay $0x1  }
0x14a: {  	v6 =	vsub.f32 $1.500000000e+00, v6;
	_ =	sdelay $0x1  }
0x14b: {  	v6 =	vmul.f32 v5, v6  }
0x14c: {  	v5 =	vpop (erf)  }
0x14d: {  	v8 =	vmul.f32 v6, v7;
	_ =	sdelay $0x1  }
0x14e: {  	v8 =	vmul.f32 v8, v6;
	_ =	sdelay $0x1  }
0x14f: {  	v8 =	vsub.f32 $1.500000000e+00, v8;
	_ =	sdelay $0x1  }
0x150: {  	v6 =	vmul.f32 v8, v6;
	_ =	sdelay $0x1  }
0x151: {  	v7 =	vmul.f32 v6, v7  }
.Ltmp6:
0x152: {  	(pc) =	sbr.rel @p0 .LBB2_10-.Ltmp6, $4  }
0x153: {  	s7 =	sadd.s32 $0x100, s23;
	s23 =	smov.u32 s26;
	v8 =	vmul.f32 v7, v6  }
0x154: {  	v9 =	vmov s26;
	v7 =	vor.u32 s7, v0  }
0x155: {  	v10 =	vshll.u32 v9, $0x4;
	v9 =	vsub.f32 $1.500000000e+00, v8  }
0x156: {  	s26 =	sadd.s32 $0x10, s26;
	v8 =	vor.u32 v1, v10  }
0x157: {  	_ =	sdelay $0x1  }
0x158: {  	v6 =	vmul.f32 v9, v6;
	_ =	sdelay $0x1  }
0x159: {  	[tilespmem:v7+s19+$0x0] =	vst.idx.msk $0xffff, v6  }
0x15a: {  	[tilespmem:v7+s28+$0x0] =	vst.idx.msk $0xffff, v5  }
0x15b: {  	v5 =	vld.idx.msk [tilespmem:v8+s17+$0x0], $0xffff  }
0x15c: {  	v6 =	vld.idx.msk [tilespmem:v8+s16+$0x0], $0xffff;
	_ =	sdelay $0x4  }
0x15d: {  	v5 =	vadd.f32 v5, v6;
	_ =	sdelay $0x1  }
0x15e: {  	v5 =	vadd.f32 $1.000000000e+00, v5;
	_ =	sdelay $0x1  }
0x15f: {  	v6 =	vshrl.u32 v5, $0x1;
	v7 =	vmul.f32 $5.000000000e-01, v5  }
0x160: {  	v6 =	vsub.s32 $0x5F3759DF, v6  }
0x161: {  	v8 =	vmul.f32 v6, v7;
	_ =	sdelay $0x1  }
0x162: {  	v8 =	vmul.f32 v6, v8;
	_ =	sdelay $0x1  }
0x163: {  	v8 =	vsub.f32 $1.500000000e+00, v8;
	_ =	sdelay $0x1  }
0x164: {  	v6 =	vmul.f32 v6, v8;
	_ =	sdelay $0x1  }
0x165: {  	v8 =	vmul.f32 v6, v7;
	_ =	sdelay $0x1  }
0x166: {  	v8 =	vmul.f32 v8, v6;
	_ =	sdelay $0x1  }
0x167: {  	v8 =	vsub.f32 $1.500000000e+00, v8;
	_ =	sdelay $0x1  }
0x168: {  	v6 =	vmul.f32 v8, v6  }
0x169: {  	(erf) = vrcp.f32 v5  }
0x16a: {  	v5 =	vmul.f32 v6, v7;
	_ =	sdelay $0x1  }
0x16b: {  	s7 =	sadd.s32 $0x100, s23;
	v5 =	vmul.f32 v5, v6  }
0x16c: {  	v7 =	vor.u32 s7, v0  }
0x16d: {  	v5 =	vsub.f32 $1.500000000e+00, v5  }
0x16e: {  	s23 =	simm.s32 $0x100  }
0x16f: {  	v8 =	vmov s23;
	v5 =	vmul.f32 v5, v6;
	_ =	sdelay $0x1  }
0x170: {  	v6 =	vpop (erf);
	[tilespmem:v7+s19+$0x0] =	vst.idx.msk $0xffff, v5  }
0x171: {  	s23 =	simm.s32 $0xD210;
	[tilespmem:v7+s28+$0x0] =	vst.idx.msk $0xffff, v6  }
0x172: {  	v6 =	vld [tilespmem:s23+$0xFFFFFFF0]  }
0x173: {  	v7 =	vld.idx.msk [tilespmem:v8+s19+$0x0], $0xffff  }
0x174: {  	v8 =	vld [tilespmem:s23+$0x0];
	_ =	sdelay $0x2  }
0x175: {  	s26 =	simm.s32 $0x101  }
0x176: {  	s7 =	simm.s32 $0x102;
	v5 =	vmov s26;
	s26 =	simm.s32 $0xD210  }
.LBB2_12:
0x177: {  	p0 =	sne.s32 s7, $0x17F;
	v6 =	vmul.f32 v6, v7;
	v7 =	vmul.f32 v8, v7;
	_ =	sdelay $0x1  }
0x178: {  	s26 =	sadd.s32 $0x20, s26;
	[tilespmem:s23+$0xFFFFFFF0] =	vst v6  }
0x179: {  	v6 =	vld [tilespmem:s26+$0xFFFFFFF0];
	[tilespmem:s23+$0x0] =	vst v7;
	s23 =	smov.u32 s26  }
0x17a: {  	v7 =	vld.idx.msk [tilespmem:v5+s19+$0x0], $0xffff  }
.Ltmp7:
0x17b: {  	v8 =	vld [tilespmem:s26+$0x0];
	(pc) =	sbr.rel @p0 .LBB2_12-.Ltmp7, $2  }
0x17c: {  	_ =	sdelay $0x2  }
0x17d: {  	v5 =	vmov s7;
	s7 =	sadd.s32 $0x1, s7  }
0x17e: {  	v6 =	vmul.f32 v6, v7  }
0x17f: {  	v7 =	vmul.f32 v8, v7  }
0x180: {  	s7 =	sadd.s32 $0x20, s26;
	[tilespmem:s23+$0xFFFFFFF0] =	vst v6  }
0x181: {  	v6 =	vld [tilespmem:s7+$0xFFFFFFF0];
	[tilespmem:s23+$0x0] =	vst v7  }
0x182: {  	v5 =	vld.idx.msk [tilespmem:v5+s19+$0x0], $0xffff  }
0x183: {  	v7 =	vld [tilespmem:s7+$0x0];
	_ =	sdelay $0x3  }
0x184: {  	v6 =	vmul.f32 v6, v5  }
0x185: {  	v5 =	vmul.f32 v7, v5  }
0x186: {  	[tilespmem:s7+$0xFFFFFFF0] =	vst v6  }
0x187: {  	[tilespmem:s7+$0x0] =	vst v5  }
0x188: {  	[spmem:s20] =	stream.linear.scatter [tilespmem:s11], [sflag:$0x4], $0x1000, $0x38;
	[tilespmem:$0x194F0] =	vst v63  }
0x189: {  	_ =	swait.ge [sflag:s15], $0x1000  }
0x18a: {  	[sflag:s15] =	ssyncset.done $0x0  }
0x18b: {  	[sflag:s15] =	ssyncadd.s32 $0xFFFFF000  }
0x18c: {  	[spmem:s21] =	stream.linear.scatter [tilespmem:s11], [sflag:$0x4], $0x1000, $0x38;
	[tilespmem:$0x194F0] =	vst v63  }
0x18d: {  	_ =	swait.ge [sflag:s15], $0x1000  }
0x18e: {  	[sflag:s15] =	ssyncset.done $0x0  }
0x18f: {  	s7 =	simm.s32 $0x0;
	s26 =	rddreg [dreg:$0xb];
	[sflag:s15] =	ssyncadd.s32 $0xFFFFF000  }
0x190: {  	[tilespmem:s11], [sflag:$0x4] =	stream.linear.gather [hbm4b:s26+s7], $0x1000, $0x38;
	[tilespmem:$0x194F0] =	vst v63  }
0x191: {  	_ =	swait.ge [sflag:s15], $0x1000  }
0x192: {  	[sflag:s15] =	ssyncset.done $0x0  }
0x193: {  	s26 =	rddreg [dreg:$0x15];
	[sflag:s15] =	ssyncadd.s32 $0xFFFFF000  }
0x194: {  	[tilespmem:s16], [sflag:$0x4] =	stream.linear.gather [hbm4b:s26+s7], $0x800, $0x38;
	[tilespmem:$0x194F0] =	vst v63  }
0x195: {  	v5 =	vmov s7;
	_ =	swait.ge [sflag:s15], $0x800  }
0x196: {  	v5 =	vshll.u32 v5, $0x4;
	[sflag:s15] =	ssyncset.done $0x0;
	s26 =	rddreg [dreg:$0x10]  }
0x197: {  	v5 =	vor.u32 v1, v5;
	[sflag:s15] =	ssyncadd.s32 $0xFFFFF800;
	s23 =	sadd.s32 s26, s8  }
0x198: {  	[tilespmem:s17], [sflag:$0x4] =	stream.linear.gather [hbm4b:s23+s7], $0x800, $0x38;
	[tilespmem:$0x194F0] =	vst v63  }
0x199: {  	_ =	swait.ge [sflag:s15], $0x800  }
0x19a: {  	[sflag:s15] =	ssyncset.done $0x0  }
0x19b: {  	[sflag:s15] =	ssyncadd.s32 $0xFFFFF800  }
0x19c: {  	v6 =	vld.idx.msk [tilespmem:v5+s17+$0x0], $0xffff  }
0x19d: {  	v5 =	vld.idx.msk [tilespmem:v5+s16+$0x0], $0xffff;
	_ =	sdelay $0x4  }
0x19e: {  	v5 =	vadd.f32 v6, v5;
	_ =	sdelay $0x1  }
0x19f: {  	v5 =	vadd.f32 $1.000000000e+00, v5;
	_ =	sdelay $0x1  }
0x1a0: {  	v6 =	vshrl.u32 v5, $0x1;
	v7 =	vmul.f32 $5.000000000e-01, v5  }
0x1a1: {  	v6 =	vsub.s32 $0x5F3759DF, v6  }
0x1a2: {  	v8 =	vmul.f32 v6, v7;
	_ =	sdelay $0x1  }
0x1a3: {  	v8 =	vmul.f32 v6, v8;
	_ =	sdelay $0x1  }
0x1a4: {  	v8 =	vsub.f32 $1.500000000e+00, v8;
	_ =	sdelay $0x1  }
0x1a5: {  	v6 =	vmul.f32 v6, v8;
	_ =	sdelay $0x1  }
0x1a6: {  	v8 =	vmul.f32 v6, v7;
	_ =	sdelay $0x1  }
0x1a7: {  	v8 =	vmul.f32 v8, v6;
	_ =	sdelay $0x1  }
0x1a8: {  	(erf) = vrcp.f32 v5;
	v5 =	vsub.f32 $1.500000000e+00, v8;
	_ =	sdelay $0x1  }
0x1a9: {  	v6 =	vmul.f32 v5, v6;
	_ =	sdelay $0x1  }
0x1aa: {  	v5 =	vmul.f32 v6, v7  }
0x1ab: {  	s23 =	simm.s32 $0x10  }
0x1ac: {  	s26 =	simm.s32 $0x180;
	v8 =	vmul.f32 v5, v6;
	v5 =	vmov s23  }
0x1ad: {  	v7 =	vor.u32 s26, v0  }
0x1ae: {  	v10 =	vshll.u32 v5, $0x4;
	v9 =	vsub.f32 $1.500000000e+00, v8  }
0x1af: {  	s26 =	simm.s32 $0x20;
	v8 =	vor.u32 v1, v10;
	v5 =	vpop (erf)  }
.LBB2_14:
0x1b0: {  	p0 =	sne.s32 s26, $0x70;
	v6 =	vmul.f32 v9, v6;
	_ =	sdelay $0x1  }
0x1b1: {  	[tilespmem:v7+s19+$0x0] =	vst.idx.msk $0xffff, v6  }
0x1b2: {  	[tilespmem:v7+s28+$0x0] =	vst.idx.msk $0xffff, v5  }
0x1b3: {  	v5 =	vld.idx.msk [tilespmem:v8+s17+$0x0], $0xffff  }
0x1b4: {  	v6 =	vld.idx.msk [tilespmem:v8+s16+$0x0], $0xffff;
	_ =	sdelay $0x5  }
0x1b5: {  	v5 =	vadd.f32 v5, v6;
	_ =	sdelay $0x1  }
0x1b6: {  	v5 =	vadd.f32 $1.000000000e+00, v5;
	_ =	sdelay $0x1  }
0x1b7: {  	v6 =	vshrl.u32 v5, $0x1;
	v7 =	vmul.f32 $5.000000000e-01, v5;
	(erf) = vrcp.f32 v5  }
0x1b8: {  	v5 =	vsub.s32 $0x5F3759DF, v6  }
0x1b9: {  	v6 =	vmul.f32 v5, v7;
	_ =	sdelay $0x1  }
0x1ba: {  	v6 =	vmul.f32 v5, v6;
	_ =	sdelay $0x1  }
0x1bb: {  	v6 =	vsub.f32 $1.500000000e+00, v6;
	_ =	sdelay $0x1  }
0x1bc: {  	v6 =	vmul.f32 v5, v6  }
0x1bd: {  	v5 =	vpop (erf)  }
0x1be: {  	v8 =	vmul.f32 v6, v7;
	_ =	sdelay $0x1  }
0x1bf: {  	v8 =	vmul.f32 v8, v6;
	_ =	sdelay $0x1  }
0x1c0: {  	v8 =	vsub.f32 $1.500000000e+00, v8;
	_ =	sdelay $0x1  }
0x1c1: {  	v6 =	vmul.f32 v8, v6;
	_ =	sdelay $0x1  }
0x1c2: {  	v7 =	vmul.f32 v6, v7  }
.Ltmp8:
0x1c3: {  	(pc) =	sbr.rel @p0 .LBB2_14-.Ltmp8, $4  }
0x1c4: {  	s7 =	sadd.s32 $0x180, s23;
	s23 =	smov.u32 s26;
	v8 =	vmul.f32 v7, v6  }
0x1c5: {  	v9 =	vmov s26;
	v7 =	vor.u32 s7, v0  }
0x1c6: {  	v10 =	vshll.u32 v9, $0x4;
	v9 =	vsub.f32 $1.500000000e+00, v8  }
0x1c7: {  	s26 =	sadd.s32 $0x10, s26;
	v8 =	vor.u32 v1, v10  }
0x1c8: {  	_ =	sdelay $0x1  }
0x1c9: {  	v6 =	vmul.f32 v9, v6;
	_ =	sdelay $0x1  }
0x1ca: {  	[tilespmem:v7+s19+$0x0] =	vst.idx.msk $0xffff, v6  }
0x1cb: {  	[tilespmem:v7+s28+$0x0] =	vst.idx.msk $0xffff, v5  }
0x1cc: {  	v5 =	vld.idx.msk [tilespmem:v8+s17+$0x0], $0xffff  }
0x1cd: {  	v6 =	vld.idx.msk [tilespmem:v8+s16+$0x0], $0xffff;
	_ =	sdelay $0x4  }
0x1ce: {  	v5 =	vadd.f32 v5, v6;
	_ =	sdelay $0x1  }
0x1cf: {  	v5 =	vadd.f32 $1.000000000e+00, v5;
	_ =	sdelay $0x1  }
0x1d0: {  	v6 =	vshrl.u32 v5, $0x1;
	v7 =	vmul.f32 $5.000000000e-01, v5  }
0x1d1: {  	v6 =	vsub.s32 $0x5F3759DF, v6  }
0x1d2: {  	v8 =	vmul.f32 v6, v7;
	_ =	sdelay $0x1  }
0x1d3: {  	v8 =	vmul.f32 v6, v8;
	_ =	sdelay $0x1  }
0x1d4: {  	v8 =	vsub.f32 $1.500000000e+00, v8;
	_ =	sdelay $0x1  }
0x1d5: {  	v6 =	vmul.f32 v6, v8;
	_ =	sdelay $0x1  }
0x1d6: {  	v8 =	vmul.f32 v6, v7;
	_ =	sdelay $0x1  }
0x1d7: {  	v8 =	vmul.f32 v8, v6;
	_ =	sdelay $0x1  }
0x1d8: {  	v8 =	vsub.f32 $1.500000000e+00, v8;
	_ =	sdelay $0x1  }
0x1d9: {  	v6 =	vmul.f32 v8, v6  }
0x1da: {  	(erf) = vrcp.f32 v5  }
0x1db: {  	v5 =	vmul.f32 v6, v7;
	_ =	sdelay $0x1  }
0x1dc: {  	s7 =	sadd.s32 $0x180, s23;
	v5 =	vmul.f32 v5, v6  }
0x1dd: {  	v7 =	vor.u32 s7, v0  }
0x1de: {  	v5 =	vsub.f32 $1.500000000e+00, v5  }
0x1df: {  	s23 =	simm.s32 $0x180  }
0x1e0: {  	v8 =	vmov s23;
	v5 =	vmul.f32 v5, v6;
	_ =	sdelay $0x1  }
0x1e1: {  	v6 =	vpop (erf);
	[tilespmem:v7+s19+$0x0] =	vst.idx.msk $0xffff, v5  }
0x1e2: {  	s23 =	simm.s32 $0xD210;
	[tilespmem:v7+s28+$0x0] =	vst.idx.msk $0xffff, v6  }
0x1e3: {  	v6 =	vld [tilespmem:s23+$0xFFFFFFF0]  }
0x1e4: {  	v7 =	vld.idx.msk [tilespmem:v8+s19+$0x0], $0xffff  }
0x1e5: {  	v8 =	vld [tilespmem:s23+$0x0];
	_ =	sdelay $0x2  }
0x1e6: {  	s26 =	simm.s32 $0x181  }
0x1e7: {  	s7 =	simm.s32 $0x182;
	v5 =	vmov s26;
	s26 =	simm.s32 $0xD210  }
.LBB2_16:
0x1e8: {  	p0 =	sne.s32 s7, $0x1FF;
	v6 =	vmul.f32 v6, v7;
	v7 =	vmul.f32 v8, v7;
	_ =	sdelay $0x1  }
0x1e9: {  	s26 =	sadd.s32 $0x20, s26;
	[tilespmem:s23+$0xFFFFFFF0] =	vst v6  }
0x1ea: {  	v6 =	vld [tilespmem:s26+$0xFFFFFFF0];
	[tilespmem:s23+$0x0] =	vst v7;
	s23 =	smov.u32 s26  }
0x1eb: {  	v7 =	vld.idx.msk [tilespmem:v5+s19+$0x0], $0xffff  }
.Ltmp9:
0x1ec: {  	v8 =	vld [tilespmem:s26+$0x0];
	(pc) =	sbr.rel @p0 .LBB2_16-.Ltmp9, $2  }
0x1ed: {  	_ =	sdelay $0x2  }
0x1ee: {  	v5 =	vmov s7;
	s7 =	sadd.s32 $0x1, s7  }
0x1ef: {  	v6 =	vmul.f32 v6, v7  }
0x1f0: {  	v7 =	vmul.f32 v8, v7  }
0x1f1: {  	s7 =	sadd.s32 $0x20, s26;
	[tilespmem:s23+$0xFFFFFFF0] =	vst v6  }
0x1f2: {  	v6 =	vld [tilespmem:s7+$0xFFFFFFF0];
	[tilespmem:s23+$0x0] =	vst v7  }
0x1f3: {  	v5 =	vld.idx.msk [tilespmem:v5+s19+$0x0], $0xffff  }
0x1f4: {  	v7 =	vld [tilespmem:s7+$0x0];
	_ =	sdelay $0x3  }
0x1f5: {  	v6 =	vmul.f32 v6, v5  }
0x1f6: {  	v5 =	vmul.f32 v7, v5  }
0x1f7: {  	[tilespmem:s7+$0xFFFFFFF0] =	vst v6  }
0x1f8: {  	[tilespmem:s7+$0x0] =	vst v5  }
0x1f9: {  	[spmem:s24] =	stream.linear.scatter [tilespmem:s11], [sflag:$0x4], $0x1000, $0x38;
	[tilespmem:$0x194F0] =	vst v63  }
0x1fa: {  	_ =	swait.ge [sflag:s15], $0x1000  }
0x1fb: {  	[sflag:s15] =	ssyncset.done $0x0  }
0x1fc: {  	[sflag:s15] =	ssyncadd.s32 $0xFFFFF000  }
0x1fd: {  	[spmem:s25] =	stream.linear.scatter [tilespmem:s11], [sflag:$0x4], $0x1000, $0x38;
	[tilespmem:$0x194F0] =	vst v63  }
0x1fe: {  	_ =	swait.ge [sflag:s15], $0x1000  }
0x1ff: {  	[sflag:s15] =	ssyncset.done $0x0  }
0x200: {  	s7 =	simm.s32 $0x0;
	s26 =	rddreg [dreg:$0xc];
	[sflag:s15] =	ssyncadd.s32 $0xFFFFF000  }
0x201: {  	[tilespmem:s11], [sflag:$0x4] =	stream.linear.gather [hbm4b:s26+s7], $0xF00, $0x38;
	[tilespmem:$0x194F0] =	vst v63  }
0x202: {  	_ =	swait.ge [sflag:s15], $0xF00  }
0x203: {  	[sflag:s15] =	ssyncset.done $0x0  }
0x204: {  	s26 =	rddreg [dreg:$0x16];
	[sflag:s15] =	ssyncadd.s32 $0xFFFFF100  }
0x205: {  	[tilespmem:s16], [sflag:$0x4] =	stream.linear.gather [hbm4b:s26+s7], $0x780, $0x38;
	[tilespmem:$0x194F0] =	vst v63  }
0x206: {  	v5 =	vmov s7;
	_ =	swait.ge [sflag:s15], $0x780  }
0x207: {  	v5 =	vshll.u32 v5, $0x4;
	[sflag:s15] =	ssyncset.done $0x0;
	s26 =	rddreg [dreg:$0x11]  }
0x208: {  	v5 =	vor.u32 v1, v5;
	[sflag:s15] =	ssyncadd.s32 $0xFFFFF880;
	s23 =	sadd.s32 s26, s8  }
0x209: {  	[tilespmem:s17], [sflag:$0x4] =	stream.linear.gather [hbm4b:s23+s7], $0x780, $0x38;
	[tilespmem:$0x194F0] =	vst v63  }
0x20a: {  	_ =	swait.ge [sflag:s15], $0x780  }
0x20b: {  	[sflag:s15] =	ssyncset.done $0x0  }
0x20c: {  	[sflag:s15] =	ssyncadd.s32 $0xFFFFF880  }
0x20d: {  	v6 =	vld.idx.msk [tilespmem:v5+s17+$0x0], $0xffff  }
0x20e: {  	v5 =	vld.idx.msk [tilespmem:v5+s16+$0x0], $0xffff;
	_ =	sdelay $0x4  }
0x20f: {  	v5 =	vadd.f32 v6, v5;
	_ =	sdelay $0x1  }
0x210: {  	v5 =	vadd.f32 $1.000000000e+00, v5;
	_ =	sdelay $0x1  }
0x211: {  	v6 =	vshrl.u32 v5, $0x1;
	v7 =	vmul.f32 $5.000000000e-01, v5  }
0x212: {  	v6 =	vsub.s32 $0x5F3759DF, v6  }
0x213: {  	v8 =	vmul.f32 v6, v7;
	_ =	sdelay $0x1  }
0x214: {  	v8 =	vmul.f32 v6, v8;
	_ =	sdelay $0x1  }
0x215: {  	v8 =	vsub.f32 $1.500000000e+00, v8;
	_ =	sdelay $0x1  }
0x216: {  	v6 =	vmul.f32 v6, v8;
	_ =	sdelay $0x1  }
0x217: {  	v8 =	vmul.f32 v6, v7;
	_ =	sdelay $0x1  }
0x218: {  	v8 =	vmul.f32 v8, v6;
	_ =	sdelay $0x1  }
0x219: {  	(erf) = vrcp.f32 v5;
	v5 =	vsub.f32 $1.500000000e+00, v8;
	_ =	sdelay $0x1  }
0x21a: {  	v6 =	vmul.f32 v5, v6;
	_ =	sdelay $0x1  }
0x21b: {  	v5 =	vmul.f32 v6, v7  }
0x21c: {  	s23 =	simm.s32 $0x10  }
0x21d: {  	s26 =	simm.s32 $0x200;
	v8 =	vmul.f32 v5, v6;
	v5 =	vmov s23  }
0x21e: {  	v7 =	vor.u32 s26, v0  }
0x21f: {  	v10 =	vshll.u32 v5, $0x4;
	v9 =	vsub.f32 $1.500000000e+00, v8  }
0x220: {  	s26 =	simm.s32 $0x20;
	v8 =	vor.u32 v1, v10;
	v5 =	vpop (erf)  }
.LBB2_18:
0x221: {  	p0 =	sne.s32 s26, $0x60;
	v6 =	vmul.f32 v9, v6;
	_ =	sdelay $0x1  }
0x222: {  	[tilespmem:v7+s19+$0x0] =	vst.idx.msk $0xffff, v6  }
0x223: {  	[tilespmem:v7+s28+$0x0] =	vst.idx.msk $0xffff, v5  }
0x224: {  	v5 =	vld.idx.msk [tilespmem:v8+s17+$0x0], $0xffff  }
0x225: {  	v6 =	vld.idx.msk [tilespmem:v8+s16+$0x0], $0xffff;
	_ =	sdelay $0x5  }
0x226: {  	v5 =	vadd.f32 v5, v6;
	_ =	sdelay $0x1  }
0x227: {  	v5 =	vadd.f32 $1.000000000e+00, v5;
	_ =	sdelay $0x1  }
0x228: {  	v6 =	vshrl.u32 v5, $0x1;
	v7 =	vmul.f32 $5.000000000e-01, v5;
	(erf) = vrcp.f32 v5  }
0x229: {  	v5 =	vsub.s32 $0x5F3759DF, v6  }
0x22a: {  	v6 =	vmul.f32 v5, v7;
	_ =	sdelay $0x1  }
0x22b: {  	v6 =	vmul.f32 v5, v6;
	_ =	sdelay $0x1  }
0x22c: {  	v6 =	vsub.f32 $1.500000000e+00, v6;
	_ =	sdelay $0x1  }
0x22d: {  	v6 =	vmul.f32 v5, v6  }
0x22e: {  	v5 =	vpop (erf)  }
0x22f: {  	v8 =	vmul.f32 v6, v7;
	_ =	sdelay $0x1  }
0x230: {  	v8 =	vmul.f32 v8, v6;
	_ =	sdelay $0x1  }
0x231: {  	v8 =	vsub.f32 $1.500000000e+00, v8;
	_ =	sdelay $0x1  }
0x232: {  	v6 =	vmul.f32 v8, v6;
	_ =	sdelay $0x1  }
0x233: {  	v7 =	vmul.f32 v6, v7  }
.Ltmp10:
0x234: {  	(pc) =	sbr.rel @p0 .LBB2_18-.Ltmp10, $4  }
0x235: {  	s7 =	sadd.s32 $0x200, s23;
	s23 =	smov.u32 s26;
	v8 =	vmul.f32 v7, v6  }
0x236: {  	v9 =	vmov s26;
	v7 =	vor.u32 s7, v0  }
0x237: {  	v10 =	vshll.u32 v9, $0x4;
	v9 =	vsub.f32 $1.500000000e+00, v8  }
0x238: {  	s26 =	sadd.s32 $0x10, s26;
	v8 =	vor.u32 v1, v10  }
0x239: {  	_ =	sdelay $0x1  }
0x23a: {  	v6 =	vmul.f32 v9, v6;
	_ =	sdelay $0x1  }
0x23b: {  	[tilespmem:v7+s19+$0x0] =	vst.idx.msk $0xffff, v6  }
0x23c: {  	[tilespmem:v7+s28+$0x0] =	vst.idx.msk $0xffff, v5  }
0x23d: {  	v5 =	vld.idx.msk [tilespmem:v8+s17+$0x0], $0xffff  }
0x23e: {  	v6 =	vld.idx.msk [tilespmem:v8+s16+$0x0], $0xffff;
	_ =	sdelay $0x4  }
0x23f: {  	v5 =	vadd.f32 v5, v6;
	_ =	sdelay $0x1  }
0x240: {  	v5 =	vadd.f32 $1.000000000e+00, v5;
	_ =	sdelay $0x1  }
0x241: {  	v6 =	vshrl.u32 v5, $0x1;
	v7 =	vmul.f32 $5.000000000e-01, v5  }
0x242: {  	v6 =	vsub.s32 $0x5F3759DF, v6  }
0x243: {  	v8 =	vmul.f32 v6, v7;
	_ =	sdelay $0x1  }
0x244: {  	v8 =	vmul.f32 v6, v8;
	_ =	sdelay $0x1  }
0x245: {  	v8 =	vsub.f32 $1.500000000e+00, v8;
	_ =	sdelay $0x1  }
0x246: {  	v6 =	vmul.f32 v6, v8;
	_ =	sdelay $0x1  }
0x247: {  	v8 =	vmul.f32 v6, v7;
	_ =	sdelay $0x1  }
0x248: {  	v8 =	vmul.f32 v8, v6;
	_ =	sdelay $0x1  }
0x249: {  	v8 =	vsub.f32 $1.500000000e+00, v8;
	_ =	sdelay $0x1  }
0x24a: {  	v6 =	vmul.f32 v8, v6  }
0x24b: {  	(erf) = vrcp.f32 v5  }
0x24c: {  	v5 =	vmul.f32 v6, v7;
	_ =	sdelay $0x1  }
0x24d: {  	s7 =	sadd.s32 $0x200, s23;
	v5 =	vmul.f32 v5, v6  }
0x24e: {  	v7 =	vor.u32 s7, v0  }
0x24f: {  	v5 =	vsub.f32 $1.500000000e+00, v5;
	_ =	sdelay $0x1  }
0x250: {  	v5 =	vmul.f32 v5, v6;
	_ =	sdelay $0x1  }
0x251: {  	v6 =	vpop (erf);
	[tilespmem:v7+s19+$0x0] =	vst.idx.msk $0xffff, v5  }
0x252: {  	[tilespmem:v7+s28+$0x0] =	vst.idx.msk $0xffff, v6  }
0x253: {  	v5 =	vld.idx.msk [tilespmem:v3+s16+$0x0], $0xff  }
0x254: {  	v6 =	vld.idx.msk [tilespmem:v3+s17+$0x0], $0xff;
	_ =	sdelay $0x4  }
0x255: {  	v5 =	vadd.f32 v6, v5;
	_ =	sdelay $0x1  }
0x256: {  	v5 =	vadd.f32 $1.000000000e+00, v5;
	_ =	sdelay $0x1  }
0x257: {  	v6 =	vshrl.u32 v5, $0x1;
	v7 =	vmul.f32 $5.000000000e-01, v5  }
0x258: {  	v6 =	vsub.s32 $0x5F3759DF, v6  }
0x259: {  	v8 =	vmul.f32 v6, v7;
	_ =	sdelay $0x1  }
0x25a: {  	v8 =	vmul.f32 v6, v8;
	_ =	sdelay $0x1  }
0x25b: {  	v8 =	vsub.f32 $1.500000000e+00, v8;
	_ =	sdelay $0x1  }
0x25c: {  	v6 =	vmul.f32 v6, v8;
	_ =	sdelay $0x1  }
0x25d: {  	v8 =	vmul.f32 v6, v7;
	_ =	sdelay $0x1  }
0x25e: {  	v8 =	vmul.f32 v8, v6;
	_ =	sdelay $0x1  }
0x25f: {  	v8 =	vsub.f32 $1.500000000e+00, v8;
	_ =	sdelay $0x1  }
0x260: {  	v6 =	vmul.f32 v8, v6  }
0x261: {  	(erf) = vrcp.f32 v5  }
0x262: {  	v5 =	vmul.f32 v6, v7;
	_ =	sdelay $0x1  }
0x263: {  	v5 =	vmul.f32 v5, v6;
	_ =	sdelay $0x1  }
0x264: {  	v5 =	vsub.f32 $1.500000000e+00, v5  }
0x265: {  	s23 =	simm.s32 $0x200  }
0x266: {  	v7 =	vmov s23;
	v5 =	vmul.f32 v5, v6;
	_ =	sdelay $0x1  }
0x267: {  	v6 =	vpop (erf);
	[tilespmem:v4+s19+$0x0] =	vst.idx.msk $0xff, v5  }
0x268: {  	s23 =	simm.s32 $0xD210;
	[tilespmem:v4+s28+$0x0] =	vst.idx.msk $0xff, v6  }
0x269: {  	v6 =	vld [tilespmem:s23+$0xFFFFFFF0]  }
0x26a: {  	v7 =	vld.idx.msk [tilespmem:v7+s19+$0x0], $0xffff  }
0x26b: {  	v8 =	vld [tilespmem:s23+$0x0];
	_ =	sdelay $0x2  }
0x26c: {  	s26 =	simm.s32 $0x201  }
0x26d: {  	s7 =	simm.s32 $0x202;
	v5 =	vmov s26;
	s26 =	simm.s32 $0xD210  }
.LBB2_20:
0x26e: {  	p0 =	sne.s32 s7, $0x277;
	v6 =	vmul.f32 v6, v7;
	v7 =	vmul.f32 v8, v7;
	_ =	sdelay $0x1  }
0x26f: {  	s26 =	sadd.s32 $0x20, s26;
	[tilespmem:s23+$0xFFFFFFF0] =	vst v6  }
0x270: {  	v6 =	vld [tilespmem:s26+$0xFFFFFFF0];
	[tilespmem:s23+$0x0] =	vst v7;
	s23 =	smov.u32 s26  }
0x271: {  	v7 =	vld.idx.msk [tilespmem:v5+s19+$0x0], $0xffff  }
.Ltmp11:
0x272: {  	v8 =	vld [tilespmem:s26+$0x0];
	(pc) =	sbr.rel @p0 .LBB2_20-.Ltmp11, $2  }
0x273: {  	_ =	sdelay $0x2  }
0x274: {  	v5 =	vmov s7;
	s7 =	sadd.s32 $0x1, s7  }
0x275: {  	v6 =	vmul.f32 v6, v7  }
0x276: {  	v7 =	vmul.f32 v8, v7  }
0x277: {  	s7 =	sadd.s32 $0x20, s26;
	[tilespmem:s23+$0xFFFFFFF0] =	vst v6  }
0x278: {  	v6 =	vld [tilespmem:s7+$0xFFFFFFF0];
	[tilespmem:s23+$0x0] =	vst v7  }
0x279: {  	v5 =	vld.idx.msk [tilespmem:v5+s19+$0x0], $0xffff  }
0x27a: {  	v7 =	vld [tilespmem:s7+$0x0];
	_ =	sdelay $0x3  }
0x27b: {  	v6 =	vmul.f32 v6, v5  }
0x27c: {  	v5 =	vmul.f32 v7, v5  }
0x27d: {  	[tilespmem:s7+$0xFFFFFFF0] =	vst v6  }
0x27e: {  	[tilespmem:s7+$0x0] =	vst v5  }
0x27f: {  	[spmem:s1] =	stream.linear.scatter [tilespmem:s11], [sflag:$0x4], $0xF00, $0x38;
	[tilespmem:$0x194F0] =	vst v63  }
0x280: {  	_ =	swait.ge [sflag:s15], $0xF00  }
0x281: {  	[sflag:s15] =	ssyncset.done $0x0  }
0x282: {  	[sflag:s15] =	ssyncadd.s32 $0xFFFFF100  }
0x283: {  	[spmem:s5] =	stream.linear.scatter [tilespmem:s11], [sflag:$0x4], $0xF00, $0x38;
	[tilespmem:$0x194F0] =	vst v63  }
0x284: {  	_ =	swait.ge [sflag:s15], $0xF00  }
0x285: {  	[sflag:s15] =	ssyncset.done $0x0  }
0x286: {  	[sflag:s15] =	ssyncadd.s32 $0xFFFFF100  }
0x287: {  	_ =	swait.ge [sflag:s29], $0x5100  }
0x288: {  	[sflag:s29] =	ssyncset.done $0x0  }
0x289: {  	[sflag:s29] =	ssyncadd.s32 $0xFFFFAF00  }
0x28a: {  	_ =	swait.ge [sflag:s29], $0x5100  }
0x28b: {  	[sflag:s29] =	ssyncset.done $0x0  }
0x28c: {  	[sflag:s29] =	ssyncadd.s32 $0xFFFFAF00  }
0x28d: {  	s23 =	simm.s32 $0x0;
	[bflag:$0x0] =	sbarrier.arrive $0xFFFF  }
0x28e: {  	[tilespmem:s31], [sflag:$0x2] =	stream.indirect.gather [spmem:s2], $0x20, s23, s30, $0xb8;
	[tilespmem:$0x194F0] =	vst v63  }
0x28f: {  	_ = 	snop  }
0x290: {  	[tilespmem:s0], [sflag:$0x2] =	stream.indirect.gather [spmem:s2], $0x20, s30, s30, $0xb8;
	[tilespmem:$0x194F0] =	vst v63  }
0x291: {  	_ =	swait.ge [sflag:s6], $0x1000  }
0x292: {  	[sflag:s6] =	ssyncset.done $0x0  }
0x293: {  	s26 =	simm.s32 $0x5100;
	[sflag:s6] =	ssyncadd.s32 $0xFFFFF000  }
0x294: {  	[spmem:s3] =	stream.indirect.scatter.add.f32 [tilespmem:s31], [sflag:$0x3], $0x20, s26, s30, $0xb8;
	[tilespmem:$0x194F0] =	vst v63  }
0x295: {  	s26 =	simm.s32 $0x100  }
0x296: {  	[tilespmem:s12], [sflag:$0x2] =	stream.indirect.gather [spmem:s2], $0x20, s26, s30, $0xb8;
	[tilespmem:$0x194F0] =	vst v63  }
0x297: {  	_ =	swait.ge [sflag:s6], $0x1000  }
0x298: {  	[sflag:s6] =	ssyncset.done $0x0  }
0x299: {  	[sflag:s6] =	ssyncadd.s32 $0xFFFFF000  }
0x29a: {  	_ =	swait.ge [sflag:s18], $0x1000  }
0x29b: {  	[sflag:s18] =	ssyncset.done $0x0  }
0x29c: {  	s26 =	simm.s32 $0x5180;
	[sflag:s18] =	ssyncadd.s32 $0xFFFFF000  }
0x29d: {  	[spmem:s3] =	stream.indirect.scatter.add.f32 [tilespmem:s0], [sflag:$0x3], $0x20, s26, s30, $0xb8;
	[tilespmem:$0x194F0] =	vst v63  }
0x29e: {  	s26 =	simm.s32 $0x180  }
0x29f: {  	[tilespmem:s31], [sflag:$0x2] =	stream.indirect.gather [spmem:s2], $0x20, s26, s30, $0xb8;
	[tilespmem:$0x194F0] =	vst v63  }
0x2a0: {  	_ =	swait.ge [sflag:s6], $0x1000  }
0x2a1: {  	[sflag:s6] =	ssyncset.done $0x0  }
0x2a2: {  	[sflag:s6] =	ssyncadd.s32 $0xFFFFF000  }
0x2a3: {  	_ =	swait.ge [sflag:s18], $0x1000  }
0x2a4: {  	[sflag:s18] =	ssyncset.done $0x0  }
0x2a5: {  	s26 =	simm.s32 $0x5200;
	[sflag:s18] =	ssyncadd.s32 $0xFFFFF000  }
0x2a6: {  	[spmem:s3] =	stream.indirect.scatter.add.f32 [tilespmem:s12], [sflag:$0x3], $0x20, s26, s30, $0xb8;
	[tilespmem:$0x194F0] =	vst v63  }
0x2a7: {  	s26 =	simm.s32 $0x200  }
0x2a8: {  	[tilespmem:s0], [sflag:$0x2] =	stream.indirect.gather [spmem:s2], $0x20, s26, s30, $0xb8;
	[tilespmem:$0x194F0] =	vst v63  }
.LBB2_22:
0x2a9: {  	_ =	swait.ge [sflag:s6], $0x1000  }
0x2aa: {  	[sflag:s6] =	ssyncset.done $0x0  }
0x2ab: {  	[sflag:s6] =	ssyncadd.s32 $0xFFFFF000  }
0x2ac: {  	_ =	swait.ge [sflag:s18], $0x1000  }
0x2ad: {  	s26 =	sshra.s32 s23, $0x2;
	[sflag:s18] =	ssyncset.done $0x0  }
0x2ae: {  	s7 =	sadd.s32 $0x5280, s26;
	[sflag:s18] =	ssyncadd.s32 $0xFFFFF000  }
0x2af: {  	[spmem:s3] =	stream.indirect.scatter.add.f32 [tilespmem:s31], [sflag:$0x3], $0x20, s7, s30, $0xb8;
	[tilespmem:$0x194F0] =	vst v63  }
0x2b0: {  	s7 =	sadd.s32 $0x280, s26  }
0x2b1: {  	[tilespmem:s12], [sflag:$0x2] =	stream.indirect.gather [spmem:s2], $0x20, s7, s30, $0xb8;
	[tilespmem:$0x194F0] =	vst v63  }
0x2b2: {  	_ =	swait.ge [sflag:s6], $0x1000  }
0x2b3: {  	p0 =	seq.s32 s23, $0x13800;
	[sflag:s6] =	ssyncset.done $0x0  }
.Ltmp12:
0x2b4: {  	[sflag:s6] =	ssyncadd.s32 $0xFFFFF000;
	(pc) =	sbr.rel @p0 .LBB2_24-.Ltmp12, $4  }
0x2b5: {  	_ =	swait.ge [sflag:s18], $0x1000  }
0x2b6: {  	[sflag:s18] =	ssyncset.done $0x0  }
0x2b7: {  	s7 =	sadd.s32 $0x5300, s26;
	[sflag:s18] =	ssyncadd.s32 $0xFFFFF000  }
0x2b8: {  	[spmem:s3] =	stream.indirect.scatter.add.f32 [tilespmem:s0], [sflag:$0x3], $0x20, s7, s30, $0xb8;
	[tilespmem:$0x194F0] =	vst v63  }
0x2b9: {  	s7 =	sadd.s32 $0x300, s26  }
0x2ba: {  	[tilespmem:s31], [sflag:$0x2] =	stream.indirect.gather [spmem:s2], $0x20, s7, s30, $0xb8;
	[tilespmem:$0x194F0] =	vst v63  }
0x2bb: {  	_ =	swait.ge [sflag:s6], $0x1000  }
0x2bc: {  	[sflag:s6] =	ssyncset.done $0x0  }
0x2bd: {  	[sflag:s6] =	ssyncadd.s32 $0xFFFFF000  }
0x2be: {  	_ =	swait.ge [sflag:s18], $0x1000  }
.Ltmp13:
0x2bf: {  	[sflag:s18] =	ssyncset.done $0x0;
	(pc) =	sbr.rel .LBB2_22-.Ltmp13, $4  }
0x2c0: {  	s7 =	sadd.s32 $0x5380, s26;
	[sflag:s18] =	ssyncadd.s32 $0xFFFFF000  }
0x2c1: {  	[spmem:s3] =	stream.indirect.scatter.add.f32 [tilespmem:s12], [sflag:$0x3], $0x20, s7, s30, $0xb8;
	[tilespmem:$0x194F0] =	vst v63  }
0x2c2: {  	s23 =	sadd.s32 $0x600, s23;
	s26 =	sadd.s32 $0x380, s26  }
0x2c3: {  	[tilespmem:s0], [sflag:$0x2] =	stream.indirect.gather [spmem:s2], $0x20, s26, s30, $0xb8;
	[tilespmem:$0x194F0] =	vst v63  }
.LBB2_24:
0x2c4: {  	_ =	swait.ge [sflag:s6], $0x1000  }
0x2c5: {  	[sflag:s6] =	ssyncset.done $0x0  }
0x2c6: {  	[sflag:s6] =	ssyncadd.s32 $0xFFFFF000  }
0x2c7: {  	_ =	swait.ge [sflag:s18], $0x1000  }
0x2c8: {  	[sflag:s18] =	ssyncset.done $0x0  }
0x2c9: {  	s7 =	sadd.s32 $0x5380, s26;
	[sflag:s18] =	ssyncadd.s32 $0xFFFFF000  }
0x2ca: {  	[spmem:s3] =	stream.indirect.scatter.add.f32 [tilespmem:s12], [sflag:$0x3], $0x20, s7, s30, $0xb8;
	[tilespmem:$0x194F0] =	vst v63  }
0x2cb: {  	_ =	swait.ge [sflag:s18], $0x1000  }
0x2cc: {  	[sflag:s18] =	ssyncset.done $0x0  }
0x2cd: {  	[sflag:s18] =	ssyncadd.s32 $0xFFFFF000  }
0x2ce: {  	s23 =	simm.s32 $0x0;
	[bflag:$0x0] =	sbarrier.arrive $0xFFFF  }
0x2cf: {  	v5 =	vmov s23;
	[tilespmem:s11], [sflag:$0x4] =	stream.linear.gather [spmem:s10], $0x1000, $0x38;
	[tilespmem:$0x194F0] =	vst v63  }
0x2d0: {  	_ =	swait.ge [sflag:s15], $0x1000  }
0x2d1: {  	[sflag:s15] =	ssyncset.done $0x0  }
0x2d2: {  	s23 =	simm.s32 $0xD210;
	[sflag:s15] =	ssyncadd.s32 $0xFFFFF000  }
0x2d3: {  	v6 =	vld [tilespmem:s23+$0xFFFFFFF0]  }
0x2d4: {  	v7 =	vld.idx.msk [tilespmem:v5+s28+$0x0], $0xffff  }
0x2d5: {  	v8 =	vld [tilespmem:s23+$0x0];
	_ =	sdelay $0x2  }
0x2d6: {  	s26 =	simm.s32 $0x1  }
0x2d7: {  	s7 =	simm.s32 $0x2;
	v5 =	vmov s26;
	s26 =	simm.s32 $0xD210  }
.LBB2_25:
0x2d8: {  	p0 =	sne.s32 s7, $0x7F;
	v6 =	vmul.f32 v6, v7;
	v7 =	vmul.f32 v8, v7;
	_ =	sdelay $0x1  }
0x2d9: {  	s26 =	sadd.s32 $0x20, s26;
	[tilespmem:s23+$0xFFFFFFF0] =	vst v6  }
0x2da: {  	v6 =	vld [tilespmem:s26+$0xFFFFFFF0];
	[tilespmem:s23+$0x0] =	vst v7;
	s23 =	smov.u32 s26  }
0x2db: {  	v7 =	vld.idx.msk [tilespmem:v5+s28+$0x0], $0xffff  }
.Ltmp14:
0x2dc: {  	v8 =	vld [tilespmem:s26+$0x0];
	(pc) =	sbr.rel @p0 .LBB2_25-.Ltmp14, $2  }
0x2dd: {  	_ =	sdelay $0x2  }
0x2de: {  	v5 =	vmov s7;
	s7 =	sadd.s32 $0x1, s7  }
0x2df: {  	v6 =	vmul.f32 v6, v7  }
0x2e0: {  	v7 =	vmul.f32 v8, v7  }
0x2e1: {  	s7 =	sadd.s32 $0x20, s26;
	[tilespmem:s23+$0xFFFFFFF0] =	vst v6  }
0x2e2: {  	v6 =	vld [tilespmem:s7+$0xFFFFFFF0];
	[tilespmem:s23+$0x0] =	vst v7  }
0x2e3: {  	v5 =	vld.idx.msk [tilespmem:v5+s28+$0x0], $0xffff  }
0x2e4: {  	v7 =	vld [tilespmem:s7+$0x0];
	_ =	sdelay $0x3  }
0x2e5: {  	v6 =	vmul.f32 v6, v5  }
0x2e6: {  	v5 =	vmul.f32 v7, v5  }
0x2e7: {  	[tilespmem:s7+$0xFFFFFFF0] =	vst v6  }
0x2e8: {  	[tilespmem:s7+$0x0] =	vst v5  }
0x2e9: {  	[spmem:s9] =	stream.linear.scatter [tilespmem:s11], [sflag:$0x4], $0x1000, $0x38;
	[tilespmem:$0x194F0] =	vst v63  }
0x2ea: {  	_ =	swait.ge [sflag:s15], $0x1000  }
0x2eb: {  	[sflag:s15] =	ssyncset.done $0x0  }
0x2ec: {  	[sflag:s15] =	ssyncadd.s32 $0xFFFFF000  }
0x2ed: {  	[spmem:s10] =	stream.linear.scatter [tilespmem:s11], [sflag:$0x4], $0x1000, $0x38;
	[tilespmem:$0x194F0] =	vst v63  }
0x2ee: {  	_ =	swait.ge [sflag:s15], $0x1000  }
0x2ef: {  	[sflag:s15] =	ssyncset.done $0x0  }
0x2f0: {  	s23 =	simm.s32 $0x80;
	[sflag:s15] =	ssyncadd.s32 $0xFFFFF000  }
0x2f1: {  	v5 =	vmov s23;
	[tilespmem:s11], [sflag:$0x4] =	stream.linear.gather [spmem:s14], $0x1000, $0x38;
	[tilespmem:$0x194F0] =	vst v63  }
0x2f2: {  	_ =	swait.ge [sflag:s15], $0x1000  }
0x2f3: {  	[sflag:s15] =	ssyncset.done $0x0  }
0x2f4: {  	s23 =	simm.s32 $0xD210;
	[sflag:s15] =	ssyncadd.s32 $0xFFFFF000  }
0x2f5: {  	v6 =	vld [tilespmem:s23+$0xFFFFFFF0]  }
0x2f6: {  	v7 =	vld.idx.msk [tilespmem:v5+s28+$0x0], $0xffff  }
0x2f7: {  	v8 =	vld [tilespmem:s23+$0x0];
	_ =	sdelay $0x2  }
0x2f8: {  	s26 =	simm.s32 $0x81  }
0x2f9: {  	s7 =	simm.s32 $0x82;
	v5 =	vmov s26;
	s26 =	simm.s32 $0xD210  }
.LBB2_27:
0x2fa: {  	p0 =	sne.s32 s7, $0xFF;
	v6 =	vmul.f32 v6, v7;
	v7 =	vmul.f32 v8, v7;
	_ =	sdelay $0x1  }
0x2fb: {  	s26 =	sadd.s32 $0x20, s26;
	[tilespmem:s23+$0xFFFFFFF0] =	vst v6  }
0x2fc: {  	v6 =	vld [tilespmem:s26+$0xFFFFFFF0];
	[tilespmem:s23+$0x0] =	vst v7;
	s23 =	smov.u32 s26  }
0x2fd: {  	v7 =	vld.idx.msk [tilespmem:v5+s28+$0x0], $0xffff  }
.Ltmp15:
0x2fe: {  	v8 =	vld [tilespmem:s26+$0x0];
	(pc) =	sbr.rel @p0 .LBB2_27-.Ltmp15, $2  }
0x2ff: {  	_ =	sdelay $0x2  }
0x300: {  	v5 =	vmov s7;
	s7 =	sadd.s32 $0x1, s7  }
0x301: {  	v6 =	vmul.f32 v6, v7  }
0x302: {  	v7 =	vmul.f32 v8, v7  }
0x303: {  	s7 =	sadd.s32 $0x20, s26;
	[tilespmem:s23+$0xFFFFFFF0] =	vst v6  }
0x304: {  	v6 =	vld [tilespmem:s7+$0xFFFFFFF0];
	[tilespmem:s23+$0x0] =	vst v7  }
0x305: {  	v5 =	vld.idx.msk [tilespmem:v5+s28+$0x0], $0xffff  }
0x306: {  	v7 =	vld [tilespmem:s7+$0x0];
	_ =	sdelay $0x3  }
0x307: {  	v6 =	vmul.f32 v6, v5  }
0x308: {  	v5 =	vmul.f32 v7, v5  }
0x309: {  	[tilespmem:s7+$0xFFFFFFF0] =	vst v6  }
0x30a: {  	[tilespmem:s7+$0x0] =	vst v5  }
0x30b: {  	[spmem:s13] =	stream.linear.scatter [tilespmem:s11], [sflag:$0x4], $0x1000, $0x38;
	[tilespmem:$0x194F0] =	vst v63  }
0x30c: {  	_ =	swait.ge [sflag:s15], $0x1000  }
0x30d: {  	[sflag:s15] =	ssyncset.done $0x0  }
0x30e: {  	[sflag:s15] =	ssyncadd.s32 $0xFFFFF000  }
0x30f: {  	[spmem:s14] =	stream.linear.scatter [tilespmem:s11], [sflag:$0x4], $0x1000, $0x38;
	[tilespmem:$0x194F0] =	vst v63  }
0x310: {  	_ =	swait.ge [sflag:s15], $0x1000  }
0x311: {  	[sflag:s15] =	ssyncset.done $0x0  }
0x312: {  	s23 =	simm.s32 $0x100;
	[sflag:s15] =	ssyncadd.s32 $0xFFFFF000  }
0x313: {  	v5 =	vmov s23;
	[tilespmem:s11], [sflag:$0x4] =	stream.linear.gather [spmem:s21], $0x1000, $0x38;
	[tilespmem:$0x194F0] =	vst v63  }
0x314: {  	_ =	swait.ge [sflag:s15], $0x1000  }
0x315: {  	[sflag:s15] =	ssyncset.done $0x0  }
0x316: {  	s23 =	simm.s32 $0xD210;
	[sflag:s15] =	ssyncadd.s32 $0xFFFFF000  }
0x317: {  	v6 =	vld [tilespmem:s23+$0xFFFFFFF0]  }
0x318: {  	v7 =	vld.idx.msk [tilespmem:v5+s28+$0x0], $0xffff  }
0x319: {  	v8 =	vld [tilespmem:s23+$0x0];
	_ =	sdelay $0x2  }
0x31a: {  	s26 =	simm.s32 $0x101  }
0x31b: {  	s7 =	simm.s32 $0x102;
	v5 =	vmov s26;
	s26 =	simm.s32 $0xD210  }
.LBB2_29:
0x31c: {  	p0 =	sne.s32 s7, $0x17F;
	v6 =	vmul.f32 v6, v7;
	v7 =	vmul.f32 v8, v7;
	_ =	sdelay $0x1  }
0x31d: {  	s26 =	sadd.s32 $0x20, s26;
	[tilespmem:s23+$0xFFFFFFF0] =	vst v6  }
0x31e: {  	v6 =	vld [tilespmem:s26+$0xFFFFFFF0];
	[tilespmem:s23+$0x0] =	vst v7;
	s23 =	smov.u32 s26  }
0x31f: {  	v7 =	vld.idx.msk [tilespmem:v5+s28+$0x0], $0xffff  }
.Ltmp16:
0x320: {  	v8 =	vld [tilespmem:s26+$0x0];
	(pc) =	sbr.rel @p0 .LBB2_29-.Ltmp16, $2  }
0x321: {  	_ =	sdelay $0x2  }
0x322: {  	v5 =	vmov s7;
	s7 =	sadd.s32 $0x1, s7  }
0x323: {  	v6 =	vmul.f32 v6, v7  }
0x324: {  	v7 =	vmul.f32 v8, v7  }
0x325: {  	s7 =	sadd.s32 $0x20, s26;
	[tilespmem:s23+$0xFFFFFFF0] =	vst v6  }
0x326: {  	v6 =	vld [tilespmem:s7+$0xFFFFFFF0];
	[tilespmem:s23+$0x0] =	vst v7  }
0x327: {  	v5 =	vld.idx.msk [tilespmem:v5+s28+$0x0], $0xffff  }
0x328: {  	v7 =	vld [tilespmem:s7+$0x0];
	_ =	sdelay $0x3  }
0x329: {  	v6 =	vmul.f32 v6, v5  }
0x32a: {  	v5 =	vmul.f32 v7, v5  }
0x32b: {  	[tilespmem:s7+$0xFFFFFFF0] =	vst v6  }
0x32c: {  	[tilespmem:s7+$0x0] =	vst v5  }
0x32d: {  	[spmem:s20] =	stream.linear.scatter [tilespmem:s11], [sflag:$0x4], $0x1000, $0x38;
	[tilespmem:$0x194F0] =	vst v63  }
0x32e: {  	_ =	swait.ge [sflag:s15], $0x1000  }
0x32f: {  	[sflag:s15] =	ssyncset.done $0x0  }
0x330: {  	[sflag:s15] =	ssyncadd.s32 $0xFFFFF000  }
0x331: {  	[spmem:s21] =	stream.linear.scatter [tilespmem:s11], [sflag:$0x4], $0x1000, $0x38;
	[tilespmem:$0x194F0] =	vst v63  }
0x332: {  	_ =	swait.ge [sflag:s15], $0x1000  }
0x333: {  	[sflag:s15] =	ssyncset.done $0x0  }
0x334: {  	s23 =	simm.s32 $0x180;
	[sflag:s15] =	ssyncadd.s32 $0xFFFFF000  }
0x335: {  	v5 =	vmov s23;
	[tilespmem:s11], [sflag:$0x4] =	stream.linear.gather [spmem:s25], $0x1000, $0x38;
	[tilespmem:$0x194F0] =	vst v63  }
0x336: {  	_ =	swait.ge [sflag:s15], $0x1000  }
0x337: {  	[sflag:s15] =	ssyncset.done $0x0  }
0x338: {  	s23 =	simm.s32 $0xD210;
	[sflag:s15] =	ssyncadd.s32 $0xFFFFF000  }
0x339: {  	v6 =	vld [tilespmem:s23+$0xFFFFFFF0]  }
0x33a: {  	v7 =	vld.idx.msk [tilespmem:v5+s28+$0x0], $0xffff  }
0x33b: {  	v8 =	vld [tilespmem:s23+$0x0];
	_ =	sdelay $0x2  }
0x33c: {  	s26 =	simm.s32 $0x181  }
0x33d: {  	s7 =	simm.s32 $0x182;
	v5 =	vmov s26;
	s26 =	simm.s32 $0xD210  }
.LBB2_31:
0x33e: {  	p0 =	sne.s32 s7, $0x1FF;
	v6 =	vmul.f32 v6, v7;
	v7 =	vmul.f32 v8, v7;
	_ =	sdelay $0x1  }
0x33f: {  	s26 =	sadd.s32 $0x20, s26;
	[tilespmem:s23+$0xFFFFFFF0] =	vst v6  }
0x340: {  	v6 =	vld [tilespmem:s26+$0xFFFFFFF0];
	[tilespmem:s23+$0x0] =	vst v7;
	s23 =	smov.u32 s26  }
0x341: {  	v7 =	vld.idx.msk [tilespmem:v5+s28+$0x0], $0xffff  }
.Ltmp17:
0x342: {  	v8 =	vld [tilespmem:s26+$0x0];
	(pc) =	sbr.rel @p0 .LBB2_31-.Ltmp17, $2  }
0x343: {  	_ =	sdelay $0x2  }
0x344: {  	v5 =	vmov s7;
	s7 =	sadd.s32 $0x1, s7  }
0x345: {  	v6 =	vmul.f32 v6, v7  }
0x346: {  	v7 =	vmul.f32 v8, v7  }
0x347: {  	s7 =	sadd.s32 $0x20, s26;
	[tilespmem:s23+$0xFFFFFFF0] =	vst v6  }
0x348: {  	v6 =	vld [tilespmem:s7+$0xFFFFFFF0];
	[tilespmem:s23+$0x0] =	vst v7  }
0x349: {  	v5 =	vld.idx.msk [tilespmem:v5+s28+$0x0], $0xffff  }
0x34a: {  	v7 =	vld [tilespmem:s7+$0x0];
	_ =	sdelay $0x3  }
0x34b: {  	v6 =	vmul.f32 v6, v5  }
0x34c: {  	v5 =	vmul.f32 v7, v5  }
0x34d: {  	[tilespmem:s7+$0xFFFFFFF0] =	vst v6  }
0x34e: {  	[tilespmem:s7+$0x0] =	vst v5  }
0x34f: {  	[spmem:s24] =	stream.linear.scatter [tilespmem:s11], [sflag:$0x4], $0x1000, $0x38;
	[tilespmem:$0x194F0] =	vst v63  }
0x350: {  	_ =	swait.ge [sflag:s15], $0x1000  }
0x351: {  	[sflag:s15] =	ssyncset.done $0x0  }
0x352: {  	[sflag:s15] =	ssyncadd.s32 $0xFFFFF000  }
0x353: {  	[spmem:s25] =	stream.linear.scatter [tilespmem:s11], [sflag:$0x4], $0x1000, $0x38;
	[tilespmem:$0x194F0] =	vst v63  }
0x354: {  	_ =	swait.ge [sflag:s15], $0x1000  }
0x355: {  	[sflag:s15] =	ssyncset.done $0x0  }
0x356: {  	s23 =	simm.s32 $0x200;
	[sflag:s15] =	ssyncadd.s32 $0xFFFFF000  }
0x357: {  	v5 =	vmov s23;
	[tilespmem:s11], [sflag:$0x4] =	stream.linear.gather [spmem:s5], $0xF00, $0x38;
	[tilespmem:$0x194F0] =	vst v63  }
0x358: {  	_ =	swait.ge [sflag:s15], $0xF00  }
0x359: {  	[sflag:s15] =	ssyncset.done $0x0  }
0x35a: {  	s23 =	simm.s32 $0xD210;
	[sflag:s15] =	ssyncadd.s32 $0xFFFFF100  }
0x35b: {  	v6 =	vld [tilespmem:s23+$0xFFFFFFF0]  }
0x35c: {  	v7 =	vld.idx.msk [tilespmem:v5+s28+$0x0], $0xffff  }
0x35d: {  	v8 =	vld [tilespmem:s23+$0x0];
	_ =	sdelay $0x2  }
0x35e: {  	s26 =	simm.s32 $0x201  }
0x35f: {  	s7 =	simm.s32 $0x202;
	v5 =	vmov s26;
	s26 =	simm.s32 $0xD210  }
.LBB2_33:
0x360: {  	p0 =	sne.s32 s7, $0x277;
	v6 =	vmul.f32 v6, v7;
	v7 =	vmul.f32 v8, v7;
	_ =	sdelay $0x1  }
0x361: {  	s26 =	sadd.s32 $0x20, s26;
	[tilespmem:s23+$0xFFFFFFF0] =	vst v6  }
0x362: {  	v6 =	vld [tilespmem:s26+$0xFFFFFFF0];
	[tilespmem:s23+$0x0] =	vst v7;
	s23 =	smov.u32 s26  }
0x363: {  	v7 =	vld.idx.msk [tilespmem:v5+s28+$0x0], $0xffff  }
.Ltmp18:
0x364: {  	v8 =	vld [tilespmem:s26+$0x0];
	(pc) =	sbr.rel @p0 .LBB2_33-.Ltmp18, $2  }
0x365: {  	_ =	sdelay $0x2  }
0x366: {  	v5 =	vmov s7;
	s7 =	sadd.s32 $0x1, s7  }
0x367: {  	v6 =	vmul.f32 v6, v7  }
0x368: {  	v7 =	vmul.f32 v8, v7  }
0x369: {  	s7 =	sadd.s32 $0x20, s26;
	[tilespmem:s23+$0xFFFFFFF0] =	vst v6  }
0x36a: {  	v6 =	vld [tilespmem:s7+$0xFFFFFFF0];
	[tilespmem:s23+$0x0] =	vst v7  }
0x36b: {  	v5 =	vld.idx.msk [tilespmem:v5+s28+$0x0], $0xffff  }
0x36c: {  	v7 =	vld [tilespmem:s7+$0x0];
	_ =	sdelay $0x3  }
0x36d: {  	v6 =	vmul.f32 v6, v5  }
0x36e: {  	v5 =	vmul.f32 v7, v5  }
0x36f: {  	[tilespmem:s7+$0xFFFFFFF0] =	vst v6  }
0x370: {  	[tilespmem:s7+$0x0] =	vst v5  }
0x371: {  	[spmem:s1] =	stream.linear.scatter [tilespmem:s11], [sflag:$0x4], $0xF00, $0x38;
	[tilespmem:$0x194F0] =	vst v63  }
0x372: {  	_ =	swait.ge [sflag:s15], $0xF00  }
0x373: {  	[sflag:s15] =	ssyncset.done $0x0  }
0x374: {  	[sflag:s15] =	ssyncadd.s32 $0xFFFFF100  }
0x375: {  	[spmem:s5] =	stream.linear.scatter [tilespmem:s11], [sflag:$0x4], $0xF00, $0x38;
	[tilespmem:$0x194F0] =	vst v63  }
0x376: {  	_ =	swait.ge [sflag:s15], $0xF00  }
0x377: {  	[sflag:s15] =	ssyncset.done $0x0  }
0x378: {  	[sflag:s15] =	ssyncadd.s32 $0xFFFFF100  }
0x379: {  	s23 =	simm.s32 $0x0;
	[bflag:$0x0] =	sbarrier.arrive $0xFFFF  }
0x37a: {  	[tilespmem:s31], [sflag:$0x2] =	stream.indirect.gather [spmem:s2], $0x20, s23, s30, $0xb8;
	[tilespmem:$0x194F0] =	vst v63  }
0x37b: {  	_ = 	snop  }
0x37c: {  	[tilespmem:s0], [sflag:$0x2] =	stream.indirect.gather [spmem:s2], $0x20, s30, s30, $0xb8;
	[tilespmem:$0x194F0] =	vst v63  }
0x37d: {  	_ =	swait.ge [sflag:s6], $0x1000  }
0x37e: {  	[sflag:s6] =	ssyncset.done $0x0  }
0x37f: {  	s26 =	simm.s32 $0x5100;
	[sflag:s6] =	ssyncadd.s32 $0xFFFFF000  }
0x380: {  	[spmem:s3] =	stream.indirect.scatter.add.f32 [tilespmem:s31], [sflag:$0x3], $0x20, s26, s30, $0xb8;
	[tilespmem:$0x194F0] =	vst v63  }
0x381: {  	s26 =	simm.s32 $0x100  }
0x382: {  	[tilespmem:s12], [sflag:$0x2] =	stream.indirect.gather [spmem:s2], $0x20, s26, s30, $0xb8;
	[tilespmem:$0x194F0] =	vst v63  }
0x383: {  	_ =	swait.ge [sflag:s6], $0x1000  }
0x384: {  	[sflag:s6] =	ssyncset.done $0x0  }
0x385: {  	[sflag:s6] =	ssyncadd.s32 $0xFFFFF000  }
0x386: {  	_ =	swait.ge [sflag:s18], $0x1000  }
0x387: {  	[sflag:s18] =	ssyncset.done $0x0  }
0x388: {  	s26 =	simm.s32 $0x5180;
	[sflag:s18] =	ssyncadd.s32 $0xFFFFF000  }
0x389: {  	[spmem:s3] =	stream.indirect.scatter.add.f32 [tilespmem:s0], [sflag:$0x3], $0x20, s26, s30, $0xb8;
	[tilespmem:$0x194F0] =	vst v63  }
0x38a: {  	s26 =	simm.s32 $0x180  }
0x38b: {  	[tilespmem:s31], [sflag:$0x2] =	stream.indirect.gather [spmem:s2], $0x20, s26, s30, $0xb8;
	[tilespmem:$0x194F0] =	vst v63  }
0x38c: {  	_ =	swait.ge [sflag:s6], $0x1000  }
0x38d: {  	[sflag:s6] =	ssyncset.done $0x0  }
0x38e: {  	[sflag:s6] =	ssyncadd.s32 $0xFFFFF000  }
0x38f: {  	_ =	swait.ge [sflag:s18], $0x1000  }
0x390: {  	[sflag:s18] =	ssyncset.done $0x0  }
0x391: {  	s26 =	simm.s32 $0x5200;
	[sflag:s18] =	ssyncadd.s32 $0xFFFFF000  }
0x392: {  	[spmem:s3] =	stream.indirect.scatter.add.f32 [tilespmem:s12], [sflag:$0x3], $0x20, s26, s30, $0xb8;
	[tilespmem:$0x194F0] =	vst v63  }
0x393: {  	s26 =	simm.s32 $0x200  }
0x394: {  	[tilespmem:s0], [sflag:$0x2] =	stream.indirect.gather [spmem:s2], $0x20, s26, s30, $0xb8;
	[tilespmem:$0x194F0] =	vst v63  }
.LBB2_35:
0x395: {  	_ =	swait.ge [sflag:s6], $0x1000  }
0x396: {  	[sflag:s6] =	ssyncset.done $0x0  }
0x397: {  	[sflag:s6] =	ssyncadd.s32 $0xFFFFF000  }
0x398: {  	_ =	swait.ge [sflag:s18], $0x1000  }
0x399: {  	s26 =	sshra.s32 s23, $0x2;
	[sflag:s18] =	ssyncset.done $0x0  }
0x39a: {  	s7 =	sadd.s32 $0x5280, s26;
	[sflag:s18] =	ssyncadd.s32 $0xFFFFF000  }
0x39b: {  	[spmem:s3] =	stream.indirect.scatter.add.f32 [tilespmem:s31], [sflag:$0x3], $0x20, s7, s30, $0xb8;
	[tilespmem:$0x194F0] =	vst v63  }
0x39c: {  	s7 =	sadd.s32 $0x280, s26  }
0x39d: {  	[tilespmem:s12], [sflag:$0x2] =	stream.indirect.gather [spmem:s2], $0x20, s7, s30, $0xb8;
	[tilespmem:$0x194F0] =	vst v63  }
0x39e: {  	_ =	swait.ge [sflag:s6], $0x1000  }
0x39f: {  	p0 =	seq.s32 s23, $0x13800;
	[sflag:s6] =	ssyncset.done $0x0  }
.Ltmp19:
0x3a0: {  	[sflag:s6] =	ssyncadd.s32 $0xFFFFF000;
	(pc) =	sbr.rel @p0 .LBB2_37-.Ltmp19, $4  }
0x3a1: {  	_ =	swait.ge [sflag:s18], $0x1000  }
0x3a2: {  	[sflag:s18] =	ssyncset.done $0x0  }
0x3a3: {  	s7 =	sadd.s32 $0x5300, s26;
	[sflag:s18] =	ssyncadd.s32 $0xFFFFF000  }
0x3a4: {  	[spmem:s3] =	stream.indirect.scatter.add.f32 [tilespmem:s0], [sflag:$0x3], $0x20, s7, s30, $0xb8;
	[tilespmem:$0x194F0] =	vst v63  }
0x3a5: {  	s7 =	sadd.s32 $0x300, s26  }
0x3a6: {  	[tilespmem:s31], [sflag:$0x2] =	stream.indirect.gather [spmem:s2], $0x20, s7, s30, $0xb8;
	[tilespmem:$0x194F0] =	vst v63  }
0x3a7: {  	_ =	swait.ge [sflag:s6], $0x1000  }
0x3a8: {  	[sflag:s6] =	ssyncset.done $0x0  }
0x3a9: {  	[sflag:s6] =	ssyncadd.s32 $0xFFFFF000  }
0x3aa: {  	_ =	swait.ge [sflag:s18], $0x1000  }
.Ltmp20:
0x3ab: {  	[sflag:s18] =	ssyncset.done $0x0;
	(pc) =	sbr.rel .LBB2_35-.Ltmp20, $4  }
0x3ac: {  	s7 =	sadd.s32 $0x5380, s26;
	[sflag:s18] =	ssyncadd.s32 $0xFFFFF000  }
0x3ad: {  	[spmem:s3] =	stream.indirect.scatter.add.f32 [tilespmem:s12], [sflag:$0x3], $0x20, s7, s30, $0xb8;
	[tilespmem:$0x194F0] =	vst v63  }
0x3ae: {  	s23 =	sadd.s32 $0x600, s23;
	s26 =	sadd.s32 $0x380, s26  }
0x3af: {  	[tilespmem:s0], [sflag:$0x2] =	stream.indirect.gather [spmem:s2], $0x20, s26, s30, $0xb8;
	[tilespmem:$0x194F0] =	vst v63  }
.LBB2_38:
0x3b0: {  	_ =	sfence.sel $0x180000  }
0x3b1: {  	[bflag:$0x0] =	sbarrier.arrive $0xFFFF  }
0x3b2: {  	_ =	strace $0x9000004A  }
0x3b3: {  	s0 =	stileid.u32;
	[bflag:$0x2] =	sbarrier.arrive $0xFFFF  }
0x3b4: {  	p0 =	sne.s32 s0, $0x0;
	s0 =	rddreg [dreg:$0x4]  }
0x3b5: {  	s0 =	sadd.s32 @!p0 $0x100000, s0  }
0x3b6: {  	[sflag:s0] =	ssyncadd.tile.s32 @!p0 $0x1;
	_ =	shalt  }
.Lfunc_end2:
_tile_overlayer_lowered:
.L_overlay_start_2:
0x3b7: {  	(tag) =	ssettag $0x2  }
0x3b8: {  	s0 =	rddreg [dreg:$0x0];
	s2 =	stileid.u32  }
0x3b9: {  	s1 =	rddreg [dreg:$0x1];
	p0 =	sne.s32 s2, $0x0  }
0x3ba: {  	s3 =	rddreg [dreg:$0x2];
	[bflag:$0x3] =	sbarrier.arrive $0xFFFF;
	s2 =	simm.s32 @!p0 $0x1C04  }
0x3bb: {  	[timem:s3], [sflag:s2] =	dma.local @!p0 [hbm:s0], s1  }
0x3bc: {  	s0 =	simm.s32 @!p0 $0x4  }
0x3bd: {  	_ =	swait.ge @!p0 [sflag:s0], s1  }
0x3be: {  	s1 =	ssub.s32 @!p0 $0x0, s1;
	[sflag:s0] =	ssyncset.done @!p0 $0x0  }
0x3bf: {  	[sflag:s0] =	ssyncadd.s32 @!p0 s1  }
0x3c0: {  	[bflag:$0x3] =	sbarrier.arrive $0xFFFF  }
0x3c1: {  	_ =	shalt  }

</sc_bundles>
